<compile_context>
chip_gen: v7x
topology: tpu7x:2x2x1
jax: 0.10.2.dev20260603
libtpu: 0.0.44.dev20260713+nightly
codegen_flags: <defaults>
</compile_context>

<pallas_src>
import jax
import jax.numpy as jnp
from jax import lax
from jax.experimental import pallas as pl
from jax.experimental.pallas import tpu as pltpu
from jax.experimental.pallas import tpu_sc as plsc

N_NODES = 10000
N_EDGES = 320000
DIM = 128
NC, NS = 2, 16
NW = NC * NS
EPW = N_EDGES // NW
CH = 40
NCH = EPW // CH
RPT = N_NODES // NS
G16 = N_NODES // 16

_sc_mesh = plsc.VectorSubcoreMesh(
    core_axis_name="c", subcore_axis_name="s", num_cores=NC, num_subcores=NS)


def _deg_body(dst_hbm, ident_hbm, degp_hbm, dstv, ldeg, identv, csem, shdeg):
    cid = lax.axis_index("c")
    sid = lax.axis_index("s")
    wid = sid * NC + cid
    zero16 = jnp.zeros((16,), jnp.float32)
    ones16 = jnp.ones((16,), jnp.float32)

    def _zero(i, carry):
        ldeg[i] = zero16
        return carry

    lax.fori_loop(0, G16, _zero, 0, unroll=4)

    @pl.when(sid == 0)
    def _():
        pltpu.sync_copy(ldeg, shdeg)

    plsc.subcore_barrier()

    pltpu.sync_copy(dst_hbm.at[wid], dstv)
    pltpu.sync_copy(ident_hbm, identv)

    four16 = jnp.full((16,), 4, jnp.int32)
    fifteen16 = jnp.full((16,), 15, jnp.int32)

    def _acc(i, carry):
        idx = dstv[i]
        r = lax.shift_right_logical(idx, four16)
        c = lax.bitwise_and(idx, fifteen16)
        plsc.addupdate_scatter(ldeg, [r, c], ones16)
        return carry

    lax.fori_loop(0, EPW // 16, _acc, 0, unroll=4)

    for cc in range(5):
        pltpu.async_copy(ldeg.at[pl.ds(cc * 125, 125)],
                         shdeg.at[identv.at[cc]], csem, add=True)
    for cc in range(5):
        pltpu.make_async_copy(ldeg.at[pl.ds(cc * 125, 125)],
                              shdeg.at[identv.at[cc]], csem).wait()

    plsc.subcore_barrier()

    @pl.when(sid == 0)
    def _():
        pltpu.sync_copy(shdeg, degp_hbm.at[cid])


_deg_call = pl.kernel(
    _deg_body,
    out_type=jax.ShapeDtypeStruct((NC, G16, 16), jnp.float32),
    mesh=_sc_mesh,
    compiler_params=pltpu.CompilerParams(
        needs_layout_passes=False, use_tc_tiling_on_sc=False),
    scratch_types=[
        pltpu.VMEM((G16, 16), jnp.int32),
        pltpu.VMEM((G16, 16), jnp.float32),
        pltpu.VMEM((5, 125), jnp.int32),
        pltpu.SemaphoreType.DMA,
        pltpu.VMEM_SHARED((G16, 16), jnp.float32),
    ],
)


def _agg_body(hs_hbm, src_hbm, dst_hbm, p_hbm,
              srcv, dstv, rows_a, rows_b, rows_c, rows_d, rows_e, rows_f,
              gsem_a, gsem_b, gsem_c, gsem_d, gsem_e, gsem_f,
              ssem_a, ssem_b, ssem_c, ssem_d, ssem_e, ssem_f, shp):
    cid = lax.axis_index("c")
    sid = lax.axis_index("s")
    wid = sid * NC + cid
    zero16 = jnp.zeros((16,), jnp.float32)

    def _zero(t, carry):
        rows_a[t // 8, pl.ds((t % 8) * 16, 16)] = zero16
        return carry

    lax.fori_loop(0, CH * 8, _zero, 0)
    for c5 in range(15):
        pltpu.async_copy(rows_a, shp.at[pl.ds(sid * RPT + c5 * CH, CH)],
                         ssem_a)
    pltpu.async_copy(rows_a.at[pl.ds(0, 25)],
                     shp.at[pl.ds(sid * RPT + 600, 25)], ssem_a)
    for c5 in range(15):
        pltpu.make_async_copy(rows_a,
                              shp.at[pl.ds(sid * RPT + c5 * CH, CH)],
                              ssem_a).wait()
    pltpu.make_async_copy(rows_a.at[pl.ds(0, 25)],
                          shp.at[pl.ds(sid * RPT + 600, 25)], ssem_a).wait()
    plsc.subcore_barrier()

    pltpu.sync_copy(src_hbm.at[wid], srcv)
    pltpu.sync_copy(dst_hbm.at[wid], dstv)

    def _gather(j, buf, sem):
        return pltpu.async_copy(hs_hbm.at[srcv.at[j]], buf, sem)

    def _scatter(j, buf, sem):
        return pltpu.async_copy(buf, shp.at[dstv.at[j]], sem, add=True)

    def _wait_gather(j, buf, sem):
        pltpu.make_async_copy(hs_hbm.at[srcv.at[j]], buf, sem).wait()

    def _wait_scatter(j, buf, sem):
        pltpu.make_async_copy(buf, shp.at[dstv.at[j]], sem).wait()

    bufs = (rows_a, rows_b, rows_c, rows_d, rows_e, rows_f)
    gsems = (gsem_a, gsem_b, gsem_c, gsem_d, gsem_e, gsem_f)
    ssems = (ssem_a, ssem_b, ssem_c, ssem_d, ssem_e, ssem_f)
    for k in range(5):
        _gather(k, bufs[k], gsems[k])

    def _slot(j, k):
        kk = (k + 5) % 6
        _wait_gather(j, bufs[k], gsems[k])

        @pl.when(j >= 1)
        def _():
            _wait_scatter(j - 1, bufs[kk], ssems[kk])

        @pl.when(j + 5 < NCH)
        def _():
            _gather(j + 5, bufs[kk], gsems[kk])

        _scatter(j, bufs[k], ssems[k])

    def _step(t, carry):
        j0 = 6 * t
        for k in range(6):
            _slot(j0 + k, k)
        return carry

    _NF = NCH // 6 * 6
    lax.fori_loop(0, NCH // 6, _step, 0)
    for j in range(_NF, NCH):
        _slot(j, j % 6)
    _wait_scatter(NCH - 1, bufs[(NCH - 1) % 6], ssems[(NCH - 1) % 6])

    plsc.subcore_barrier()
    stg = (rows_a.at[pl.ds(0, 25)], rows_b.at[pl.ds(0, 25)])
    isem = (gsem_a, gsem_b)
    osem = (ssem_a, ssem_b)

    def _off(c):
        return sid * RPT + c * 25

    pltpu.async_copy(shp.at[pl.ds(_off(0), 25)], stg[0], isem[0])
    for c in range(25):
        par = c & 1
        alt = par ^ 1
        pltpu.make_async_copy(
            shp.at[pl.ds(_off(c), 25)], stg[par], isem[par]).wait()
        if c < 24:
            if c >= 1:
                pltpu.make_async_copy(
                    stg[alt], p_hbm.at[cid, pl.ds(_off(c - 1), 25)],
                    osem[alt]).wait()
            pltpu.async_copy(shp.at[pl.ds(_off(c + 1), 25)], stg[alt],
                             isem[alt])
        pltpu.async_copy(stg[par], p_hbm.at[cid, pl.ds(_off(c), 25)],
                         osem[par])
    pltpu.make_async_copy(stg[1], p_hbm.at[cid, pl.ds(_off(23), 25)],
                          osem[1]).wait()
    pltpu.make_async_copy(stg[0], p_hbm.at[cid, pl.ds(_off(24), 25)],
                          osem[0]).wait()


_agg_call = pl.kernel(
    _agg_body,
    out_type=jax.ShapeDtypeStruct((NC, N_NODES, DIM), jnp.float32),
    mesh=_sc_mesh,
    compiler_params=pltpu.CompilerParams(use_tc_tiling_on_sc=False),
    scratch_types=[
        pltpu.VMEM((NCH, CH), jnp.int32),
        pltpu.VMEM((NCH, CH), jnp.int32),
        pltpu.VMEM((CH, DIM), jnp.float32),
        pltpu.VMEM((CH, DIM), jnp.float32),
        pltpu.VMEM((CH, DIM), jnp.float32),
        pltpu.VMEM((CH, DIM), jnp.float32),
        pltpu.VMEM((CH, DIM), jnp.float32),
        pltpu.VMEM((CH, DIM), jnp.float32),
        pltpu.SemaphoreType.DMA,
        pltpu.SemaphoreType.DMA,
        pltpu.SemaphoreType.DMA,
        pltpu.SemaphoreType.DMA,
        pltpu.SemaphoreType.DMA,
        pltpu.SemaphoreType.DMA,
        pltpu.SemaphoreType.DMA,
        pltpu.SemaphoreType.DMA,
        pltpu.SemaphoreType.DMA,
        pltpu.SemaphoreType.DMA,
        pltpu.SemaphoreType.DMA,
        pltpu.SemaphoreType.DMA,
        pltpu.VMEM_SHARED((N_NODES, DIM), jnp.float32),
    ],
)


def _mm_body(x_ref, wt_ref, h_ref):
    h_ref[...] = jnp.dot(x_ref[...], wt_ref[...],
                         preferred_element_type=jnp.float32)


def _scale_body(h_ref, degp_ref, hs_ref):
    deg = degp_ref[0] + degp_ref[1] + 1.0
    dinv = lax.rsqrt(deg)
    hs_ref[...] = h_ref[...] * dinv


def _fin_body(p_ref, hs_ref, degp_ref, b_ref, out_ref):
    dinv = lax.rsqrt(degp_ref[0] + degp_ref[1] + 1.0)
    out_ref[...] = dinv * (p_ref[0] + p_ref[1] + hs_ref[...]) + b_ref[...]


_ROWS_BLK = 1000
_GRID = N_NODES // _ROWS_BLK


@jax.jit
def kernel(x, edge_index, W, b):
    ei = edge_index.astype(jnp.int32)
    src = ei[0]
    dst = ei[1]
    dst_t = dst.reshape(NW, G16, 16)
    src3 = src.reshape(NW, NCH, CH)
    dst3 = dst.reshape(NW, NCH, CH)
    ident = jnp.arange(G16, dtype=jnp.int32).reshape(5, 125)

    degp = _deg_call(dst_t, ident)
    degp3 = degp.reshape(NC, N_NODES, 1)

    h = pl.pallas_call(
        _mm_body,
        grid=(_GRID,),
        in_specs=[
            pl.BlockSpec((_ROWS_BLK, DIM), lambda i: (i, 0)),
            pl.BlockSpec((DIM, DIM), lambda i: (0, 0)),
        ],
        out_specs=pl.BlockSpec((_ROWS_BLK, DIM), lambda i: (i, 0)),
        out_shape=jax.ShapeDtypeStruct((N_NODES, DIM), jnp.float32),
    )(x, W.T)

    hs = pl.pallas_call(
        _scale_body,
        grid=(_GRID,),
        in_specs=[
            pl.BlockSpec((_ROWS_BLK, DIM), lambda i: (i, 0)),
            pl.BlockSpec((NC, _ROWS_BLK, 1), lambda i: (0, i, 0)),
        ],
        out_specs=pl.BlockSpec((_ROWS_BLK, DIM), lambda i: (i, 0)),
        out_shape=jax.ShapeDtypeStruct((N_NODES, DIM), jnp.float32),
    )(h, degp3)

    p = _agg_call(hs, src3, dst3)

    out = pl.pallas_call(
        _fin_body,
        grid=(_GRID,),
        in_specs=[
            pl.BlockSpec((NC, _ROWS_BLK, DIM), lambda i: (0, i, 0)),
            pl.BlockSpec((_ROWS_BLK, DIM), lambda i: (i, 0)),
            pl.BlockSpec((NC, _ROWS_BLK, 1), lambda i: (0, i, 0)),
            pl.BlockSpec((1, DIM), lambda i: (0, 0)),
        ],
        out_specs=pl.BlockSpec((_ROWS_BLK, DIM), lambda i: (i, 0)),
        out_shape=jax.ShapeDtypeStruct((N_NODES, DIM), jnp.float32),
    )(p, hs, degp3, b.reshape(1, DIM))
    return out

# --- scband reference (transcript-rebuilt; emitter-appended) ---
"""Pipeline reference for scband-gcnmodel-15590731284703 (READ-ONLY COPY).

The authoritative reference and input builder live on the scoring server;
editing this copy changes nothing except your own understanding.
"""

import jax, jax.numpy as jnp
import numpy as np

N_NODES = 10000
N_EDGES = 320000
IN_DIM = 128
OUT_DIM = 128


def setup_inputs(seed: int = 0) -> dict:
    key = jax.random.key(seed)
    k1, k2, k3, k4 = jax.random.split(key, 4)
    x = jax.random.normal(k1, (N_NODES, IN_DIM), dtype=jnp.float32)
    edge_index = jax.random.randint(k2, (2, N_EDGES), 0, N_NODES, dtype=jnp.int64)
    # GCNConv linear weight [out, in] (PyG convention: out = x @ W.T), glorot init
    limit = float(np.sqrt(6.0 / (IN_DIM + OUT_DIM)))
    W = jax.random.uniform(k3, (OUT_DIM, IN_DIM), dtype=jnp.float32, minval=-limit, maxval=limit)
    b = jnp.zeros((OUT_DIM,), dtype=jnp.float32)
    return {"x": x, "edge_index": edge_index, "W": W, "b": b}


def reference(x, edge_index, W, b):
    # Faithful GCNConv (Kipf & Welling) with self-loops and symmetric normalization.
    N = x.shape[0]
    src = edge_index[0]
    dst = edge_index[1]
    loop = jnp.arange(N, dtype=src.dtype)
    src = jnp.concatenate([src, loop], axis=0)
    dst = jnp.concatenate([dst, loop], axis=0)
    # linear transform first (in->out)
    h = x @ W.T
    # degree computed on destination nodes (edge_weight = 1 incl. self loops)
    ones = jnp.ones((src.shape[0],), dtype=h.dtype)
    deg = jax.ops.segment_sum(ones, dst, num_segments=N)
    deg_inv_sqrt = jnp.where(deg > 0, deg ** -0.5, 0.0)
    norm = deg_inv_sqrt[src] * deg_inv_sqrt[dst]
    # gather messages from src, scale, scatter-add to dst
    msgs = norm[:, None] * jnp.take(h, src, axis=0)
    out = jax.ops.segment_sum(msgs, dst, num_segments=N)
    out = out + b
    return out

if __name__ == "__main__":
    import jax
    _d = setup_inputs()
    print(jax.jit(kernel)(*tuple(_d.values())))

</pallas_src>

<mosaic_0001>
#map = affine_map<(d0, d1) -> (0, 0, 0)>
#map1 = affine_map<(d0, d1) -> (0, 0)>
module attributes {stable_mosaic.version = 14 : i64} {
  func.func @_deg_body(%arg0: i32, %arg1: i32, %arg2: memref<32x625x16xi32, #tpu.memory_space<hbm>>, %arg3: memref<5x125xi32, #tpu.memory_space<hbm>>, %arg4: memref<2x625x16xf32, #tpu.memory_space<hbm>>, %arg5: memref<625x16xi32, #tpu.memory_space<vmem>>, %arg6: memref<625x16xf32, #tpu.memory_space<vmem>>, %arg7: memref<5x125xi32, #tpu.memory_space<vmem>>, %arg8: memref<!tpu.dma_semaphore, #tpu.memory_space<semaphore_mem>>, %arg9: memref<625x16xf32, #tpu.memory_space<vmem_shared>>) attributes {dimension_semantics = [#tpu.dimension_semantics<core_parallel>, #tpu.dimension_semantics<subcore_parallel>], iteration_bounds = array<i64: 2, 16>, scalar_prefetch = 0 : i64, scratch_operands = 5 : i64, tpu.core_type = #tpu.core_type<sc_vector_subcore>, window_params = [{transform_indices = #map}, {transform_indices = #map1}, {transform_indices = #map}]} {
    %mul3A = arith.constant 2 : i32
    %mul3A_0 = arith.muli %arg1, %mul3A : i32
    %add3A = arith.addi %mul3A_0, %arg0 : i32
    %broadcast_in_dim3A = arith.constant 0.000000e+00 : f32
    %broadcast_in_dim3A_1 = vector.broadcast %broadcast_in_dim3A : f32 to vector<16xf32>
    %broadcast_in_dim3A_2 = arith.constant 1.000000e+00 : f32
    %broadcast_in_dim3A_3 = vector.broadcast %broadcast_in_dim3A_2 : f32 to vector<16xf32>
    %scan3A = arith.constant 0 : i32
    %scan3A_4 = arith.constant 0 : i32
    %scan3A_5 = arith.constant 624 : i32
    %scan3A_6 = arith.addi %scan3A_4, %scan3A_5 : i32
    %scan3A_7 = arith.constant 4 : i32
    scf.for %scan3A_133 = %scan3A_4 to %scan3A_6 step %scan3A_7  : i32 {
      %swap3A_134 = arith.index_cast %scan3A_133 : i32 to index
      %swap3A_135 = arith.constant 0 : index
      %swap3A_136 = tpu.vector_load %arg6[%swap3A_134, %swap3A_135] {strides = array<i32>} : memref<625x16xf32, #tpu.memory_space<vmem>>, vector<16xf32>,
      tpu.vector_store %arg6[%swap3A_134, %swap3A_135], %broadcast_in_dim3A_1 {strides = array<i32>} : memref<625x16xf32, #tpu.memory_space<vmem>>, vector<16xf32>,
      %scan3A_137 = arith.constant 1 : i32
      %scan3A_138 = arith.addi %scan3A_133, %scan3A_137 : i32
      %swap3A_139 = arith.index_cast %scan3A_138 : i32 to index
      %swap3A_140 = arith.constant 0 : index
      %swap3A_141 = tpu.vector_load %arg6[%swap3A_139, %swap3A_140] {strides = array<i32>} : memref<625x16xf32, #tpu.memory_space<vmem>>, vector<16xf32>,
      tpu.vector_store %arg6[%swap3A_139, %swap3A_140], %broadcast_in_dim3A_1 {strides = array<i32>} : memref<625x16xf32, #tpu.memory_space<vmem>>, vector<16xf32>,
      %scan3A_142 = arith.constant 2 : i32
      %scan3A_143 = arith.addi %scan3A_133, %scan3A_142 : i32
      %swap3A_144 = arith.index_cast %scan3A_143 : i32 to index
      %swap3A_145 = arith.constant 0 : index
      %swap3A_146 = tpu.vector_load %arg6[%swap3A_144, %swap3A_145] {strides = array<i32>} : memref<625x16xf32, #tpu.memory_space<vmem>>, vector<16xf32>,
      tpu.vector_store %arg6[%swap3A_144, %swap3A_145], %broadcast_in_dim3A_1 {strides = array<i32>} : memref<625x16xf32, #tpu.memory_space<vmem>>, vector<16xf32>,
      %scan3A_147 = arith.constant 3 : i32
      %scan3A_148 = arith.addi %scan3A_133, %scan3A_147 : i32
      %swap3A_149 = arith.index_cast %scan3A_148 : i32 to index
      %swap3A_150 = arith.constant 0 : index
      %swap3A_151 = tpu.vector_load %arg6[%swap3A_149, %swap3A_150] {strides = array<i32>} : memref<625x16xf32, #tpu.memory_space<vmem>>, vector<16xf32>,
      tpu.vector_store %arg6[%swap3A_149, %swap3A_150], %broadcast_in_dim3A_1 {strides = array<i32>} : memref<625x16xf32, #tpu.memory_space<vmem>>, vector<16xf32>,
    }
    %scan3A_8 = arith.constant 624 : i32
    %scan3A_9 = arith.addi %scan3A_4, %scan3A_8 : i32
    %swap3A = arith.index_cast %scan3A_9 : i32 to index
    %swap3A_10 = arith.constant 0 : index
    %swap3A_11 = tpu.vector_load %arg6[%swap3A, %swap3A_10] {strides = array<i32>} : memref<625x16xf32, #tpu.memory_space<vmem>>, vector<16xf32>,
    tpu.vector_store %arg6[%swap3A, %swap3A_10], %broadcast_in_dim3A_1 {strides = array<i32>} : memref<625x16xf32, #tpu.memory_space<vmem>>, vector<16xf32>,
    %scan3A_12 = arith.constant 625 : i32
    %eq3A = arith.constant 0 : i32
    %eq3A_13 = arith.cmpi eq, %arg1, %eq3A : i32
    %convert_element_type3A = arith.extui %eq3A_13 : i1 to i32
    %cond3A = arith.constant 0 : i32
    %cond3A_14 = arith.cmpi ne, %convert_element_type3A, %cond3A : i32
    scf.if %cond3A_14 {
      "tpu.region"() ({
        %run_scoped3A = tpu.sem_alloc : memref<!tpu.dma_semaphore, #tpu.memory_space<semaphore_mem>>
        tpu.enqueue_dma source(%arg6 : memref<625x16xf32, #tpu.memory_space<vmem>>) target(%arg9 : memref<625x16xf32, #tpu.memory_space<vmem_shared>>) target_semaphore(%run_scoped3A : memref<!tpu.dma_semaphore, #tpu.memory_space<semaphore_mem>>)
        tpu.wait_dma2 semaphore(%run_scoped3A : memref<!tpu.dma_semaphore, #tpu.memory_space<semaphore_mem>>) src(%arg6 : memref<625x16xf32, #tpu.memory_space<vmem>>) dst(%arg9 : memref<625x16xf32, #tpu.memory_space<vmem_shared>>)
        tpu.yield
      }) : () -> ()
    } else {
    }
    %barrier3A = arith.constant 0 : index
    tpu.barrier barrier_id(%barrier3A)
    "tpu.region"() ({
      %run_scoped3A = tpu.sem_alloc : memref<!tpu.dma_semaphore, #tpu.memory_space<semaphore_mem>>
      %dma_start3A_133 = arith.constant 0 : i32
      %dma_start3A_134 = arith.constant 0 : i32
      %dma_start3A_135 = tpu.memref_slice %arg2[%add3A, %dma_start3A_133, %dma_start3A_134] : memref<32x625x16xi32, #tpu.memory_space<hbm>> -> memref<1x625x16xi32, #tpu.memory_space<hbm>>
      %dma_start3A_136 = tpu.memref_squeeze %dma_start3A_135 : memref<1x625x16xi32, #tpu.memory_space<hbm>> -> memref<625x16xi32, #tpu.memory_space<hbm>>
      %dma_start3A_137 = arith.constant 0 : i32
      %dma_start3A_138 = arith.constant 0 : i32
      %dma_start3A_139 = tpu.memref_slice %arg2[%add3A, %dma_start3A_137, %dma_start3A_138] : memref<32x625x16xi32, #tpu.memory_space<hbm>> -> memref<1x625x16xi32, #tpu.memory_space<hbm>>
      %dma_start3A_140 = tpu.memref_squeeze %dma_start3A_139 : memref<1x625x16xi32, #tpu.memory_space<hbm>> -> memref<625x16xi32, #tpu.memory_space<hbm>>
      tpu.enqueue_dma source(%dma_start3A_140 : memref<625x16xi32, #tpu.memory_space<hbm>>) target(%arg5 : memref<625x16xi32, #tpu.memory_space<vmem>>) target_semaphore(%run_scoped3A : memref<!tpu.dma_semaphore, #tpu.memory_space<semaphore_mem>>)
      %dma_wait3A_141 = arith.constant 0 : i32
      %dma_wait3A_142 = arith.constant 0 : i32
      %dma_wait3A_143 = tpu.memref_slice %arg2[%add3A, %dma_wait3A_141, %dma_wait3A_142] : memref<32x625x16xi32, #tpu.memory_space<hbm>> -> memref<1x625x16xi32, #tpu.memory_space<hbm>>
      %dma_wait3A_144 = tpu.memref_squeeze %dma_wait3A_143 : memref<1x625x16xi32, #tpu.memory_space<hbm>> -> memref<625x16xi32, #tpu.memory_space<hbm>>
      %dma_wait3A_145 = arith.constant 0 : i32
      %dma_wait3A_146 = arith.constant 0 : i32
      %dma_wait3A_147 = tpu.memref_slice %arg2[%add3A, %dma_wait3A_145, %dma_wait3A_146] : memref<32x625x16xi32, #tpu.memory_space<hbm>> -> memref<1x625x16xi32, #tpu.memory_space<hbm>>
      %dma_wait3A_148 = tpu.memref_squeeze %dma_wait3A_147 : memref<1x625x16xi32, #tpu.memory_space<hbm>> -> memref<625x16xi32, #tpu.memory_space<hbm>>
      tpu.wait_dma2 semaphore(%run_scoped3A : memref<!tpu.dma_semaphore, #tpu.memory_space<semaphore_mem>>) src(%dma_wait3A_148 : memref<625x16xi32, #tpu.memory_space<hbm>>) dst(%arg5 : memref<625x16xi32, #tpu.memory_space<vmem>>)
      tpu.yield
    }) : () -> ()
    "tpu.region"() ({
      %run_scoped3A = tpu.sem_alloc : memref<!tpu.dma_semaphore, #tpu.memory_space<semaphore_mem>>
      tpu.enqueue_dma source(%arg3 : memref<5x125xi32, #tpu.memory_space<hbm>>) target(%arg7 : memref<5x125xi32, #tpu.memory_space<vmem>>) target_semaphore(%run_scoped3A : memref<!tpu.dma_semaphore, #tpu.memory_space<semaphore_mem>>)
      tpu.wait_dma2 semaphore(%run_scoped3A : memref<!tpu.dma_semaphore, #tpu.memory_space<semaphore_mem>>) src(%arg3 : memref<5x125xi32, #tpu.memory_space<hbm>>) dst(%arg7 : memref<5x125xi32, #tpu.memory_space<vmem>>)
      tpu.yield
    }) : () -> ()
    %broadcast_in_dim3A_15 = arith.constant 4 : i32
    %broadcast_in_dim3A_16 = vector.broadcast %broadcast_in_dim3A_15 : i32 to vector<16xi32>
    %broadcast_in_dim3A_17 = arith.constant 15 : i32
    %broadcast_in_dim3A_18 = vector.broadcast %broadcast_in_dim3A_17 : i32 to vector<16xi32>
    %scan3A_19 = arith.constant 0 : i32
    %scan3A_20 = arith.constant 0 : i32
    %scan3A_21 = arith.constant 624 : i32
    %scan3A_22 = arith.addi %scan3A_20, %scan3A_21 : i32
    %scan3A_23 = arith.constant 4 : i32
    scf.for %scan3A_133 = %scan3A_20 to %scan3A_22 step %scan3A_23  : i32 {
      %get3A_134 = arith.index_cast %scan3A_133 : i32 to index
      %get3A_135 = arith.constant 0 : index
      %get3A_136 = tpu.vector_load %arg5[%get3A_134, %get3A_135] {strides = array<i32>} : memref<625x16xi32, #tpu.memory_space<vmem>>, vector<16xi32>,
      %shift_right_logical3A_137 = arith.shrui %get3A_136, %broadcast_in_dim3A_16 : vector<16xi32>
      %and3A_138 = arith.andi %get3A_136, %broadcast_in_dim3A_18 : vector<16xi32>
      tpu.vector_store_idx %arg6[%shift_right_logical3A_137, %and3A_138], %broadcast_in_dim3A_3 {add = true} : memref<625x16xf32, #tpu.memory_space<vmem>>[vector<16xi32>, vector<16xi32>], vector<16xf32>,
      %scan3A_139 = arith.constant 1 : i32
      %scan3A_140 = arith.addi %scan3A_133, %scan3A_139 : i32
      %get3A_141 = arith.index_cast %scan3A_140 : i32 to index
      %get3A_142 = arith.constant 0 : index
      %get3A_143 = tpu.vector_load %arg5[%get3A_141, %get3A_142] {strides = array<i32>} : memref<625x16xi32, #tpu.memory_space<vmem>>, vector<16xi32>,
      %shift_right_logical3A_144 = arith.shrui %get3A_143, %broadcast_in_dim3A_16 : vector<16xi32>
      %and3A_145 = arith.andi %get3A_143, %broadcast_in_dim3A_18 : vector<16xi32>
      tpu.vector_store_idx %arg6[%shift_right_logical3A_144, %and3A_145], %broadcast_in_dim3A_3 {add = true} : memref<625x16xf32, #tpu.memory_space<vmem>>[vector<16xi32>, vector<16xi32>], vector<16xf32>,
      %scan3A_146 = arith.constant 2 : i32
      %scan3A_147 = arith.addi %scan3A_133, %scan3A_146 : i32
      %get3A_148 = arith.index_cast %scan3A_147 : i32 to index
      %get3A_149 = arith.constant 0 : index
      %get3A_150 = tpu.vector_load %arg5[%get3A_148, %get3A_149] {strides = array<i32>} : memref<625x16xi32, #tpu.memory_space<vmem>>, vector<16xi32>,
      %shift_right_logical3A_151 = arith.shrui %get3A_150, %broadcast_in_dim3A_16 : vector<16xi32>
      %and3A_152 = arith.andi %get3A_150, %broadcast_in_dim3A_18 : vector<16xi32>
      tpu.vector_store_idx %arg6[%shift_right_logical3A_151, %and3A_152], %broadcast_in_dim3A_3 {add = true} : memref<625x16xf32, #tpu.memory_space<vmem>>[vector<16xi32>, vector<16xi32>], vector<16xf32>,
      %scan3A_153 = arith.constant 3 : i32
      %scan3A_154 = arith.addi %scan3A_133, %scan3A_153 : i32
      %get3A_155 = arith.index_cast %scan3A_154 : i32 to index
      %get3A_156 = arith.constant 0 : index
      %get3A_157 = tpu.vector_load %arg5[%get3A_155, %get3A_156] {strides = array<i32>} : memref<625x16xi32, #tpu.memory_space<vmem>>, vector<16xi32>,
      %shift_right_logical3A_158 = arith.shrui %get3A_157, %broadcast_in_dim3A_16 : vector<16xi32>
      %and3A_159 = arith.andi %get3A_157, %broadcast_in_dim3A_18 : vector<16xi32>
      tpu.vector_store_idx %arg6[%shift_right_logical3A_158, %and3A_159], %broadcast_in_dim3A_3 {add = true} : memref<625x16xf32, #tpu.memory_space<vmem>>[vector<16xi32>, vector<16xi32>], vector<16xf32>,
    }
    %scan3A_24 = arith.constant 624 : i32
    %scan3A_25 = arith.addi %scan3A_20, %scan3A_24 : i32
    %get3A = arith.index_cast %scan3A_25 : i32 to index
    %get3A_26 = arith.constant 0 : index
    %get3A_27 = tpu.vector_load %arg5[%get3A, %get3A_26] {strides = array<i32>} : memref<625x16xi32, #tpu.memory_space<vmem>>, vector<16xi32>,
    %shift_right_logical3A = arith.shrui %get3A_27, %broadcast_in_dim3A_16 : vector<16xi32>
    %and3A = arith.andi %get3A_27, %broadcast_in_dim3A_18 : vector<16xi32>
    tpu.vector_store_idx %arg6[%shift_right_logical3A, %and3A], %broadcast_in_dim3A_3 {add = true} : memref<625x16xf32, #tpu.memory_space<vmem>>[vector<16xi32>, vector<16xi32>], vector<16xf32>,
    %scan3A_28 = arith.constant 625 : i32
    %dma_start3A = arith.constant 0 : i32
    %dma_start3A_29 = arith.constant 0 : i32
    %dma_start3A_30 = arith.constant 0 : i32
    %dma_start3A_31 = tpu.memref_slice %arg6[%dma_start3A_29, %dma_start3A_30] : memref<625x16xf32, #tpu.memory_space<vmem>> -> memref<125x16xf32, #tpu.memory_space<vmem>>
    %dma_start3A_32 = arith.constant 0 : i32
    %dma_start3A_33 = tpu.memref_slice %arg7[%dma_start3A, %dma_start3A_32] : memref<5x125xi32, #tpu.memory_space<vmem>> -> memref<1x125xi32, #tpu.memory_space<vmem>>
    %dma_start3A_34 = tpu.memref_squeeze %dma_start3A_33 : memref<1x125xi32, #tpu.memory_space<vmem>> -> memref<125xi32, #tpu.memory_space<vmem>>
    %dma_start3A_35 = arith.constant 0 : i32
    %dma_start3A_36 = arith.constant 0 : i32
    %dma_start3A_37 = tpu.memref_slice %arg9[%dma_start3A_35, %dma_start3A_36] : memref<625x16xf32, #tpu.memory_space<vmem_shared>> -> memref<625x16xf32, #tpu.memory_space<vmem_shared>>
    tpu.enqueue_indirect_dma source(%dma_start3A_31 : memref<125x16xf32, #tpu.memory_space<vmem>>) target(%dma_start3A_37 : memref<625x16xf32, #tpu.memory_space<vmem_shared>>) offsets(%dma_start3A_34 : memref<125xi32, #tpu.memory_space<vmem>>) semaphore(%arg8 : memref<!tpu.dma_semaphore, #tpu.memory_space<semaphore_mem>>) {add = true}
    %dma_start3A_38 = arith.constant 1 : i32
    %dma_start3A_39 = arith.constant 125 : i32
    %dma_start3A_40 = arith.constant 0 : i32
    %dma_start3A_41 = tpu.memref_slice %arg6[%dma_start3A_39, %dma_start3A_40] : memref<625x16xf32, #tpu.memory_space<vmem>> -> memref<125x16xf32, #tpu.memory_space<vmem>>
    %dma_start3A_42 = arith.constant 0 : i32
    %dma_start3A_43 = tpu.memref_slice %arg7[%dma_start3A_38, %dma_start3A_42] : memref<5x125xi32, #tpu.memory_space<vmem>> -> memref<1x125xi32, #tpu.memory_space<vmem>>
    %dma_start3A_44 = tpu.memref_squeeze %dma_start3A_43 : memref<1x125xi32, #tpu.memory_space<vmem>> -> memref<125xi32, #tpu.memory_space<vmem>>
    %dma_start3A_45 = arith.constant 0 : i32
    %dma_start3A_46 = arith.constant 0 : i32
    %dma_start3A_47 = tpu.memref_slice %arg9[%dma_start3A_45, %dma_start3A_46] : memref<625x16xf32, #tpu.memory_space<vmem_shared>> -> memref<625x16xf32, #tpu.memory_space<vmem_shared>>
    tpu.enqueue_indirect_dma source(%dma_start3A_41 : memref<125x16xf32, #tpu.memory_space<vmem>>) target(%dma_start3A_47 : memref<625x16xf32, #tpu.memory_space<vmem_shared>>) offsets(%dma_start3A_44 : memref<125xi32, #tpu.memory_space<vmem>>) semaphore(%arg8 : memref<!tpu.dma_semaphore, #tpu.memory_space<semaphore_mem>>) {add = true}
    %dma_start3A_48 = arith.constant 2 : i32
    %dma_start3A_49 = arith.constant 250 : i32
    %dma_start3A_50 = arith.constant 0 : i32
    %dma_start3A_51 = tpu.memref_slice %arg6[%dma_start3A_49, %dma_start3A_50] : memref<625x16xf32, #tpu.memory_space<vmem>> -> memref<125x16xf32, #tpu.memory_space<vmem>>
    %dma_start3A_52 = arith.constant 0 : i32
    %dma_start3A_53 = tpu.memref_slice %arg7[%dma_start3A_48, %dma_start3A_52] : memref<5x125xi32, #tpu.memory_space<vmem>> -> memref<1x125xi32, #tpu.memory_space<vmem>>
    %dma_start3A_54 = tpu.memref_squeeze %dma_start3A_53 : memref<1x125xi32, #tpu.memory_space<vmem>> -> memref<125xi32, #tpu.memory_space<vmem>>
    %dma_start3A_55 = arith.constant 0 : i32
    %dma_start3A_56 = arith.constant 0 : i32
    %dma_start3A_57 = tpu.memref_slice %arg9[%dma_start3A_55, %dma_start3A_56] : memref<625x16xf32, #tpu.memory_space<vmem_shared>> -> memref<625x16xf32, #tpu.memory_space<vmem_shared>>
    tpu.enqueue_indirect_dma source(%dma_start3A_51 : memref<125x16xf32, #tpu.memory_space<vmem>>) target(%dma_start3A_57 : memref<625x16xf32, #tpu.memory_space<vmem_shared>>) offsets(%dma_start3A_54 : memref<125xi32, #tpu.memory_space<vmem>>) semaphore(%arg8 : memref<!tpu.dma_semaphore, #tpu.memory_space<semaphore_mem>>) {add = true}
    %dma_start3A_58 = arith.constant 3 : i32
    %dma_start3A_59 = arith.constant 375 : i32
    %dma_start3A_60 = arith.constant 0 : i32
    %dma_start3A_61 = tpu.memref_slice %arg6[%dma_start3A_59, %dma_start3A_60] : memref<625x16xf32, #tpu.memory_space<vmem>> -> memref<125x16xf32, #tpu.memory_space<vmem>>
    %dma_start3A_62 = arith.constant 0 : i32
    %dma_start3A_63 = tpu.memref_slice %arg7[%dma_start3A_58, %dma_start3A_62] : memref<5x125xi32, #tpu.memory_space<vmem>> -> memref<1x125xi32, #tpu.memory_space<vmem>>
    %dma_start3A_64 = tpu.memref_squeeze %dma_start3A_63 : memref<1x125xi32, #tpu.memory_space<vmem>> -> memref<125xi32, #tpu.memory_space<vmem>>
    %dma_start3A_65 = arith.constant 0 : i32
    %dma_start3A_66 = arith.constant 0 : i32
    %dma_start3A_67 = tpu.memref_slice %arg9[%dma_start3A_65, %dma_start3A_66] : memref<625x16xf32, #tpu.memory_space<vmem_shared>> -> memref<625x16xf32, #tpu.memory_space<vmem_shared>>
    tpu.enqueue_indirect_dma source(%dma_start3A_61 : memref<125x16xf32, #tpu.memory_space<vmem>>) target(%dma_start3A_67 : memref<625x16xf32, #tpu.memory_space<vmem_shared>>) offsets(%dma_start3A_64 : memref<125xi32, #tpu.memory_space<vmem>>) semaphore(%arg8 : memref<!tpu.dma_semaphore, #tpu.memory_space<semaphore_mem>>) {add = true}
    %dma_start3A_68 = arith.constant 4 : i32
    %dma_start3A_69 = arith.constant 500 : i32
    %dma_start3A_70 = arith.constant 0 : i32
    %dma_start3A_71 = tpu.memref_slice %arg6[%dma_start3A_69, %dma_start3A_70] : memref<625x16xf32, #tpu.memory_space<vmem>> -> memref<125x16xf32, #tpu.memory_space<vmem>>
    %dma_start3A_72 = arith.constant 0 : i32
    %dma_start3A_73 = tpu.memref_slice %arg7[%dma_start3A_68, %dma_start3A_72] : memref<5x125xi32, #tpu.memory_space<vmem>> -> memref<1x125xi32, #tpu.memory_space<vmem>>
    %dma_start3A_74 = tpu.memref_squeeze %dma_start3A_73 : memref<1x125xi32, #tpu.memory_space<vmem>> -> memref<125xi32, #tpu.memory_space<vmem>>
    %dma_start3A_75 = arith.constant 0 : i32
    %dma_start3A_76 = arith.constant 0 : i32
    %dma_start3A_77 = tpu.memref_slice %arg9[%dma_start3A_75, %dma_start3A_76] : memref<625x16xf32, #tpu.memory_space<vmem_shared>> -> memref<625x16xf32, #tpu.memory_space<vmem_shared>>
    tpu.enqueue_indirect_dma source(%dma_start3A_71 : memref<125x16xf32, #tpu.memory_space<vmem>>) target(%dma_start3A_77 : memref<625x16xf32, #tpu.memory_space<vmem_shared>>) offsets(%dma_start3A_74 : memref<125xi32, #tpu.memory_space<vmem>>) semaphore(%arg8 : memref<!tpu.dma_semaphore, #tpu.memory_space<semaphore_mem>>) {add = true}
    %dma_wait3A = arith.constant 0 : i32
    %dma_wait3A_78 = arith.constant 0 : i32
    %dma_wait3A_79 = arith.constant 0 : i32
    %dma_wait3A_80 = tpu.memref_slice %arg6[%dma_wait3A_78, %dma_wait3A_79] : memref<625x16xf32, #tpu.memory_space<vmem>> -> memref<125x16xf32, #tpu.memory_space<vmem>>
    %dma_wait3A_81 = arith.constant 0 : i32
    %dma_wait3A_82 = tpu.memref_slice %arg7[%dma_wait3A, %dma_wait3A_81] : memref<5x125xi32, #tpu.memory_space<vmem>> -> memref<1x125xi32, #tpu.memory_space<vmem>>
    %dma_wait3A_83 = tpu.memref_squeeze %dma_wait3A_82 : memref<1x125xi32, #tpu.memory_space<vmem>> -> memref<125xi32, #tpu.memory_space<vmem>>
    %dma_wait3A_84 = arith.constant 0 : i32
    %dma_wait3A_85 = arith.constant 0 : i32
    %dma_wait3A_86 = tpu.memref_slice %arg9[%dma_wait3A_84, %dma_wait3A_85] : memref<625x16xf32, #tpu.memory_space<vmem_shared>> -> memref<625x16xf32, #tpu.memory_space<vmem_shared>>
    tpu.wait_indirect_dma semaphore(%arg8 : memref<!tpu.dma_semaphore, #tpu.memory_space<semaphore_mem>>) src(%dma_wait3A_80 : memref<125x16xf32, #tpu.memory_space<vmem>>) dst(%dma_wait3A_86 : memref<625x16xf32, #tpu.memory_space<vmem_shared>>)
    %dma_wait3A_87 = arith.constant 1 : i32
    %dma_wait3A_88 = arith.constant 125 : i32
    %dma_wait3A_89 = arith.constant 0 : i32
    %dma_wait3A_90 = tpu.memref_slice %arg6[%dma_wait3A_88, %dma_wait3A_89] : memref<625x16xf32, #tpu.memory_space<vmem>> -> memref<125x16xf32, #tpu.memory_space<vmem>>
    %dma_wait3A_91 = arith.constant 0 : i32
    %dma_wait3A_92 = tpu.memref_slice %arg7[%dma_wait3A_87, %dma_wait3A_91] : memref<5x125xi32, #tpu.memory_space<vmem>> -> memref<1x125xi32, #tpu.memory_space<vmem>>
    %dma_wait3A_93 = tpu.memref_squeeze %dma_wait3A_92 : memref<1x125xi32, #tpu.memory_space<vmem>> -> memref<125xi32, #tpu.memory_space<vmem>>
    %dma_wait3A_94 = arith.constant 0 : i32
    %dma_wait3A_95 = arith.constant 0 : i32
    %dma_wait3A_96 = tpu.memref_slice %arg9[%dma_wait3A_94, %dma_wait3A_95] : memref<625x16xf32, #tpu.memory_space<vmem_shared>> -> memref<625x16xf32, #tpu.memory_space<vmem_shared>>
    tpu.wait_indirect_dma semaphore(%arg8 : memref<!tpu.dma_semaphore, #tpu.memory_space<semaphore_mem>>) src(%dma_wait3A_90 : memref<125x16xf32, #tpu.memory_space<vmem>>) dst(%dma_wait3A_96 : memref<625x16xf32, #tpu.memory_space<vmem_shared>>)
    %dma_wait3A_97 = arith.constant 2 : i32
    %dma_wait3A_98 = arith.constant 250 : i32
    %dma_wait3A_99 = arith.constant 0 : i32
    %dma_wait3A_100 = tpu.memref_slice %arg6[%dma_wait3A_98, %dma_wait3A_99] : memref<625x16xf32, #tpu.memory_space<vmem>> -> memref<125x16xf32, #tpu.memory_space<vmem>>
    %dma_wait3A_101 = arith.constant 0 : i32
    %dma_wait3A_102 = tpu.memref_slice %arg7[%dma_wait3A_97, %dma_wait3A_101] : memref<5x125xi32, #tpu.memory_space<vmem>> -> memref<1x125xi32, #tpu.memory_space<vmem>>
    %dma_wait3A_103 = tpu.memref_squeeze %dma_wait3A_102 : memref<1x125xi32, #tpu.memory_space<vmem>> -> memref<125xi32, #tpu.memory_space<vmem>>
    %dma_wait3A_104 = arith.constant 0 : i32
    %dma_wait3A_105 = arith.constant 0 : i32
    %dma_wait3A_106 = tpu.memref_slice %arg9[%dma_wait3A_104, %dma_wait3A_105] : memref<625x16xf32, #tpu.memory_space<vmem_shared>> -> memref<625x16xf32, #tpu.memory_space<vmem_shared>>
    tpu.wait_indirect_dma semaphore(%arg8 : memref<!tpu.dma_semaphore, #tpu.memory_space<semaphore_mem>>) src(%dma_wait3A_100 : memref<125x16xf32, #tpu.memory_space<vmem>>) dst(%dma_wait3A_106 : memref<625x16xf32, #tpu.memory_space<vmem_shared>>)
    %dma_wait3A_107 = arith.constant 3 : i32
    %dma_wait3A_108 = arith.constant 375 : i32
    %dma_wait3A_109 = arith.constant 0 : i32
    %dma_wait3A_110 = tpu.memref_slice %arg6[%dma_wait3A_108, %dma_wait3A_109] : memref<625x16xf32, #tpu.memory_space<vmem>> -> memref<125x16xf32, #tpu.memory_space<vmem>>
    %dma_wait3A_111 = arith.constant 0 : i32
    %dma_wait3A_112 = tpu.memref_slice %arg7[%dma_wait3A_107, %dma_wait3A_111] : memref<5x125xi32, #tpu.memory_space<vmem>> -> memref<1x125xi32, #tpu.memory_space<vmem>>
    %dma_wait3A_113 = tpu.memref_squeeze %dma_wait3A_112 : memref<1x125xi32, #tpu.memory_space<vmem>> -> memref<125xi32, #tpu.memory_space<vmem>>
    %dma_wait3A_114 = arith.constant 0 : i32
    %dma_wait3A_115 = arith.constant 0 : i32
    %dma_wait3A_116 = tpu.memref_slice %arg9[%dma_wait3A_114, %dma_wait3A_115] : memref<625x16xf32, #tpu.memory_space<vmem_shared>> -> memref<625x16xf32, #tpu.memory_space<vmem_shared>>
    tpu.wait_indirect_dma semaphore(%arg8 : memref<!tpu.dma_semaphore, #tpu.memory_space<semaphore_mem>>) src(%dma_wait3A_110 : memref<125x16xf32, #tpu.memory_space<vmem>>) dst(%dma_wait3A_116 : memref<625x16xf32, #tpu.memory_space<vmem_shared>>)
    %dma_wait3A_117 = arith.constant 4 : i32
    %dma_wait3A_118 = arith.constant 500 : i32
    %dma_wait3A_119 = arith.constant 0 : i32
    %dma_wait3A_120 = tpu.memref_slice %arg6[%dma_wait3A_118, %dma_wait3A_119] : memref<625x16xf32, #tpu.memory_space<vmem>> -> memref<125x16xf32, #tpu.memory_space<vmem>>
    %dma_wait3A_121 = arith.constant 0 : i32
    %dma_wait3A_122 = tpu.memref_slice %arg7[%dma_wait3A_117, %dma_wait3A_121] : memref<5x125xi32, #tpu.memory_space<vmem>> -> memref<1x125xi32, #tpu.memory_space<vmem>>
    %dma_wait3A_123 = tpu.memref_squeeze %dma_wait3A_122 : memref<1x125xi32, #tpu.memory_space<vmem>> -> memref<125xi32, #tpu.memory_space<vmem>>
    %dma_wait3A_124 = arith.constant 0 : i32
    %dma_wait3A_125 = arith.constant 0 : i32
    %dma_wait3A_126 = tpu.memref_slice %arg9[%dma_wait3A_124, %dma_wait3A_125] : memref<625x16xf32, #tpu.memory_space<vmem_shared>> -> memref<625x16xf32, #tpu.memory_space<vmem_shared>>
    tpu.wait_indirect_dma semaphore(%arg8 : memref<!tpu.dma_semaphore, #tpu.memory_space<semaphore_mem>>) src(%dma_wait3A_120 : memref<125x16xf32, #tpu.memory_space<vmem>>) dst(%dma_wait3A_126 : memref<625x16xf32, #tpu.memory_space<vmem_shared>>)
    %barrier3A_127 = arith.constant 0 : index
    tpu.barrier barrier_id(%barrier3A_127)
    %eq3A_128 = arith.constant 0 : i32
    %eq3A_129 = arith.cmpi eq, %arg1, %eq3A_128 : i32
    %convert_element_type3A_130 = arith.extui %eq3A_129 : i1 to i32
    %cond3A_131 = arith.constant 0 : i32
    %cond3A_132 = arith.cmpi ne, %convert_element_type3A_130, %cond3A_131 : i32
    scf.if %cond3A_132 {
      "tpu.region"() ({
        %run_scoped3A = tpu.sem_alloc : memref<!tpu.dma_semaphore, #tpu.memory_space<semaphore_mem>>
        %dma_start3A_133 = arith.constant 0 : i32
        %dma_start3A_134 = arith.constant 0 : i32
        %dma_start3A_135 = tpu.memref_slice %arg4[%arg0, %dma_start3A_133, %dma_start3A_134] : memref<2x625x16xf32, #tpu.memory_space<hbm>> -> memref<1x625x16xf32, #tpu.memory_space<hbm>>
        %dma_start3A_136 = tpu.memref_squeeze %dma_start3A_135 : memref<1x625x16xf32, #tpu.memory_space<hbm>> -> memref<625x16xf32, #tpu.memory_space<hbm>>
        tpu.enqueue_dma source(%arg9 : memref<625x16xf32, #tpu.memory_space<vmem_shared>>) target(%dma_start3A_136 : memref<625x16xf32, #tpu.memory_space<hbm>>) target_semaphore(%run_scoped3A : memref<!tpu.dma_semaphore, #tpu.memory_space<semaphore_mem>>)
        %dma_wait3A_137 = arith.constant 0 : i32
        %dma_wait3A_138 = arith.constant 0 : i32
        %dma_wait3A_139 = tpu.memref_slice %arg4[%arg0, %dma_wait3A_137, %dma_wait3A_138] : memref<2x625x16xf32, #tpu.memory_space<hbm>> -> memref<1x625x16xf32, #tpu.memory_space<hbm>>
        %dma_wait3A_140 = tpu.memref_squeeze %dma_wait3A_139 : memref<1x625x16xf32, #tpu.memory_space<hbm>> -> memref<625x16xf32, #tpu.memory_space<hbm>>
        tpu.wait_dma2 semaphore(%run_scoped3A : memref<!tpu.dma_semaphore, #tpu.memory_space<semaphore_mem>>) src(%arg9 : memref<625x16xf32, #tpu.memory_space<vmem_shared>>) dst(%dma_wait3A_140 : memref<625x16xf32, #tpu.memory_space<hbm>>)
        tpu.yield
      }) : () -> ()
    } else {
    }
    return
  }
}

#map = affine_map<(d0, d1) -> (0, 0)>
#map1 = affine_map<(d0, d1) -> (0, 0, 0)>
module attributes {stable_mosaic.version = 14 : i64} {
  func.func @_agg_body(%arg0: i32, %arg1: i32, %arg2: memref<10000x128xf32, #tpu.memory_space<hbm>>, %arg3: memref<32x250x40xi32, #tpu.memory_space<hbm>>, %arg4: memref<32x250x40xi32, #tpu.memory_space<hbm>>, %arg5: memref<2x10000x128xf32, #tpu.memory_space<hbm>>, %arg6: memref<250x40xi32, #tpu.memory_space<vmem>>, %arg7: memref<250x40xi32, #tpu.memory_space<vmem>>, %arg8: memref<40x128xf32, #tpu.memory_space<vmem>>, %arg9: memref<40x128xf32, #tpu.memory_space<vmem>>, %arg10: memref<40x128xf32, #tpu.memory_space<vmem>>, %arg11: memref<40x128xf32, #tpu.memory_space<vmem>>, %arg12: memref<40x128xf32, #tpu.memory_space<vmem>>, %arg13: memref<40x128xf32, #tpu.memory_space<vmem>>, %arg14: memref<!tpu.dma_semaphore, #tpu.memory_space<semaphore_mem>>, %arg15: memref<!tpu.dma_semaphore, #tpu.memory_space<semaphore_mem>>, %arg16: memref<!tpu.dma_semaphore, #tpu.memory_space<semaphore_mem>>, %arg17: memref<!tpu.dma_semaphore, #tpu.memory_space<semaphore_mem>>, %arg18: memref<!tpu.dma_semaphore, #tpu.memory_space<semaphore_mem>>, %arg19: memref<!tpu.dma_semaphore, #tpu.memory_space<semaphore_mem>>, %arg20: memref<!tpu.dma_semaphore, #tpu.memory_space<semaphore_mem>>, %arg21: memref<!tpu.dma_semaphore, #tpu.memory_space<semaphore_mem>>, %arg22: memref<!tpu.dma_semaphore, #tpu.memory_space<semaphore_mem>>, %arg23: memref<!tpu.dma_semaphore, #tpu.memory_space<semaphore_mem>>, %arg24: memref<!tpu.dma_semaphore, #tpu.memory_space<semaphore_mem>>, %arg25: memref<!tpu.dma_semaphore, #tpu.memory_space<semaphore_mem>>, %arg26: memref<10000x128xf32, #tpu.memory_space<vmem_shared>>) attributes {dimension_semantics = [#tpu.dimension_semantics<core_parallel>, #tpu.dimension_semantics<subcore_parallel>], iteration_bounds = array<i64: 2, 16>, scalar_prefetch = 0 : i64, scratch_operands = 21 : i64, tpu.core_type = #tpu.core_type<sc_vector_subcore>, window_params = [{transform_indices = #map}, {transform_indices = #map1}, {transform_indices = #map1}, {transform_indices = #map1}]} {
    %mul3A = arith.constant 2 : i32
    %mul3A_0 = arith.muli %arg1, %mul3A : i32
    %add3A = arith.addi %mul3A_0, %arg0 : i32
    %broadcast_in_dim3A = arith.constant 0.000000e+00 : f32
    %broadcast_in_dim3A_1 = vector.broadcast %broadcast_in_dim3A : f32 to vector<16xf32>
    %scan3A = arith.constant 0 : i32
    %scan3A_2 = arith.constant 0 : i32
    %scan3A_3 = arith.constant 320 : i32
    %scan3A_4 = arith.addi %scan3A_2, %scan3A_3 : i32
    %scan3A_5 = arith.constant 1 : i32
    scf.for %scan3A_1906 = %scan3A_2 to %scan3A_4 step %scan3A_5  : i32 {
      %jit3A = arith.constant 8 : i32
      %div3A = arith.divsi %scan3A_1906, %jit3A : i32
      %sign3A = arith.constant 0 : i32
      %sign3A_1907 = arith.cmpi sgt, %scan3A_1906, %sign3A : i32
      %sign3A_1908 = arith.extui %sign3A_1907 : i1 to i32
      %sign3A_1909 = arith.constant 0 : i32
      %sign3A_1910 = arith.cmpi slt, %scan3A_1906, %sign3A_1909 : i32
      %sign3A_1911 = arith.extui %sign3A_1910 : i1 to i32
      %sign3A_1912 = arith.subi %sign3A_1908, %sign3A_1911 : i32
      %sign3A_1913 = arith.constant 0 : i32
      %sign3A_1914 = arith.cmpi sgt, %jit3A, %sign3A_1913 : i32
      %sign3A_1915 = arith.extui %sign3A_1914 : i1 to i32
      %sign3A_1916 = arith.constant 0 : i32
      %sign3A_1917 = arith.cmpi slt, %jit3A, %sign3A_1916 : i32
      %sign3A_1918 = arith.extui %sign3A_1917 : i1 to i32
      %sign3A_1919 = arith.subi %sign3A_1915, %sign3A_1918 : i32
      %ne3A = arith.cmpi ne, %sign3A_1912, %sign3A_1919 : i32
      %rem3A = arith.remsi %scan3A_1906, %jit3A : i32
      %ne3A_1920 = arith.constant 0 : i32
      %ne3A_1921 = arith.cmpi ne, %rem3A, %ne3A_1920 : i32
      %and3A = arith.andi %ne3A, %ne3A_1921 : i1
      %sub3A = arith.constant 1 : i32
      %sub3A_1922 = arith.subi %div3A, %sub3A : i32
      %select_n3A = arith.select %and3A, %sub3A_1922, %div3A : i32
      %jit3A_1923 = arith.constant 8 : i32
      %eq3A = arith.constant 0 : i32
      %eq3A_1924 = arith.cmpi eq, %jit3A_1923, %eq3A : i32
      %jit3A_1925 = arith.constant 1 : i32
      %select_n3A_1926 = arith.select %eq3A_1924, %jit3A_1925, %jit3A_1923 : i32
      %rem3A_1927 = arith.remsi %scan3A_1906, %select_n3A_1926 : i32
      %ne3A_1928 = arith.constant 0 : i32
      %ne3A_1929 = arith.cmpi ne, %rem3A_1927, %ne3A_1928 : i32
      %lt3A = arith.constant 0 : i32
      %lt3A_1930 = arith.cmpi slt, %rem3A_1927, %lt3A : i32
      %lt3A_1931 = arith.constant 0 : i32
      %lt3A_1932 = arith.cmpi slt, %select_n3A_1926, %lt3A_1931 : i32
      %ne3A_1933 = arith.xori %lt3A_1930, %lt3A_1932 : i1
      %and3A_1934 = arith.andi %ne3A_1933, %ne3A_1929 : i1
      %add3A_1935 = arith.addi %rem3A_1927, %select_n3A_1926 : i32
      %select_n3A_1936 = arith.select %and3A_1934, %add3A_1935, %rem3A_1927 : i32
      %mul3A_1937 = arith.constant 16 : i32
      %mul3A_1938 = arith.muli %select_n3A_1936, %mul3A_1937 : i32
      %swap3A = arith.index_cast %select_n3A : i32 to index
      %swap3A_1939 = arith.index_cast %mul3A_1938 : i32 to index
      %swap3A_1940 = tpu.vector_load %arg8[%swap3A, %swap3A_1939] {strides = array<i32>} : memref<40x128xf32, #tpu.memory_space<vmem>>, vector<1x16xf32>,
      %swap3A_1941 = vector.shape_cast %swap3A_1940 : vector<1x16xf32> to vector<16xf32>
      %swap3A_1942 = vector.shape_cast %broadcast_in_dim3A_1 : vector<16xf32> to vector<1x16xf32>
      tpu.vector_store %arg8[%swap3A, %swap3A_1939], %swap3A_1942 {strides = array<i32>} : memref<40x128xf32, #tpu.memory_space<vmem>>, vector<1x16xf32>,
    }
    %scan3A_6 = arith.constant 320 : i32
    %mul3A_7 = arith.constant 625 : i32
    %mul3A_8 = arith.muli %arg1, %mul3A_7 : i32
    %add3A_9 = arith.constant 0 : i32
    %add3A_10 = arith.addi %mul3A_8, %add3A_9 : i32
    %dma_start3A = arith.constant 0 : i32
    %dma_start3A_11 = tpu.memref_slice %arg26[%add3A_10, %dma_start3A] : memref<10000x128xf32, #tpu.memory_space<vmem_shared>> -> memref<40x128xf32, #tpu.memory_space<vmem_shared>>
    %dma_start3A_12 = arith.constant 0 : i32
    %dma_start3A_13 = tpu.memref_slice %arg26[%add3A_10, %dma_start3A_12] : memref<10000x128xf32, #tpu.memory_space<vmem_shared>> -> memref<40x128xf32, #tpu.memory_space<vmem_shared>>
    tpu.enqueue_dma source(%arg8 : memref<40x128xf32, #tpu.memory_space<vmem>>) target(%dma_start3A_13 : memref<40x128xf32, #tpu.memory_space<vmem_shared>>) target_semaphore(%arg20 : memref<!tpu.dma_semaphore, #tpu.memory_space<semaphore_mem>>)
    %mul3A_14 = arith.constant 625 : i32
    %mul3A_15 = arith.muli %arg1, %mul3A_14 : i32
    %add3A_16 = arith.constant 40 : i32
    %add3A_17 = arith.addi %mul3A_15, %add3A_16 : i32
    %dma_start3A_18 = arith.constant 0 : i32
    %dma_start3A_19 = tpu.memref_slice %arg26[%add3A_17, %dma_start3A_18] : memref<10000x128xf32, #tpu.memory_space<vmem_shared>> -> memref<40x128xf32, #tpu.memory_space<vmem_shared>>
    %dma_start3A_20 = arith.constant 0 : i32
    %dma_start3A_21 = tpu.memref_slice %arg26[%add3A_17, %dma_start3A_20] : memref<10000x128xf32, #tpu.memory_space<vmem_shared>> -> memref<40x128xf32, #tpu.memory_space<vmem_shared>>
    tpu.enqueue_dma source(%arg8 : memref<40x128xf32, #tpu.memory_space<vmem>>) target(%dma_start3A_21 : memref<40x128xf32, #tpu.memory_space<vmem_shared>>) target_semaphore(%arg20 : memref<!tpu.dma_semaphore, #tpu.memory_space<semaphore_mem>>)
    %mul3A_22 = arith.constant 625 : i32
    %mul3A_23 = arith.muli %arg1, %mul3A_22 : i32
    %add3A_24 = arith.constant 80 : i32
    %add3A_25 = arith.addi %mul3A_23, %add3A_24 : i32
    %dma_start3A_26 = arith.constant 0 : i32
    %dma_start3A_27 = tpu.memref_slice %arg26[%add3A_25, %dma_start3A_26] : memref<10000x128xf32, #tpu.memory_space<vmem_shared>> -> memref<40x128xf32, #tpu.memory_space<vmem_shared>>
    %dma_start3A_28 = arith.constant 0 : i32
    %dma_start3A_29 = tpu.memref_slice %arg26[%add3A_25, %dma_start3A_28] : memref<10000x128xf32, #tpu.memory_space<vmem_shared>> -> memref<40x128xf32, #tpu.memory_space<vmem_shared>>
    tpu.enqueue_dma source(%arg8 : memref<40x128xf32, #tpu.memory_space<vmem>>) target(%dma_start3A_29 : memref<40x128xf32, #tpu.memory_space<vmem_shared>>) target_semaphore(%arg20 : memref<!tpu.dma_semaphore, #tpu.memory_space<semaphore_mem>>)
    %mul3A_30 = arith.constant 625 : i32
    %mul3A_31 = arith.muli %arg1, %mul3A_30 : i32
    %add3A_32 = arith.constant 120 : i32
    %add3A_33 = arith.addi %mul3A_31, %add3A_32 : i32
    %dma_start3A_34 = arith.constant 0 : i32
    %dma_start3A_35 = tpu.memref_slice %arg26[%add3A_33, %dma_start3A_34] : memref<10000x128xf32, #tpu.memory_space<vmem_shared>> -> memref<40x128xf32, #tpu.memory_space<vmem_shared>>
    %dma_start3A_36 = arith.constant 0 : i32
    %dma_start3A_37 = tpu.memref_slice %arg26[%add3A_33, %dma_start3A_36] : memref<10000x128xf32, #tpu.memory_space<vmem_shared>> -> memref<40x128xf32, #tpu.memory_space<vmem_shared>>
    tpu.enqueue_dma source(%arg8 : memref<40x128xf32, #tpu.memory_space<vmem>>) target(%dma_start3A_37 : memref<40x128xf32, #tpu.memory_space<vmem_shared>>) target_semaphore(%arg20 : memref<!tpu.dma_semaphore, #tpu.memory_space<semaphore_mem>>)
    %mul3A_38 = arith.constant 625 : i32
    %mul3A_39 = arith.muli %arg1, %mul3A_38 : i32
    %add3A_40 = arith.constant 160 : i32
    %add3A_41 = arith.addi %mul3A_39, %add3A_40 : i32
    %dma_start3A_42 = arith.constant 0 : i32
    %dma_start3A_43 = tpu.memref_slice %arg26[%add3A_41, %dma_start3A_42] : memref<10000x128xf32, #tpu.memory_space<vmem_shared>> -> memref<40x128xf32, #tpu.memory_space<vmem_shared>>
    %dma_start3A_44 = arith.constant 0 : i32
    %dma_start3A_45 = tpu.memref_slice %arg26[%add3A_41, %dma_start3A_44] : memref<10000x128xf32, #tpu.memory_space<vmem_shared>> -> memref<40x128xf32, #tpu.memory_space<vmem_shared>>
    tpu.enqueue_dma source(%arg8 : memref<40x128xf32, #tpu.memory_space<vmem>>) target(%dma_start3A_45 : memref<40x128xf32, #tpu.memory_space<vmem_shared>>) target_semaphore(%arg20 : memref<!tpu.dma_semaphore, #tpu.memory_space<semaphore_mem>>)
    %mul3A_46 = arith.constant 625 : i32
    %mul3A_47 = arith.muli %arg1, %mul3A_46 : i32
    %add3A_48 = arith.constant 200 : i32
    %add3A_49 = arith.addi %mul3A_47, %add3A_48 : i32
    %dma_start3A_50 = arith.constant 0 : i32
    %dma_start3A_51 = tpu.memref_slice %arg26[%add3A_49, %dma_start3A_50] : memref<10000x128xf32, #tpu.memory_space<vmem_shared>> -> memref<40x128xf32, #tpu.memory_space<vmem_shared>>
    %dma_start3A_52 = arith.constant 0 : i32
    %dma_start3A_53 = tpu.memref_slice %arg26[%add3A_49, %dma_start3A_52] : memref<10000x128xf32, #tpu.memory_space<vmem_shared>> -> memref<40x128xf32, #tpu.memory_space<vmem_shared>>
    tpu.enqueue_dma source(%arg8 : memref<40x128xf32, #tpu.memory_space<vmem>>) target(%dma_start3A_53 : memref<40x128xf32, #tpu.memory_space<vmem_shared>>) target_semaphore(%arg20 : memref<!tpu.dma_semaphore, #tpu.memory_space<semaphore_mem>>)
    %mul3A_54 = arith.constant 625 : i32
    %mul3A_55 = arith.muli %arg1, %mul3A_54 : i32
    %add3A_56 = arith.constant 240 : i32
    %add3A_57 = arith.addi %mul3A_55, %add3A_56 : i32
    %dma_start3A_58 = arith.constant 0 : i32
    %dma_start3A_59 = tpu.memref_slice %arg26[%add3A_57, %dma_start3A_58] : memref<10000x128xf32, #tpu.memory_space<vmem_shared>> -> memref<40x128xf32, #tpu.memory_space<vmem_shared>>
    %dma_start3A_60 = arith.constant 0 : i32
    %dma_start3A_61 = tpu.memref_slice %arg26[%add3A_57, %dma_start3A_60] : memref<10000x128xf32, #tpu.memory_space<vmem_shared>> -> memref<40x128xf32, #tpu.memory_space<vmem_shared>>
    tpu.enqueue_dma source(%arg8 : memref<40x128xf32, #tpu.memory_space<vmem>>) target(%dma_start3A_61 : memref<40x128xf32, #tpu.memory_space<vmem_shared>>) target_semaphore(%arg20 : memref<!tpu.dma_semaphore, #tpu.memory_space<semaphore_mem>>)
    %mul3A_62 = arith.constant 625 : i32
    %mul3A_63 = arith.muli %arg1, %mul3A_62 : i32
    %add3A_64 = arith.constant 280 : i32
    %add3A_65 = arith.addi %mul3A_63, %add3A_64 : i32
    %dma_start3A_66 = arith.constant 0 : i32
    %dma_start3A_67 = tpu.memref_slice %arg26[%add3A_65, %dma_start3A_66] : memref<10000x128xf32, #tpu.memory_space<vmem_shared>> -> memref<40x128xf32, #tpu.memory_space<vmem_shared>>
    %dma_start3A_68 = arith.constant 0 : i32
    %dma_start3A_69 = tpu.memref_slice %arg26[%add3A_65, %dma_start3A_68] : memref<10000x128xf32, #tpu.memory_space<vmem_shared>> -> memref<40x128xf32, #tpu.memory_space<vmem_shared>>
    tpu.enqueue_dma source(%arg8 : memref<40x128xf32, #tpu.memory_space<vmem>>) target(%dma_start3A_69 : memref<40x128xf32, #tpu.memory_space<vmem_shared>>) target_semaphore(%arg20 : memref<!tpu.dma_semaphore, #tpu.memory_space<semaphore_mem>>)
    %mul3A_70 = arith.constant 625 : i32
    %mul3A_71 = arith.muli %arg1, %mul3A_70 : i32
    %add3A_72 = arith.constant 320 : i32
    %add3A_73 = arith.addi %mul3A_71, %add3A_72 : i32
    %dma_start3A_74 = arith.constant 0 : i32
    %dma_start3A_75 = tpu.memref_slice %arg26[%add3A_73, %dma_start3A_74] : memref<10000x128xf32, #tpu.memory_space<vmem_shared>> -> memref<40x128xf32, #tpu.memory_space<vmem_shared>>
    %dma_start3A_76 = arith.constant 0 : i32
    %dma_start3A_77 = tpu.memref_slice %arg26[%add3A_73, %dma_start3A_76] : memref<10000x128xf32, #tpu.memory_space<vmem_shared>> -> memref<40x128xf32, #tpu.memory_space<vmem_shared>>
    tpu.enqueue_dma source(%arg8 : memref<40x128xf32, #tpu.memory_space<vmem>>) target(%dma_start3A_77 : memref<40x128xf32, #tpu.memory_space<vmem_shared>>) target_semaphore(%arg20 : memref<!tpu.dma_semaphore, #tpu.memory_space<semaphore_mem>>)
    %mul3A_78 = arith.constant 625 : i32
    %mul3A_79 = arith.muli %arg1, %mul3A_78 : i32
    %add3A_80 = arith.constant 360 : i32
    %add3A_81 = arith.addi %mul3A_79, %add3A_80 : i32
    %dma_start3A_82 = arith.constant 0 : i32
    %dma_start3A_83 = tpu.memref_slice %arg26[%add3A_81, %dma_start3A_82] : memref<10000x128xf32, #tpu.memory_space<vmem_shared>> -> memref<40x128xf32, #tpu.memory_space<vmem_shared>>
    %dma_start3A_84 = arith.constant 0 : i32
    %dma_start3A_85 = tpu.memref_slice %arg26[%add3A_81, %dma_start3A_84] : memref<10000x128xf32, #tpu.memory_space<vmem_shared>> -> memref<40x128xf32, #tpu.memory_space<vmem_shared>>
    tpu.enqueue_dma source(%arg8 : memref<40x128xf32, #tpu.memory_space<vmem>>) target(%dma_start3A_85 : memref<40x128xf32, #tpu.memory_space<vmem_shared>>) target_semaphore(%arg20 : memref<!tpu.dma_semaphore, #tpu.memory_space<semaphore_mem>>)
    %mul3A_86 = arith.constant 625 : i32
    %mul3A_87 = arith.muli %arg1, %mul3A_86 : i32
    %add3A_88 = arith.constant 400 : i32
    %add3A_89 = arith.addi %mul3A_87, %add3A_88 : i32
    %dma_start3A_90 = arith.constant 0 : i32
    %dma_start3A_91 = tpu.memref_slice %arg26[%add3A_89, %dma_start3A_90] : memref<10000x128xf32, #tpu.memory_space<vmem_shared>> -> memref<40x128xf32, #tpu.memory_space<vmem_shared>>
    %dma_start3A_92 = arith.constant 0 : i32
    %dma_start3A_93 = tpu.memref_slice %arg26[%add3A_89, %dma_start3A_92] : memref<10000x128xf32, #tpu.memory_space<vmem_shared>> -> memref<40x128xf32, #tpu.memory_space<vmem_shared>>
    tpu.enqueue_dma source(%arg8 : memref<40x128xf32, #tpu.memory_space<vmem>>) target(%dma_start3A_93 : memref<40x128xf32, #tpu.memory_space<vmem_shared>>) target_semaphore(%arg20 : memref<!tpu.dma_semaphore, #tpu.memory_space<semaphore_mem>>)
    %mul3A_94 = arith.constant 625 : i32
    %mul3A_95 = arith.muli %arg1, %mul3A_94 : i32
    %add3A_96 = arith.constant 440 : i32
    %add3A_97 = arith.addi %mul3A_95, %add3A_96 : i32
    %dma_start3A_98 = arith.constant 0 : i32
    %dma_start3A_99 = tpu.memref_slice %arg26[%add3A_97, %dma_start3A_98] : memref<10000x128xf32, #tpu.memory_space<vmem_shared>> -> memref<40x128xf32, #tpu.memory_space<vmem_shared>>
    %dma_start3A_100 = arith.constant 0 : i32
    %dma_start3A_101 = tpu.memref_slice %arg26[%add3A_97, %dma_start3A_100] : memref<10000x128xf32, #tpu.memory_space<vmem_shared>> -> memref<40x128xf32, #tpu.memory_space<vmem_shared>>
    tpu.enqueue_dma source(%arg8 : memref<40x128xf32, #tpu.memory_space<vmem>>) target(%dma_start3A_101 : memref<40x128xf32, #tpu.memory_space<vmem_shared>>) target_semaphore(%arg20 : memref<!tpu.dma_semaphore, #tpu.memory_space<semaphore_mem>>)
    %mul3A_102 = arith.constant 625 : i32
    %mul3A_103 = arith.muli %arg1, %mul3A_102 : i32
    %add3A_104 = arith.constant 480 : i32
    %add3A_105 = arith.addi %mul3A_103, %add3A_104 : i32
    %dma_start3A_106 = arith.constant 0 : i32
    %dma_start3A_107 = tpu.memref_slice %arg26[%add3A_105, %dma_start3A_106] : memref<10000x128xf32, #tpu.memory_space<vmem_shared>> -> memref<40x128xf32, #tpu.memory_space<vmem_shared>>
    %dma_start3A_108 = arith.constant 0 : i32
    %dma_start3A_109 = tpu.memref_slice %arg26[%add3A_105, %dma_start3A_108] : memref<10000x128xf32, #tpu.memory_space<vmem_shared>> -> memref<40x128xf32, #tpu.memory_space<vmem_shared>>
    tpu.enqueue_dma source(%arg8 : memref<40x128xf32, #tpu.memory_space<vmem>>) target(%dma_start3A_109 : memref<40x128xf32, #tpu.memory_space<vmem_shared>>) target_semaphore(%arg20 : memref<!tpu.dma_semaphore, #tpu.memory_space<semaphore_mem>>)
    %mul3A_110 = arith.constant 625 : i32
    %mul3A_111 = arith.muli %arg1, %mul3A_110 : i32
    %add3A_112 = arith.constant 520 : i32
    %add3A_113 = arith.addi %mul3A_111, %add3A_112 : i32
    %dma_start3A_114 = arith.constant 0 : i32
    %dma_start3A_115 = tpu.memref_slice %arg26[%add3A_113, %dma_start3A_114] : memref<10000x128xf32, #tpu.memory_space<vmem_shared>> -> memref<40x128xf32, #tpu.memory_space<vmem_shared>>
    %dma_start3A_116 = arith.constant 0 : i32
    %dma_start3A_117 = tpu.memref_slice %arg26[%add3A_113, %dma_start3A_116] : memref<10000x128xf32, #tpu.memory_space<vmem_shared>> -> memref<40x128xf32, #tpu.memory_space<vmem_shared>>
    tpu.enqueue_dma source(%arg8 : memref<40x128xf32, #tpu.memory_space<vmem>>) target(%dma_start3A_117 : memref<40x128xf32, #tpu.memory_space<vmem_shared>>) target_semaphore(%arg20 : memref<!tpu.dma_semaphore, #tpu.memory_space<semaphore_mem>>)
    %mul3A_118 = arith.constant 625 : i32
    %mul3A_119 = arith.muli %arg1, %mul3A_118 : i32
    %add3A_120 = arith.constant 560 : i32
    %add3A_121 = arith.addi %mul3A_119, %add3A_120 : i32
    %dma_start3A_122 = arith.constant 0 : i32
    %dma_start3A_123 = tpu.memref_slice %arg26[%add3A_121, %dma_start3A_122] : memref<10000x128xf32, #tpu.memory_space<vmem_shared>> -> memref<40x128xf32, #tpu.memory_space<vmem_shared>>
    %dma_start3A_124 = arith.constant 0 : i32
    %dma_start3A_125 = tpu.memref_slice %arg26[%add3A_121, %dma_start3A_124] : memref<10000x128xf32, #tpu.memory_space<vmem_shared>> -> memref<40x128xf32, #tpu.memory_space<vmem_shared>>
    tpu.enqueue_dma source(%arg8 : memref<40x128xf32, #tpu.memory_space<vmem>>) target(%dma_start3A_125 : memref<40x128xf32, #tpu.memory_space<vmem_shared>>) target_semaphore(%arg20 : memref<!tpu.dma_semaphore, #tpu.memory_space<semaphore_mem>>)
    %mul3A_126 = arith.constant 625 : i32
    %mul3A_127 = arith.muli %arg1, %mul3A_126 : i32
    %add3A_128 = arith.constant 600 : i32
    %add3A_129 = arith.addi %mul3A_127, %add3A_128 : i32
    %dma_start3A_130 = arith.constant 0 : i32
    %dma_start3A_131 = arith.constant 0 : i32
    %dma_start3A_132 = tpu.memref_slice %arg8[%dma_start3A_130, %dma_start3A_131] : memref<40x128xf32, #tpu.memory_space<vmem>> -> memref<25x128xf32, #tpu.memory_space<vmem>>
    %dma_start3A_133 = arith.constant 0 : i32
    %dma_start3A_134 = tpu.memref_slice %arg26[%add3A_129, %dma_start3A_133] : memref<10000x128xf32, #tpu.memory_space<vmem_shared>> -> memref<25x128xf32, #tpu.memory_space<vmem_shared>>
    %dma_start3A_135 = arith.constant 0 : i32
    %dma_start3A_136 = tpu.memref_slice %arg26[%add3A_129, %dma_start3A_135] : memref<10000x128xf32, #tpu.memory_space<vmem_shared>> -> memref<25x128xf32, #tpu.memory_space<vmem_shared>>
    %dma_start3A_137 = arith.constant 0 : i32
    %dma_start3A_138 = arith.constant 0 : i32
    %dma_start3A_139 = tpu.memref_slice %arg8[%dma_start3A_137, %dma_start3A_138] : memref<40x128xf32, #tpu.memory_space<vmem>> -> memref<25x128xf32, #tpu.memory_space<vmem>>
    tpu.enqueue_dma source(%dma_start3A_139 : memref<25x128xf32, #tpu.memory_space<vmem>>) target(%dma_start3A_136 : memref<25x128xf32, #tpu.memory_space<vmem_shared>>) target_semaphore(%arg20 : memref<!tpu.dma_semaphore, #tpu.memory_space<semaphore_mem>>)
    %mul3A_140 = arith.constant 625 : i32
    %mul3A_141 = arith.muli %arg1, %mul3A_140 : i32
    %add3A_142 = arith.constant 0 : i32
    %add3A_143 = arith.addi %mul3A_141, %add3A_142 : i32
    %dma_wait3A = arith.constant 0 : i32
    %dma_wait3A_144 = tpu.memref_slice %arg26[%add3A_143, %dma_wait3A] : memref<10000x128xf32, #tpu.memory_space<vmem_shared>> -> memref<40x128xf32, #tpu.memory_space<vmem_shared>>
    %dma_wait3A_145 = arith.constant 0 : i32
    %dma_wait3A_146 = tpu.memref_slice %arg26[%add3A_143, %dma_wait3A_145] : memref<10000x128xf32, #tpu.memory_space<vmem_shared>> -> memref<40x128xf32, #tpu.memory_space<vmem_shared>>
    tpu.wait_dma2 semaphore(%arg20 : memref<!tpu.dma_semaphore, #tpu.memory_space<semaphore_mem>>) src(%arg8 : memref<40x128xf32, #tpu.memory_space<vmem>>) dst(%dma_wait3A_146 : memref<40x128xf32, #tpu.memory_space<vmem_shared>>)
    %mul3A_147 = arith.constant 625 : i32
    %mul3A_148 = arith.muli %arg1, %mul3A_147 : i32
    %add3A_149 = arith.constant 40 : i32
    %add3A_150 = arith.addi %mul3A_148, %add3A_149 : i32
    %dma_wait3A_151 = arith.constant 0 : i32
    %dma_wait3A_152 = tpu.memref_slice %arg26[%add3A_150, %dma_wait3A_151] : memref<10000x128xf32, #tpu.memory_space<vmem_shared>> -> memref<40x128xf32, #tpu.memory_space<vmem_shared>>
    %dma_wait3A_153 = arith.constant 0 : i32
    %dma_wait3A_154 = tpu.memref_slice %arg26[%add3A_150, %dma_wait3A_153] : memref<10000x128xf32, #tpu.memory_space<vmem_shared>> -> memref<40x128xf32, #tpu.memory_space<vmem_shared>>
    tpu.wait_dma2 semaphore(%arg20 : memref<!tpu.dma_semaphore, #tpu.memory_space<semaphore_mem>>) src(%arg8 : memref<40x128xf32, #tpu.memory_space<vmem>>) dst(%dma_wait3A_154 : memref<40x128xf32, #tpu.memory_space<vmem_shared>>)
    %mul3A_155 = arith.constant 625 : i32
    %mul3A_156 = arith.muli %arg1, %mul3A_155 : i32
    %add3A_157 = arith.constant 80 : i32
    %add3A_158 = arith.addi %mul3A_156, %add3A_157 : i32
    %dma_wait3A_159 = arith.constant 0 : i32
    %dma_wait3A_160 = tpu.memref_slice %arg26[%add3A_158, %dma_wait3A_159] : memref<10000x128xf32, #tpu.memory_space<vmem_shared>> -> memref<40x128xf32, #tpu.memory_space<vmem_shared>>
    %dma_wait3A_161 = arith.constant 0 : i32
    %dma_wait3A_162 = tpu.memref_slice %arg26[%add3A_158, %dma_wait3A_161] : memref<10000x128xf32, #tpu.memory_space<vmem_shared>> -> memref<40x128xf32, #tpu.memory_space<vmem_shared>>
    tpu.wait_dma2 semaphore(%arg20 : memref<!tpu.dma_semaphore, #tpu.memory_space<semaphore_mem>>) src(%arg8 : memref<40x128xf32, #tpu.memory_space<vmem>>) dst(%dma_wait3A_162 : memref<40x128xf32, #tpu.memory_space<vmem_shared>>)
    %mul3A_163 = arith.constant 625 : i32
    %mul3A_164 = arith.muli %arg1, %mul3A_163 : i32
    %add3A_165 = arith.constant 120 : i32
    %add3A_166 = arith.addi %mul3A_164, %add3A_165 : i32
    %dma_wait3A_167 = arith.constant 0 : i32
    %dma_wait3A_168 = tpu.memref_slice %arg26[%add3A_166, %dma_wait3A_167] : memref<10000x128xf32, #tpu.memory_space<vmem_shared>> -> memref<40x128xf32, #tpu.memory_space<vmem_shared>>
    %dma_wait3A_169 = arith.constant 0 : i32
    %dma_wait3A_170 = tpu.memref_slice %arg26[%add3A_166, %dma_wait3A_169] : memref<10000x128xf32, #tpu.memory_space<vmem_shared>> -> memref<40x128xf32, #tpu.memory_space<vmem_shared>>
    tpu.wait_dma2 semaphore(%arg20 : memref<!tpu.dma_semaphore, #tpu.memory_space<semaphore_mem>>) src(%arg8 : memref<40x128xf32, #tpu.memory_space<vmem>>) dst(%dma_wait3A_170 : memref<40x128xf32, #tpu.memory_space<vmem_shared>>)
    %mul3A_171 = arith.constant 625 : i32
    %mul3A_172 = arith.muli %arg1, %mul3A_171 : i32
    %add3A_173 = arith.constant 160 : i32
    %add3A_174 = arith.addi %mul3A_172, %add3A_173 : i32
    %dma_wait3A_175 = arith.constant 0 : i32
    %dma_wait3A_176 = tpu.memref_slice %arg26[%add3A_174, %dma_wait3A_175] : memref<10000x128xf32, #tpu.memory_space<vmem_shared>> -> memref<40x128xf32, #tpu.memory_space<vmem_shared>>
    %dma_wait3A_177 = arith.constant 0 : i32
    %dma_wait3A_178 = tpu.memref_slice %arg26[%add3A_174, %dma_wait3A_177] : memref<10000x128xf32, #tpu.memory_space<vmem_shared>> -> memref<40x128xf32, #tpu.memory_space<vmem_shared>>
    tpu.wait_dma2 semaphore(%arg20 : memref<!tpu.dma_semaphore, #tpu.memory_space<semaphore_mem>>) src(%arg8 : memref<40x128xf32, #tpu.memory_space<vmem>>) dst(%dma_wait3A_178 : memref<40x128xf32, #tpu.memory_space<vmem_shared>>)
    %mul3A_179 = arith.constant 625 : i32
    %mul3A_180 = arith.muli %arg1, %mul3A_179 : i32
    %add3A_181 = arith.constant 200 : i32
    %add3A_182 = arith.addi %mul3A_180, %add3A_181 : i32
    %dma_wait3A_183 = arith.constant 0 : i32
    %dma_wait3A_184 = tpu.memref_slice %arg26[%add3A_182, %dma_wait3A_183] : memref<10000x128xf32, #tpu.memory_space<vmem_shared>> -> memref<40x128xf32, #tpu.memory_space<vmem_shared>>
    %dma_wait3A_185 = arith.constant 0 : i32
    %dma_wait3A_186 = tpu.memref_slice %arg26[%add3A_182, %dma_wait3A_185] : memref<10000x128xf32, #tpu.memory_space<vmem_shared>> -> memref<40x128xf32, #tpu.memory_space<vmem_shared>>
    tpu.wait_dma2 semaphore(%arg20 : memref<!tpu.dma_semaphore, #tpu.memory_space<semaphore_mem>>) src(%arg8 : memref<40x128xf32, #tpu.memory_space<vmem>>) dst(%dma_wait3A_186 : memref<40x128xf32, #tpu.memory_space<vmem_shared>>)
    %mul3A_187 = arith.constant 625 : i32
    %mul3A_188 = arith.muli %arg1, %mul3A_187 : i32
    %add3A_189 = arith.constant 240 : i32
    %add3A_190 = arith.addi %mul3A_188, %add3A_189 : i32
    %dma_wait3A_191 = arith.constant 0 : i32
    %dma_wait3A_192 = tpu.memref_slice %arg26[%add3A_190, %dma_wait3A_191] : memref<10000x128xf32, #tpu.memory_space<vmem_shared>> -> memref<40x128xf32, #tpu.memory_space<vmem_shared>>
    %dma_wait3A_193 = arith.constant 0 : i32
    %dma_wait3A_194 = tpu.memref_slice %arg26[%add3A_190, %dma_wait3A_193] : memref<10000x128xf32, #tpu.memory_space<vmem_shared>> -> memref<40x128xf32, #tpu.memory_space<vmem_shared>>
    tpu.wait_dma2 semaphore(%arg20 : memref<!tpu.dma_semaphore, #tpu.memory_space<semaphore_mem>>) src(%arg8 : memref<40x128xf32, #tpu.memory_space<vmem>>) dst(%dma_wait3A_194 : memref<40x128xf32, #tpu.memory_space<vmem_shared>>)
    %mul3A_195 = arith.constant 625 : i32
    %mul3A_196 = arith.muli %arg1, %mul3A_195 : i32
    %add3A_197 = arith.constant 280 : i32
    %add3A_198 = arith.addi %mul3A_196, %add3A_197 : i32
    %dma_wait3A_199 = arith.constant 0 : i32
    %dma_wait3A_200 = tpu.memref_slice %arg26[%add3A_198, %dma_wait3A_199] : memref<10000x128xf32, #tpu.memory_space<vmem_shared>> -> memref<40x128xf32, #tpu.memory_space<vmem_shared>>
    %dma_wait3A_201 = arith.constant 0 : i32
    %dma_wait3A_202 = tpu.memref_slice %arg26[%add3A_198, %dma_wait3A_201] : memref<10000x128xf32, #tpu.memory_space<vmem_shared>> -> memref<40x128xf32, #tpu.memory_space<vmem_shared>>
    tpu.wait_dma2 semaphore(%arg20 : memref<!tpu.dma_semaphore, #tpu.memory_space<semaphore_mem>>) src(%arg8 : memref<40x128xf32, #tpu.memory_space<vmem>>) dst(%dma_wait3A_202 : memref<40x128xf32, #tpu.memory_space<vmem_shared>>)
    %mul3A_203 = arith.constant 625 : i32
    %mul3A_204 = arith.muli %arg1, %mul3A_203 : i32
    %add3A_205 = arith.constant 320 : i32
    %add3A_206 = arith.addi %mul3A_204, %add3A_205 : i32
    %dma_wait3A_207 = arith.constant 0 : i32
    %dma_wait3A_208 = tpu.memref_slice %arg26[%add3A_206, %dma_wait3A_207] : memref<10000x128xf32, #tpu.memory_space<vmem_shared>> -> memref<40x128xf32, #tpu.memory_space<vmem_shared>>
    %dma_wait3A_209 = arith.constant 0 : i32
    %dma_wait3A_210 = tpu.memref_slice %arg26[%add3A_206, %dma_wait3A_209] : memref<10000x128xf32, #tpu.memory_space<vmem_shared>> -> memref<40x128xf32, #tpu.memory_space<vmem_shared>>
    tpu.wait_dma2 semaphore(%arg20 : memref<!tpu.dma_semaphore, #tpu.memory_space<semaphore_mem>>) src(%arg8 : memref<40x128xf32, #tpu.memory_space<vmem>>) dst(%dma_wait3A_210 : memref<40x128xf32, #tpu.memory_space<vmem_shared>>)
    %mul3A_211 = arith.constant 625 : i32
    %mul3A_212 = arith.muli %arg1, %mul3A_211 : i32
    %add3A_213 = arith.constant 360 : i32
    %add3A_214 = arith.addi %mul3A_212, %add3A_213 : i32
    %dma_wait3A_215 = arith.constant 0 : i32
    %dma_wait3A_216 = tpu.memref_slice %arg26[%add3A_214, %dma_wait3A_215] : memref<10000x128xf32, #tpu.memory_space<vmem_shared>> -> memref<40x128xf32, #tpu.memory_space<vmem_shared>>
    %dma_wait3A_217 = arith.constant 0 : i32
    %dma_wait3A_218 = tpu.memref_slice %arg26[%add3A_214, %dma_wait3A_217] : memref<10000x128xf32, #tpu.memory_space<vmem_shared>> -> memref<40x128xf32, #tpu.memory_space<vmem_shared>>
    tpu.wait_dma2 semaphore(%arg20 : memref<!tpu.dma_semaphore, #tpu.memory_space<semaphore_mem>>) src(%arg8 : memref<40x128xf32, #tpu.memory_space<vmem>>) dst(%dma_wait3A_218 : memref<40x128xf32, #tpu.memory_space<vmem_shared>>)
    %mul3A_219 = arith.constant 625 : i32
    %mul3A_220 = arith.muli %arg1, %mul3A_219 : i32
    %add3A_221 = arith.constant 400 : i32
    %add3A_222 = arith.addi %mul3A_220, %add3A_221 : i32
    %dma_wait3A_223 = arith.constant 0 : i32
    %dma_wait3A_224 = tpu.memref_slice %arg26[%add3A_222, %dma_wait3A_223] : memref<10000x128xf32, #tpu.memory_space<vmem_shared>> -> memref<40x128xf32, #tpu.memory_space<vmem_shared>>
    %dma_wait3A_225 = arith.constant 0 : i32
    %dma_wait3A_226 = tpu.memref_slice %arg26[%add3A_222, %dma_wait3A_225] : memref<10000x128xf32, #tpu.memory_space<vmem_shared>> -> memref<40x128xf32, #tpu.memory_space<vmem_shared>>
    tpu.wait_dma2 semaphore(%arg20 : memref<!tpu.dma_semaphore, #tpu.memory_space<semaphore_mem>>) src(%arg8 : memref<40x128xf32, #tpu.memory_space<vmem>>) dst(%dma_wait3A_226 : memref<40x128xf32, #tpu.memory_space<vmem_shared>>)
    %mul3A_227 = arith.constant 625 : i32
    %mul3A_228 = arith.muli %arg1, %mul3A_227 : i32
    %add3A_229 = arith.constant 440 : i32
    %add3A_230 = arith.addi %mul3A_228, %add3A_229 : i32
    %dma_wait3A_231 = arith.constant 0 : i32
    %dma_wait3A_232 = tpu.memref_slice %arg26[%add3A_230, %dma_wait3A_231] : memref<10000x128xf32, #tpu.memory_space<vmem_shared>> -> memref<40x128xf32, #tpu.memory_space<vmem_shared>>
    %dma_wait3A_233 = arith.constant 0 : i32
    %dma_wait3A_234 = tpu.memref_slice %arg26[%add3A_230, %dma_wait3A_233] : memref<10000x128xf32, #tpu.memory_space<vmem_shared>> -> memref<40x128xf32, #tpu.memory_space<vmem_shared>>
    tpu.wait_dma2 semaphore(%arg20 : memref<!tpu.dma_semaphore, #tpu.memory_space<semaphore_mem>>) src(%arg8 : memref<40x128xf32, #tpu.memory_space<vmem>>) dst(%dma_wait3A_234 : memref<40x128xf32, #tpu.memory_space<vmem_shared>>)
    %mul3A_235 = arith.constant 625 : i32
    %mul3A_236 = arith.muli %arg1, %mul3A_235 : i32
    %add3A_237 = arith.constant 480 : i32
    %add3A_238 = arith.addi %mul3A_236, %add3A_237 : i32
    %dma_wait3A_239 = arith.constant 0 : i32
    %dma_wait3A_240 = tpu.memref_slice %arg26[%add3A_238, %dma_wait3A_239] : memref<10000x128xf32, #tpu.memory_space<vmem_shared>> -> memref<40x128xf32, #tpu.memory_space<vmem_shared>>
    %dma_wait3A_241 = arith.constant 0 : i32
    %dma_wait3A_242 = tpu.memref_slice %arg26[%add3A_238, %dma_wait3A_241] : memref<10000x128xf32, #tpu.memory_space<vmem_shared>> -> memref<40x128xf32, #tpu.memory_space<vmem_shared>>
    tpu.wait_dma2 semaphore(%arg20 : memref<!tpu.dma_semaphore, #tpu.memory_space<semaphore_mem>>) src(%arg8 : memref<40x128xf32, #tpu.memory_space<vmem>>) dst(%dma_wait3A_242 : memref<40x128xf32, #tpu.memory_space<vmem_shared>>)
    %mul3A_243 = arith.constant 625 : i32
    %mul3A_244 = arith.muli %arg1, %mul3A_243 : i32
    %add3A_245 = arith.constant 520 : i32
    %add3A_246 = arith.addi %mul3A_244, %add3A_245 : i32
    %dma_wait3A_247 = arith.constant 0 : i32
    %dma_wait3A_248 = tpu.memref_slice %arg26[%add3A_246, %dma_wait3A_247] : memref<10000x128xf32, #tpu.memory_space<vmem_shared>> -> memref<40x128xf32, #tpu.memory_space<vmem_shared>>
    %dma_wait3A_249 = arith.constant 0 : i32
    %dma_wait3A_250 = tpu.memref_slice %arg26[%add3A_246, %dma_wait3A_249] : memref<10000x128xf32, #tpu.memory_space<vmem_shared>> -> memref<40x128xf32, #tpu.memory_space<vmem_shared>>
    tpu.wait_dma2 semaphore(%arg20 : memref<!tpu.dma_semaphore, #tpu.memory_space<semaphore_mem>>) src(%arg8 : memref<40x128xf32, #tpu.memory_space<vmem>>) dst(%dma_wait3A_250 : memref<40x128xf32, #tpu.memory_space<vmem_shared>>)
    %mul3A_251 = arith.constant 625 : i32
    %mul3A_252 = arith.muli %arg1, %mul3A_251 : i32
    %add3A_253 = arith.constant 560 : i32
    %add3A_254 = arith.addi %mul3A_252, %add3A_253 : i32
    %dma_wait3A_255 = arith.constant 0 : i32
    %dma_wait3A_256 = tpu.memref_slice %arg26[%add3A_254, %dma_wait3A_255] : memref<10000x128xf32, #tpu.memory_space<vmem_shared>> -> memref<40x128xf32, #tpu.memory_space<vmem_shared>>
    %dma_wait3A_257 = arith.constant 0 : i32
    %dma_wait3A_258 = tpu.memref_slice %arg26[%add3A_254, %dma_wait3A_257] : memref<10000x128xf32, #tpu.memory_space<vmem_shared>> -> memref<40x128xf32, #tpu.memory_space<vmem_shared>>
    tpu.wait_dma2 semaphore(%arg20 : memref<!tpu.dma_semaphore, #tpu.memory_space<semaphore_mem>>) src(%arg8 : memref<40x128xf32, #tpu.memory_space<vmem>>) dst(%dma_wait3A_258 : memref<40x128xf32, #tpu.memory_space<vmem_shared>>)
    %mul3A_259 = arith.constant 625 : i32
    %mul3A_260 = arith.muli %arg1, %mul3A_259 : i32
    %add3A_261 = arith.constant 600 : i32
    %add3A_262 = arith.addi %mul3A_260, %add3A_261 : i32
    %dma_wait3A_263 = arith.constant 0 : i32
    %dma_wait3A_264 = arith.constant 0 : i32
    %dma_wait3A_265 = tpu.memref_slice %arg8[%dma_wait3A_263, %dma_wait3A_264] : memref<40x128xf32, #tpu.memory_space<vmem>> -> memref<25x128xf32, #tpu.memory_space<vmem>>
    %dma_wait3A_266 = arith.constant 0 : i32
    %dma_wait3A_267 = tpu.memref_slice %arg26[%add3A_262, %dma_wait3A_266] : memref<10000x128xf32, #tpu.memory_space<vmem_shared>> -> memref<25x128xf32, #tpu.memory_space<vmem_shared>>
    %dma_wait3A_268 = arith.constant 0 : i32
    %dma_wait3A_269 = tpu.memref_slice %arg26[%add3A_262, %dma_wait3A_268] : memref<10000x128xf32, #tpu.memory_space<vmem_shared>> -> memref<25x128xf32, #tpu.memory_space<vmem_shared>>
    %dma_wait3A_270 = arith.constant 0 : i32
    %dma_wait3A_271 = arith.constant 0 : i32
    %dma_wait3A_272 = tpu.memref_slice %arg8[%dma_wait3A_270, %dma_wait3A_271] : memref<40x128xf32, #tpu.memory_space<vmem>> -> memref<25x128xf32, #tpu.memory_space<vmem>>
    tpu.wait_dma2 semaphore(%arg20 : memref<!tpu.dma_semaphore, #tpu.memory_space<semaphore_mem>>) src(%dma_wait3A_272 : memref<25x128xf32, #tpu.memory_space<vmem>>) dst(%dma_wait3A_269 : memref<25x128xf32, #tpu.memory_space<vmem_shared>>)
    %barrier3A = arith.constant 0 : index
    tpu.barrier barrier_id(%barrier3A)
    "tpu.region"() ({
      %run_scoped3A = tpu.sem_alloc : memref<!tpu.dma_semaphore, #tpu.memory_space<semaphore_mem>>
      %dma_start3A_1906 = arith.constant 0 : i32
      %dma_start3A_1907 = arith.constant 0 : i32
      %dma_start3A_1908 = tpu.memref_slice %arg3[%add3A, %dma_start3A_1906, %dma_start3A_1907] : memref<32x250x40xi32, #tpu.memory_space<hbm>> -> memref<1x250x40xi32, #tpu.memory_space<hbm>>
      %dma_start3A_1909 = tpu.memref_squeeze %dma_start3A_1908 : memref<1x250x40xi32, #tpu.memory_space<hbm>> -> memref<250x40xi32, #tpu.memory_space<hbm>>
      %dma_start3A_1910 = arith.constant 0 : i32
      %dma_start3A_1911 = arith.constant 0 : i32
      %dma_start3A_1912 = tpu.memref_slice %arg3[%add3A, %dma_start3A_1910, %dma_start3A_1911] : memref<32x250x40xi32, #tpu.memory_space<hbm>> -> memref<1x250x40xi32, #tpu.memory_space<hbm>>
      %dma_start3A_1913 = tpu.memref_squeeze %dma_start3A_1912 : memref<1x250x40xi32, #tpu.memory_space<hbm>> -> memref<250x40xi32, #tpu.memory_space<hbm>>
      tpu.enqueue_dma source(%dma_start3A_1913 : memref<250x40xi32, #tpu.memory_space<hbm>>) target(%arg6 : memref<250x40xi32, #tpu.memory_space<vmem>>) target_semaphore(%run_scoped3A : memref<!tpu.dma_semaphore, #tpu.memory_space<semaphore_mem>>)
      %dma_wait3A_1914 = arith.constant 0 : i32
      %dma_wait3A_1915 = arith.constant 0 : i32
      %dma_wait3A_1916 = tpu.memref_slice %arg3[%add3A, %dma_wait3A_1914, %dma_wait3A_1915] : memref<32x250x40xi32, #tpu.memory_space<hbm>> -> memref<1x250x40xi32, #tpu.memory_space<hbm>>
      %dma_wait3A_1917 = tpu.memref_squeeze %dma_wait3A_1916 : memref<1x250x40xi32, #tpu.memory_space<hbm>> -> memref<250x40xi32, #tpu.memory_space<hbm>>
      %dma_wait3A_1918 = arith.constant 0 : i32
      %dma_wait3A_1919 = arith.constant 0 : i32
      %dma_wait3A_1920 = tpu.memref_slice %arg3[%add3A, %dma_wait3A_1918, %dma_wait3A_1919] : memref<32x250x40xi32, #tpu.memory_space<hbm>> -> memref<1x250x40xi32, #tpu.memory_space<hbm>>
      %dma_wait3A_1921 = tpu.memref_squeeze %dma_wait3A_1920 : memref<1x250x40xi32, #tpu.memory_space<hbm>> -> memref<250x40xi32, #tpu.memory_space<hbm>>
      tpu.wait_dma2 semaphore(%run_scoped3A : memref<!tpu.dma_semaphore, #tpu.memory_space<semaphore_mem>>) src(%dma_wait3A_1921 : memref<250x40xi32, #tpu.memory_space<hbm>>) dst(%arg6 : memref<250x40xi32, #tpu.memory_space<vmem>>)
      tpu.yield
    }) : () -> ()
    "tpu.region"() ({
      %run_scoped3A = tpu.sem_alloc : memref<!tpu.dma_semaphore, #tpu.memory_space<semaphore_mem>>
      %dma_start3A_1906 = arith.constant 0 : i32
      %dma_start3A_1907 = arith.constant 0 : i32
      %dma_start3A_1908 = tpu.memref_slice %arg4[%add3A, %dma_start3A_1906, %dma_start3A_1907] : memref<32x250x40xi32, #tpu.memory_space<hbm>> -> memref<1x250x40xi32, #tpu.memory_space<hbm>>
      %dma_start3A_1909 = tpu.memref_squeeze %dma_start3A_1908 : memref<1x250x40xi32, #tpu.memory_space<hbm>> -> memref<250x40xi32, #tpu.memory_space<hbm>>
      %dma_start3A_1910 = arith.constant 0 : i32
      %dma_start3A_1911 = arith.constant 0 : i32
      %dma_start3A_1912 = tpu.memref_slice %arg4[%add3A, %dma_start3A_1910, %dma_start3A_1911] : memref<32x250x40xi32, #tpu.memory_space<hbm>> -> memref<1x250x40xi32, #tpu.memory_space<hbm>>
      %dma_start3A_1913 = tpu.memref_squeeze %dma_start3A_1912 : memref<1x250x40xi32, #tpu.memory_space<hbm>> -> memref<250x40xi32, #tpu.memory_space<hbm>>
      tpu.enqueue_dma source(%dma_start3A_1913 : memref<250x40xi32, #tpu.memory_space<hbm>>) target(%arg7 : memref<250x40xi32, #tpu.memory_space<vmem>>) target_semaphore(%run_scoped3A : memref<!tpu.dma_semaphore, #tpu.memory_space<semaphore_mem>>)
      %dma_wait3A_1914 = arith.constant 0 : i32
      %dma_wait3A_1915 = arith.constant 0 : i32
      %dma_wait3A_1916 = tpu.memref_slice %arg4[%add3A, %dma_wait3A_1914, %dma_wait3A_1915] : memref<32x250x40xi32, #tpu.memory_space<hbm>> -> memref<1x250x40xi32, #tpu.memory_space<hbm>>
      %dma_wait3A_1917 = tpu.memref_squeeze %dma_wait3A_1916 : memref<1x250x40xi32, #tpu.memory_space<hbm>> -> memref<250x40xi32, #tpu.memory_space<hbm>>
      %dma_wait3A_1918 = arith.constant 0 : i32
      %dma_wait3A_1919 = arith.constant 0 : i32
      %dma_wait3A_1920 = tpu.memref_slice %arg4[%add3A, %dma_wait3A_1918, %dma_wait3A_1919] : memref<32x250x40xi32, #tpu.memory_space<hbm>> -> memref<1x250x40xi32, #tpu.memory_space<hbm>>
      %dma_wait3A_1921 = tpu.memref_squeeze %dma_wait3A_1920 : memref<1x250x40xi32, #tpu.memory_space<hbm>> -> memref<250x40xi32, #tpu.memory_space<hbm>>
      tpu.wait_dma2 semaphore(%run_scoped3A : memref<!tpu.dma_semaphore, #tpu.memory_space<semaphore_mem>>) src(%dma_wait3A_1921 : memref<250x40xi32, #tpu.memory_space<hbm>>) dst(%arg7 : memref<250x40xi32, #tpu.memory_space<vmem>>)
      tpu.yield
    }) : () -> ()
    %dma_start3A_273 = arith.constant 0 : i32
    %dma_start3A_274 = arith.constant 0 : i32
    %dma_start3A_275 = tpu.memref_slice %arg6[%dma_start3A_273, %dma_start3A_274] : memref<250x40xi32, #tpu.memory_space<vmem>> -> memref<1x40xi32, #tpu.memory_space<vmem>>
    %dma_start3A_276 = tpu.memref_squeeze %dma_start3A_275 : memref<1x40xi32, #tpu.memory_space<vmem>> -> memref<40xi32, #tpu.memory_space<vmem>>
    %dma_start3A_277 = arith.constant 0 : i32
    %dma_start3A_278 = arith.constant 0 : i32
    %dma_start3A_279 = tpu.memref_slice %arg2[%dma_start3A_277, %dma_start3A_278] : memref<10000x128xf32, #tpu.memory_space<hbm>> -> memref<10000x128xf32, #tpu.memory_space<hbm>>
    tpu.enqueue_indirect_dma source(%dma_start3A_279 : memref<10000x128xf32, #tpu.memory_space<hbm>>) target(%arg8 : memref<40x128xf32, #tpu.memory_space<vmem>>) offsets(%dma_start3A_276 : memref<40xi32, #tpu.memory_space<vmem>>) semaphore(%arg14 : memref<!tpu.dma_semaphore, #tpu.memory_space<semaphore_mem>>)
    %dma_start3A_280 = arith.constant 1 : i32
    %dma_start3A_281 = arith.constant 0 : i32
    %dma_start3A_282 = tpu.memref_slice %arg6[%dma_start3A_280, %dma_start3A_281] : memref<250x40xi32, #tpu.memory_space<vmem>> -> memref<1x40xi32, #tpu.memory_space<vmem>>
    %dma_start3A_283 = tpu.memref_squeeze %dma_start3A_282 : memref<1x40xi32, #tpu.memory_space<vmem>> -> memref<40xi32, #tpu.memory_space<vmem>>
    %dma_start3A_284 = arith.constant 0 : i32
    %dma_start3A_285 = arith.constant 0 : i32
    %dma_start3A_286 = tpu.memref_slice %arg2[%dma_start3A_284, %dma_start3A_285] : memref<10000x128xf32, #tpu.memory_space<hbm>> -> memref<10000x128xf32, #tpu.memory_space<hbm>>
    tpu.enqueue_indirect_dma source(%dma_start3A_286 : memref<10000x128xf32, #tpu.memory_space<hbm>>) target(%arg9 : memref<40x128xf32, #tpu.memory_space<vmem>>) offsets(%dma_start3A_283 : memref<40xi32, #tpu.memory_space<vmem>>) semaphore(%arg15 : memref<!tpu.dma_semaphore, #tpu.memory_space<semaphore_mem>>)
    %dma_start3A_287 = arith.constant 2 : i32
    %dma_start3A_288 = arith.constant 0 : i32
    %dma_start3A_289 = tpu.memref_slice %arg6[%dma_start3A_287, %dma_start3A_288] : memref<250x40xi32, #tpu.memory_space<vmem>> -> memref<1x40xi32, #tpu.memory_space<vmem>>
    %dma_start3A_290 = tpu.memref_squeeze %dma_start3A_289 : memref<1x40xi32, #tpu.memory_space<vmem>> -> memref<40xi32, #tpu.memory_space<vmem>>
    %dma_start3A_291 = arith.constant 0 : i32
    %dma_start3A_292 = arith.constant 0 : i32
    %dma_start3A_293 = tpu.memref_slice %arg2[%dma_start3A_291, %dma_start3A_292] : memref<10000x128xf32, #tpu.memory_space<hbm>> -> memref<10000x128xf32, #tpu.memory_space<hbm>>
    tpu.enqueue_indirect_dma source(%dma_start3A_293 : memref<10000x128xf32, #tpu.memory_space<hbm>>) target(%arg10 : memref<40x128xf32, #tpu.memory_space<vmem>>) offsets(%dma_start3A_290 : memref<40xi32, #tpu.memory_space<vmem>>) semaphore(%arg16 : memref<!tpu.dma_semaphore, #tpu.memory_space<semaphore_mem>>)
    %dma_start3A_294 = arith.constant 3 : i32
    %dma_start3A_295 = arith.constant 0 : i32
    %dma_start3A_296 = tpu.memref_slice %arg6[%dma_start3A_294, %dma_start3A_295] : memref<250x40xi32, #tpu.memory_space<vmem>> -> memref<1x40xi32, #tpu.memory_space<vmem>>
    %dma_start3A_297 = tpu.memref_squeeze %dma_start3A_296 : memref<1x40xi32, #tpu.memory_space<vmem>> -> memref<40xi32, #tpu.memory_space<vmem>>
    %dma_start3A_298 = arith.constant 0 : i32
    %dma_start3A_299 = arith.constant 0 : i32
    %dma_start3A_300 = tpu.memref_slice %arg2[%dma_start3A_298, %dma_start3A_299] : memref<10000x128xf32, #tpu.memory_space<hbm>> -> memref<10000x128xf32, #tpu.memory_space<hbm>>
    tpu.enqueue_indirect_dma source(%dma_start3A_300 : memref<10000x128xf32, #tpu.memory_space<hbm>>) target(%arg11 : memref<40x128xf32, #tpu.memory_space<vmem>>) offsets(%dma_start3A_297 : memref<40xi32, #tpu.memory_space<vmem>>) semaphore(%arg17 : memref<!tpu.dma_semaphore, #tpu.memory_space<semaphore_mem>>)
    %dma_start3A_301 = arith.constant 4 : i32
    %dma_start3A_302 = arith.constant 0 : i32
    %dma_start3A_303 = tpu.memref_slice %arg6[%dma_start3A_301, %dma_start3A_302] : memref<250x40xi32, #tpu.memory_space<vmem>> -> memref<1x40xi32, #tpu.memory_space<vmem>>
    %dma_start3A_304 = tpu.memref_squeeze %dma_start3A_303 : memref<1x40xi32, #tpu.memory_space<vmem>> -> memref<40xi32, #tpu.memory_space<vmem>>
    %dma_start3A_305 = arith.constant 0 : i32
    %dma_start3A_306 = arith.constant 0 : i32
    %dma_start3A_307 = tpu.memref_slice %arg2[%dma_start3A_305, %dma_start3A_306] : memref<10000x128xf32, #tpu.memory_space<hbm>> -> memref<10000x128xf32, #tpu.memory_space<hbm>>
    tpu.enqueue_indirect_dma source(%dma_start3A_307 : memref<10000x128xf32, #tpu.memory_space<hbm>>) target(%arg12 : memref<40x128xf32, #tpu.memory_space<vmem>>) offsets(%dma_start3A_304 : memref<40xi32, #tpu.memory_space<vmem>>) semaphore(%arg18 : memref<!tpu.dma_semaphore, #tpu.memory_space<semaphore_mem>>)
    %scan3A_308 = arith.constant 0 : i32
    %scan3A_309 = arith.constant 0 : i32
    %scan3A_310 = arith.constant 41 : i32
    %scan3A_311 = arith.addi %scan3A_309, %scan3A_310 : i32
    %scan3A_312 = arith.constant 1 : i32
    scf.for %scan3A_1906 = %scan3A_309 to %scan3A_311 step %scan3A_312  : i32 {
      %mul3A_1907 = arith.constant 6 : i32
      %mul3A_1908 = arith.muli %mul3A_1907, %scan3A_1906 : i32
      %add3A_1909 = arith.constant 0 : i32
      %add3A_1910 = arith.addi %mul3A_1908, %add3A_1909 : i32
      %dma_wait3A_1911 = arith.constant 0 : i32
      %dma_wait3A_1912 = tpu.memref_slice %arg6[%add3A_1910, %dma_wait3A_1911] : memref<250x40xi32, #tpu.memory_space<vmem>> -> memref<1x40xi32, #tpu.memory_space<vmem>>
      %dma_wait3A_1913 = tpu.memref_squeeze %dma_wait3A_1912 : memref<1x40xi32, #tpu.memory_space<vmem>> -> memref<40xi32, #tpu.memory_space<vmem>>
      %dma_wait3A_1914 = arith.constant 0 : i32
      %dma_wait3A_1915 = arith.constant 0 : i32
      %dma_wait3A_1916 = tpu.memref_slice %arg2[%dma_wait3A_1914, %dma_wait3A_1915] : memref<10000x128xf32, #tpu.memory_space<hbm>> -> memref<10000x128xf32, #tpu.memory_space<hbm>>
      tpu.wait_indirect_dma semaphore(%arg14 : memref<!tpu.dma_semaphore, #tpu.memory_space<semaphore_mem>>) src(%dma_wait3A_1916 : memref<10000x128xf32, #tpu.memory_space<hbm>>) dst(%arg8 : memref<40x128xf32, #tpu.memory_space<vmem>>)
      %ge3A = arith.constant 1 : i32
      %ge3A_1917 = arith.cmpi sge, %add3A_1910, %ge3A : i32
      %convert_element_type3A = arith.extui %ge3A_1917 : i1 to i32
      %cond3A = arith.constant 0 : i32
      %cond3A_1918 = arith.cmpi ne, %convert_element_type3A, %cond3A : i32
      scf.if %cond3A_1918 {
        %sub3A = arith.constant 1 : i32
        %sub3A_2061 = arith.subi %add3A_1910, %sub3A : i32
        %dma_wait3A_2062 = arith.constant 0 : i32
        %dma_wait3A_2063 = tpu.memref_slice %arg7[%sub3A_2061, %dma_wait3A_2062] : memref<250x40xi32, #tpu.memory_space<vmem>> -> memref<1x40xi32, #tpu.memory_space<vmem>>
        %dma_wait3A_2064 = tpu.memref_squeeze %dma_wait3A_2063 : memref<1x40xi32, #tpu.memory_space<vmem>> -> memref<40xi32, #tpu.memory_space<vmem>>
        %dma_wait3A_2065 = arith.constant 0 : i32
        %dma_wait3A_2066 = arith.constant 0 : i32
        %dma_wait3A_2067 = tpu.memref_slice %arg26[%dma_wait3A_2065, %dma_wait3A_2066] : memref<10000x128xf32, #tpu.memory_space<vmem_shared>> -> memref<10000x128xf32, #tpu.memory_space<vmem_shared>>
        tpu.wait_indirect_dma semaphore(%arg25 : memref<!tpu.dma_semaphore, #tpu.memory_space<semaphore_mem>>) src(%arg13 : memref<40x128xf32, #tpu.memory_space<vmem>>) dst(%dma_wait3A_2067 : memref<10000x128xf32, #tpu.memory_space<vmem_shared>>)
      } else {
      }
      %add3A_1919 = arith.constant 5 : i32
      %add3A_1920 = arith.addi %add3A_1910, %add3A_1919 : i32
      %lt3A = arith.constant 250 : i32
      %lt3A_1921 = arith.cmpi slt, %add3A_1920, %lt3A : i32
      %convert_element_type3A_1922 = arith.extui %lt3A_1921 : i1 to i32
      %cond3A_1923 = arith.constant 0 : i32
      %cond3A_1924 = arith.cmpi ne, %convert_element_type3A_1922, %cond3A_1923 : i32
      scf.if %cond3A_1924 {
        %add3A_2061 = arith.constant 5 : i32
        %add3A_2062 = arith.addi %add3A_1910, %add3A_2061 : i32
        %dma_start3A_2063 = arith.constant 0 : i32
        %dma_start3A_2064 = tpu.memref_slice %arg6[%add3A_2062, %dma_start3A_2063] : memref<250x40xi32, #tpu.memory_space<vmem>> -> memref<1x40xi32, #tpu.memory_space<vmem>>
        %dma_start3A_2065 = tpu.memref_squeeze %dma_start3A_2064 : memref<1x40xi32, #tpu.memory_space<vmem>> -> memref<40xi32, #tpu.memory_space<vmem>>
        %dma_start3A_2066 = arith.constant 0 : i32
        %dma_start3A_2067 = arith.constant 0 : i32
        %dma_start3A_2068 = tpu.memref_slice %arg2[%dma_start3A_2066, %dma_start3A_2067] : memref<10000x128xf32, #tpu.memory_space<hbm>> -> memref<10000x128xf32, #tpu.memory_space<hbm>>
        tpu.enqueue_indirect_dma source(%dma_start3A_2068 : memref<10000x128xf32, #tpu.memory_space<hbm>>) target(%arg13 : memref<40x128xf32, #tpu.memory_space<vmem>>) offsets(%dma_start3A_2065 : memref<40xi32, #tpu.memory_space<vmem>>) semaphore(%arg19 : memref<!tpu.dma_semaphore, #tpu.memory_space<semaphore_mem>>)
      } else {
      }
      %dma_start3A_1925 = arith.constant 0 : i32
      %dma_start3A_1926 = tpu.memref_slice %arg7[%add3A_1910, %dma_start3A_1925] : memref<250x40xi32, #tpu.memory_space<vmem>> -> memref<1x40xi32, #tpu.memory_space<vmem>>
      %dma_start3A_1927 = tpu.memref_squeeze %dma_start3A_1926 : memref<1x40xi32, #tpu.memory_space<vmem>> -> memref<40xi32, #tpu.memory_space<vmem>>
      %dma_start3A_1928 = arith.constant 0 : i32
      %dma_start3A_1929 = arith.constant 0 : i32
      %dma_start3A_1930 = tpu.memref_slice %arg26[%dma_start3A_1928, %dma_start3A_1929] : memref<10000x128xf32, #tpu.memory_space<vmem_shared>> -> memref<10000x128xf32, #tpu.memory_space<vmem_shared>>
      tpu.enqueue_indirect_dma source(%arg8 : memref<40x128xf32, #tpu.memory_space<vmem>>) target(%dma_start3A_1930 : memref<10000x128xf32, #tpu.memory_space<vmem_shared>>) offsets(%dma_start3A_1927 : memref<40xi32, #tpu.memory_space<vmem>>) semaphore(%arg20 : memref<!tpu.dma_semaphore, #tpu.memory_space<semaphore_mem>>) {add = true}
      %add3A_1931 = arith.constant 1 : i32
      %add3A_1932 = arith.addi %mul3A_1908, %add3A_1931 : i32
      %dma_wait3A_1933 = arith.constant 0 : i32
      %dma_wait3A_1934 = tpu.memref_slice %arg6[%add3A_1932, %dma_wait3A_1933] : memref<250x40xi32, #tpu.memory_space<vmem>> -> memref<1x40xi32, #tpu.memory_space<vmem>>
      %dma_wait3A_1935 = tpu.memref_squeeze %dma_wait3A_1934 : memref<1x40xi32, #tpu.memory_space<vmem>> -> memref<40xi32, #tpu.memory_space<vmem>>
      %dma_wait3A_1936 = arith.constant 0 : i32
      %dma_wait3A_1937 = arith.constant 0 : i32
      %dma_wait3A_1938 = tpu.memref_slice %arg2[%dma_wait3A_1936, %dma_wait3A_1937] : memref<10000x128xf32, #tpu.memory_space<hbm>> -> memref<10000x128xf32, #tpu.memory_space<hbm>>
      tpu.wait_indirect_dma semaphore(%arg15 : memref<!tpu.dma_semaphore, #tpu.memory_space<semaphore_mem>>) src(%dma_wait3A_1938 : memref<10000x128xf32, #tpu.memory_space<hbm>>) dst(%arg9 : memref<40x128xf32, #tpu.memory_space<vmem>>)
      %ge3A_1939 = arith.constant 1 : i32
      %ge3A_1940 = arith.cmpi sge, %add3A_1932, %ge3A_1939 : i32
      %convert_element_type3A_1941 = arith.extui %ge3A_1940 : i1 to i32
      %cond3A_1942 = arith.constant 0 : i32
      %cond3A_1943 = arith.cmpi ne, %convert_element_type3A_1941, %cond3A_1942 : i32
      scf.if %cond3A_1943 {
        %sub3A = arith.constant 1 : i32
        %sub3A_2061 = arith.subi %add3A_1932, %sub3A : i32
        %dma_wait3A_2062 = arith.constant 0 : i32
        %dma_wait3A_2063 = tpu.memref_slice %arg7[%sub3A_2061, %dma_wait3A_2062] : memref<250x40xi32, #tpu.memory_space<vmem>> -> memref<1x40xi32, #tpu.memory_space<vmem>>
        %dma_wait3A_2064 = tpu.memref_squeeze %dma_wait3A_2063 : memref<1x40xi32, #tpu.memory_space<vmem>> -> memref<40xi32, #tpu.memory_space<vmem>>
        %dma_wait3A_2065 = arith.constant 0 : i32
        %dma_wait3A_2066 = arith.constant 0 : i32
        %dma_wait3A_2067 = tpu.memref_slice %arg26[%dma_wait3A_2065, %dma_wait3A_2066] : memref<10000x128xf32, #tpu.memory_space<vmem_shared>> -> memref<10000x128xf32, #tpu.memory_space<vmem_shared>>
        tpu.wait_indirect_dma semaphore(%arg20 : memref<!tpu.dma_semaphore, #tpu.memory_space<semaphore_mem>>) src(%arg8 : memref<40x128xf32, #tpu.memory_space<vmem>>) dst(%dma_wait3A_2067 : memref<10000x128xf32, #tpu.memory_space<vmem_shared>>)
      } else {
      }
      %add3A_1944 = arith.constant 5 : i32
      %add3A_1945 = arith.addi %add3A_1932, %add3A_1944 : i32
      %lt3A_1946 = arith.constant 250 : i32
      %lt3A_1947 = arith.cmpi slt, %add3A_1945, %lt3A_1946 : i32
      %convert_element_type3A_1948 = arith.extui %lt3A_1947 : i1 to i32
      %cond3A_1949 = arith.constant 0 : i32
      %cond3A_1950 = arith.cmpi ne, %convert_element_type3A_1948, %cond3A_1949 : i32
      scf.if %cond3A_1950 {
        %add3A_2061 = arith.constant 5 : i32
        %add3A_2062 = arith.addi %add3A_1932, %add3A_2061 : i32
        %dma_start3A_2063 = arith.constant 0 : i32
        %dma_start3A_2064 = tpu.memref_slice %arg6[%add3A_2062, %dma_start3A_2063] : memref<250x40xi32, #tpu.memory_space<vmem>> -> memref<1x40xi32, #tpu.memory_space<vmem>>
        %dma_start3A_2065 = tpu.memref_squeeze %dma_start3A_2064 : memref<1x40xi32, #tpu.memory_space<vmem>> -> memref<40xi32, #tpu.memory_space<vmem>>
        %dma_start3A_2066 = arith.constant 0 : i32
        %dma_start3A_2067 = arith.constant 0 : i32
        %dma_start3A_2068 = tpu.memref_slice %arg2[%dma_start3A_2066, %dma_start3A_2067] : memref<10000x128xf32, #tpu.memory_space<hbm>> -> memref<10000x128xf32, #tpu.memory_space<hbm>>
        tpu.enqueue_indirect_dma source(%dma_start3A_2068 : memref<10000x128xf32, #tpu.memory_space<hbm>>) target(%arg8 : memref<40x128xf32, #tpu.memory_space<vmem>>) offsets(%dma_start3A_2065 : memref<40xi32, #tpu.memory_space<vmem>>) semaphore(%arg14 : memref<!tpu.dma_semaphore, #tpu.memory_space<semaphore_mem>>)
      } else {
      }
      %dma_start3A_1951 = arith.constant 0 : i32
      %dma_start3A_1952 = tpu.memref_slice %arg7[%add3A_1932, %dma_start3A_1951] : memref<250x40xi32, #tpu.memory_space<vmem>> -> memref<1x40xi32, #tpu.memory_space<vmem>>
      %dma_start3A_1953 = tpu.memref_squeeze %dma_start3A_1952 : memref<1x40xi32, #tpu.memory_space<vmem>> -> memref<40xi32, #tpu.memory_space<vmem>>
      %dma_start3A_1954 = arith.constant 0 : i32
      %dma_start3A_1955 = arith.constant 0 : i32
      %dma_start3A_1956 = tpu.memref_slice %arg26[%dma_start3A_1954, %dma_start3A_1955] : memref<10000x128xf32, #tpu.memory_space<vmem_shared>> -> memref<10000x128xf32, #tpu.memory_space<vmem_shared>>
      tpu.enqueue_indirect_dma source(%arg9 : memref<40x128xf32, #tpu.memory_space<vmem>>) target(%dma_start3A_1956 : memref<10000x128xf32, #tpu.memory_space<vmem_shared>>) offsets(%dma_start3A_1953 : memref<40xi32, #tpu.memory_space<vmem>>) semaphore(%arg21 : memref<!tpu.dma_semaphore, #tpu.memory_space<semaphore_mem>>) {add = true}
      %add3A_1957 = arith.constant 2 : i32
      %add3A_1958 = arith.addi %mul3A_1908, %add3A_1957 : i32
      %dma_wait3A_1959 = arith.constant 0 : i32
      %dma_wait3A_1960 = tpu.memref_slice %arg6[%add3A_1958, %dma_wait3A_1959] : memref<250x40xi32, #tpu.memory_space<vmem>> -> memref<1x40xi32, #tpu.memory_space<vmem>>
      %dma_wait3A_1961 = tpu.memref_squeeze %dma_wait3A_1960 : memref<1x40xi32, #tpu.memory_space<vmem>> -> memref<40xi32, #tpu.memory_space<vmem>>
      %dma_wait3A_1962 = arith.constant 0 : i32
      %dma_wait3A_1963 = arith.constant 0 : i32
      %dma_wait3A_1964 = tpu.memref_slice %arg2[%dma_wait3A_1962, %dma_wait3A_1963] : memref<10000x128xf32, #tpu.memory_space<hbm>> -> memref<10000x128xf32, #tpu.memory_space<hbm>>
      tpu.wait_indirect_dma semaphore(%arg16 : memref<!tpu.dma_semaphore, #tpu.memory_space<semaphore_mem>>) src(%dma_wait3A_1964 : memref<10000x128xf32, #tpu.memory_space<hbm>>) dst(%arg10 : memref<40x128xf32, #tpu.memory_space<vmem>>)
      %ge3A_1965 = arith.constant 1 : i32
      %ge3A_1966 = arith.cmpi sge, %add3A_1958, %ge3A_1965 : i32
      %convert_element_type3A_1967 = arith.extui %ge3A_1966 : i1 to i32
      %cond3A_1968 = arith.constant 0 : i32
      %cond3A_1969 = arith.cmpi ne, %convert_element_type3A_1967, %cond3A_1968 : i32
      scf.if %cond3A_1969 {
        %sub3A = arith.constant 1 : i32
        %sub3A_2061 = arith.subi %add3A_1958, %sub3A : i32
        %dma_wait3A_2062 = arith.constant 0 : i32
        %dma_wait3A_2063 = tpu.memref_slice %arg7[%sub3A_2061, %dma_wait3A_2062] : memref<250x40xi32, #tpu.memory_space<vmem>> -> memref<1x40xi32, #tpu.memory_space<vmem>>
        %dma_wait3A_2064 = tpu.memref_squeeze %dma_wait3A_2063 : memref<1x40xi32, #tpu.memory_space<vmem>> -> memref<40xi32, #tpu.memory_space<vmem>>
        %dma_wait3A_2065 = arith.constant 0 : i32
        %dma_wait3A_2066 = arith.constant 0 : i32
        %dma_wait3A_2067 = tpu.memref_slice %arg26[%dma_wait3A_2065, %dma_wait3A_2066] : memref<10000x128xf32, #tpu.memory_space<vmem_shared>> -> memref<10000x128xf32, #tpu.memory_space<vmem_shared>>
        tpu.wait_indirect_dma semaphore(%arg21 : memref<!tpu.dma_semaphore, #tpu.memory_space<semaphore_mem>>) src(%arg9 : memref<40x128xf32, #tpu.memory_space<vmem>>) dst(%dma_wait3A_2067 : memref<10000x128xf32, #tpu.memory_space<vmem_shared>>)
      } else {
      }
      %add3A_1970 = arith.constant 5 : i32
      %add3A_1971 = arith.addi %add3A_1958, %add3A_1970 : i32
      %lt3A_1972 = arith.constant 250 : i32
      %lt3A_1973 = arith.cmpi slt, %add3A_1971, %lt3A_1972 : i32
      %convert_element_type3A_1974 = arith.extui %lt3A_1973 : i1 to i32
      %cond3A_1975 = arith.constant 0 : i32
      %cond3A_1976 = arith.cmpi ne, %convert_element_type3A_1974, %cond3A_1975 : i32
      scf.if %cond3A_1976 {
        %add3A_2061 = arith.constant 5 : i32
        %add3A_2062 = arith.addi %add3A_1958, %add3A_2061 : i32
        %dma_start3A_2063 = arith.constant 0 : i32
        %dma_start3A_2064 = tpu.memref_slice %arg6[%add3A_2062, %dma_start3A_2063] : memref<250x40xi32, #tpu.memory_space<vmem>> -> memref<1x40xi32, #tpu.memory_space<vmem>>
        %dma_start3A_2065 = tpu.memref_squeeze %dma_start3A_2064 : memref<1x40xi32, #tpu.memory_space<vmem>> -> memref<40xi32, #tpu.memory_space<vmem>>
        %dma_start3A_2066 = arith.constant 0 : i32
        %dma_start3A_2067 = arith.constant 0 : i32
        %dma_start3A_2068 = tpu.memref_slice %arg2[%dma_start3A_2066, %dma_start3A_2067] : memref<10000x128xf32, #tpu.memory_space<hbm>> -> memref<10000x128xf32, #tpu.memory_space<hbm>>
        tpu.enqueue_indirect_dma source(%dma_start3A_2068 : memref<10000x128xf32, #tpu.memory_space<hbm>>) target(%arg9 : memref<40x128xf32, #tpu.memory_space<vmem>>) offsets(%dma_start3A_2065 : memref<40xi32, #tpu.memory_space<vmem>>) semaphore(%arg15 : memref<!tpu.dma_semaphore, #tpu.memory_space<semaphore_mem>>)
      } else {
      }
      %dma_start3A_1977 = arith.constant 0 : i32
      %dma_start3A_1978 = tpu.memref_slice %arg7[%add3A_1958, %dma_start3A_1977] : memref<250x40xi32, #tpu.memory_space<vmem>> -> memref<1x40xi32, #tpu.memory_space<vmem>>
      %dma_start3A_1979 = tpu.memref_squeeze %dma_start3A_1978 : memref<1x40xi32, #tpu.memory_space<vmem>> -> memref<40xi32, #tpu.memory_space<vmem>>
      %dma_start3A_1980 = arith.constant 0 : i32
      %dma_start3A_1981 = arith.constant 0 : i32
      %dma_start3A_1982 = tpu.memref_slice %arg26[%dma_start3A_1980, %dma_start3A_1981] : memref<10000x128xf32, #tpu.memory_space<vmem_shared>> -> memref<10000x128xf32, #tpu.memory_space<vmem_shared>>
      tpu.enqueue_indirect_dma source(%arg10 : memref<40x128xf32, #tpu.memory_space<vmem>>) target(%dma_start3A_1982 : memref<10000x128xf32, #tpu.memory_space<vmem_shared>>) offsets(%dma_start3A_1979 : memref<40xi32, #tpu.memory_space<vmem>>) semaphore(%arg22 : memref<!tpu.dma_semaphore, #tpu.memory_space<semaphore_mem>>) {add = true}
      %add3A_1983 = arith.constant 3 : i32
      %add3A_1984 = arith.addi %mul3A_1908, %add3A_1983 : i32
      %dma_wait3A_1985 = arith.constant 0 : i32
      %dma_wait3A_1986 = tpu.memref_slice %arg6[%add3A_1984, %dma_wait3A_1985] : memref<250x40xi32, #tpu.memory_space<vmem>> -> memref<1x40xi32, #tpu.memory_space<vmem>>
      %dma_wait3A_1987 = tpu.memref_squeeze %dma_wait3A_1986 : memref<1x40xi32, #tpu.memory_space<vmem>> -> memref<40xi32, #tpu.memory_space<vmem>>
      %dma_wait3A_1988 = arith.constant 0 : i32
      %dma_wait3A_1989 = arith.constant 0 : i32
      %dma_wait3A_1990 = tpu.memref_slice %arg2[%dma_wait3A_1988, %dma_wait3A_1989] : memref<10000x128xf32, #tpu.memory_space<hbm>> -> memref<10000x128xf32, #tpu.memory_space<hbm>>
      tpu.wait_indirect_dma semaphore(%arg17 : memref<!tpu.dma_semaphore, #tpu.memory_space<semaphore_mem>>) src(%dma_wait3A_1990 : memref<10000x128xf32, #tpu.memory_space<hbm>>) dst(%arg11 : memref<40x128xf32, #tpu.memory_space<vmem>>)
      %ge3A_1991 = arith.constant 1 : i32
      %ge3A_1992 = arith.cmpi sge, %add3A_1984, %ge3A_1991 : i32
      %convert_element_type3A_1993 = arith.extui %ge3A_1992 : i1 to i32
      %cond3A_1994 = arith.constant 0 : i32
      %cond3A_1995 = arith.cmpi ne, %convert_element_type3A_1993, %cond3A_1994 : i32
      scf.if %cond3A_1995 {
        %sub3A = arith.constant 1 : i32
        %sub3A_2061 = arith.subi %add3A_1984, %sub3A : i32
        %dma_wait3A_2062 = arith.constant 0 : i32
        %dma_wait3A_2063 = tpu.memref_slice %arg7[%sub3A_2061, %dma_wait3A_2062] : memref<250x40xi32, #tpu.memory_space<vmem>> -> memref<1x40xi32, #tpu.memory_space<vmem>>
        %dma_wait3A_2064 = tpu.memref_squeeze %dma_wait3A_2063 : memref<1x40xi32, #tpu.memory_space<vmem>> -> memref<40xi32, #tpu.memory_space<vmem>>
        %dma_wait3A_2065 = arith.constant 0 : i32
        %dma_wait3A_2066 = arith.constant 0 : i32
        %dma_wait3A_2067 = tpu.memref_slice %arg26[%dma_wait3A_2065, %dma_wait3A_2066] : memref<10000x128xf32, #tpu.memory_space<vmem_shared>> -> memref<10000x128xf32, #tpu.memory_space<vmem_shared>>
        tpu.wait_indirect_dma semaphore(%arg22 : memref<!tpu.dma_semaphore, #tpu.memory_space<semaphore_mem>>) src(%arg10 : memref<40x128xf32, #tpu.memory_space<vmem>>) dst(%dma_wait3A_2067 : memref<10000x128xf32, #tpu.memory_space<vmem_shared>>)
      } else {
      }
      %add3A_1996 = arith.constant 5 : i32
      %add3A_1997 = arith.addi %add3A_1984, %add3A_1996 : i32
      %lt3A_1998 = arith.constant 250 : i32
      %lt3A_1999 = arith.cmpi slt, %add3A_1997, %lt3A_1998 : i32
      %convert_element_type3A_2000 = arith.extui %lt3A_1999 : i1 to i32
      %cond3A_2001 = arith.constant 0 : i32
      %cond3A_2002 = arith.cmpi ne, %convert_element_type3A_2000, %cond3A_2001 : i32
      scf.if %cond3A_2002 {
        %add3A_2061 = arith.constant 5 : i32
        %add3A_2062 = arith.addi %add3A_1984, %add3A_2061 : i32
        %dma_start3A_2063 = arith.constant 0 : i32
        %dma_start3A_2064 = tpu.memref_slice %arg6[%add3A_2062, %dma_start3A_2063] : memref<250x40xi32, #tpu.memory_space<vmem>> -> memref<1x40xi32, #tpu.memory_space<vmem>>
        %dma_start3A_2065 = tpu.memref_squeeze %dma_start3A_2064 : memref<1x40xi32, #tpu.memory_space<vmem>> -> memref<40xi32, #tpu.memory_space<vmem>>
        %dma_start3A_2066 = arith.constant 0 : i32
        %dma_start3A_2067 = arith.constant 0 : i32
        %dma_start3A_2068 = tpu.memref_slice %arg2[%dma_start3A_2066, %dma_start3A_2067] : memref<10000x128xf32, #tpu.memory_space<hbm>> -> memref<10000x128xf32, #tpu.memory_space<hbm>>
        tpu.enqueue_indirect_dma source(%dma_start3A_2068 : memref<10000x128xf32, #tpu.memory_space<hbm>>) target(%arg10 : memref<40x128xf32, #tpu.memory_space<vmem>>) offsets(%dma_start3A_2065 : memref<40xi32, #tpu.memory_space<vmem>>) semaphore(%arg16 : memref<!tpu.dma_semaphore, #tpu.memory_space<semaphore_mem>>)
      } else {
      }
      %dma_start3A_2003 = arith.constant 0 : i32
      %dma_start3A_2004 = tpu.memref_slice %arg7[%add3A_1984, %dma_start3A_2003] : memref<250x40xi32, #tpu.memory_space<vmem>> -> memref<1x40xi32, #tpu.memory_space<vmem>>
      %dma_start3A_2005 = tpu.memref_squeeze %dma_start3A_2004 : memref<1x40xi32, #tpu.memory_space<vmem>> -> memref<40xi32, #tpu.memory_space<vmem>>
      %dma_start3A_2006 = arith.constant 0 : i32
      %dma_start3A_2007 = arith.constant 0 : i32
      %dma_start3A_2008 = tpu.memref_slice %arg26[%dma_start3A_2006, %dma_start3A_2007] : memref<10000x128xf32, #tpu.memory_space<vmem_shared>> -> memref<10000x128xf32, #tpu.memory_space<vmem_shared>>
      tpu.enqueue_indirect_dma source(%arg11 : memref<40x128xf32, #tpu.memory_space<vmem>>) target(%dma_start3A_2008 : memref<10000x128xf32, #tpu.memory_space<vmem_shared>>) offsets(%dma_start3A_2005 : memref<40xi32, #tpu.memory_space<vmem>>) semaphore(%arg23 : memref<!tpu.dma_semaphore, #tpu.memory_space<semaphore_mem>>) {add = true}
      %add3A_2009 = arith.constant 4 : i32
      %add3A_2010 = arith.addi %mul3A_1908, %add3A_2009 : i32
      %dma_wait3A_2011 = arith.constant 0 : i32
      %dma_wait3A_2012 = tpu.memref_slice %arg6[%add3A_2010, %dma_wait3A_2011] : memref<250x40xi32, #tpu.memory_space<vmem>> -> memref<1x40xi32, #tpu.memory_space<vmem>>
      %dma_wait3A_2013 = tpu.memref_squeeze %dma_wait3A_2012 : memref<1x40xi32, #tpu.memory_space<vmem>> -> memref<40xi32, #tpu.memory_space<vmem>>
      %dma_wait3A_2014 = arith.constant 0 : i32
      %dma_wait3A_2015 = arith.constant 0 : i32
      %dma_wait3A_2016 = tpu.memref_slice %arg2[%dma_wait3A_2014, %dma_wait3A_2015] : memref<10000x128xf32, #tpu.memory_space<hbm>> -> memref<10000x128xf32, #tpu.memory_space<hbm>>
      tpu.wait_indirect_dma semaphore(%arg18 : memref<!tpu.dma_semaphore, #tpu.memory_space<semaphore_mem>>) src(%dma_wait3A_2016 : memref<10000x128xf32, #tpu.memory_space<hbm>>) dst(%arg12 : memref<40x128xf32, #tpu.memory_space<vmem>>)
      %ge3A_2017 = arith.constant 1 : i32
      %ge3A_2018 = arith.cmpi sge, %add3A_2010, %ge3A_2017 : i32
      %convert_element_type3A_2019 = arith.extui %ge3A_2018 : i1 to i32
      %cond3A_2020 = arith.constant 0 : i32
      %cond3A_2021 = arith.cmpi ne, %convert_element_type3A_2019, %cond3A_2020 : i32
      scf.if %cond3A_2021 {
        %sub3A = arith.constant 1 : i32
        %sub3A_2061 = arith.subi %add3A_2010, %sub3A : i32
        %dma_wait3A_2062 = arith.constant 0 : i32
        %dma_wait3A_2063 = tpu.memref_slice %arg7[%sub3A_2061, %dma_wait3A_2062] : memref<250x40xi32, #tpu.memory_space<vmem>> -> memref<1x40xi32, #tpu.memory_space<vmem>>
        %dma_wait3A_2064 = tpu.memref_squeeze %dma_wait3A_2063 : memref<1x40xi32, #tpu.memory_space<vmem>> -> memref<40xi32, #tpu.memory_space<vmem>>
        %dma_wait3A_2065 = arith.constant 0 : i32
        %dma_wait3A_2066 = arith.constant 0 : i32
        %dma_wait3A_2067 = tpu.memref_slice %arg26[%dma_wait3A_2065, %dma_wait3A_2066] : memref<10000x128xf32, #tpu.memory_space<vmem_shared>> -> memref<10000x128xf32, #tpu.memory_space<vmem_shared>>
        tpu.wait_indirect_dma semaphore(%arg23 : memref<!tpu.dma_semaphore, #tpu.memory_space<semaphore_mem>>) src(%arg11 : memref<40x128xf32, #tpu.memory_space<vmem>>) dst(%dma_wait3A_2067 : memref<10000x128xf32, #tpu.memory_space<vmem_shared>>)
      } else {
      }
      %add3A_2022 = arith.constant 5 : i32
      %add3A_2023 = arith.addi %add3A_2010, %add3A_2022 : i32
      %lt3A_2024 = arith.constant 250 : i32
      %lt3A_2025 = arith.cmpi slt, %add3A_2023, %lt3A_2024 : i32
      %convert_element_type3A_2026 = arith.extui %lt3A_2025 : i1 to i32
      %cond3A_2027 = arith.constant 0 : i32
      %cond3A_2028 = arith.cmpi ne, %convert_element_type3A_2026, %cond3A_2027 : i32
      scf.if %cond3A_2028 {
        %add3A_2061 = arith.constant 5 : i32
        %add3A_2062 = arith.addi %add3A_2010, %add3A_2061 : i32
        %dma_start3A_2063 = arith.constant 0 : i32
        %dma_start3A_2064 = tpu.memref_slice %arg6[%add3A_2062, %dma_start3A_2063] : memref<250x40xi32, #tpu.memory_space<vmem>> -> memref<1x40xi32, #tpu.memory_space<vmem>>
        %dma_start3A_2065 = tpu.memref_squeeze %dma_start3A_2064 : memref<1x40xi32, #tpu.memory_space<vmem>> -> memref<40xi32, #tpu.memory_space<vmem>>
        %dma_start3A_2066 = arith.constant 0 : i32
        %dma_start3A_2067 = arith.constant 0 : i32
        %dma_start3A_2068 = tpu.memref_slice %arg2[%dma_start3A_2066, %dma_start3A_2067] : memref<10000x128xf32, #tpu.memory_space<hbm>> -> memref<10000x128xf32, #tpu.memory_space<hbm>>
        tpu.enqueue_indirect_dma source(%dma_start3A_2068 : memref<10000x128xf32, #tpu.memory_space<hbm>>) target(%arg11 : memref<40x128xf32, #tpu.memory_space<vmem>>) offsets(%dma_start3A_2065 : memref<40xi32, #tpu.memory_space<vmem>>) semaphore(%arg17 : memref<!tpu.dma_semaphore, #tpu.memory_space<semaphore_mem>>)
      } else {
      }
      %dma_start3A_2029 = arith.constant 0 : i32
      %dma_start3A_2030 = tpu.memref_slice %arg7[%add3A_2010, %dma_start3A_2029] : memref<250x40xi32, #tpu.memory_space<vmem>> -> memref<1x40xi32, #tpu.memory_space<vmem>>
      %dma_start3A_2031 = tpu.memref_squeeze %dma_start3A_2030 : memref<1x40xi32, #tpu.memory_space<vmem>> -> memref<40xi32, #tpu.memory_space<vmem>>
      %dma_start3A_2032 = arith.constant 0 : i32
      %dma_start3A_2033 = arith.constant 0 : i32
      %dma_start3A_2034 = tpu.memref_slice %arg26[%dma_start3A_2032, %dma_start3A_2033] : memref<10000x128xf32, #tpu.memory_space<vmem_shared>> -> memref<10000x128xf32, #tpu.memory_space<vmem_shared>>
      tpu.enqueue_indirect_dma source(%arg12 : memref<40x128xf32, #tpu.memory_space<vmem>>) target(%dma_start3A_2034 : memref<10000x128xf32, #tpu.memory_space<vmem_shared>>) offsets(%dma_start3A_2031 : memref<40xi32, #tpu.memory_space<vmem>>) semaphore(%arg24 : memref<!tpu.dma_semaphore, #tpu.memory_space<semaphore_mem>>) {add = true}
      %add3A_2035 = arith.constant 5 : i32
      %add3A_2036 = arith.addi %mul3A_1908, %add3A_2035 : i32
      %dma_wait3A_2037 = arith.constant 0 : i32
      %dma_wait3A_2038 = tpu.memref_slice %arg6[%add3A_2036, %dma_wait3A_2037] : memref<250x40xi32, #tpu.memory_space<vmem>> -> memref<1x40xi32, #tpu.memory_space<vmem>>
      %dma_wait3A_2039 = tpu.memref_squeeze %dma_wait3A_2038 : memref<1x40xi32, #tpu.memory_space<vmem>> -> memref<40xi32, #tpu.memory_space<vmem>>
      %dma_wait3A_2040 = arith.constant 0 : i32
      %dma_wait3A_2041 = arith.constant 0 : i32
      %dma_wait3A_2042 = tpu.memref_slice %arg2[%dma_wait3A_2040, %dma_wait3A_2041] : memref<10000x128xf32, #tpu.memory_space<hbm>> -> memref<10000x128xf32, #tpu.memory_space<hbm>>
      tpu.wait_indirect_dma semaphore(%arg19 : memref<!tpu.dma_semaphore, #tpu.memory_space<semaphore_mem>>) src(%dma_wait3A_2042 : memref<10000x128xf32, #tpu.memory_space<hbm>>) dst(%arg13 : memref<40x128xf32, #tpu.memory_space<vmem>>)
      %ge3A_2043 = arith.constant 1 : i32
      %ge3A_2044 = arith.cmpi sge, %add3A_2036, %ge3A_2043 : i32
      %convert_element_type3A_2045 = arith.extui %ge3A_2044 : i1 to i32
      %cond3A_2046 = arith.constant 0 : i32
      %cond3A_2047 = arith.cmpi ne, %convert_element_type3A_2045, %cond3A_2046 : i32
      scf.if %cond3A_2047 {
        %sub3A = arith.constant 1 : i32
        %sub3A_2061 = arith.subi %add3A_2036, %sub3A : i32
        %dma_wait3A_2062 = arith.constant 0 : i32
        %dma_wait3A_2063 = tpu.memref_slice %arg7[%sub3A_2061, %dma_wait3A_2062] : memref<250x40xi32, #tpu.memory_space<vmem>> -> memref<1x40xi32, #tpu.memory_space<vmem>>
        %dma_wait3A_2064 = tpu.memref_squeeze %dma_wait3A_2063 : memref<1x40xi32, #tpu.memory_space<vmem>> -> memref<40xi32, #tpu.memory_space<vmem>>
        %dma_wait3A_2065 = arith.constant 0 : i32
        %dma_wait3A_2066 = arith.constant 0 : i32
        %dma_wait3A_2067 = tpu.memref_slice %arg26[%dma_wait3A_2065, %dma_wait3A_2066] : memref<10000x128xf32, #tpu.memory_space<vmem_shared>> -> memref<10000x128xf32, #tpu.memory_space<vmem_shared>>
        tpu.wait_indirect_dma semaphore(%arg24 : memref<!tpu.dma_semaphore, #tpu.memory_space<semaphore_mem>>) src(%arg12 : memref<40x128xf32, #tpu.memory_space<vmem>>) dst(%dma_wait3A_2067 : memref<10000x128xf32, #tpu.memory_space<vmem_shared>>)
      } else {
      }
      %add3A_2048 = arith.constant 5 : i32
      %add3A_2049 = arith.addi %add3A_2036, %add3A_2048 : i32
      %lt3A_2050 = arith.constant 250 : i32
      %lt3A_2051 = arith.cmpi slt, %add3A_2049, %lt3A_2050 : i32
      %convert_element_type3A_2052 = arith.extui %lt3A_2051 : i1 to i32
      %cond3A_2053 = arith.constant 0 : i32
      %cond3A_2054 = arith.cmpi ne, %convert_element_type3A_2052, %cond3A_2053 : i32
      scf.if %cond3A_2054 {
        %add3A_2061 = arith.constant 5 : i32
        %add3A_2062 = arith.addi %add3A_2036, %add3A_2061 : i32
        %dma_start3A_2063 = arith.constant 0 : i32
        %dma_start3A_2064 = tpu.memref_slice %arg6[%add3A_2062, %dma_start3A_2063] : memref<250x40xi32, #tpu.memory_space<vmem>> -> memref<1x40xi32, #tpu.memory_space<vmem>>
        %dma_start3A_2065 = tpu.memref_squeeze %dma_start3A_2064 : memref<1x40xi32, #tpu.memory_space<vmem>> -> memref<40xi32, #tpu.memory_space<vmem>>
        %dma_start3A_2066 = arith.constant 0 : i32
        %dma_start3A_2067 = arith.constant 0 : i32
        %dma_start3A_2068 = tpu.memref_slice %arg2[%dma_start3A_2066, %dma_start3A_2067] : memref<10000x128xf32, #tpu.memory_space<hbm>> -> memref<10000x128xf32, #tpu.memory_space<hbm>>
        tpu.enqueue_indirect_dma source(%dma_start3A_2068 : memref<10000x128xf32, #tpu.memory_space<hbm>>) target(%arg12 : memref<40x128xf32, #tpu.memory_space<vmem>>) offsets(%dma_start3A_2065 : memref<40xi32, #tpu.memory_space<vmem>>) semaphore(%arg18 : memref<!tpu.dma_semaphore, #tpu.memory_space<semaphore_mem>>)
      } else {
      }
      %dma_start3A_2055 = arith.constant 0 : i32
      %dma_start3A_2056 = tpu.memref_slice %arg7[%add3A_2036, %dma_start3A_2055] : memref<250x40xi32, #tpu.memory_space<vmem>> -> memref<1x40xi32, #tpu.memory_space<vmem>>
      %dma_start3A_2057 = tpu.memref_squeeze %dma_start3A_2056 : memref<1x40xi32, #tpu.memory_space<vmem>> -> memref<40xi32, #tpu.memory_space<vmem>>
      %dma_start3A_2058 = arith.constant 0 : i32
      %dma_start3A_2059 = arith.constant 0 : i32
      %dma_start3A_2060 = tpu.memref_slice %arg26[%dma_start3A_2058, %dma_start3A_2059] : memref<10000x128xf32, #tpu.memory_space<vmem_shared>> -> memref<10000x128xf32, #tpu.memory_space<vmem_shared>>
      tpu.enqueue_indirect_dma source(%arg13 : memref<40x128xf32, #tpu.memory_space<vmem>>) target(%dma_start3A_2060 : memref<10000x128xf32, #tpu.memory_space<vmem_shared>>) offsets(%dma_start3A_2057 : memref<40xi32, #tpu.memory_space<vmem>>) semaphore(%arg25 : memref<!tpu.dma_semaphore, #tpu.memory_space<semaphore_mem>>) {add = true}
    }
    %scan3A_313 = arith.constant 41 : i32
    %dma_wait3A_314 = arith.constant 246 : i32
    %dma_wait3A_315 = arith.constant 0 : i32
    %dma_wait3A_316 = tpu.memref_slice %arg6[%dma_wait3A_314, %dma_wait3A_315] : memref<250x40xi32, #tpu.memory_space<vmem>> -> memref<1x40xi32, #tpu.memory_space<vmem>>
    %dma_wait3A_317 = tpu.memref_squeeze %dma_wait3A_316 : memref<1x40xi32, #tpu.memory_space<vmem>> -> memref<40xi32, #tpu.memory_space<vmem>>
    %dma_wait3A_318 = arith.constant 0 : i32
    %dma_wait3A_319 = arith.constant 0 : i32
    %dma_wait3A_320 = tpu.memref_slice %arg2[%dma_wait3A_318, %dma_wait3A_319] : memref<10000x128xf32, #tpu.memory_space<hbm>> -> memref<10000x128xf32, #tpu.memory_space<hbm>>
    tpu.wait_indirect_dma semaphore(%arg14 : memref<!tpu.dma_semaphore, #tpu.memory_space<semaphore_mem>>) src(%dma_wait3A_320 : memref<10000x128xf32, #tpu.memory_space<hbm>>) dst(%arg8 : memref<40x128xf32, #tpu.memory_space<vmem>>)
    %dma_wait3A_321 = arith.constant 245 : i32
    %dma_wait3A_322 = arith.constant 0 : i32
    %dma_wait3A_323 = tpu.memref_slice %arg7[%dma_wait3A_321, %dma_wait3A_322] : memref<250x40xi32, #tpu.memory_space<vmem>> -> memref<1x40xi32, #tpu.memory_space<vmem>>
    %dma_wait3A_324 = tpu.memref_squeeze %dma_wait3A_323 : memref<1x40xi32, #tpu.memory_space<vmem>> -> memref<40xi32, #tpu.memory_space<vmem>>
    %dma_wait3A_325 = arith.constant 0 : i32
    %dma_wait3A_326 = arith.constant 0 : i32
    %dma_wait3A_327 = tpu.memref_slice %arg26[%dma_wait3A_325, %dma_wait3A_326] : memref<10000x128xf32, #tpu.memory_space<vmem_shared>> -> memref<10000x128xf32, #tpu.memory_space<vmem_shared>>
    tpu.wait_indirect_dma semaphore(%arg25 : memref<!tpu.dma_semaphore, #tpu.memory_space<semaphore_mem>>) src(%arg13 : memref<40x128xf32, #tpu.memory_space<vmem>>) dst(%dma_wait3A_327 : memref<10000x128xf32, #tpu.memory_space<vmem_shared>>)
    %dma_start3A_328 = arith.constant 246 : i32
    %dma_start3A_329 = arith.constant 0 : i32
    %dma_start3A_330 = tpu.memref_slice %arg7[%dma_start3A_328, %dma_start3A_329] : memref<250x40xi32, #tpu.memory_space<vmem>> -> memref<1x40xi32, #tpu.memory_space<vmem>>
    %dma_start3A_331 = tpu.memref_squeeze %dma_start3A_330 : memref<1x40xi32, #tpu.memory_space<vmem>> -> memref<40xi32, #tpu.memory_space<vmem>>
    %dma_start3A_332 = arith.constant 0 : i32
    %dma_start3A_333 = arith.constant 0 : i32
    %dma_start3A_334 = tpu.memref_slice %arg26[%dma_start3A_332, %dma_start3A_333] : memref<10000x128xf32, #tpu.memory_space<vmem_shared>> -> memref<10000x128xf32, #tpu.memory_space<vmem_shared>>
    tpu.enqueue_indirect_dma source(%arg8 : memref<40x128xf32, #tpu.memory_space<vmem>>) target(%dma_start3A_334 : memref<10000x128xf32, #tpu.memory_space<vmem_shared>>) offsets(%dma_start3A_331 : memref<40xi32, #tpu.memory_space<vmem>>) semaphore(%arg20 : memref<!tpu.dma_semaphore, #tpu.memory_space<semaphore_mem>>) {add = true}
    %dma_wait3A_335 = arith.constant 247 : i32
    %dma_wait3A_336 = arith.constant 0 : i32
    %dma_wait3A_337 = tpu.memref_slice %arg6[%dma_wait3A_335, %dma_wait3A_336] : memref<250x40xi32, #tpu.memory_space<vmem>> -> memref<1x40xi32, #tpu.memory_space<vmem>>
    %dma_wait3A_338 = tpu.memref_squeeze %dma_wait3A_337 : memref<1x40xi32, #tpu.memory_space<vmem>> -> memref<40xi32, #tpu.memory_space<vmem>>
    %dma_wait3A_339 = arith.constant 0 : i32
    %dma_wait3A_340 = arith.constant 0 : i32
    %dma_wait3A_341 = tpu.memref_slice %arg2[%dma_wait3A_339, %dma_wait3A_340] : memref<10000x128xf32, #tpu.memory_space<hbm>> -> memref<10000x128xf32, #tpu.memory_space<hbm>>
    tpu.wait_indirect_dma semaphore(%arg15 : memref<!tpu.dma_semaphore, #tpu.memory_space<semaphore_mem>>) src(%dma_wait3A_341 : memref<10000x128xf32, #tpu.memory_space<hbm>>) dst(%arg9 : memref<40x128xf32, #tpu.memory_space<vmem>>)
    %dma_wait3A_342 = arith.constant 246 : i32
    %dma_wait3A_343 = arith.constant 0 : i32
    %dma_wait3A_344 = tpu.memref_slice %arg7[%dma_wait3A_342, %dma_wait3A_343] : memref<250x40xi32, #tpu.memory_space<vmem>> -> memref<1x40xi32, #tpu.memory_space<vmem>>
    %dma_wait3A_345 = tpu.memref_squeeze %dma_wait3A_344 : memref<1x40xi32, #tpu.memory_space<vmem>> -> memref<40xi32, #tpu.memory_space<vmem>>
    %dma_wait3A_346 = arith.constant 0 : i32
    %dma_wait3A_347 = arith.constant 0 : i32
    %dma_wait3A_348 = tpu.memref_slice %arg26[%dma_wait3A_346, %dma_wait3A_347] : memref<10000x128xf32, #tpu.memory_space<vmem_shared>> -> memref<10000x128xf32, #tpu.memory_space<vmem_shared>>
    tpu.wait_indirect_dma semaphore(%arg20 : memref<!tpu.dma_semaphore, #tpu.memory_space<semaphore_mem>>) src(%arg8 : memref<40x128xf32, #tpu.memory_space<vmem>>) dst(%dma_wait3A_348 : memref<10000x128xf32, #tpu.memory_space<vmem_shared>>)
    %dma_start3A_349 = arith.constant 247 : i32
    %dma_start3A_350 = arith.constant 0 : i32
    %dma_start3A_351 = tpu.memref_slice %arg7[%dma_start3A_349, %dma_start3A_350] : memref<250x40xi32, #tpu.memory_space<vmem>> -> memref<1x40xi32, #tpu.memory_space<vmem>>
    %dma_start3A_352 = tpu.memref_squeeze %dma_start3A_351 : memref<1x40xi32, #tpu.memory_space<vmem>> -> memref<40xi32, #tpu.memory_space<vmem>>
    %dma_start3A_353 = arith.constant 0 : i32
    %dma_start3A_354 = arith.constant 0 : i32
    %dma_start3A_355 = tpu.memref_slice %arg26[%dma_start3A_353, %dma_start3A_354] : memref<10000x128xf32, #tpu.memory_space<vmem_shared>> -> memref<10000x128xf32, #tpu.memory_space<vmem_shared>>
    tpu.enqueue_indirect_dma source(%arg9 : memref<40x128xf32, #tpu.memory_space<vmem>>) target(%dma_start3A_355 : memref<10000x128xf32, #tpu.memory_space<vmem_shared>>) offsets(%dma_start3A_352 : memref<40xi32, #tpu.memory_space<vmem>>) semaphore(%arg21 : memref<!tpu.dma_semaphore, #tpu.memory_space<semaphore_mem>>) {add = true}
    %dma_wait3A_356 = arith.constant 248 : i32
    %dma_wait3A_357 = arith.constant 0 : i32
    %dma_wait3A_358 = tpu.memref_slice %arg6[%dma_wait3A_356, %dma_wait3A_357] : memref<250x40xi32, #tpu.memory_space<vmem>> -> memref<1x40xi32, #tpu.memory_space<vmem>>
    %dma_wait3A_359 = tpu.memref_squeeze %dma_wait3A_358 : memref<1x40xi32, #tpu.memory_space<vmem>> -> memref<40xi32, #tpu.memory_space<vmem>>
    %dma_wait3A_360 = arith.constant 0 : i32
    %dma_wait3A_361 = arith.constant 0 : i32
    %dma_wait3A_362 = tpu.memref_slice %arg2[%dma_wait3A_360, %dma_wait3A_361] : memref<10000x128xf32, #tpu.memory_space<hbm>> -> memref<10000x128xf32, #tpu.memory_space<hbm>>
    tpu.wait_indirect_dma semaphore(%arg16 : memref<!tpu.dma_semaphore, #tpu.memory_space<semaphore_mem>>) src(%dma_wait3A_362 : memref<10000x128xf32, #tpu.memory_space<hbm>>) dst(%arg10 : memref<40x128xf32, #tpu.memory_space<vmem>>)
    %dma_wait3A_363 = arith.constant 247 : i32
    %dma_wait3A_364 = arith.constant 0 : i32
    %dma_wait3A_365 = tpu.memref_slice %arg7[%dma_wait3A_363, %dma_wait3A_364] : memref<250x40xi32, #tpu.memory_space<vmem>> -> memref<1x40xi32, #tpu.memory_space<vmem>>
    %dma_wait3A_366 = tpu.memref_squeeze %dma_wait3A_365 : memref<1x40xi32, #tpu.memory_space<vmem>> -> memref<40xi32, #tpu.memory_space<vmem>>
    %dma_wait3A_367 = arith.constant 0 : i32
    %dma_wait3A_368 = arith.constant 0 : i32
    %dma_wait3A_369 = tpu.memref_slice %arg26[%dma_wait3A_367, %dma_wait3A_368] : memref<10000x128xf32, #tpu.memory_space<vmem_shared>> -> memref<10000x128xf32, #tpu.memory_space<vmem_shared>>
    tpu.wait_indirect_dma semaphore(%arg21 : memref<!tpu.dma_semaphore, #tpu.memory_space<semaphore_mem>>) src(%arg9 : memref<40x128xf32, #tpu.memory_space<vmem>>) dst(%dma_wait3A_369 : memref<10000x128xf32, #tpu.memory_space<vmem_shared>>)
    %dma_start3A_370 = arith.constant 248 : i32
    %dma_start3A_371 = arith.constant 0 : i32
    %dma_start3A_372 = tpu.memref_slice %arg7[%dma_start3A_370, %dma_start3A_371] : memref<250x40xi32, #tpu.memory_space<vmem>> -> memref<1x40xi32, #tpu.memory_space<vmem>>
    %dma_start3A_373 = tpu.memref_squeeze %dma_start3A_372 : memref<1x40xi32, #tpu.memory_space<vmem>> -> memref<40xi32, #tpu.memory_space<vmem>>
    %dma_start3A_374 = arith.constant 0 : i32
    %dma_start3A_375 = arith.constant 0 : i32
    %dma_start3A_376 = tpu.memref_slice %arg26[%dma_start3A_374, %dma_start3A_375] : memref<10000x128xf32, #tpu.memory_space<vmem_shared>> -> memref<10000x128xf32, #tpu.memory_space<vmem_shared>>
    tpu.enqueue_indirect_dma source(%arg10 : memref<40x128xf32, #tpu.memory_space<vmem>>) target(%dma_start3A_376 : memref<10000x128xf32, #tpu.memory_space<vmem_shared>>) offsets(%dma_start3A_373 : memref<40xi32, #tpu.memory_space<vmem>>) semaphore(%arg22 : memref<!tpu.dma_semaphore, #tpu.memory_space<semaphore_mem>>) {add = true}
    %dma_wait3A_377 = arith.constant 249 : i32
    %dma_wait3A_378 = arith.constant 0 : i32
    %dma_wait3A_379 = tpu.memref_slice %arg6[%dma_wait3A_377, %dma_wait3A_378] : memref<250x40xi32, #tpu.memory_space<vmem>> -> memref<1x40xi32, #tpu.memory_space<vmem>>
    %dma_wait3A_380 = tpu.memref_squeeze %dma_wait3A_379 : memref<1x40xi32, #tpu.memory_space<vmem>> -> memref<40xi32, #tpu.memory_space<vmem>>
    %dma_wait3A_381 = arith.constant 0 : i32
    %dma_wait3A_382 = arith.constant 0 : i32
    %dma_wait3A_383 = tpu.memref_slice %arg2[%dma_wait3A_381, %dma_wait3A_382] : memref<10000x128xf32, #tpu.memory_space<hbm>> -> memref<10000x128xf32, #tpu.memory_space<hbm>>
    tpu.wait_indirect_dma semaphore(%arg17 : memref<!tpu.dma_semaphore, #tpu.memory_space<semaphore_mem>>) src(%dma_wait3A_383 : memref<10000x128xf32, #tpu.memory_space<hbm>>) dst(%arg11 : memref<40x128xf32, #tpu.memory_space<vmem>>)
    %dma_wait3A_384 = arith.constant 248 : i32
    %dma_wait3A_385 = arith.constant 0 : i32
    %dma_wait3A_386 = tpu.memref_slice %arg7[%dma_wait3A_384, %dma_wait3A_385] : memref<250x40xi32, #tpu.memory_space<vmem>> -> memref<1x40xi32, #tpu.memory_space<vmem>>
    %dma_wait3A_387 = tpu.memref_squeeze %dma_wait3A_386 : memref<1x40xi32, #tpu.memory_space<vmem>> -> memref<40xi32, #tpu.memory_space<vmem>>
    %dma_wait3A_388 = arith.constant 0 : i32
    %dma_wait3A_389 = arith.constant 0 : i32
    %dma_wait3A_390 = tpu.memref_slice %arg26[%dma_wait3A_388, %dma_wait3A_389] : memref<10000x128xf32, #tpu.memory_space<vmem_shared>> -> memref<10000x128xf32, #tpu.memory_space<vmem_shared>>
    tpu.wait_indirect_dma semaphore(%arg22 : memref<!tpu.dma_semaphore, #tpu.memory_space<semaphore_mem>>) src(%arg10 : memref<40x128xf32, #tpu.memory_space<vmem>>) dst(%dma_wait3A_390 : memref<10000x128xf32, #tpu.memory_space<vmem_shared>>)
    %dma_start3A_391 = arith.constant 249 : i32
    %dma_start3A_392 = arith.constant 0 : i32
    %dma_start3A_393 = tpu.memref_slice %arg7[%dma_start3A_391, %dma_start3A_392] : memref<250x40xi32, #tpu.memory_space<vmem>> -> memref<1x40xi32, #tpu.memory_space<vmem>>
    %dma_start3A_394 = tpu.memref_squeeze %dma_start3A_393 : memref<1x40xi32, #tpu.memory_space<vmem>> -> memref<40xi32, #tpu.memory_space<vmem>>
    %dma_start3A_395 = arith.constant 0 : i32
    %dma_start3A_396 = arith.constant 0 : i32
    %dma_start3A_397 = tpu.memref_slice %arg26[%dma_start3A_395, %dma_start3A_396] : memref<10000x128xf32, #tpu.memory_space<vmem_shared>> -> memref<10000x128xf32, #tpu.memory_space<vmem_shared>>
    tpu.enqueue_indirect_dma source(%arg11 : memref<40x128xf32, #tpu.memory_space<vmem>>) target(%dma_start3A_397 : memref<10000x128xf32, #tpu.memory_space<vmem_shared>>) offsets(%dma_start3A_394 : memref<40xi32, #tpu.memory_space<vmem>>) semaphore(%arg23 : memref<!tpu.dma_semaphore, #tpu.memory_space<semaphore_mem>>) {add = true}
    %dma_wait3A_398 = arith.constant 249 : i32
    %dma_wait3A_399 = arith.constant 0 : i32
    %dma_wait3A_400 = tpu.memref_slice %arg7[%dma_wait3A_398, %dma_wait3A_399] : memref<250x40xi32, #tpu.memory_space<vmem>> -> memref<1x40xi32, #tpu.memory_space<vmem>>
    %dma_wait3A_401 = tpu.memref_squeeze %dma_wait3A_400 : memref<1x40xi32, #tpu.memory_space<vmem>> -> memref<40xi32, #tpu.memory_space<vmem>>
    %dma_wait3A_402 = arith.constant 0 : i32
    %dma_wait3A_403 = arith.constant 0 : i32
    %dma_wait3A_404 = tpu.memref_slice %arg26[%dma_wait3A_402, %dma_wait3A_403] : memref<10000x128xf32, #tpu.memory_space<vmem_shared>> -> memref<10000x128xf32, #tpu.memory_space<vmem_shared>>
    tpu.wait_indirect_dma semaphore(%arg23 : memref<!tpu.dma_semaphore, #tpu.memory_space<semaphore_mem>>) src(%arg11 : memref<40x128xf32, #tpu.memory_space<vmem>>) dst(%dma_wait3A_404 : memref<10000x128xf32, #tpu.memory_space<vmem_shared>>)
    %barrier3A_405 = arith.constant 0 : index
    tpu.barrier barrier_id(%barrier3A_405)
    %mul3A_406 = arith.constant 625 : i32
    %mul3A_407 = arith.muli %arg1, %mul3A_406 : i32
    %add3A_408 = arith.constant 0 : i32
    %add3A_409 = arith.addi %mul3A_407, %add3A_408 : i32
    %dma_start3A_410 = arith.constant 0 : i32
    %dma_start3A_411 = arith.constant 0 : i32
    %dma_start3A_412 = tpu.memref_slice %arg8[%dma_start3A_410, %dma_start3A_411] : memref<40x128xf32, #tpu.memory_space<vmem>> -> memref<25x128xf32, #tpu.memory_space<vmem>>
    %dma_start3A_413 = arith.constant 0 : i32
    %dma_start3A_414 = tpu.memref_slice %arg26[%add3A_409, %dma_start3A_413] : memref<10000x128xf32, #tpu.memory_space<vmem_shared>> -> memref<25x128xf32, #tpu.memory_space<vmem_shared>>
    %dma_start3A_415 = arith.constant 0 : i32
    %dma_start3A_416 = arith.constant 0 : i32
    %dma_start3A_417 = tpu.memref_slice %arg8[%dma_start3A_415, %dma_start3A_416] : memref<40x128xf32, #tpu.memory_space<vmem>> -> memref<25x128xf32, #tpu.memory_space<vmem>>
    %dma_start3A_418 = arith.constant 0 : i32
    %dma_start3A_419 = tpu.memref_slice %arg26[%add3A_409, %dma_start3A_418] : memref<10000x128xf32, #tpu.memory_space<vmem_shared>> -> memref<25x128xf32, #tpu.memory_space<vmem_shared>>
    tpu.enqueue_dma source(%dma_start3A_419 : memref<25x128xf32, #tpu.memory_space<vmem_shared>>) target(%dma_start3A_417 : memref<25x128xf32, #tpu.memory_space<vmem>>) target_semaphore(%arg14 : memref<!tpu.dma_semaphore, #tpu.memory_space<semaphore_mem>>)
    %mul3A_420 = arith.constant 625 : i32
    %mul3A_421 = arith.muli %arg1, %mul3A_420 : i32
    %add3A_422 = arith.constant 0 : i32
    %add3A_423 = arith.addi %mul3A_421, %add3A_422 : i32
    %dma_wait3A_424 = arith.constant 0 : i32
    %dma_wait3A_425 = arith.constant 0 : i32
    %dma_wait3A_426 = tpu.memref_slice %arg8[%dma_wait3A_424, %dma_wait3A_425] : memref<40x128xf32, #tpu.memory_space<vmem>> -> memref<25x128xf32, #tpu.memory_space<vmem>>
    %dma_wait3A_427 = arith.constant 0 : i32
    %dma_wait3A_428 = tpu.memref_slice %arg26[%add3A_423, %dma_wait3A_427] : memref<10000x128xf32, #tpu.memory_space<vmem_shared>> -> memref<25x128xf32, #tpu.memory_space<vmem_shared>>
    %dma_wait3A_429 = arith.constant 0 : i32
    %dma_wait3A_430 = arith.constant 0 : i32
    %dma_wait3A_431 = tpu.memref_slice %arg8[%dma_wait3A_429, %dma_wait3A_430] : memref<40x128xf32, #tpu.memory_space<vmem>> -> memref<25x128xf32, #tpu.memory_space<vmem>>
    %dma_wait3A_432 = arith.constant 0 : i32
    %dma_wait3A_433 = tpu.memref_slice %arg26[%add3A_423, %dma_wait3A_432] : memref<10000x128xf32, #tpu.memory_space<vmem_shared>> -> memref<25x128xf32, #tpu.memory_space<vmem_shared>>
    tpu.wait_dma2 semaphore(%arg14 : memref<!tpu.dma_semaphore, #tpu.memory_space<semaphore_mem>>) src(%dma_wait3A_433 : memref<25x128xf32, #tpu.memory_space<vmem_shared>>) dst(%dma_wait3A_431 : memref<25x128xf32, #tpu.memory_space<vmem>>)
    %mul3A_434 = arith.constant 625 : i32
    %mul3A_435 = arith.muli %arg1, %mul3A_434 : i32
    %add3A_436 = arith.constant 25 : i32
    %add3A_437 = arith.addi %mul3A_435, %add3A_436 : i32
    %dma_start3A_438 = arith.constant 0 : i32
    %dma_start3A_439 = arith.constant 0 : i32
    %dma_start3A_440 = tpu.memref_slice %arg9[%dma_start3A_438, %dma_start3A_439] : memref<40x128xf32, #tpu.memory_space<vmem>> -> memref<25x128xf32, #tpu.memory_space<vmem>>
    %dma_start3A_441 = arith.constant 0 : i32
    %dma_start3A_442 = tpu.memref_slice %arg26[%add3A_437, %dma_start3A_441] : memref<10000x128xf32, #tpu.memory_space<vmem_shared>> -> memref<25x128xf32, #tpu.memory_space<vmem_shared>>
    %dma_start3A_443 = arith.constant 0 : i32
    %dma_start3A_444 = arith.constant 0 : i32
    %dma_start3A_445 = tpu.memref_slice %arg9[%dma_start3A_443, %dma_start3A_444] : memref<40x128xf32, #tpu.memory_space<vmem>> -> memref<25x128xf32, #tpu.memory_space<vmem>>
    %dma_start3A_446 = arith.constant 0 : i32
    %dma_start3A_447 = tpu.memref_slice %arg26[%add3A_437, %dma_start3A_446] : memref<10000x128xf32, #tpu.memory_space<vmem_shared>> -> memref<25x128xf32, #tpu.memory_space<vmem_shared>>
    tpu.enqueue_dma source(%dma_start3A_447 : memref<25x128xf32, #tpu.memory_space<vmem_shared>>) target(%dma_start3A_445 : memref<25x128xf32, #tpu.memory_space<vmem>>) target_semaphore(%arg15 : memref<!tpu.dma_semaphore, #tpu.memory_space<semaphore_mem>>)
    %mul3A_448 = arith.constant 625 : i32
    %mul3A_449 = arith.muli %arg1, %mul3A_448 : i32
    %add3A_450 = arith.constant 0 : i32
    %add3A_451 = arith.addi %mul3A_449, %add3A_450 : i32
    %dma_start3A_452 = arith.constant 0 : i32
    %dma_start3A_453 = arith.constant 0 : i32
    %dma_start3A_454 = tpu.memref_slice %arg8[%dma_start3A_452, %dma_start3A_453] : memref<40x128xf32, #tpu.memory_space<vmem>> -> memref<25x128xf32, #tpu.memory_space<vmem>>
    %dma_start3A_455 = arith.constant 0 : i32
    %dma_start3A_456 = tpu.memref_slice %arg5[%arg0, %add3A_451, %dma_start3A_455] : memref<2x10000x128xf32, #tpu.memory_space<hbm>> -> memref<1x25x128xf32, #tpu.memory_space<hbm>>
    %dma_start3A_457 = tpu.memref_squeeze %dma_start3A_456 : memref<1x25x128xf32, #tpu.memory_space<hbm>> -> memref<25x128xf32, #tpu.memory_space<hbm>>
    %dma_start3A_458 = arith.constant 0 : i32
    %dma_start3A_459 = tpu.memref_slice %arg5[%arg0, %add3A_451, %dma_start3A_458] : memref<2x10000x128xf32, #tpu.memory_space<hbm>> -> memref<1x25x128xf32, #tpu.memory_space<hbm>>
    %dma_start3A_460 = tpu.memref_squeeze %dma_start3A_459 : memref<1x25x128xf32, #tpu.memory_space<hbm>> -> memref<25x128xf32, #tpu.memory_space<hbm>>
    %dma_start3A_461 = arith.constant 0 : i32
    %dma_start3A_462 = arith.constant 0 : i32
    %dma_start3A_463 = tpu.memref_slice %arg8[%dma_start3A_461, %dma_start3A_462] : memref<40x128xf32, #tpu.memory_space<vmem>> -> memref<25x128xf32, #tpu.memory_space<vmem>>
    tpu.enqueue_dma source(%dma_start3A_463 : memref<25x128xf32, #tpu.memory_space<vmem>>) target(%dma_start3A_460 : memref<25x128xf32, #tpu.memory_space<hbm>>) target_semaphore(%arg20 : memref<!tpu.dma_semaphore, #tpu.memory_space<semaphore_mem>>)
    %mul3A_464 = arith.constant 625 : i32
    %mul3A_465 = arith.muli %arg1, %mul3A_464 : i32
    %add3A_466 = arith.constant 25 : i32
    %add3A_467 = arith.addi %mul3A_465, %add3A_466 : i32
    %dma_wait3A_468 = arith.constant 0 : i32
    %dma_wait3A_469 = arith.constant 0 : i32
    %dma_wait3A_470 = tpu.memref_slice %arg9[%dma_wait3A_468, %dma_wait3A_469] : memref<40x128xf32, #tpu.memory_space<vmem>> -> memref<25x128xf32, #tpu.memory_space<vmem>>
    %dma_wait3A_471 = arith.constant 0 : i32
    %dma_wait3A_472 = tpu.memref_slice %arg26[%add3A_467, %dma_wait3A_471] : memref<10000x128xf32, #tpu.memory_space<vmem_shared>> -> memref<25x128xf32, #tpu.memory_space<vmem_shared>>
    %dma_wait3A_473 = arith.constant 0 : i32
    %dma_wait3A_474 = arith.constant 0 : i32
    %dma_wait3A_475 = tpu.memref_slice %arg9[%dma_wait3A_473, %dma_wait3A_474] : memref<40x128xf32, #tpu.memory_space<vmem>> -> memref<25x128xf32, #tpu.memory_space<vmem>>
    %dma_wait3A_476 = arith.constant 0 : i32
    %dma_wait3A_477 = tpu.memref_slice %arg26[%add3A_467, %dma_wait3A_476] : memref<10000x128xf32, #tpu.memory_space<vmem_shared>> -> memref<25x128xf32, #tpu.memory_space<vmem_shared>>
    tpu.wait_dma2 semaphore(%arg15 : memref<!tpu.dma_semaphore, #tpu.memory_space<semaphore_mem>>) src(%dma_wait3A_477 : memref<25x128xf32, #tpu.memory_space<vmem_shared>>) dst(%dma_wait3A_475 : memref<25x128xf32, #tpu.memory_space<vmem>>)
    %mul3A_478 = arith.constant 625 : i32
    %mul3A_479 = arith.muli %arg1, %mul3A_478 : i32
    %add3A_480 = arith.constant 0 : i32
    %add3A_481 = arith.addi %mul3A_479, %add3A_480 : i32
    %dma_wait3A_482 = arith.constant 0 : i32
    %dma_wait3A_483 = arith.constant 0 : i32
    %dma_wait3A_484 = tpu.memref_slice %arg8[%dma_wait3A_482, %dma_wait3A_483] : memref<40x128xf32, #tpu.memory_space<vmem>> -> memref<25x128xf32, #tpu.memory_space<vmem>>
    %dma_wait3A_485 = arith.constant 0 : i32
    %dma_wait3A_486 = tpu.memref_slice %arg5[%arg0, %add3A_481, %dma_wait3A_485] : memref<2x10000x128xf32, #tpu.memory_space<hbm>> -> memref<1x25x128xf32, #tpu.memory_space<hbm>>
    %dma_wait3A_487 = tpu.memref_squeeze %dma_wait3A_486 : memref<1x25x128xf32, #tpu.memory_space<hbm>> -> memref<25x128xf32, #tpu.memory_space<hbm>>
    %dma_wait3A_488 = arith.constant 0 : i32
    %dma_wait3A_489 = tpu.memref_slice %arg5[%arg0, %add3A_481, %dma_wait3A_488] : memref<2x10000x128xf32, #tpu.memory_space<hbm>> -> memref<1x25x128xf32, #tpu.memory_space<hbm>>
    %dma_wait3A_490 = tpu.memref_squeeze %dma_wait3A_489 : memref<1x25x128xf32, #tpu.memory_space<hbm>> -> memref<25x128xf32, #tpu.memory_space<hbm>>
    %dma_wait3A_491 = arith.constant 0 : i32
    %dma_wait3A_492 = arith.constant 0 : i32
    %dma_wait3A_493 = tpu.memref_slice %arg8[%dma_wait3A_491, %dma_wait3A_492] : memref<40x128xf32, #tpu.memory_space<vmem>> -> memref<25x128xf32, #tpu.memory_space<vmem>>
    tpu.wait_dma2 semaphore(%arg20 : memref<!tpu.dma_semaphore, #tpu.memory_space<semaphore_mem>>) src(%dma_wait3A_493 : memref<25x128xf32, #tpu.memory_space<vmem>>) dst(%dma_wait3A_490 : memref<25x128xf32, #tpu.memory_space<hbm>>)
    %mul3A_494 = arith.constant 625 : i32
    %mul3A_495 = arith.muli %arg1, %mul3A_494 : i32
    %add3A_496 = arith.constant 50 : i32
    %add3A_497 = arith.addi %mul3A_495, %add3A_496 : i32
    %dma_start3A_498 = arith.constant 0 : i32
    %dma_start3A_499 = arith.constant 0 : i32
    %dma_start3A_500 = tpu.memref_slice %arg8[%dma_start3A_498, %dma_start3A_499] : memref<40x128xf32, #tpu.memory_space<vmem>> -> memref<25x128xf32, #tpu.memory_space<vmem>>
    %dma_start3A_501 = arith.constant 0 : i32
    %dma_start3A_502 = tpu.memref_slice %arg26[%add3A_497, %dma_start3A_501] : memref<10000x128xf32, #tpu.memory_space<vmem_shared>> -> memref<25x128xf32, #tpu.memory_space<vmem_shared>>
    %dma_start3A_503 = arith.constant 0 : i32
    %dma_start3A_504 = arith.constant 0 : i32
    %dma_start3A_505 = tpu.memref_slice %arg8[%dma_start3A_503, %dma_start3A_504] : memref<40x128xf32, #tpu.memory_space<vmem>> -> memref<25x128xf32, #tpu.memory_space<vmem>>
    %dma_start3A_506 = arith.constant 0 : i32
    %dma_start3A_507 = tpu.memref_slice %arg26[%add3A_497, %dma_start3A_506] : memref<10000x128xf32, #tpu.memory_space<vmem_shared>> -> memref<25x128xf32, #tpu.memory_space<vmem_shared>>
    tpu.enqueue_dma source(%dma_start3A_507 : memref<25x128xf32, #tpu.memory_space<vmem_shared>>) target(%dma_start3A_505 : memref<25x128xf32, #tpu.memory_space<vmem>>) target_semaphore(%arg14 : memref<!tpu.dma_semaphore, #tpu.memory_space<semaphore_mem>>)
    %mul3A_508 = arith.constant 625 : i32
    %mul3A_509 = arith.muli %arg1, %mul3A_508 : i32
    %add3A_510 = arith.constant 25 : i32
    %add3A_511 = arith.addi %mul3A_509, %add3A_510 : i32
    %dma_start3A_512 = arith.constant 0 : i32
    %dma_start3A_513 = arith.constant 0 : i32
    %dma_start3A_514 = tpu.memref_slice %arg9[%dma_start3A_512, %dma_start3A_513] : memref<40x128xf32, #tpu.memory_space<vmem>> -> memref<25x128xf32, #tpu.memory_space<vmem>>
    %dma_start3A_515 = arith.constant 0 : i32
    %dma_start3A_516 = tpu.memref_slice %arg5[%arg0, %add3A_511, %dma_start3A_515] : memref<2x10000x128xf32, #tpu.memory_space<hbm>> -> memref<1x25x128xf32, #tpu.memory_space<hbm>>
    %dma_start3A_517 = tpu.memref_squeeze %dma_start3A_516 : memref<1x25x128xf32, #tpu.memory_space<hbm>> -> memref<25x128xf32, #tpu.memory_space<hbm>>
    %dma_start3A_518 = arith.constant 0 : i32
    %dma_start3A_519 = tpu.memref_slice %arg5[%arg0, %add3A_511, %dma_start3A_518] : memref<2x10000x128xf32, #tpu.memory_space<hbm>> -> memref<1x25x128xf32, #tpu.memory_space<hbm>>
    %dma_start3A_520 = tpu.memref_squeeze %dma_start3A_519 : memref<1x25x128xf32, #tpu.memory_space<hbm>> -> memref<25x128xf32, #tpu.memory_space<hbm>>
    %dma_start3A_521 = arith.constant 0 : i32
    %dma_start3A_522 = arith.constant 0 : i32
    %dma_start3A_523 = tpu.memref_slice %arg9[%dma_start3A_521, %dma_start3A_522] : memref<40x128xf32, #tpu.memory_space<vmem>> -> memref<25x128xf32, #tpu.memory_space<vmem>>
    tpu.enqueue_dma source(%dma_start3A_523 : memref<25x128xf32, #tpu.memory_space<vmem>>) target(%dma_start3A_520 : memref<25x128xf32, #tpu.memory_space<hbm>>) target_semaphore(%arg21 : memref<!tpu.dma_semaphore, #tpu.memory_space<semaphore_mem>>)
    %mul3A_524 = arith.constant 625 : i32
    %mul3A_525 = arith.muli %arg1, %mul3A_524 : i32
    %add3A_526 = arith.constant 50 : i32
    %add3A_527 = arith.addi %mul3A_525, %add3A_526 : i32
    %dma_wait3A_528 = arith.constant 0 : i32
    %dma_wait3A_529 = arith.constant 0 : i32
    %dma_wait3A_530 = tpu.memref_slice %arg8[%dma_wait3A_528, %dma_wait3A_529] : memref<40x128xf32, #tpu.memory_space<vmem>> -> memref<25x128xf32, #tpu.memory_space<vmem>>
    %dma_wait3A_531 = arith.constant 0 : i32
    %dma_wait3A_532 = tpu.memref_slice %arg26[%add3A_527, %dma_wait3A_531] : memref<10000x128xf32, #tpu.memory_space<vmem_shared>> -> memref<25x128xf32, #tpu.memory_space<vmem_shared>>
    %dma_wait3A_533 = arith.constant 0 : i32
    %dma_wait3A_534 = arith.constant 0 : i32
    %dma_wait3A_535 = tpu.memref_slice %arg8[%dma_wait3A_533, %dma_wait3A_534] : memref<40x128xf32, #tpu.memory_space<vmem>> -> memref<25x128xf32, #tpu.memory_space<vmem>>
    %dma_wait3A_536 = arith.constant 0 : i32
    %dma_wait3A_537 = tpu.memref_slice %arg26[%add3A_527, %dma_wait3A_536] : memref<10000x128xf32, #tpu.memory_space<vmem_shared>> -> memref<25x128xf32, #tpu.memory_space<vmem_shared>>
    tpu.wait_dma2 semaphore(%arg14 : memref<!tpu.dma_semaphore, #tpu.memory_space<semaphore_mem>>) src(%dma_wait3A_537 : memref<25x128xf32, #tpu.memory_space<vmem_shared>>) dst(%dma_wait3A_535 : memref<25x128xf32, #tpu.memory_space<vmem>>)
    %mul3A_538 = arith.constant 625 : i32
    %mul3A_539 = arith.muli %arg1, %mul3A_538 : i32
    %add3A_540 = arith.constant 25 : i32
    %add3A_541 = arith.addi %mul3A_539, %add3A_540 : i32
    %dma_wait3A_542 = arith.constant 0 : i32
    %dma_wait3A_543 = arith.constant 0 : i32
    %dma_wait3A_544 = tpu.memref_slice %arg9[%dma_wait3A_542, %dma_wait3A_543] : memref<40x128xf32, #tpu.memory_space<vmem>> -> memref<25x128xf32, #tpu.memory_space<vmem>>
    %dma_wait3A_545 = arith.constant 0 : i32
    %dma_wait3A_546 = tpu.memref_slice %arg5[%arg0, %add3A_541, %dma_wait3A_545] : memref<2x10000x128xf32, #tpu.memory_space<hbm>> -> memref<1x25x128xf32, #tpu.memory_space<hbm>>
    %dma_wait3A_547 = tpu.memref_squeeze %dma_wait3A_546 : memref<1x25x128xf32, #tpu.memory_space<hbm>> -> memref<25x128xf32, #tpu.memory_space<hbm>>
    %dma_wait3A_548 = arith.constant 0 : i32
    %dma_wait3A_549 = tpu.memref_slice %arg5[%arg0, %add3A_541, %dma_wait3A_548] : memref<2x10000x128xf32, #tpu.memory_space<hbm>> -> memref<1x25x128xf32, #tpu.memory_space<hbm>>
    %dma_wait3A_550 = tpu.memref_squeeze %dma_wait3A_549 : memref<1x25x128xf32, #tpu.memory_space<hbm>> -> memref<25x128xf32, #tpu.memory_space<hbm>>
    %dma_wait3A_551 = arith.constant 0 : i32
    %dma_wait3A_552 = arith.constant 0 : i32
    %dma_wait3A_553 = tpu.memref_slice %arg9[%dma_wait3A_551, %dma_wait3A_552] : memref<40x128xf32, #tpu.memory_space<vmem>> -> memref<25x128xf32, #tpu.memory_space<vmem>>
    tpu.wait_dma2 semaphore(%arg21 : memref<!tpu.dma_semaphore, #tpu.memory_space<semaphore_mem>>) src(%dma_wait3A_553 : memref<25x128xf32, #tpu.memory_space<vmem>>) dst(%dma_wait3A_550 : memref<25x128xf32, #tpu.memory_space<hbm>>)
    %mul3A_554 = arith.constant 625 : i32
    %mul3A_555 = arith.muli %arg1, %mul3A_554 : i32
    %add3A_556 = arith.constant 75 : i32
    %add3A_557 = arith.addi %mul3A_555, %add3A_556 : i32
    %dma_start3A_558 = arith.constant 0 : i32
    %dma_start3A_559 = arith.constant 0 : i32
    %dma_start3A_560 = tpu.memref_slice %arg9[%dma_start3A_558, %dma_start3A_559] : memref<40x128xf32, #tpu.memory_space<vmem>> -> memref<25x128xf32, #tpu.memory_space<vmem>>
    %dma_start3A_561 = arith.constant 0 : i32
    %dma_start3A_562 = tpu.memref_slice %arg26[%add3A_557, %dma_start3A_561] : memref<10000x128xf32, #tpu.memory_space<vmem_shared>> -> memref<25x128xf32, #tpu.memory_space<vmem_shared>>
    %dma_start3A_563 = arith.constant 0 : i32
    %dma_start3A_564 = arith.constant 0 : i32
    %dma_start3A_565 = tpu.memref_slice %arg9[%dma_start3A_563, %dma_start3A_564] : memref<40x128xf32, #tpu.memory_space<vmem>> -> memref<25x128xf32, #tpu.memory_space<vmem>>
    %dma_start3A_566 = arith.constant 0 : i32
    %dma_start3A_567 = tpu.memref_slice %arg26[%add3A_557, %dma_start3A_566] : memref<10000x128xf32, #tpu.memory_space<vmem_shared>> -> memref<25x128xf32, #tpu.memory_space<vmem_shared>>
    tpu.enqueue_dma source(%dma_start3A_567 : memref<25x128xf32, #tpu.memory_space<vmem_shared>>) target(%dma_start3A_565 : memref<25x128xf32, #tpu.memory_space<vmem>>) target_semaphore(%arg15 : memref<!tpu.dma_semaphore, #tpu.memory_space<semaphore_mem>>)
    %mul3A_568 = arith.constant 625 : i32
    %mul3A_569 = arith.muli %arg1, %mul3A_568 : i32
    %add3A_570 = arith.constant 50 : i32
    %add3A_571 = arith.addi %mul3A_569, %add3A_570 : i32
    %dma_start3A_572 = arith.constant 0 : i32
    %dma_start3A_573 = arith.constant 0 : i32
    %dma_start3A_574 = tpu.memref_slice %arg8[%dma_start3A_572, %dma_start3A_573] : memref<40x128xf32, #tpu.memory_space<vmem>> -> memref<25x128xf32, #tpu.memory_space<vmem>>
    %dma_start3A_575 = arith.constant 0 : i32
    %dma_start3A_576 = tpu.memref_slice %arg5[%arg0, %add3A_571, %dma_start3A_575] : memref<2x10000x128xf32, #tpu.memory_space<hbm>> -> memref<1x25x128xf32, #tpu.memory_space<hbm>>
    %dma_start3A_577 = tpu.memref_squeeze %dma_start3A_576 : memref<1x25x128xf32, #tpu.memory_space<hbm>> -> memref<25x128xf32, #tpu.memory_space<hbm>>
    %dma_start3A_578 = arith.constant 0 : i32
    %dma_start3A_579 = tpu.memref_slice %arg5[%arg0, %add3A_571, %dma_start3A_578] : memref<2x10000x128xf32, #tpu.memory_space<hbm>> -> memref<1x25x128xf32, #tpu.memory_space<hbm>>
    %dma_start3A_580 = tpu.memref_squeeze %dma_start3A_579 : memref<1x25x128xf32, #tpu.memory_space<hbm>> -> memref<25x128xf32, #tpu.memory_space<hbm>>
    %dma_start3A_581 = arith.constant 0 : i32
    %dma_start3A_582 = arith.constant 0 : i32
    %dma_start3A_583 = tpu.memref_slice %arg8[%dma_start3A_581, %dma_start3A_582] : memref<40x128xf32, #tpu.memory_space<vmem>> -> memref<25x128xf32, #tpu.memory_space<vmem>>
    tpu.enqueue_dma source(%dma_start3A_583 : memref<25x128xf32, #tpu.memory_space<vmem>>) target(%dma_start3A_580 : memref<25x128xf32, #tpu.memory_space<hbm>>) target_semaphore(%arg20 : memref<!tpu.dma_semaphore, #tpu.memory_space<semaphore_mem>>)
    %mul3A_584 = arith.constant 625 : i32
    %mul3A_585 = arith.muli %arg1, %mul3A_584 : i32
    %add3A_586 = arith.constant 75 : i32
    %add3A_587 = arith.addi %mul3A_585, %add3A_586 : i32
    %dma_wait3A_588 = arith.constant 0 : i32
    %dma_wait3A_589 = arith.constant 0 : i32
    %dma_wait3A_590 = tpu.memref_slice %arg9[%dma_wait3A_588, %dma_wait3A_589] : memref<40x128xf32, #tpu.memory_space<vmem>> -> memref<25x128xf32, #tpu.memory_space<vmem>>
    %dma_wait3A_591 = arith.constant 0 : i32
    %dma_wait3A_592 = tpu.memref_slice %arg26[%add3A_587, %dma_wait3A_591] : memref<10000x128xf32, #tpu.memory_space<vmem_shared>> -> memref<25x128xf32, #tpu.memory_space<vmem_shared>>
    %dma_wait3A_593 = arith.constant 0 : i32
    %dma_wait3A_594 = arith.constant 0 : i32
    %dma_wait3A_595 = tpu.memref_slice %arg9[%dma_wait3A_593, %dma_wait3A_594] : memref<40x128xf32, #tpu.memory_space<vmem>> -> memref<25x128xf32, #tpu.memory_space<vmem>>
    %dma_wait3A_596 = arith.constant 0 : i32
    %dma_wait3A_597 = tpu.memref_slice %arg26[%add3A_587, %dma_wait3A_596] : memref<10000x128xf32, #tpu.memory_space<vmem_shared>> -> memref<25x128xf32, #tpu.memory_space<vmem_shared>>
    tpu.wait_dma2 semaphore(%arg15 : memref<!tpu.dma_semaphore, #tpu.memory_space<semaphore_mem>>) src(%dma_wait3A_597 : memref<25x128xf32, #tpu.memory_space<vmem_shared>>) dst(%dma_wait3A_595 : memref<25x128xf32, #tpu.memory_space<vmem>>)
    %mul3A_598 = arith.constant 625 : i32
    %mul3A_599 = arith.muli %arg1, %mul3A_598 : i32
    %add3A_600 = arith.constant 50 : i32
    %add3A_601 = arith.addi %mul3A_599, %add3A_600 : i32
    %dma_wait3A_602 = arith.constant 0 : i32
    %dma_wait3A_603 = arith.constant 0 : i32
    %dma_wait3A_604 = tpu.memref_slice %arg8[%dma_wait3A_602, %dma_wait3A_603] : memref<40x128xf32, #tpu.memory_space<vmem>> -> memref<25x128xf32, #tpu.memory_space<vmem>>
    %dma_wait3A_605 = arith.constant 0 : i32
    %dma_wait3A_606 = tpu.memref_slice %arg5[%arg0, %add3A_601, %dma_wait3A_605] : memref<2x10000x128xf32, #tpu.memory_space<hbm>> -> memref<1x25x128xf32, #tpu.memory_space<hbm>>
    %dma_wait3A_607 = tpu.memref_squeeze %dma_wait3A_606 : memref<1x25x128xf32, #tpu.memory_space<hbm>> -> memref<25x128xf32, #tpu.memory_space<hbm>>
    %dma_wait3A_608 = arith.constant 0 : i32
    %dma_wait3A_609 = tpu.memref_slice %arg5[%arg0, %add3A_601, %dma_wait3A_608] : memref<2x10000x128xf32, #tpu.memory_space<hbm>> -> memref<1x25x128xf32, #tpu.memory_space<hbm>>
    %dma_wait3A_610 = tpu.memref_squeeze %dma_wait3A_609 : memref<1x25x128xf32, #tpu.memory_space<hbm>> -> memref<25x128xf32, #tpu.memory_space<hbm>>
    %dma_wait3A_611 = arith.constant 0 : i32
    %dma_wait3A_612 = arith.constant 0 : i32
    %dma_wait3A_613 = tpu.memref_slice %arg8[%dma_wait3A_611, %dma_wait3A_612] : memref<40x128xf32, #tpu.memory_space<vmem>> -> memref<25x128xf32, #tpu.memory_space<vmem>>
    tpu.wait_dma2 semaphore(%arg20 : memref<!tpu.dma_semaphore, #tpu.memory_space<semaphore_mem>>) src(%dma_wait3A_613 : memref<25x128xf32, #tpu.memory_space<vmem>>) dst(%dma_wait3A_610 : memref<25x128xf32, #tpu.memory_space<hbm>>)
    %mul3A_614 = arith.constant 625 : i32
    %mul3A_615 = arith.muli %arg1, %mul3A_614 : i32
    %add3A_616 = arith.constant 100 : i32
    %add3A_617 = arith.addi %mul3A_615, %add3A_616 : i32
    %dma_start3A_618 = arith.constant 0 : i32
    %dma_start3A_619 = arith.constant 0 : i32
    %dma_start3A_620 = tpu.memref_slice %arg8[%dma_start3A_618, %dma_start3A_619] : memref<40x128xf32, #tpu.memory_space<vmem>> -> memref<25x128xf32, #tpu.memory_space<vmem>>
    %dma_start3A_621 = arith.constant 0 : i32
    %dma_start3A_622 = tpu.memref_slice %arg26[%add3A_617, %dma_start3A_621] : memref<10000x128xf32, #tpu.memory_space<vmem_shared>> -> memref<25x128xf32, #tpu.memory_space<vmem_shared>>
    %dma_start3A_623 = arith.constant 0 : i32
    %dma_start3A_624 = arith.constant 0 : i32
    %dma_start3A_625 = tpu.memref_slice %arg8[%dma_start3A_623, %dma_start3A_624] : memref<40x128xf32, #tpu.memory_space<vmem>> -> memref<25x128xf32, #tpu.memory_space<vmem>>
    %dma_start3A_626 = arith.constant 0 : i32
    %dma_start3A_627 = tpu.memref_slice %arg26[%add3A_617, %dma_start3A_626] : memref<10000x128xf32, #tpu.memory_space<vmem_shared>> -> memref<25x128xf32, #tpu.memory_space<vmem_shared>>
    tpu.enqueue_dma source(%dma_start3A_627 : memref<25x128xf32, #tpu.memory_space<vmem_shared>>) target(%dma_start3A_625 : memref<25x128xf32, #tpu.memory_space<vmem>>) target_semaphore(%arg14 : memref<!tpu.dma_semaphore, #tpu.memory_space<semaphore_mem>>)
    %mul3A_628 = arith.constant 625 : i32
    %mul3A_629 = arith.muli %arg1, %mul3A_628 : i32
    %add3A_630 = arith.constant 75 : i32
    %add3A_631 = arith.addi %mul3A_629, %add3A_630 : i32
    %dma_start3A_632 = arith.constant 0 : i32
    %dma_start3A_633 = arith.constant 0 : i32
    %dma_start3A_634 = tpu.memref_slice %arg9[%dma_start3A_632, %dma_start3A_633] : memref<40x128xf32, #tpu.memory_space<vmem>> -> memref<25x128xf32, #tpu.memory_space<vmem>>
    %dma_start3A_635 = arith.constant 0 : i32
    %dma_start3A_636 = tpu.memref_slice %arg5[%arg0, %add3A_631, %dma_start3A_635] : memref<2x10000x128xf32, #tpu.memory_space<hbm>> -> memref<1x25x128xf32, #tpu.memory_space<hbm>>
    %dma_start3A_637 = tpu.memref_squeeze %dma_start3A_636 : memref<1x25x128xf32, #tpu.memory_space<hbm>> -> memref<25x128xf32, #tpu.memory_space<hbm>>
    %dma_start3A_638 = arith.constant 0 : i32
    %dma_start3A_639 = tpu.memref_slice %arg5[%arg0, %add3A_631, %dma_start3A_638] : memref<2x10000x128xf32, #tpu.memory_space<hbm>> -> memref<1x25x128xf32, #tpu.memory_space<hbm>>
    %dma_start3A_640 = tpu.memref_squeeze %dma_start3A_639 : memref<1x25x128xf32, #tpu.memory_space<hbm>> -> memref<25x128xf32, #tpu.memory_space<hbm>>
    %dma_start3A_641 = arith.constant 0 : i32
    %dma_start3A_642 = arith.constant 0 : i32
    %dma_start3A_643 = tpu.memref_slice %arg9[%dma_start3A_641, %dma_start3A_642] : memref<40x128xf32, #tpu.memory_space<vmem>> -> memref<25x128xf32, #tpu.memory_space<vmem>>
    tpu.enqueue_dma source(%dma_start3A_643 : memref<25x128xf32, #tpu.memory_space<vmem>>) target(%dma_start3A_640 : memref<25x128xf32, #tpu.memory_space<hbm>>) target_semaphore(%arg21 : memref<!tpu.dma_semaphore, #tpu.memory_space<semaphore_mem>>)
    %mul3A_644 = arith.constant 625 : i32
    %mul3A_645 = arith.muli %arg1, %mul3A_644 : i32
    %add3A_646 = arith.constant 100 : i32
    %add3A_647 = arith.addi %mul3A_645, %add3A_646 : i32
    %dma_wait3A_648 = arith.constant 0 : i32
    %dma_wait3A_649 = arith.constant 0 : i32
    %dma_wait3A_650 = tpu.memref_slice %arg8[%dma_wait3A_648, %dma_wait3A_649] : memref<40x128xf32, #tpu.memory_space<vmem>> -> memref<25x128xf32, #tpu.memory_space<vmem>>
    %dma_wait3A_651 = arith.constant 0 : i32
    %dma_wait3A_652 = tpu.memref_slice %arg26[%add3A_647, %dma_wait3A_651] : memref<10000x128xf32, #tpu.memory_space<vmem_shared>> -> memref<25x128xf32, #tpu.memory_space<vmem_shared>>
    %dma_wait3A_653 = arith.constant 0 : i32
    %dma_wait3A_654 = arith.constant 0 : i32
    %dma_wait3A_655 = tpu.memref_slice %arg8[%dma_wait3A_653, %dma_wait3A_654] : memref<40x128xf32, #tpu.memory_space<vmem>> -> memref<25x128xf32, #tpu.memory_space<vmem>>
    %dma_wait3A_656 = arith.constant 0 : i32
    %dma_wait3A_657 = tpu.memref_slice %arg26[%add3A_647, %dma_wait3A_656] : memref<10000x128xf32, #tpu.memory_space<vmem_shared>> -> memref<25x128xf32, #tpu.memory_space<vmem_shared>>
    tpu.wait_dma2 semaphore(%arg14 : memref<!tpu.dma_semaphore, #tpu.memory_space<semaphore_mem>>) src(%dma_wait3A_657 : memref<25x128xf32, #tpu.memory_space<vmem_shared>>) dst(%dma_wait3A_655 : memref<25x128xf32, #tpu.memory_space<vmem>>)
    %mul3A_658 = arith.constant 625 : i32
    %mul3A_659 = arith.muli %arg1, %mul3A_658 : i32
    %add3A_660 = arith.constant 75 : i32
    %add3A_661 = arith.addi %mul3A_659, %add3A_660 : i32
    %dma_wait3A_662 = arith.constant 0 : i32
    %dma_wait3A_663 = arith.constant 0 : i32
    %dma_wait3A_664 = tpu.memref_slice %arg9[%dma_wait3A_662, %dma_wait3A_663] : memref<40x128xf32, #tpu.memory_space<vmem>> -> memref<25x128xf32, #tpu.memory_space<vmem>>
    %dma_wait3A_665 = arith.constant 0 : i32
    %dma_wait3A_666 = tpu.memref_slice %arg5[%arg0, %add3A_661, %dma_wait3A_665] : memref<2x10000x128xf32, #tpu.memory_space<hbm>> -> memref<1x25x128xf32, #tpu.memory_space<hbm>>
    %dma_wait3A_667 = tpu.memref_squeeze %dma_wait3A_666 : memref<1x25x128xf32, #tpu.memory_space<hbm>> -> memref<25x128xf32, #tpu.memory_space<hbm>>
    %dma_wait3A_668 = arith.constant 0 : i32
    %dma_wait3A_669 = tpu.memref_slice %arg5[%arg0, %add3A_661, %dma_wait3A_668] : memref<2x10000x128xf32, #tpu.memory_space<hbm>> -> memref<1x25x128xf32, #tpu.memory_space<hbm>>
    %dma_wait3A_670 = tpu.memref_squeeze %dma_wait3A_669 : memref<1x25x128xf32, #tpu.memory_space<hbm>> -> memref<25x128xf32, #tpu.memory_space<hbm>>
    %dma_wait3A_671 = arith.constant 0 : i32
    %dma_wait3A_672 = arith.constant 0 : i32
    %dma_wait3A_673 = tpu.memref_slice %arg9[%dma_wait3A_671, %dma_wait3A_672] : memref<40x128xf32, #tpu.memory_space<vmem>> -> memref<25x128xf32, #tpu.memory_space<vmem>>
    tpu.wait_dma2 semaphore(%arg21 : memref<!tpu.dma_semaphore, #tpu.memory_space<semaphore_mem>>) src(%dma_wait3A_673 : memref<25x128xf32, #tpu.memory_space<vmem>>) dst(%dma_wait3A_670 : memref<25x128xf32, #tpu.memory_space<hbm>>)
    %mul3A_674 = arith.constant 625 : i32
    %mul3A_675 = arith.muli %arg1, %mul3A_674 : i32
    %add3A_676 = arith.constant 125 : i32
    %add3A_677 = arith.addi %mul3A_675, %add3A_676 : i32
    %dma_start3A_678 = arith.constant 0 : i32
    %dma_start3A_679 = arith.constant 0 : i32
    %dma_start3A_680 = tpu.memref_slice %arg9[%dma_start3A_678, %dma_start3A_679] : memref<40x128xf32, #tpu.memory_space<vmem>> -> memref<25x128xf32, #tpu.memory_space<vmem>>
    %dma_start3A_681 = arith.constant 0 : i32
    %dma_start3A_682 = tpu.memref_slice %arg26[%add3A_677, %dma_start3A_681] : memref<10000x128xf32, #tpu.memory_space<vmem_shared>> -> memref<25x128xf32, #tpu.memory_space<vmem_shared>>
    %dma_start3A_683 = arith.constant 0 : i32
    %dma_start3A_684 = arith.constant 0 : i32
    %dma_start3A_685 = tpu.memref_slice %arg9[%dma_start3A_683, %dma_start3A_684] : memref<40x128xf32, #tpu.memory_space<vmem>> -> memref<25x128xf32, #tpu.memory_space<vmem>>
    %dma_start3A_686 = arith.constant 0 : i32
    %dma_start3A_687 = tpu.memref_slice %arg26[%add3A_677, %dma_start3A_686] : memref<10000x128xf32, #tpu.memory_space<vmem_shared>> -> memref<25x128xf32, #tpu.memory_space<vmem_shared>>
    tpu.enqueue_dma source(%dma_start3A_687 : memref<25x128xf32, #tpu.memory_space<vmem_shared>>) target(%dma_start3A_685 : memref<25x128xf32, #tpu.memory_space<vmem>>) target_semaphore(%arg15 : memref<!tpu.dma_semaphore, #tpu.memory_space<semaphore_mem>>)
    %mul3A_688 = arith.constant 625 : i32
    %mul3A_689 = arith.muli %arg1, %mul3A_688 : i32
    %add3A_690 = arith.constant 100 : i32
    %add3A_691 = arith.addi %mul3A_689, %add3A_690 : i32
    %dma_start3A_692 = arith.constant 0 : i32
    %dma_start3A_693 = arith.constant 0 : i32
    %dma_start3A_694 = tpu.memref_slice %arg8[%dma_start3A_692, %dma_start3A_693] : memref<40x128xf32, #tpu.memory_space<vmem>> -> memref<25x128xf32, #tpu.memory_space<vmem>>
    %dma_start3A_695 = arith.constant 0 : i32
    %dma_start3A_696 = tpu.memref_slice %arg5[%arg0, %add3A_691, %dma_start3A_695] : memref<2x10000x128xf32, #tpu.memory_space<hbm>> -> memref<1x25x128xf32, #tpu.memory_space<hbm>>
    %dma_start3A_697 = tpu.memref_squeeze %dma_start3A_696 : memref<1x25x128xf32, #tpu.memory_space<hbm>> -> memref<25x128xf32, #tpu.memory_space<hbm>>
    %dma_start3A_698 = arith.constant 0 : i32
    %dma_start3A_699 = tpu.memref_slice %arg5[%arg0, %add3A_691, %dma_start3A_698] : memref<2x10000x128xf32, #tpu.memory_space<hbm>> -> memref<1x25x128xf32, #tpu.memory_space<hbm>>
    %dma_start3A_700 = tpu.memref_squeeze %dma_start3A_699 : memref<1x25x128xf32, #tpu.memory_space<hbm>> -> memref<25x128xf32, #tpu.memory_space<hbm>>
    %dma_start3A_701 = arith.constant 0 : i32
    %dma_start3A_702 = arith.constant 0 : i32
    %dma_start3A_703 = tpu.memref_slice %arg8[%dma_start3A_701, %dma_start3A_702] : memref<40x128xf32, #tpu.memory_space<vmem>> -> memref<25x128xf32, #tpu.memory_space<vmem>>
    tpu.enqueue_dma source(%dma_start3A_703 : memref<25x128xf32, #tpu.memory_space<vmem>>) target(%dma_start3A_700 : memref<25x128xf32, #tpu.memory_space<hbm>>) target_semaphore(%arg20 : memref<!tpu.dma_semaphore, #tpu.memory_space<semaphore_mem>>)
    %mul3A_704 = arith.constant 625 : i32
    %mul3A_705 = arith.muli %arg1, %mul3A_704 : i32
    %add3A_706 = arith.constant 125 : i32
    %add3A_707 = arith.addi %mul3A_705, %add3A_706 : i32
    %dma_wait3A_708 = arith.constant 0 : i32
    %dma_wait3A_709 = arith.constant 0 : i32
    %dma_wait3A_710 = tpu.memref_slice %arg9[%dma_wait3A_708, %dma_wait3A_709] : memref<40x128xf32, #tpu.memory_space<vmem>> -> memref<25x128xf32, #tpu.memory_space<vmem>>
    %dma_wait3A_711 = arith.constant 0 : i32
    %dma_wait3A_712 = tpu.memref_slice %arg26[%add3A_707, %dma_wait3A_711] : memref<10000x128xf32, #tpu.memory_space<vmem_shared>> -> memref<25x128xf32, #tpu.memory_space<vmem_shared>>
    %dma_wait3A_713 = arith.constant 0 : i32
    %dma_wait3A_714 = arith.constant 0 : i32
    %dma_wait3A_715 = tpu.memref_slice %arg9[%dma_wait3A_713, %dma_wait3A_714] : memref<40x128xf32, #tpu.memory_space<vmem>> -> memref<25x128xf32, #tpu.memory_space<vmem>>
    %dma_wait3A_716 = arith.constant 0 : i32
    %dma_wait3A_717 = tpu.memref_slice %arg26[%add3A_707, %dma_wait3A_716] : memref<10000x128xf32, #tpu.memory_space<vmem_shared>> -> memref<25x128xf32, #tpu.memory_space<vmem_shared>>
    tpu.wait_dma2 semaphore(%arg15 : memref<!tpu.dma_semaphore, #tpu.memory_space<semaphore_mem>>) src(%dma_wait3A_717 : memref<25x128xf32, #tpu.memory_space<vmem_shared>>) dst(%dma_wait3A_715 : memref<25x128xf32, #tpu.memory_space<vmem>>)
    %mul3A_718 = arith.constant 625 : i32
    %mul3A_719 = arith.muli %arg1, %mul3A_718 : i32
    %add3A_720 = arith.constant 100 : i32
    %add3A_721 = arith.addi %mul3A_719, %add3A_720 : i32
    %dma_wait3A_722 = arith.constant 0 : i32
    %dma_wait3A_723 = arith.constant 0 : i32
    %dma_wait3A_724 = tpu.memref_slice %arg8[%dma_wait3A_722, %dma_wait3A_723] : memref<40x128xf32, #tpu.memory_space<vmem>> -> memref<25x128xf32, #tpu.memory_space<vmem>>
    %dma_wait3A_725 = arith.constant 0 : i32
    %dma_wait3A_726 = tpu.memref_slice %arg5[%arg0, %add3A_721, %dma_wait3A_725] : memref<2x10000x128xf32, #tpu.memory_space<hbm>> -> memref<1x25x128xf32, #tpu.memory_space<hbm>>
    %dma_wait3A_727 = tpu.memref_squeeze %dma_wait3A_726 : memref<1x25x128xf32, #tpu.memory_space<hbm>> -> memref<25x128xf32, #tpu.memory_space<hbm>>
    %dma_wait3A_728 = arith.constant 0 : i32
    %dma_wait3A_729 = tpu.memref_slice %arg5[%arg0, %add3A_721, %dma_wait3A_728] : memref<2x10000x128xf32, #tpu.memory_space<hbm>> -> memref<1x25x128xf32, #tpu.memory_space<hbm>>
    %dma_wait3A_730 = tpu.memref_squeeze %dma_wait3A_729 : memref<1x25x128xf32, #tpu.memory_space<hbm>> -> memref<25x128xf32, #tpu.memory_space<hbm>>
    %dma_wait3A_731 = arith.constant 0 : i32
    %dma_wait3A_732 = arith.constant 0 : i32
    %dma_wait3A_733 = tpu.memref_slice %arg8[%dma_wait3A_731, %dma_wait3A_732] : memref<40x128xf32, #tpu.memory_space<vmem>> -> memref<25x128xf32, #tpu.memory_space<vmem>>
    tpu.wait_dma2 semaphore(%arg20 : memref<!tpu.dma_semaphore, #tpu.memory_space<semaphore_mem>>) src(%dma_wait3A_733 : memref<25x128xf32, #tpu.memory_space<vmem>>) dst(%dma_wait3A_730 : memref<25x128xf32, #tpu.memory_space<hbm>>)
    %mul3A_734 = arith.constant 625 : i32
    %mul3A_735 = arith.muli %arg1, %mul3A_734 : i32
    %add3A_736 = arith.constant 150 : i32
    %add3A_737 = arith.addi %mul3A_735, %add3A_736 : i32
    %dma_start3A_738 = arith.constant 0 : i32
    %dma_start3A_739 = arith.constant 0 : i32
    %dma_start3A_740 = tpu.memref_slice %arg8[%dma_start3A_738, %dma_start3A_739] : memref<40x128xf32, #tpu.memory_space<vmem>> -> memref<25x128xf32, #tpu.memory_space<vmem>>
    %dma_start3A_741 = arith.constant 0 : i32
    %dma_start3A_742 = tpu.memref_slice %arg26[%add3A_737, %dma_start3A_741] : memref<10000x128xf32, #tpu.memory_space<vmem_shared>> -> memref<25x128xf32, #tpu.memory_space<vmem_shared>>
    %dma_start3A_743 = arith.constant 0 : i32
    %dma_start3A_744 = arith.constant 0 : i32
    %dma_start3A_745 = tpu.memref_slice %arg8[%dma_start3A_743, %dma_start3A_744] : memref<40x128xf32, #tpu.memory_space<vmem>> -> memref<25x128xf32, #tpu.memory_space<vmem>>
    %dma_start3A_746 = arith.constant 0 : i32
    %dma_start3A_747 = tpu.memref_slice %arg26[%add3A_737, %dma_start3A_746] : memref<10000x128xf32, #tpu.memory_space<vmem_shared>> -> memref<25x128xf32, #tpu.memory_space<vmem_shared>>
    tpu.enqueue_dma source(%dma_start3A_747 : memref<25x128xf32, #tpu.memory_space<vmem_shared>>) target(%dma_start3A_745 : memref<25x128xf32, #tpu.memory_space<vmem>>) target_semaphore(%arg14 : memref<!tpu.dma_semaphore, #tpu.memory_space<semaphore_mem>>)
    %mul3A_748 = arith.constant 625 : i32
    %mul3A_749 = arith.muli %arg1, %mul3A_748 : i32
    %add3A_750 = arith.constant 125 : i32
    %add3A_751 = arith.addi %mul3A_749, %add3A_750 : i32
    %dma_start3A_752 = arith.constant 0 : i32
    %dma_start3A_753 = arith.constant 0 : i32
    %dma_start3A_754 = tpu.memref_slice %arg9[%dma_start3A_752, %dma_start3A_753] : memref<40x128xf32, #tpu.memory_space<vmem>> -> memref<25x128xf32, #tpu.memory_space<vmem>>
    %dma_start3A_755 = arith.constant 0 : i32
    %dma_start3A_756 = tpu.memref_slice %arg5[%arg0, %add3A_751, %dma_start3A_755] : memref<2x10000x128xf32, #tpu.memory_space<hbm>> -> memref<1x25x128xf32, #tpu.memory_space<hbm>>
    %dma_start3A_757 = tpu.memref_squeeze %dma_start3A_756 : memref<1x25x128xf32, #tpu.memory_space<hbm>> -> memref<25x128xf32, #tpu.memory_space<hbm>>
    %dma_start3A_758 = arith.constant 0 : i32
    %dma_start3A_759 = tpu.memref_slice %arg5[%arg0, %add3A_751, %dma_start3A_758] : memref<2x10000x128xf32, #tpu.memory_space<hbm>> -> memref<1x25x128xf32, #tpu.memory_space<hbm>>
    %dma_start3A_760 = tpu.memref_squeeze %dma_start3A_759 : memref<1x25x128xf32, #tpu.memory_space<hbm>> -> memref<25x128xf32, #tpu.memory_space<hbm>>
    %dma_start3A_761 = arith.constant 0 : i32
    %dma_start3A_762 = arith.constant 0 : i32
    %dma_start3A_763 = tpu.memref_slice %arg9[%dma_start3A_761, %dma_start3A_762] : memref<40x128xf32, #tpu.memory_space<vmem>> -> memref<25x128xf32, #tpu.memory_space<vmem>>
    tpu.enqueue_dma source(%dma_start3A_763 : memref<25x128xf32, #tpu.memory_space<vmem>>) target(%dma_start3A_760 : memref<25x128xf32, #tpu.memory_space<hbm>>) target_semaphore(%arg21 : memref<!tpu.dma_semaphore, #tpu.memory_space<semaphore_mem>>)
    %mul3A_764 = arith.constant 625 : i32
    %mul3A_765 = arith.muli %arg1, %mul3A_764 : i32
    %add3A_766 = arith.constant 150 : i32
    %add3A_767 = arith.addi %mul3A_765, %add3A_766 : i32
    %dma_wait3A_768 = arith.constant 0 : i32
    %dma_wait3A_769 = arith.constant 0 : i32
    %dma_wait3A_770 = tpu.memref_slice %arg8[%dma_wait3A_768, %dma_wait3A_769] : memref<40x128xf32, #tpu.memory_space<vmem>> -> memref<25x128xf32, #tpu.memory_space<vmem>>
    %dma_wait3A_771 = arith.constant 0 : i32
    %dma_wait3A_772 = tpu.memref_slice %arg26[%add3A_767, %dma_wait3A_771] : memref<10000x128xf32, #tpu.memory_space<vmem_shared>> -> memref<25x128xf32, #tpu.memory_space<vmem_shared>>
    %dma_wait3A_773 = arith.constant 0 : i32
    %dma_wait3A_774 = arith.constant 0 : i32
    %dma_wait3A_775 = tpu.memref_slice %arg8[%dma_wait3A_773, %dma_wait3A_774] : memref<40x128xf32, #tpu.memory_space<vmem>> -> memref<25x128xf32, #tpu.memory_space<vmem>>
    %dma_wait3A_776 = arith.constant 0 : i32
    %dma_wait3A_777 = tpu.memref_slice %arg26[%add3A_767, %dma_wait3A_776] : memref<10000x128xf32, #tpu.memory_space<vmem_shared>> -> memref<25x128xf32, #tpu.memory_space<vmem_shared>>
    tpu.wait_dma2 semaphore(%arg14 : memref<!tpu.dma_semaphore, #tpu.memory_space<semaphore_mem>>) src(%dma_wait3A_777 : memref<25x128xf32, #tpu.memory_space<vmem_shared>>) dst(%dma_wait3A_775 : memref<25x128xf32, #tpu.memory_space<vmem>>)
    %mul3A_778 = arith.constant 625 : i32
    %mul3A_779 = arith.muli %arg1, %mul3A_778 : i32
    %add3A_780 = arith.constant 125 : i32
    %add3A_781 = arith.addi %mul3A_779, %add3A_780 : i32
    %dma_wait3A_782 = arith.constant 0 : i32
    %dma_wait3A_783 = arith.constant 0 : i32
    %dma_wait3A_784 = tpu.memref_slice %arg9[%dma_wait3A_782, %dma_wait3A_783] : memref<40x128xf32, #tpu.memory_space<vmem>> -> memref<25x128xf32, #tpu.memory_space<vmem>>
    %dma_wait3A_785 = arith.constant 0 : i32
    %dma_wait3A_786 = tpu.memref_slice %arg5[%arg0, %add3A_781, %dma_wait3A_785] : memref<2x10000x128xf32, #tpu.memory_space<hbm>> -> memref<1x25x128xf32, #tpu.memory_space<hbm>>
    %dma_wait3A_787 = tpu.memref_squeeze %dma_wait3A_786 : memref<1x25x128xf32, #tpu.memory_space<hbm>> -> memref<25x128xf32, #tpu.memory_space<hbm>>
    %dma_wait3A_788 = arith.constant 0 : i32
    %dma_wait3A_789 = tpu.memref_slice %arg5[%arg0, %add3A_781, %dma_wait3A_788] : memref<2x10000x128xf32, #tpu.memory_space<hbm>> -> memref<1x25x128xf32, #tpu.memory_space<hbm>>
    %dma_wait3A_790 = tpu.memref_squeeze %dma_wait3A_789 : memref<1x25x128xf32, #tpu.memory_space<hbm>> -> memref<25x128xf32, #tpu.memory_space<hbm>>
    %dma_wait3A_791 = arith.constant 0 : i32
    %dma_wait3A_792 = arith.constant 0 : i32
    %dma_wait3A_793 = tpu.memref_slice %arg9[%dma_wait3A_791, %dma_wait3A_792] : memref<40x128xf32, #tpu.memory_space<vmem>> -> memref<25x128xf32, #tpu.memory_space<vmem>>
    tpu.wait_dma2 semaphore(%arg21 : memref<!tpu.dma_semaphore, #tpu.memory_space<semaphore_mem>>) src(%dma_wait3A_793 : memref<25x128xf32, #tpu.memory_space<vmem>>) dst(%dma_wait3A_790 : memref<25x128xf32, #tpu.memory_space<hbm>>)
    %mul3A_794 = arith.constant 625 : i32
    %mul3A_795 = arith.muli %arg1, %mul3A_794 : i32
    %add3A_796 = arith.constant 175 : i32
    %add3A_797 = arith.addi %mul3A_795, %add3A_796 : i32
    %dma_start3A_798 = arith.constant 0 : i32
    %dma_start3A_799 = arith.constant 0 : i32
    %dma_start3A_800 = tpu.memref_slice %arg9[%dma_start3A_798, %dma_start3A_799] : memref<40x128xf32, #tpu.memory_space<vmem>> -> memref<25x128xf32, #tpu.memory_space<vmem>>
    %dma_start3A_801 = arith.constant 0 : i32
    %dma_start3A_802 = tpu.memref_slice %arg26[%add3A_797, %dma_start3A_801] : memref<10000x128xf32, #tpu.memory_space<vmem_shared>> -> memref<25x128xf32, #tpu.memory_space<vmem_shared>>
    %dma_start3A_803 = arith.constant 0 : i32
    %dma_start3A_804 = arith.constant 0 : i32
    %dma_start3A_805 = tpu.memref_slice %arg9[%dma_start3A_803, %dma_start3A_804] : memref<40x128xf32, #tpu.memory_space<vmem>> -> memref<25x128xf32, #tpu.memory_space<vmem>>
    %dma_start3A_806 = arith.constant 0 : i32
    %dma_start3A_807 = tpu.memref_slice %arg26[%add3A_797, %dma_start3A_806] : memref<10000x128xf32, #tpu.memory_space<vmem_shared>> -> memref<25x128xf32, #tpu.memory_space<vmem_shared>>
    tpu.enqueue_dma source(%dma_start3A_807 : memref<25x128xf32, #tpu.memory_space<vmem_shared>>) target(%dma_start3A_805 : memref<25x128xf32, #tpu.memory_space<vmem>>) target_semaphore(%arg15 : memref<!tpu.dma_semaphore, #tpu.memory_space<semaphore_mem>>)
    %mul3A_808 = arith.constant 625 : i32
    %mul3A_809 = arith.muli %arg1, %mul3A_808 : i32
    %add3A_810 = arith.constant 150 : i32
    %add3A_811 = arith.addi %mul3A_809, %add3A_810 : i32
    %dma_start3A_812 = arith.constant 0 : i32
    %dma_start3A_813 = arith.constant 0 : i32
    %dma_start3A_814 = tpu.memref_slice %arg8[%dma_start3A_812, %dma_start3A_813] : memref<40x128xf32, #tpu.memory_space<vmem>> -> memref<25x128xf32, #tpu.memory_space<vmem>>
    %dma_start3A_815 = arith.constant 0 : i32
    %dma_start3A_816 = tpu.memref_slice %arg5[%arg0, %add3A_811, %dma_start3A_815] : memref<2x10000x128xf32, #tpu.memory_space<hbm>> -> memref<1x25x128xf32, #tpu.memory_space<hbm>>
    %dma_start3A_817 = tpu.memref_squeeze %dma_start3A_816 : memref<1x25x128xf32, #tpu.memory_space<hbm>> -> memref<25x128xf32, #tpu.memory_space<hbm>>
    %dma_start3A_818 = arith.constant 0 : i32
    %dma_start3A_819 = tpu.memref_slice %arg5[%arg0, %add3A_811, %dma_start3A_818] : memref<2x10000x128xf32, #tpu.memory_space<hbm>> -> memref<1x25x128xf32, #tpu.memory_space<hbm>>
    %dma_start3A_820 = tpu.memref_squeeze %dma_start3A_819 : memref<1x25x128xf32, #tpu.memory_space<hbm>> -> memref<25x128xf32, #tpu.memory_space<hbm>>
    %dma_start3A_821 = arith.constant 0 : i32
    %dma_start3A_822 = arith.constant 0 : i32
    %dma_start3A_823 = tpu.memref_slice %arg8[%dma_start3A_821, %dma_start3A_822] : memref<40x128xf32, #tpu.memory_space<vmem>> -> memref<25x128xf32, #tpu.memory_space<vmem>>
    tpu.enqueue_dma source(%dma_start3A_823 : memref<25x128xf32, #tpu.memory_space<vmem>>) target(%dma_start3A_820 : memref<25x128xf32, #tpu.memory_space<hbm>>) target_semaphore(%arg20 : memref<!tpu.dma_semaphore, #tpu.memory_space<semaphore_mem>>)
    %mul3A_824 = arith.constant 625 : i32
    %mul3A_825 = arith.muli %arg1, %mul3A_824 : i32
    %add3A_826 = arith.constant 175 : i32
    %add3A_827 = arith.addi %mul3A_825, %add3A_826 : i32
    %dma_wait3A_828 = arith.constant 0 : i32
    %dma_wait3A_829 = arith.constant 0 : i32
    %dma_wait3A_830 = tpu.memref_slice %arg9[%dma_wait3A_828, %dma_wait3A_829] : memref<40x128xf32, #tpu.memory_space<vmem>> -> memref<25x128xf32, #tpu.memory_space<vmem>>
    %dma_wait3A_831 = arith.constant 0 : i32
    %dma_wait3A_832 = tpu.memref_slice %arg26[%add3A_827, %dma_wait3A_831] : memref<10000x128xf32, #tpu.memory_space<vmem_shared>> -> memref<25x128xf32, #tpu.memory_space<vmem_shared>>
    %dma_wait3A_833 = arith.constant 0 : i32
    %dma_wait3A_834 = arith.constant 0 : i32
    %dma_wait3A_835 = tpu.memref_slice %arg9[%dma_wait3A_833, %dma_wait3A_834] : memref<40x128xf32, #tpu.memory_space<vmem>> -> memref<25x128xf32, #tpu.memory_space<vmem>>
    %dma_wait3A_836 = arith.constant 0 : i32
    %dma_wait3A_837 = tpu.memref_slice %arg26[%add3A_827, %dma_wait3A_836] : memref<10000x128xf32, #tpu.memory_space<vmem_shared>> -> memref<25x128xf32, #tpu.memory_space<vmem_shared>>
    tpu.wait_dma2 semaphore(%arg15 : memref<!tpu.dma_semaphore, #tpu.memory_space<semaphore_mem>>) src(%dma_wait3A_837 : memref<25x128xf32, #tpu.memory_space<vmem_shared>>) dst(%dma_wait3A_835 : memref<25x128xf32, #tpu.memory_space<vmem>>)
    %mul3A_838 = arith.constant 625 : i32
    %mul3A_839 = arith.muli %arg1, %mul3A_838 : i32
    %add3A_840 = arith.constant 150 : i32
    %add3A_841 = arith.addi %mul3A_839, %add3A_840 : i32
    %dma_wait3A_842 = arith.constant 0 : i32
    %dma_wait3A_843 = arith.constant 0 : i32
    %dma_wait3A_844 = tpu.memref_slice %arg8[%dma_wait3A_842, %dma_wait3A_843] : memref<40x128xf32, #tpu.memory_space<vmem>> -> memref<25x128xf32, #tpu.memory_space<vmem>>
    %dma_wait3A_845 = arith.constant 0 : i32
    %dma_wait3A_846 = tpu.memref_slice %arg5[%arg0, %add3A_841, %dma_wait3A_845] : memref<2x10000x128xf32, #tpu.memory_space<hbm>> -> memref<1x25x128xf32, #tpu.memory_space<hbm>>
    %dma_wait3A_847 = tpu.memref_squeeze %dma_wait3A_846 : memref<1x25x128xf32, #tpu.memory_space<hbm>> -> memref<25x128xf32, #tpu.memory_space<hbm>>
    %dma_wait3A_848 = arith.constant 0 : i32
    %dma_wait3A_849 = tpu.memref_slice %arg5[%arg0, %add3A_841, %dma_wait3A_848] : memref<2x10000x128xf32, #tpu.memory_space<hbm>> -> memref<1x25x128xf32, #tpu.memory_space<hbm>>
    %dma_wait3A_850 = tpu.memref_squeeze %dma_wait3A_849 : memref<1x25x128xf32, #tpu.memory_space<hbm>> -> memref<25x128xf32, #tpu.memory_space<hbm>>
    %dma_wait3A_851 = arith.constant 0 : i32
    %dma_wait3A_852 = arith.constant 0 : i32
    %dma_wait3A_853 = tpu.memref_slice %arg8[%dma_wait3A_851, %dma_wait3A_852] : memref<40x128xf32, #tpu.memory_space<vmem>> -> memref<25x128xf32, #tpu.memory_space<vmem>>
    tpu.wait_dma2 semaphore(%arg20 : memref<!tpu.dma_semaphore, #tpu.memory_space<semaphore_mem>>) src(%dma_wait3A_853 : memref<25x128xf32, #tpu.memory_space<vmem>>) dst(%dma_wait3A_850 : memref<25x128xf32, #tpu.memory_space<hbm>>)
    %mul3A_854 = arith.constant 625 : i32
    %mul3A_855 = arith.muli %arg1, %mul3A_854 : i32
    %add3A_856 = arith.constant 200 : i32
    %add3A_857 = arith.addi %mul3A_855, %add3A_856 : i32
    %dma_start3A_858 = arith.constant 0 : i32
    %dma_start3A_859 = arith.constant 0 : i32
    %dma_start3A_860 = tpu.memref_slice %arg8[%dma_start3A_858, %dma_start3A_859] : memref<40x128xf32, #tpu.memory_space<vmem>> -> memref<25x128xf32, #tpu.memory_space<vmem>>
    %dma_start3A_861 = arith.constant 0 : i32
    %dma_start3A_862 = tpu.memref_slice %arg26[%add3A_857, %dma_start3A_861] : memref<10000x128xf32, #tpu.memory_space<vmem_shared>> -> memref<25x128xf32, #tpu.memory_space<vmem_shared>>
    %dma_start3A_863 = arith.constant 0 : i32
    %dma_start3A_864 = arith.constant 0 : i32
    %dma_start3A_865 = tpu.memref_slice %arg8[%dma_start3A_863, %dma_start3A_864] : memref<40x128xf32, #tpu.memory_space<vmem>> -> memref<25x128xf32, #tpu.memory_space<vmem>>
    %dma_start3A_866 = arith.constant 0 : i32
    %dma_start3A_867 = tpu.memref_slice %arg26[%add3A_857, %dma_start3A_866] : memref<10000x128xf32, #tpu.memory_space<vmem_shared>> -> memref<25x128xf32, #tpu.memory_space<vmem_shared>>
    tpu.enqueue_dma source(%dma_start3A_867 : memref<25x128xf32, #tpu.memory_space<vmem_shared>>) target(%dma_start3A_865 : memref<25x128xf32, #tpu.memory_space<vmem>>) target_semaphore(%arg14 : memref<!tpu.dma_semaphore, #tpu.memory_space<semaphore_mem>>)
    %mul3A_868 = arith.constant 625 : i32
    %mul3A_869 = arith.muli %arg1, %mul3A_868 : i32
    %add3A_870 = arith.constant 175 : i32
    %add3A_871 = arith.addi %mul3A_869, %add3A_870 : i32
    %dma_start3A_872 = arith.constant 0 : i32
    %dma_start3A_873 = arith.constant 0 : i32
    %dma_start3A_874 = tpu.memref_slice %arg9[%dma_start3A_872, %dma_start3A_873] : memref<40x128xf32, #tpu.memory_space<vmem>> -> memref<25x128xf32, #tpu.memory_space<vmem>>
    %dma_start3A_875 = arith.constant 0 : i32
    %dma_start3A_876 = tpu.memref_slice %arg5[%arg0, %add3A_871, %dma_start3A_875] : memref<2x10000x128xf32, #tpu.memory_space<hbm>> -> memref<1x25x128xf32, #tpu.memory_space<hbm>>
    %dma_start3A_877 = tpu.memref_squeeze %dma_start3A_876 : memref<1x25x128xf32, #tpu.memory_space<hbm>> -> memref<25x128xf32, #tpu.memory_space<hbm>>
    %dma_start3A_878 = arith.constant 0 : i32
    %dma_start3A_879 = tpu.memref_slice %arg5[%arg0, %add3A_871, %dma_start3A_878] : memref<2x10000x128xf32, #tpu.memory_space<hbm>> -> memref<1x25x128xf32, #tpu.memory_space<hbm>>
    %dma_start3A_880 = tpu.memref_squeeze %dma_start3A_879 : memref<1x25x128xf32, #tpu.memory_space<hbm>> -> memref<25x128xf32, #tpu.memory_space<hbm>>
    %dma_start3A_881 = arith.constant 0 : i32
    %dma_start3A_882 = arith.constant 0 : i32
    %dma_start3A_883 = tpu.memref_slice %arg9[%dma_start3A_881, %dma_start3A_882] : memref<40x128xf32, #tpu.memory_space<vmem>> -> memref<25x128xf32, #tpu.memory_space<vmem>>
    tpu.enqueue_dma source(%dma_start3A_883 : memref<25x128xf32, #tpu.memory_space<vmem>>) target(%dma_start3A_880 : memref<25x128xf32, #tpu.memory_space<hbm>>) target_semaphore(%arg21 : memref<!tpu.dma_semaphore, #tpu.memory_space<semaphore_mem>>)
    %mul3A_884 = arith.constant 625 : i32
    %mul3A_885 = arith.muli %arg1, %mul3A_884 : i32
    %add3A_886 = arith.constant 200 : i32
    %add3A_887 = arith.addi %mul3A_885, %add3A_886 : i32
    %dma_wait3A_888 = arith.constant 0 : i32
    %dma_wait3A_889 = arith.constant 0 : i32
    %dma_wait3A_890 = tpu.memref_slice %arg8[%dma_wait3A_888, %dma_wait3A_889] : memref<40x128xf32, #tpu.memory_space<vmem>> -> memref<25x128xf32, #tpu.memory_space<vmem>>
    %dma_wait3A_891 = arith.constant 0 : i32
    %dma_wait3A_892 = tpu.memref_slice %arg26[%add3A_887, %dma_wait3A_891] : memref<10000x128xf32, #tpu.memory_space<vmem_shared>> -> memref<25x128xf32, #tpu.memory_space<vmem_shared>>
    %dma_wait3A_893 = arith.constant 0 : i32
    %dma_wait3A_894 = arith.constant 0 : i32
    %dma_wait3A_895 = tpu.memref_slice %arg8[%dma_wait3A_893, %dma_wait3A_894] : memref<40x128xf32, #tpu.memory_space<vmem>> -> memref<25x128xf32, #tpu.memory_space<vmem>>
    %dma_wait3A_896 = arith.constant 0 : i32
    %dma_wait3A_897 = tpu.memref_slice %arg26[%add3A_887, %dma_wait3A_896] : memref<10000x128xf32, #tpu.memory_space<vmem_shared>> -> memref<25x128xf32, #tpu.memory_space<vmem_shared>>
    tpu.wait_dma2 semaphore(%arg14 : memref<!tpu.dma_semaphore, #tpu.memory_space<semaphore_mem>>) src(%dma_wait3A_897 : memref<25x128xf32, #tpu.memory_space<vmem_shared>>) dst(%dma_wait3A_895 : memref<25x128xf32, #tpu.memory_space<vmem>>)
    %mul3A_898 = arith.constant 625 : i32
    %mul3A_899 = arith.muli %arg1, %mul3A_898 : i32
    %add3A_900 = arith.constant 175 : i32
    %add3A_901 = arith.addi %mul3A_899, %add3A_900 : i32
    %dma_wait3A_902 = arith.constant 0 : i32
    %dma_wait3A_903 = arith.constant 0 : i32
    %dma_wait3A_904 = tpu.memref_slice %arg9[%dma_wait3A_902, %dma_wait3A_903] : memref<40x128xf32, #tpu.memory_space<vmem>> -> memref<25x128xf32, #tpu.memory_space<vmem>>
    %dma_wait3A_905 = arith.constant 0 : i32
    %dma_wait3A_906 = tpu.memref_slice %arg5[%arg0, %add3A_901, %dma_wait3A_905] : memref<2x10000x128xf32, #tpu.memory_space<hbm>> -> memref<1x25x128xf32, #tpu.memory_space<hbm>>
    %dma_wait3A_907 = tpu.memref_squeeze %dma_wait3A_906 : memref<1x25x128xf32, #tpu.memory_space<hbm>> -> memref<25x128xf32, #tpu.memory_space<hbm>>
    %dma_wait3A_908 = arith.constant 0 : i32
    %dma_wait3A_909 = tpu.memref_slice %arg5[%arg0, %add3A_901, %dma_wait3A_908] : memref<2x10000x128xf32, #tpu.memory_space<hbm>> -> memref<1x25x128xf32, #tpu.memory_space<hbm>>
    %dma_wait3A_910 = tpu.memref_squeeze %dma_wait3A_909 : memref<1x25x128xf32, #tpu.memory_space<hbm>> -> memref<25x128xf32, #tpu.memory_space<hbm>>
    %dma_wait3A_911 = arith.constant 0 : i32
    %dma_wait3A_912 = arith.constant 0 : i32
    %dma_wait3A_913 = tpu.memref_slice %arg9[%dma_wait3A_911, %dma_wait3A_912] : memref<40x128xf32, #tpu.memory_space<vmem>> -> memref<25x128xf32, #tpu.memory_space<vmem>>
    tpu.wait_dma2 semaphore(%arg21 : memref<!tpu.dma_semaphore, #tpu.memory_space<semaphore_mem>>) src(%dma_wait3A_913 : memref<25x128xf32, #tpu.memory_space<vmem>>) dst(%dma_wait3A_910 : memref<25x128xf32, #tpu.memory_space<hbm>>)
    %mul3A_914 = arith.constant 625 : i32
    %mul3A_915 = arith.muli %arg1, %mul3A_914 : i32
    %add3A_916 = arith.constant 225 : i32
    %add3A_917 = arith.addi %mul3A_915, %add3A_916 : i32
    %dma_start3A_918 = arith.constant 0 : i32
    %dma_start3A_919 = arith.constant 0 : i32
    %dma_start3A_920 = tpu.memref_slice %arg9[%dma_start3A_918, %dma_start3A_919] : memref<40x128xf32, #tpu.memory_space<vmem>> -> memref<25x128xf32, #tpu.memory_space<vmem>>
    %dma_start3A_921 = arith.constant 0 : i32
    %dma_start3A_922 = tpu.memref_slice %arg26[%add3A_917, %dma_start3A_921] : memref<10000x128xf32, #tpu.memory_space<vmem_shared>> -> memref<25x128xf32, #tpu.memory_space<vmem_shared>>
    %dma_start3A_923 = arith.constant 0 : i32
    %dma_start3A_924 = arith.constant 0 : i32
    %dma_start3A_925 = tpu.memref_slice %arg9[%dma_start3A_923, %dma_start3A_924] : memref<40x128xf32, #tpu.memory_space<vmem>> -> memref<25x128xf32, #tpu.memory_space<vmem>>
    %dma_start3A_926 = arith.constant 0 : i32
    %dma_start3A_927 = tpu.memref_slice %arg26[%add3A_917, %dma_start3A_926] : memref<10000x128xf32, #tpu.memory_space<vmem_shared>> -> memref<25x128xf32, #tpu.memory_space<vmem_shared>>
    tpu.enqueue_dma source(%dma_start3A_927 : memref<25x128xf32, #tpu.memory_space<vmem_shared>>) target(%dma_start3A_925 : memref<25x128xf32, #tpu.memory_space<vmem>>) target_semaphore(%arg15 : memref<!tpu.dma_semaphore, #tpu.memory_space<semaphore_mem>>)
    %mul3A_928 = arith.constant 625 : i32
    %mul3A_929 = arith.muli %arg1, %mul3A_928 : i32
    %add3A_930 = arith.constant 200 : i32
    %add3A_931 = arith.addi %mul3A_929, %add3A_930 : i32
    %dma_start3A_932 = arith.constant 0 : i32
    %dma_start3A_933 = arith.constant 0 : i32
    %dma_start3A_934 = tpu.memref_slice %arg8[%dma_start3A_932, %dma_start3A_933] : memref<40x128xf32, #tpu.memory_space<vmem>> -> memref<25x128xf32, #tpu.memory_space<vmem>>
    %dma_start3A_935 = arith.constant 0 : i32
    %dma_start3A_936 = tpu.memref_slice %arg5[%arg0, %add3A_931, %dma_start3A_935] : memref<2x10000x128xf32, #tpu.memory_space<hbm>> -> memref<1x25x128xf32, #tpu.memory_space<hbm>>
    %dma_start3A_937 = tpu.memref_squeeze %dma_start3A_936 : memref<1x25x128xf32, #tpu.memory_space<hbm>> -> memref<25x128xf32, #tpu.memory_space<hbm>>
    %dma_start3A_938 = arith.constant 0 : i32
    %dma_start3A_939 = tpu.memref_slice %arg5[%arg0, %add3A_931, %dma_start3A_938] : memref<2x10000x128xf32, #tpu.memory_space<hbm>> -> memref<1x25x128xf32, #tpu.memory_space<hbm>>
    %dma_start3A_940 = tpu.memref_squeeze %dma_start3A_939 : memref<1x25x128xf32, #tpu.memory_space<hbm>> -> memref<25x128xf32, #tpu.memory_space<hbm>>
    %dma_start3A_941 = arith.constant 0 : i32
    %dma_start3A_942 = arith.constant 0 : i32
    %dma_start3A_943 = tpu.memref_slice %arg8[%dma_start3A_941, %dma_start3A_942] : memref<40x128xf32, #tpu.memory_space<vmem>> -> memref<25x128xf32, #tpu.memory_space<vmem>>
    tpu.enqueue_dma source(%dma_start3A_943 : memref<25x128xf32, #tpu.memory_space<vmem>>) target(%dma_start3A_940 : memref<25x128xf32, #tpu.memory_space<hbm>>) target_semaphore(%arg20 : memref<!tpu.dma_semaphore, #tpu.memory_space<semaphore_mem>>)
    %mul3A_944 = arith.constant 625 : i32
    %mul3A_945 = arith.muli %arg1, %mul3A_944 : i32
    %add3A_946 = arith.constant 225 : i32
    %add3A_947 = arith.addi %mul3A_945, %add3A_946 : i32
    %dma_wait3A_948 = arith.constant 0 : i32
    %dma_wait3A_949 = arith.constant 0 : i32
    %dma_wait3A_950 = tpu.memref_slice %arg9[%dma_wait3A_948, %dma_wait3A_949] : memref<40x128xf32, #tpu.memory_space<vmem>> -> memref<25x128xf32, #tpu.memory_space<vmem>>
    %dma_wait3A_951 = arith.constant 0 : i32
    %dma_wait3A_952 = tpu.memref_slice %arg26[%add3A_947, %dma_wait3A_951] : memref<10000x128xf32, #tpu.memory_space<vmem_shared>> -> memref<25x128xf32, #tpu.memory_space<vmem_shared>>
    %dma_wait3A_953 = arith.constant 0 : i32
    %dma_wait3A_954 = arith.constant 0 : i32
    %dma_wait3A_955 = tpu.memref_slice %arg9[%dma_wait3A_953, %dma_wait3A_954] : memref<40x128xf32, #tpu.memory_space<vmem>> -> memref<25x128xf32, #tpu.memory_space<vmem>>
    %dma_wait3A_956 = arith.constant 0 : i32
    %dma_wait3A_957 = tpu.memref_slice %arg26[%add3A_947, %dma_wait3A_956] : memref<10000x128xf32, #tpu.memory_space<vmem_shared>> -> memref<25x128xf32, #tpu.memory_space<vmem_shared>>
    tpu.wait_dma2 semaphore(%arg15 : memref<!tpu.dma_semaphore, #tpu.memory_space<semaphore_mem>>) src(%dma_wait3A_957 : memref<25x128xf32, #tpu.memory_space<vmem_shared>>) dst(%dma_wait3A_955 : memref<25x128xf32, #tpu.memory_space<vmem>>)
    %mul3A_958 = arith.constant 625 : i32
    %mul3A_959 = arith.muli %arg1, %mul3A_958 : i32
    %add3A_960 = arith.constant 200 : i32
    %add3A_961 = arith.addi %mul3A_959, %add3A_960 : i32
    %dma_wait3A_962 = arith.constant 0 : i32
    %dma_wait3A_963 = arith.constant 0 : i32
    %dma_wait3A_964 = tpu.memref_slice %arg8[%dma_wait3A_962, %dma_wait3A_963] : memref<40x128xf32, #tpu.memory_space<vmem>> -> memref<25x128xf32, #tpu.memory_space<vmem>>
    %dma_wait3A_965 = arith.constant 0 : i32
    %dma_wait3A_966 = tpu.memref_slice %arg5[%arg0, %add3A_961, %dma_wait3A_965] : memref<2x10000x128xf32, #tpu.memory_space<hbm>> -> memref<1x25x128xf32, #tpu.memory_space<hbm>>
    %dma_wait3A_967 = tpu.memref_squeeze %dma_wait3A_966 : memref<1x25x128xf32, #tpu.memory_space<hbm>> -> memref<25x128xf32, #tpu.memory_space<hbm>>
    %dma_wait3A_968 = arith.constant 0 : i32
    %dma_wait3A_969 = tpu.memref_slice %arg5[%arg0, %add3A_961, %dma_wait3A_968] : memref<2x10000x128xf32, #tpu.memory_space<hbm>> -> memref<1x25x128xf32, #tpu.memory_space<hbm>>
    %dma_wait3A_970 = tpu.memref_squeeze %dma_wait3A_969 : memref<1x25x128xf32, #tpu.memory_space<hbm>> -> memref<25x128xf32, #tpu.memory_space<hbm>>
    %dma_wait3A_971 = arith.constant 0 : i32
    %dma_wait3A_972 = arith.constant 0 : i32
    %dma_wait3A_973 = tpu.memref_slice %arg8[%dma_wait3A_971, %dma_wait3A_972] : memref<40x128xf32, #tpu.memory_space<vmem>> -> memref<25x128xf32, #tpu.memory_space<vmem>>
    tpu.wait_dma2 semaphore(%arg20 : memref<!tpu.dma_semaphore, #tpu.memory_space<semaphore_mem>>) src(%dma_wait3A_973 : memref<25x128xf32, #tpu.memory_space<vmem>>) dst(%dma_wait3A_970 : memref<25x128xf32, #tpu.memory_space<hbm>>)
    %mul3A_974 = arith.constant 625 : i32
    %mul3A_975 = arith.muli %arg1, %mul3A_974 : i32
    %add3A_976 = arith.constant 250 : i32
    %add3A_977 = arith.addi %mul3A_975, %add3A_976 : i32
    %dma_start3A_978 = arith.constant 0 : i32
    %dma_start3A_979 = arith.constant 0 : i32
    %dma_start3A_980 = tpu.memref_slice %arg8[%dma_start3A_978, %dma_start3A_979] : memref<40x128xf32, #tpu.memory_space<vmem>> -> memref<25x128xf32, #tpu.memory_space<vmem>>
    %dma_start3A_981 = arith.constant 0 : i32
    %dma_start3A_982 = tpu.memref_slice %arg26[%add3A_977, %dma_start3A_981] : memref<10000x128xf32, #tpu.memory_space<vmem_shared>> -> memref<25x128xf32, #tpu.memory_space<vmem_shared>>
    %dma_start3A_983 = arith.constant 0 : i32
    %dma_start3A_984 = arith.constant 0 : i32
    %dma_start3A_985 = tpu.memref_slice %arg8[%dma_start3A_983, %dma_start3A_984] : memref<40x128xf32, #tpu.memory_space<vmem>> -> memref<25x128xf32, #tpu.memory_space<vmem>>
    %dma_start3A_986 = arith.constant 0 : i32
    %dma_start3A_987 = tpu.memref_slice %arg26[%add3A_977, %dma_start3A_986] : memref<10000x128xf32, #tpu.memory_space<vmem_shared>> -> memref<25x128xf32, #tpu.memory_space<vmem_shared>>
    tpu.enqueue_dma source(%dma_start3A_987 : memref<25x128xf32, #tpu.memory_space<vmem_shared>>) target(%dma_start3A_985 : memref<25x128xf32, #tpu.memory_space<vmem>>) target_semaphore(%arg14 : memref<!tpu.dma_semaphore, #tpu.memory_space<semaphore_mem>>)
    %mul3A_988 = arith.constant 625 : i32
    %mul3A_989 = arith.muli %arg1, %mul3A_988 : i32
    %add3A_990 = arith.constant 225 : i32
    %add3A_991 = arith.addi %mul3A_989, %add3A_990 : i32
    %dma_start3A_992 = arith.constant 0 : i32
    %dma_start3A_993 = arith.constant 0 : i32
    %dma_start3A_994 = tpu.memref_slice %arg9[%dma_start3A_992, %dma_start3A_993] : memref<40x128xf32, #tpu.memory_space<vmem>> -> memref<25x128xf32, #tpu.memory_space<vmem>>
    %dma_start3A_995 = arith.constant 0 : i32
    %dma_start3A_996 = tpu.memref_slice %arg5[%arg0, %add3A_991, %dma_start3A_995] : memref<2x10000x128xf32, #tpu.memory_space<hbm>> -> memref<1x25x128xf32, #tpu.memory_space<hbm>>
    %dma_start3A_997 = tpu.memref_squeeze %dma_start3A_996 : memref<1x25x128xf32, #tpu.memory_space<hbm>> -> memref<25x128xf32, #tpu.memory_space<hbm>>
    %dma_start3A_998 = arith.constant 0 : i32
    %dma_start3A_999 = tpu.memref_slice %arg5[%arg0, %add3A_991, %dma_start3A_998] : memref<2x10000x128xf32, #tpu.memory_space<hbm>> -> memref<1x25x128xf32, #tpu.memory_space<hbm>>
    %dma_start3A_1000 = tpu.memref_squeeze %dma_start3A_999 : memref<1x25x128xf32, #tpu.memory_space<hbm>> -> memref<25x128xf32, #tpu.memory_space<hbm>>
    %dma_start3A_1001 = arith.constant 0 : i32
    %dma_start3A_1002 = arith.constant 0 : i32
    %dma_start3A_1003 = tpu.memref_slice %arg9[%dma_start3A_1001, %dma_start3A_1002] : memref<40x128xf32, #tpu.memory_space<vmem>> -> memref<25x128xf32, #tpu.memory_space<vmem>>
    tpu.enqueue_dma source(%dma_start3A_1003 : memref<25x128xf32, #tpu.memory_space<vmem>>) target(%dma_start3A_1000 : memref<25x128xf32, #tpu.memory_space<hbm>>) target_semaphore(%arg21 : memref<!tpu.dma_semaphore, #tpu.memory_space<semaphore_mem>>)
    %mul3A_1004 = arith.constant 625 : i32
    %mul3A_1005 = arith.muli %arg1, %mul3A_1004 : i32
    %add3A_1006 = arith.constant 250 : i32
    %add3A_1007 = arith.addi %mul3A_1005, %add3A_1006 : i32
    %dma_wait3A_1008 = arith.constant 0 : i32
    %dma_wait3A_1009 = arith.constant 0 : i32
    %dma_wait3A_1010 = tpu.memref_slice %arg8[%dma_wait3A_1008, %dma_wait3A_1009] : memref<40x128xf32, #tpu.memory_space<vmem>> -> memref<25x128xf32, #tpu.memory_space<vmem>>
    %dma_wait3A_1011 = arith.constant 0 : i32
    %dma_wait3A_1012 = tpu.memref_slice %arg26[%add3A_1007, %dma_wait3A_1011] : memref<10000x128xf32, #tpu.memory_space<vmem_shared>> -> memref<25x128xf32, #tpu.memory_space<vmem_shared>>
    %dma_wait3A_1013 = arith.constant 0 : i32
    %dma_wait3A_1014 = arith.constant 0 : i32
    %dma_wait3A_1015 = tpu.memref_slice %arg8[%dma_wait3A_1013, %dma_wait3A_1014] : memref<40x128xf32, #tpu.memory_space<vmem>> -> memref<25x128xf32, #tpu.memory_space<vmem>>
    %dma_wait3A_1016 = arith.constant 0 : i32
    %dma_wait3A_1017 = tpu.memref_slice %arg26[%add3A_1007, %dma_wait3A_1016] : memref<10000x128xf32, #tpu.memory_space<vmem_shared>> -> memref<25x128xf32, #tpu.memory_space<vmem_shared>>
    tpu.wait_dma2 semaphore(%arg14 : memref<!tpu.dma_semaphore, #tpu.memory_space<semaphore_mem>>) src(%dma_wait3A_1017 : memref<25x128xf32, #tpu.memory_space<vmem_shared>>) dst(%dma_wait3A_1015 : memref<25x128xf32, #tpu.memory_space<vmem>>)
    %mul3A_1018 = arith.constant 625 : i32
    %mul3A_1019 = arith.muli %arg1, %mul3A_1018 : i32
    %add3A_1020 = arith.constant 225 : i32
    %add3A_1021 = arith.addi %mul3A_1019, %add3A_1020 : i32
    %dma_wait3A_1022 = arith.constant 0 : i32
    %dma_wait3A_1023 = arith.constant 0 : i32
    %dma_wait3A_1024 = tpu.memref_slice %arg9[%dma_wait3A_1022, %dma_wait3A_1023] : memref<40x128xf32, #tpu.memory_space<vmem>> -> memref<25x128xf32, #tpu.memory_space<vmem>>
    %dma_wait3A_1025 = arith.constant 0 : i32
    %dma_wait3A_1026 = tpu.memref_slice %arg5[%arg0, %add3A_1021, %dma_wait3A_1025] : memref<2x10000x128xf32, #tpu.memory_space<hbm>> -> memref<1x25x128xf32, #tpu.memory_space<hbm>>
    %dma_wait3A_1027 = tpu.memref_squeeze %dma_wait3A_1026 : memref<1x25x128xf32, #tpu.memory_space<hbm>> -> memref<25x128xf32, #tpu.memory_space<hbm>>
    %dma_wait3A_1028 = arith.constant 0 : i32
    %dma_wait3A_1029 = tpu.memref_slice %arg5[%arg0, %add3A_1021, %dma_wait3A_1028] : memref<2x10000x128xf32, #tpu.memory_space<hbm>> -> memref<1x25x128xf32, #tpu.memory_space<hbm>>
    %dma_wait3A_1030 = tpu.memref_squeeze %dma_wait3A_1029 : memref<1x25x128xf32, #tpu.memory_space<hbm>> -> memref<25x128xf32, #tpu.memory_space<hbm>>
    %dma_wait3A_1031 = arith.constant 0 : i32
    %dma_wait3A_1032 = arith.constant 0 : i32
    %dma_wait3A_1033 = tpu.memref_slice %arg9[%dma_wait3A_1031, %dma_wait3A_1032] : memref<40x128xf32, #tpu.memory_space<vmem>> -> memref<25x128xf32, #tpu.memory_space<vmem>>
    tpu.wait_dma2 semaphore(%arg21 : memref<!tpu.dma_semaphore, #tpu.memory_space<semaphore_mem>>) src(%dma_wait3A_1033 : memref<25x128xf32, #tpu.memory_space<vmem>>) dst(%dma_wait3A_1030 : memref<25x128xf32, #tpu.memory_space<hbm>>)
    %mul3A_1034 = arith.constant 625 : i32
    %mul3A_1035 = arith.muli %arg1, %mul3A_1034 : i32
    %add3A_1036 = arith.constant 275 : i32
    %add3A_1037 = arith.addi %mul3A_1035, %add3A_1036 : i32
    %dma_start3A_1038 = arith.constant 0 : i32
    %dma_start3A_1039 = arith.constant 0 : i32
    %dma_start3A_1040 = tpu.memref_slice %arg9[%dma_start3A_1038, %dma_start3A_1039] : memref<40x128xf32, #tpu.memory_space<vmem>> -> memref<25x128xf32, #tpu.memory_space<vmem>>
    %dma_start3A_1041 = arith.constant 0 : i32
    %dma_start3A_1042 = tpu.memref_slice %arg26[%add3A_1037, %dma_start3A_1041] : memref<10000x128xf32, #tpu.memory_space<vmem_shared>> -> memref<25x128xf32, #tpu.memory_space<vmem_shared>>
    %dma_start3A_1043 = arith.constant 0 : i32
    %dma_start3A_1044 = arith.constant 0 : i32
    %dma_start3A_1045 = tpu.memref_slice %arg9[%dma_start3A_1043, %dma_start3A_1044] : memref<40x128xf32, #tpu.memory_space<vmem>> -> memref<25x128xf32, #tpu.memory_space<vmem>>
    %dma_start3A_1046 = arith.constant 0 : i32
    %dma_start3A_1047 = tpu.memref_slice %arg26[%add3A_1037, %dma_start3A_1046] : memref<10000x128xf32, #tpu.memory_space<vmem_shared>> -> memref<25x128xf32, #tpu.memory_space<vmem_shared>>
    tpu.enqueue_dma source(%dma_start3A_1047 : memref<25x128xf32, #tpu.memory_space<vmem_shared>>) target(%dma_start3A_1045 : memref<25x128xf32, #tpu.memory_space<vmem>>) target_semaphore(%arg15 : memref<!tpu.dma_semaphore, #tpu.memory_space<semaphore_mem>>)
    %mul3A_1048 = arith.constant 625 : i32
    %mul3A_1049 = arith.muli %arg1, %mul3A_1048 : i32
    %add3A_1050 = arith.constant 250 : i32
    %add3A_1051 = arith.addi %mul3A_1049, %add3A_1050 : i32
    %dma_start3A_1052 = arith.constant 0 : i32
    %dma_start3A_1053 = arith.constant 0 : i32
    %dma_start3A_1054 = tpu.memref_slice %arg8[%dma_start3A_1052, %dma_start3A_1053] : memref<40x128xf32, #tpu.memory_space<vmem>> -> memref<25x128xf32, #tpu.memory_space<vmem>>
    %dma_start3A_1055 = arith.constant 0 : i32
    %dma_start3A_1056 = tpu.memref_slice %arg5[%arg0, %add3A_1051, %dma_start3A_1055] : memref<2x10000x128xf32, #tpu.memory_space<hbm>> -> memref<1x25x128xf32, #tpu.memory_space<hbm>>
    %dma_start3A_1057 = tpu.memref_squeeze %dma_start3A_1056 : memref<1x25x128xf32, #tpu.memory_space<hbm>> -> memref<25x128xf32, #tpu.memory_space<hbm>>
    %dma_start3A_1058 = arith.constant 0 : i32
    %dma_start3A_1059 = tpu.memref_slice %arg5[%arg0, %add3A_1051, %dma_start3A_1058] : memref<2x10000x128xf32, #tpu.memory_space<hbm>> -> memref<1x25x128xf32, #tpu.memory_space<hbm>>
    %dma_start3A_1060 = tpu.memref_squeeze %dma_start3A_1059 : memref<1x25x128xf32, #tpu.memory_space<hbm>> -> memref<25x128xf32, #tpu.memory_space<hbm>>
    %dma_start3A_1061 = arith.constant 0 : i32
    %dma_start3A_1062 = arith.constant 0 : i32
    %dma_start3A_1063 = tpu.memref_slice %arg8[%dma_start3A_1061, %dma_start3A_1062] : memref<40x128xf32, #tpu.memory_space<vmem>> -> memref<25x128xf32, #tpu.memory_space<vmem>>
    tpu.enqueue_dma source(%dma_start3A_1063 : memref<25x128xf32, #tpu.memory_space<vmem>>) target(%dma_start3A_1060 : memref<25x128xf32, #tpu.memory_space<hbm>>) target_semaphore(%arg20 : memref<!tpu.dma_semaphore, #tpu.memory_space<semaphore_mem>>)
    %mul3A_1064 = arith.constant 625 : i32
    %mul3A_1065 = arith.muli %arg1, %mul3A_1064 : i32
    %add3A_1066 = arith.constant 275 : i32
    %add3A_1067 = arith.addi %mul3A_1065, %add3A_1066 : i32
    %dma_wait3A_1068 = arith.constant 0 : i32
    %dma_wait3A_1069 = arith.constant 0 : i32
    %dma_wait3A_1070 = tpu.memref_slice %arg9[%dma_wait3A_1068, %dma_wait3A_1069] : memref<40x128xf32, #tpu.memory_space<vmem>> -> memref<25x128xf32, #tpu.memory_space<vmem>>
    %dma_wait3A_1071 = arith.constant 0 : i32
    %dma_wait3A_1072 = tpu.memref_slice %arg26[%add3A_1067, %dma_wait3A_1071] : memref<10000x128xf32, #tpu.memory_space<vmem_shared>> -> memref<25x128xf32, #tpu.memory_space<vmem_shared>>
    %dma_wait3A_1073 = arith.constant 0 : i32
    %dma_wait3A_1074 = arith.constant 0 : i32
    %dma_wait3A_1075 = tpu.memref_slice %arg9[%dma_wait3A_1073, %dma_wait3A_1074] : memref<40x128xf32, #tpu.memory_space<vmem>> -> memref<25x128xf32, #tpu.memory_space<vmem>>
    %dma_wait3A_1076 = arith.constant 0 : i32
    %dma_wait3A_1077 = tpu.memref_slice %arg26[%add3A_1067, %dma_wait3A_1076] : memref<10000x128xf32, #tpu.memory_space<vmem_shared>> -> memref<25x128xf32, #tpu.memory_space<vmem_shared>>
    tpu.wait_dma2 semaphore(%arg15 : memref<!tpu.dma_semaphore, #tpu.memory_space<semaphore_mem>>) src(%dma_wait3A_1077 : memref<25x128xf32, #tpu.memory_space<vmem_shared>>) dst(%dma_wait3A_1075 : memref<25x128xf32, #tpu.memory_space<vmem>>)
    %mul3A_1078 = arith.constant 625 : i32
    %mul3A_1079 = arith.muli %arg1, %mul3A_1078 : i32
    %add3A_1080 = arith.constant 250 : i32
    %add3A_1081 = arith.addi %mul3A_1079, %add3A_1080 : i32
    %dma_wait3A_1082 = arith.constant 0 : i32
    %dma_wait3A_1083 = arith.constant 0 : i32
    %dma_wait3A_1084 = tpu.memref_slice %arg8[%dma_wait3A_1082, %dma_wait3A_1083] : memref<40x128xf32, #tpu.memory_space<vmem>> -> memref<25x128xf32, #tpu.memory_space<vmem>>
    %dma_wait3A_1085 = arith.constant 0 : i32
    %dma_wait3A_1086 = tpu.memref_slice %arg5[%arg0, %add3A_1081, %dma_wait3A_1085] : memref<2x10000x128xf32, #tpu.memory_space<hbm>> -> memref<1x25x128xf32, #tpu.memory_space<hbm>>
    %dma_wait3A_1087 = tpu.memref_squeeze %dma_wait3A_1086 : memref<1x25x128xf32, #tpu.memory_space<hbm>> -> memref<25x128xf32, #tpu.memory_space<hbm>>
    %dma_wait3A_1088 = arith.constant 0 : i32
    %dma_wait3A_1089 = tpu.memref_slice %arg5[%arg0, %add3A_1081, %dma_wait3A_1088] : memref<2x10000x128xf32, #tpu.memory_space<hbm>> -> memref<1x25x128xf32, #tpu.memory_space<hbm>>
    %dma_wait3A_1090 = tpu.memref_squeeze %dma_wait3A_1089 : memref<1x25x128xf32, #tpu.memory_space<hbm>> -> memref<25x128xf32, #tpu.memory_space<hbm>>
    %dma_wait3A_1091 = arith.constant 0 : i32
    %dma_wait3A_1092 = arith.constant 0 : i32
    %dma_wait3A_1093 = tpu.memref_slice %arg8[%dma_wait3A_1091, %dma_wait3A_1092] : memref<40x128xf32, #tpu.memory_space<vmem>> -> memref<25x128xf32, #tpu.memory_space<vmem>>
    tpu.wait_dma2 semaphore(%arg20 : memref<!tpu.dma_semaphore, #tpu.memory_space<semaphore_mem>>) src(%dma_wait3A_1093 : memref<25x128xf32, #tpu.memory_space<vmem>>) dst(%dma_wait3A_1090 : memref<25x128xf32, #tpu.memory_space<hbm>>)
    %mul3A_1094 = arith.constant 625 : i32
    %mul3A_1095 = arith.muli %arg1, %mul3A_1094 : i32
    %add3A_1096 = arith.constant 300 : i32
    %add3A_1097 = arith.addi %mul3A_1095, %add3A_1096 : i32
    %dma_start3A_1098 = arith.constant 0 : i32
    %dma_start3A_1099 = arith.constant 0 : i32
    %dma_start3A_1100 = tpu.memref_slice %arg8[%dma_start3A_1098, %dma_start3A_1099] : memref<40x128xf32, #tpu.memory_space<vmem>> -> memref<25x128xf32, #tpu.memory_space<vmem>>
    %dma_start3A_1101 = arith.constant 0 : i32
    %dma_start3A_1102 = tpu.memref_slice %arg26[%add3A_1097, %dma_start3A_1101] : memref<10000x128xf32, #tpu.memory_space<vmem_shared>> -> memref<25x128xf32, #tpu.memory_space<vmem_shared>>
    %dma_start3A_1103 = arith.constant 0 : i32
    %dma_start3A_1104 = arith.constant 0 : i32
    %dma_start3A_1105 = tpu.memref_slice %arg8[%dma_start3A_1103, %dma_start3A_1104] : memref<40x128xf32, #tpu.memory_space<vmem>> -> memref<25x128xf32, #tpu.memory_space<vmem>>
    %dma_start3A_1106 = arith.constant 0 : i32
    %dma_start3A_1107 = tpu.memref_slice %arg26[%add3A_1097, %dma_start3A_1106] : memref<10000x128xf32, #tpu.memory_space<vmem_shared>> -> memref<25x128xf32, #tpu.memory_space<vmem_shared>>
    tpu.enqueue_dma source(%dma_start3A_1107 : memref<25x128xf32, #tpu.memory_space<vmem_shared>>) target(%dma_start3A_1105 : memref<25x128xf32, #tpu.memory_space<vmem>>) target_semaphore(%arg14 : memref<!tpu.dma_semaphore, #tpu.memory_space<semaphore_mem>>)
    %mul3A_1108 = arith.constant 625 : i32
    %mul3A_1109 = arith.muli %arg1, %mul3A_1108 : i32
    %add3A_1110 = arith.constant 275 : i32
    %add3A_1111 = arith.addi %mul3A_1109, %add3A_1110 : i32
    %dma_start3A_1112 = arith.constant 0 : i32
    %dma_start3A_1113 = arith.constant 0 : i32
    %dma_start3A_1114 = tpu.memref_slice %arg9[%dma_start3A_1112, %dma_start3A_1113] : memref<40x128xf32, #tpu.memory_space<vmem>> -> memref<25x128xf32, #tpu.memory_space<vmem>>
    %dma_start3A_1115 = arith.constant 0 : i32
    %dma_start3A_1116 = tpu.memref_slice %arg5[%arg0, %add3A_1111, %dma_start3A_1115] : memref<2x10000x128xf32, #tpu.memory_space<hbm>> -> memref<1x25x128xf32, #tpu.memory_space<hbm>>
    %dma_start3A_1117 = tpu.memref_squeeze %dma_start3A_1116 : memref<1x25x128xf32, #tpu.memory_space<hbm>> -> memref<25x128xf32, #tpu.memory_space<hbm>>
    %dma_start3A_1118 = arith.constant 0 : i32
    %dma_start3A_1119 = tpu.memref_slice %arg5[%arg0, %add3A_1111, %dma_start3A_1118] : memref<2x10000x128xf32, #tpu.memory_space<hbm>> -> memref<1x25x128xf32, #tpu.memory_space<hbm>>
    %dma_start3A_1120 = tpu.memref_squeeze %dma_start3A_1119 : memref<1x25x128xf32, #tpu.memory_space<hbm>> -> memref<25x128xf32, #tpu.memory_space<hbm>>
    %dma_start3A_1121 = arith.constant 0 : i32
    %dma_start3A_1122 = arith.constant 0 : i32
    %dma_start3A_1123 = tpu.memref_slice %arg9[%dma_start3A_1121, %dma_start3A_1122] : memref<40x128xf32, #tpu.memory_space<vmem>> -> memref<25x128xf32, #tpu.memory_space<vmem>>
    tpu.enqueue_dma source(%dma_start3A_1123 : memref<25x128xf32, #tpu.memory_space<vmem>>) target(%dma_start3A_1120 : memref<25x128xf32, #tpu.memory_space<hbm>>) target_semaphore(%arg21 : memref<!tpu.dma_semaphore, #tpu.memory_space<semaphore_mem>>)
    %mul3A_1124 = arith.constant 625 : i32
    %mul3A_1125 = arith.muli %arg1, %mul3A_1124 : i32
    %add3A_1126 = arith.constant 300 : i32
    %add3A_1127 = arith.addi %mul3A_1125, %add3A_1126 : i32
    %dma_wait3A_1128 = arith.constant 0 : i32
    %dma_wait3A_1129 = arith.constant 0 : i32
    %dma_wait3A_1130 = tpu.memref_slice %arg8[%dma_wait3A_1128, %dma_wait3A_1129] : memref<40x128xf32, #tpu.memory_space<vmem>> -> memref<25x128xf32, #tpu.memory_space<vmem>>
    %dma_wait3A_1131 = arith.constant 0 : i32
    %dma_wait3A_1132 = tpu.memref_slice %arg26[%add3A_1127, %dma_wait3A_1131] : memref<10000x128xf32, #tpu.memory_space<vmem_shared>> -> memref<25x128xf32, #tpu.memory_space<vmem_shared>>
    %dma_wait3A_1133 = arith.constant 0 : i32
    %dma_wait3A_1134 = arith.constant 0 : i32
    %dma_wait3A_1135 = tpu.memref_slice %arg8[%dma_wait3A_1133, %dma_wait3A_1134] : memref<40x128xf32, #tpu.memory_space<vmem>> -> memref<25x128xf32, #tpu.memory_space<vmem>>
    %dma_wait3A_1136 = arith.constant 0 : i32
    %dma_wait3A_1137 = tpu.memref_slice %arg26[%add3A_1127, %dma_wait3A_1136] : memref<10000x128xf32, #tpu.memory_space<vmem_shared>> -> memref<25x128xf32, #tpu.memory_space<vmem_shared>>
    tpu.wait_dma2 semaphore(%arg14 : memref<!tpu.dma_semaphore, #tpu.memory_space<semaphore_mem>>) src(%dma_wait3A_1137 : memref<25x128xf32, #tpu.memory_space<vmem_shared>>) dst(%dma_wait3A_1135 : memref<25x128xf32, #tpu.memory_space<vmem>>)
    %mul3A_1138 = arith.constant 625 : i32
    %mul3A_1139 = arith.muli %arg1, %mul3A_1138 : i32
    %add3A_1140 = arith.constant 275 : i32
    %add3A_1141 = arith.addi %mul3A_1139, %add3A_1140 : i32
    %dma_wait3A_1142 = arith.constant 0 : i32
    %dma_wait3A_1143 = arith.constant 0 : i32
    %dma_wait3A_1144 = tpu.memref_slice %arg9[%dma_wait3A_1142, %dma_wait3A_1143] : memref<40x128xf32, #tpu.memory_space<vmem>> -> memref<25x128xf32, #tpu.memory_space<vmem>>
    %dma_wait3A_1145 = arith.constant 0 : i32
    %dma_wait3A_1146 = tpu.memref_slice %arg5[%arg0, %add3A_1141, %dma_wait3A_1145] : memref<2x10000x128xf32, #tpu.memory_space<hbm>> -> memref<1x25x128xf32, #tpu.memory_space<hbm>>
    %dma_wait3A_1147 = tpu.memref_squeeze %dma_wait3A_1146 : memref<1x25x128xf32, #tpu.memory_space<hbm>> -> memref<25x128xf32, #tpu.memory_space<hbm>>
    %dma_wait3A_1148 = arith.constant 0 : i32
    %dma_wait3A_1149 = tpu.memref_slice %arg5[%arg0, %add3A_1141, %dma_wait3A_1148] : memref<2x10000x128xf32, #tpu.memory_space<hbm>> -> memref<1x25x128xf32, #tpu.memory_space<hbm>>
    %dma_wait3A_1150 = tpu.memref_squeeze %dma_wait3A_1149 : memref<1x25x128xf32, #tpu.memory_space<hbm>> -> memref<25x128xf32, #tpu.memory_space<hbm>>
    %dma_wait3A_1151 = arith.constant 0 : i32
    %dma_wait3A_1152 = arith.constant 0 : i32
    %dma_wait3A_1153 = tpu.memref_slice %arg9[%dma_wait3A_1151, %dma_wait3A_1152] : memref<40x128xf32, #tpu.memory_space<vmem>> -> memref<25x128xf32, #tpu.memory_space<vmem>>
    tpu.wait_dma2 semaphore(%arg21 : memref<!tpu.dma_semaphore, #tpu.memory_space<semaphore_mem>>) src(%dma_wait3A_1153 : memref<25x128xf32, #tpu.memory_space<vmem>>) dst(%dma_wait3A_1150 : memref<25x128xf32, #tpu.memory_space<hbm>>)
    %mul3A_1154 = arith.constant 625 : i32
    %mul3A_1155 = arith.muli %arg1, %mul3A_1154 : i32
    %add3A_1156 = arith.constant 325 : i32
    %add3A_1157 = arith.addi %mul3A_1155, %add3A_1156 : i32
    %dma_start3A_1158 = arith.constant 0 : i32
    %dma_start3A_1159 = arith.constant 0 : i32
    %dma_start3A_1160 = tpu.memref_slice %arg9[%dma_start3A_1158, %dma_start3A_1159] : memref<40x128xf32, #tpu.memory_space<vmem>> -> memref<25x128xf32, #tpu.memory_space<vmem>>
    %dma_start3A_1161 = arith.constant 0 : i32
    %dma_start3A_1162 = tpu.memref_slice %arg26[%add3A_1157, %dma_start3A_1161] : memref<10000x128xf32, #tpu.memory_space<vmem_shared>> -> memref<25x128xf32, #tpu.memory_space<vmem_shared>>
    %dma_start3A_1163 = arith.constant 0 : i32
    %dma_start3A_1164 = arith.constant 0 : i32
    %dma_start3A_1165 = tpu.memref_slice %arg9[%dma_start3A_1163, %dma_start3A_1164] : memref<40x128xf32, #tpu.memory_space<vmem>> -> memref<25x128xf32, #tpu.memory_space<vmem>>
    %dma_start3A_1166 = arith.constant 0 : i32
    %dma_start3A_1167 = tpu.memref_slice %arg26[%add3A_1157, %dma_start3A_1166] : memref<10000x128xf32, #tpu.memory_space<vmem_shared>> -> memref<25x128xf32, #tpu.memory_space<vmem_shared>>
    tpu.enqueue_dma source(%dma_start3A_1167 : memref<25x128xf32, #tpu.memory_space<vmem_shared>>) target(%dma_start3A_1165 : memref<25x128xf32, #tpu.memory_space<vmem>>) target_semaphore(%arg15 : memref<!tpu.dma_semaphore, #tpu.memory_space<semaphore_mem>>)
    %mul3A_1168 = arith.constant 625 : i32
    %mul3A_1169 = arith.muli %arg1, %mul3A_1168 : i32
    %add3A_1170 = arith.constant 300 : i32
    %add3A_1171 = arith.addi %mul3A_1169, %add3A_1170 : i32
    %dma_start3A_1172 = arith.constant 0 : i32
    %dma_start3A_1173 = arith.constant 0 : i32
    %dma_start3A_1174 = tpu.memref_slice %arg8[%dma_start3A_1172, %dma_start3A_1173] : memref<40x128xf32, #tpu.memory_space<vmem>> -> memref<25x128xf32, #tpu.memory_space<vmem>>
    %dma_start3A_1175 = arith.constant 0 : i32
    %dma_start3A_1176 = tpu.memref_slice %arg5[%arg0, %add3A_1171, %dma_start3A_1175] : memref<2x10000x128xf32, #tpu.memory_space<hbm>> -> memref<1x25x128xf32, #tpu.memory_space<hbm>>
    %dma_start3A_1177 = tpu.memref_squeeze %dma_start3A_1176 : memref<1x25x128xf32, #tpu.memory_space<hbm>> -> memref<25x128xf32, #tpu.memory_space<hbm>>
    %dma_start3A_1178 = arith.constant 0 : i32
    %dma_start3A_1179 = tpu.memref_slice %arg5[%arg0, %add3A_1171, %dma_start3A_1178] : memref<2x10000x128xf32, #tpu.memory_space<hbm>> -> memref<1x25x128xf32, #tpu.memory_space<hbm>>
    %dma_start3A_1180 = tpu.memref_squeeze %dma_start3A_1179 : memref<1x25x128xf32, #tpu.memory_space<hbm>> -> memref<25x128xf32, #tpu.memory_space<hbm>>
    %dma_start3A_1181 = arith.constant 0 : i32
    %dma_start3A_1182 = arith.constant 0 : i32
    %dma_start3A_1183 = tpu.memref_slice %arg8[%dma_start3A_1181, %dma_start3A_1182] : memref<40x128xf32, #tpu.memory_space<vmem>> -> memref<25x128xf32, #tpu.memory_space<vmem>>
    tpu.enqueue_dma source(%dma_start3A_1183 : memref<25x128xf32, #tpu.memory_space<vmem>>) target(%dma_start3A_1180 : memref<25x128xf32, #tpu.memory_space<hbm>>) target_semaphore(%arg20 : memref<!tpu.dma_semaphore, #tpu.memory_space<semaphore_mem>>)
    %mul3A_1184 = arith.constant 625 : i32
    %mul3A_1185 = arith.muli %arg1, %mul3A_1184 : i32
    %add3A_1186 = arith.constant 325 : i32
    %add3A_1187 = arith.addi %mul3A_1185, %add3A_1186 : i32
    %dma_wait3A_1188 = arith.constant 0 : i32
    %dma_wait3A_1189 = arith.constant 0 : i32
    %dma_wait3A_1190 = tpu.memref_slice %arg9[%dma_wait3A_1188, %dma_wait3A_1189] : memref<40x128xf32, #tpu.memory_space<vmem>> -> memref<25x128xf32, #tpu.memory_space<vmem>>
    %dma_wait3A_1191 = arith.constant 0 : i32
    %dma_wait3A_1192 = tpu.memref_slice %arg26[%add3A_1187, %dma_wait3A_1191] : memref<10000x128xf32, #tpu.memory_space<vmem_shared>> -> memref<25x128xf32, #tpu.memory_space<vmem_shared>>
    %dma_wait3A_1193 = arith.constant 0 : i32
    %dma_wait3A_1194 = arith.constant 0 : i32
    %dma_wait3A_1195 = tpu.memref_slice %arg9[%dma_wait3A_1193, %dma_wait3A_1194] : memref<40x128xf32, #tpu.memory_space<vmem>> -> memref<25x128xf32, #tpu.memory_space<vmem>>
    %dma_wait3A_1196 = arith.constant 0 : i32
    %dma_wait3A_1197 = tpu.memref_slice %arg26[%add3A_1187, %dma_wait3A_1196] : memref<10000x128xf32, #tpu.memory_space<vmem_shared>> -> memref<25x128xf32, #tpu.memory_space<vmem_shared>>
    tpu.wait_dma2 semaphore(%arg15 : memref<!tpu.dma_semaphore, #tpu.memory_space<semaphore_mem>>) src(%dma_wait3A_1197 : memref<25x128xf32, #tpu.memory_space<vmem_shared>>) dst(%dma_wait3A_1195 : memref<25x128xf32, #tpu.memory_space<vmem>>)
    %mul3A_1198 = arith.constant 625 : i32
    %mul3A_1199 = arith.muli %arg1, %mul3A_1198 : i32
    %add3A_1200 = arith.constant 300 : i32
    %add3A_1201 = arith.addi %mul3A_1199, %add3A_1200 : i32
    %dma_wait3A_1202 = arith.constant 0 : i32
    %dma_wait3A_1203 = arith.constant 0 : i32
    %dma_wait3A_1204 = tpu.memref_slice %arg8[%dma_wait3A_1202, %dma_wait3A_1203] : memref<40x128xf32, #tpu.memory_space<vmem>> -> memref<25x128xf32, #tpu.memory_space<vmem>>
    %dma_wait3A_1205 = arith.constant 0 : i32
    %dma_wait3A_1206 = tpu.memref_slice %arg5[%arg0, %add3A_1201, %dma_wait3A_1205] : memref<2x10000x128xf32, #tpu.memory_space<hbm>> -> memref<1x25x128xf32, #tpu.memory_space<hbm>>
    %dma_wait3A_1207 = tpu.memref_squeeze %dma_wait3A_1206 : memref<1x25x128xf32, #tpu.memory_space<hbm>> -> memref<25x128xf32, #tpu.memory_space<hbm>>
    %dma_wait3A_1208 = arith.constant 0 : i32
    %dma_wait3A_1209 = tpu.memref_slice %arg5[%arg0, %add3A_1201, %dma_wait3A_1208] : memref<2x10000x128xf32, #tpu.memory_space<hbm>> -> memref<1x25x128xf32, #tpu.memory_space<hbm>>
    %dma_wait3A_1210 = tpu.memref_squeeze %dma_wait3A_1209 : memref<1x25x128xf32, #tpu.memory_space<hbm>> -> memref<25x128xf32, #tpu.memory_space<hbm>>
    %dma_wait3A_1211 = arith.constant 0 : i32
    %dma_wait3A_1212 = arith.constant 0 : i32
    %dma_wait3A_1213 = tpu.memref_slice %arg8[%dma_wait3A_1211, %dma_wait3A_1212] : memref<40x128xf32, #tpu.memory_space<vmem>> -> memref<25x128xf32, #tpu.memory_space<vmem>>
    tpu.wait_dma2 semaphore(%arg20 : memref<!tpu.dma_semaphore, #tpu.memory_space<semaphore_mem>>) src(%dma_wait3A_1213 : memref<25x128xf32, #tpu.memory_space<vmem>>) dst(%dma_wait3A_1210 : memref<25x128xf32, #tpu.memory_space<hbm>>)
    %mul3A_1214 = arith.constant 625 : i32
    %mul3A_1215 = arith.muli %arg1, %mul3A_1214 : i32
    %add3A_1216 = arith.constant 350 : i32
    %add3A_1217 = arith.addi %mul3A_1215, %add3A_1216 : i32
    %dma_start3A_1218 = arith.constant 0 : i32
    %dma_start3A_1219 = arith.constant 0 : i32
    %dma_start3A_1220 = tpu.memref_slice %arg8[%dma_start3A_1218, %dma_start3A_1219] : memref<40x128xf32, #tpu.memory_space<vmem>> -> memref<25x128xf32, #tpu.memory_space<vmem>>
    %dma_start3A_1221 = arith.constant 0 : i32
    %dma_start3A_1222 = tpu.memref_slice %arg26[%add3A_1217, %dma_start3A_1221] : memref<10000x128xf32, #tpu.memory_space<vmem_shared>> -> memref<25x128xf32, #tpu.memory_space<vmem_shared>>
    %dma_start3A_1223 = arith.constant 0 : i32
    %dma_start3A_1224 = arith.constant 0 : i32
    %dma_start3A_1225 = tpu.memref_slice %arg8[%dma_start3A_1223, %dma_start3A_1224] : memref<40x128xf32, #tpu.memory_space<vmem>> -> memref<25x128xf32, #tpu.memory_space<vmem>>
    %dma_start3A_1226 = arith.constant 0 : i32
    %dma_start3A_1227 = tpu.memref_slice %arg26[%add3A_1217, %dma_start3A_1226] : memref<10000x128xf32, #tpu.memory_space<vmem_shared>> -> memref<25x128xf32, #tpu.memory_space<vmem_shared>>
    tpu.enqueue_dma source(%dma_start3A_1227 : memref<25x128xf32, #tpu.memory_space<vmem_shared>>) target(%dma_start3A_1225 : memref<25x128xf32, #tpu.memory_space<vmem>>) target_semaphore(%arg14 : memref<!tpu.dma_semaphore, #tpu.memory_space<semaphore_mem>>)
    %mul3A_1228 = arith.constant 625 : i32
    %mul3A_1229 = arith.muli %arg1, %mul3A_1228 : i32
    %add3A_1230 = arith.constant 325 : i32
    %add3A_1231 = arith.addi %mul3A_1229, %add3A_1230 : i32
    %dma_start3A_1232 = arith.constant 0 : i32
    %dma_start3A_1233 = arith.constant 0 : i32
    %dma_start3A_1234 = tpu.memref_slice %arg9[%dma_start3A_1232, %dma_start3A_1233] : memref<40x128xf32, #tpu.memory_space<vmem>> -> memref<25x128xf32, #tpu.memory_space<vmem>>
    %dma_start3A_1235 = arith.constant 0 : i32
    %dma_start3A_1236 = tpu.memref_slice %arg5[%arg0, %add3A_1231, %dma_start3A_1235] : memref<2x10000x128xf32, #tpu.memory_space<hbm>> -> memref<1x25x128xf32, #tpu.memory_space<hbm>>
    %dma_start3A_1237 = tpu.memref_squeeze %dma_start3A_1236 : memref<1x25x128xf32, #tpu.memory_space<hbm>> -> memref<25x128xf32, #tpu.memory_space<hbm>>
    %dma_start3A_1238 = arith.constant 0 : i32
    %dma_start3A_1239 = tpu.memref_slice %arg5[%arg0, %add3A_1231, %dma_start3A_1238] : memref<2x10000x128xf32, #tpu.memory_space<hbm>> -> memref<1x25x128xf32, #tpu.memory_space<hbm>>
    %dma_start3A_1240 = tpu.memref_squeeze %dma_start3A_1239 : memref<1x25x128xf32, #tpu.memory_space<hbm>> -> memref<25x128xf32, #tpu.memory_space<hbm>>
    %dma_start3A_1241 = arith.constant 0 : i32
    %dma_start3A_1242 = arith.constant 0 : i32
    %dma_start3A_1243 = tpu.memref_slice %arg9[%dma_start3A_1241, %dma_start3A_1242] : memref<40x128xf32, #tpu.memory_space<vmem>> -> memref<25x128xf32, #tpu.memory_space<vmem>>
    tpu.enqueue_dma source(%dma_start3A_1243 : memref<25x128xf32, #tpu.memory_space<vmem>>) target(%dma_start3A_1240 : memref<25x128xf32, #tpu.memory_space<hbm>>) target_semaphore(%arg21 : memref<!tpu.dma_semaphore, #tpu.memory_space<semaphore_mem>>)
    %mul3A_1244 = arith.constant 625 : i32
    %mul3A_1245 = arith.muli %arg1, %mul3A_1244 : i32
    %add3A_1246 = arith.constant 350 : i32
    %add3A_1247 = arith.addi %mul3A_1245, %add3A_1246 : i32
    %dma_wait3A_1248 = arith.constant 0 : i32
    %dma_wait3A_1249 = arith.constant 0 : i32
    %dma_wait3A_1250 = tpu.memref_slice %arg8[%dma_wait3A_1248, %dma_wait3A_1249] : memref<40x128xf32, #tpu.memory_space<vmem>> -> memref<25x128xf32, #tpu.memory_space<vmem>>
    %dma_wait3A_1251 = arith.constant 0 : i32
    %dma_wait3A_1252 = tpu.memref_slice %arg26[%add3A_1247, %dma_wait3A_1251] : memref<10000x128xf32, #tpu.memory_space<vmem_shared>> -> memref<25x128xf32, #tpu.memory_space<vmem_shared>>
    %dma_wait3A_1253 = arith.constant 0 : i32
    %dma_wait3A_1254 = arith.constant 0 : i32
    %dma_wait3A_1255 = tpu.memref_slice %arg8[%dma_wait3A_1253, %dma_wait3A_1254] : memref<40x128xf32, #tpu.memory_space<vmem>> -> memref<25x128xf32, #tpu.memory_space<vmem>>
    %dma_wait3A_1256 = arith.constant 0 : i32
    %dma_wait3A_1257 = tpu.memref_slice %arg26[%add3A_1247, %dma_wait3A_1256] : memref<10000x128xf32, #tpu.memory_space<vmem_shared>> -> memref<25x128xf32, #tpu.memory_space<vmem_shared>>
    tpu.wait_dma2 semaphore(%arg14 : memref<!tpu.dma_semaphore, #tpu.memory_space<semaphore_mem>>) src(%dma_wait3A_1257 : memref<25x128xf32, #tpu.memory_space<vmem_shared>>) dst(%dma_wait3A_1255 : memref<25x128xf32, #tpu.memory_space<vmem>>)
    %mul3A_1258 = arith.constant 625 : i32
    %mul3A_1259 = arith.muli %arg1, %mul3A_1258 : i32
    %add3A_1260 = arith.constant 325 : i32
    %add3A_1261 = arith.addi %mul3A_1259, %add3A_1260 : i32
    %dma_wait3A_1262 = arith.constant 0 : i32
    %dma_wait3A_1263 = arith.constant 0 : i32
    %dma_wait3A_1264 = tpu.memref_slice %arg9[%dma_wait3A_1262, %dma_wait3A_1263] : memref<40x128xf32, #tpu.memory_space<vmem>> -> memref<25x128xf32, #tpu.memory_space<vmem>>
    %dma_wait3A_1265 = arith.constant 0 : i32
    %dma_wait3A_1266 = tpu.memref_slice %arg5[%arg0, %add3A_1261, %dma_wait3A_1265] : memref<2x10000x128xf32, #tpu.memory_space<hbm>> -> memref<1x25x128xf32, #tpu.memory_space<hbm>>
    %dma_wait3A_1267 = tpu.memref_squeeze %dma_wait3A_1266 : memref<1x25x128xf32, #tpu.memory_space<hbm>> -> memref<25x128xf32, #tpu.memory_space<hbm>>
    %dma_wait3A_1268 = arith.constant 0 : i32
    %dma_wait3A_1269 = tpu.memref_slice %arg5[%arg0, %add3A_1261, %dma_wait3A_1268] : memref<2x10000x128xf32, #tpu.memory_space<hbm>> -> memref<1x25x128xf32, #tpu.memory_space<hbm>>
    %dma_wait3A_1270 = tpu.memref_squeeze %dma_wait3A_1269 : memref<1x25x128xf32, #tpu.memory_space<hbm>> -> memref<25x128xf32, #tpu.memory_space<hbm>>
    %dma_wait3A_1271 = arith.constant 0 : i32
    %dma_wait3A_1272 = arith.constant 0 : i32
    %dma_wait3A_1273 = tpu.memref_slice %arg9[%dma_wait3A_1271, %dma_wait3A_1272] : memref<40x128xf32, #tpu.memory_space<vmem>> -> memref<25x128xf32, #tpu.memory_space<vmem>>
    tpu.wait_dma2 semaphore(%arg21 : memref<!tpu.dma_semaphore, #tpu.memory_space<semaphore_mem>>) src(%dma_wait3A_1273 : memref<25x128xf32, #tpu.memory_space<vmem>>) dst(%dma_wait3A_1270 : memref<25x128xf32, #tpu.memory_space<hbm>>)
    %mul3A_1274 = arith.constant 625 : i32
    %mul3A_1275 = arith.muli %arg1, %mul3A_1274 : i32
    %add3A_1276 = arith.constant 375 : i32
    %add3A_1277 = arith.addi %mul3A_1275, %add3A_1276 : i32
    %dma_start3A_1278 = arith.constant 0 : i32
    %dma_start3A_1279 = arith.constant 0 : i32
    %dma_start3A_1280 = tpu.memref_slice %arg9[%dma_start3A_1278, %dma_start3A_1279] : memref<40x128xf32, #tpu.memory_space<vmem>> -> memref<25x128xf32, #tpu.memory_space<vmem>>
    %dma_start3A_1281 = arith.constant 0 : i32
    %dma_start3A_1282 = tpu.memref_slice %arg26[%add3A_1277, %dma_start3A_1281] : memref<10000x128xf32, #tpu.memory_space<vmem_shared>> -> memref<25x128xf32, #tpu.memory_space<vmem_shared>>
    %dma_start3A_1283 = arith.constant 0 : i32
    %dma_start3A_1284 = arith.constant 0 : i32
    %dma_start3A_1285 = tpu.memref_slice %arg9[%dma_start3A_1283, %dma_start3A_1284] : memref<40x128xf32, #tpu.memory_space<vmem>> -> memref<25x128xf32, #tpu.memory_space<vmem>>
    %dma_start3A_1286 = arith.constant 0 : i32
    %dma_start3A_1287 = tpu.memref_slice %arg26[%add3A_1277, %dma_start3A_1286] : memref<10000x128xf32, #tpu.memory_space<vmem_shared>> -> memref<25x128xf32, #tpu.memory_space<vmem_shared>>
    tpu.enqueue_dma source(%dma_start3A_1287 : memref<25x128xf32, #tpu.memory_space<vmem_shared>>) target(%dma_start3A_1285 : memref<25x128xf32, #tpu.memory_space<vmem>>) target_semaphore(%arg15 : memref<!tpu.dma_semaphore, #tpu.memory_space<semaphore_mem>>)
    %mul3A_1288 = arith.constant 625 : i32
    %mul3A_1289 = arith.muli %arg1, %mul3A_1288 : i32
    %add3A_1290 = arith.constant 350 : i32
    %add3A_1291 = arith.addi %mul3A_1289, %add3A_1290 : i32
    %dma_start3A_1292 = arith.constant 0 : i32
    %dma_start3A_1293 = arith.constant 0 : i32
    %dma_start3A_1294 = tpu.memref_slice %arg8[%dma_start3A_1292, %dma_start3A_1293] : memref<40x128xf32, #tpu.memory_space<vmem>> -> memref<25x128xf32, #tpu.memory_space<vmem>>
    %dma_start3A_1295 = arith.constant 0 : i32
    %dma_start3A_1296 = tpu.memref_slice %arg5[%arg0, %add3A_1291, %dma_start3A_1295] : memref<2x10000x128xf32, #tpu.memory_space<hbm>> -> memref<1x25x128xf32, #tpu.memory_space<hbm>>
    %dma_start3A_1297 = tpu.memref_squeeze %dma_start3A_1296 : memref<1x25x128xf32, #tpu.memory_space<hbm>> -> memref<25x128xf32, #tpu.memory_space<hbm>>
    %dma_start3A_1298 = arith.constant 0 : i32
    %dma_start3A_1299 = tpu.memref_slice %arg5[%arg0, %add3A_1291, %dma_start3A_1298] : memref<2x10000x128xf32, #tpu.memory_space<hbm>> -> memref<1x25x128xf32, #tpu.memory_space<hbm>>
    %dma_start3A_1300 = tpu.memref_squeeze %dma_start3A_1299 : memref<1x25x128xf32, #tpu.memory_space<hbm>> -> memref<25x128xf32, #tpu.memory_space<hbm>>
    %dma_start3A_1301 = arith.constant 0 : i32
    %dma_start3A_1302 = arith.constant 0 : i32
    %dma_start3A_1303 = tpu.memref_slice %arg8[%dma_start3A_1301, %dma_start3A_1302] : memref<40x128xf32, #tpu.memory_space<vmem>> -> memref<25x128xf32, #tpu.memory_space<vmem>>
    tpu.enqueue_dma source(%dma_start3A_1303 : memref<25x128xf32, #tpu.memory_space<vmem>>) target(%dma_start3A_1300 : memref<25x128xf32, #tpu.memory_space<hbm>>) target_semaphore(%arg20 : memref<!tpu.dma_semaphore, #tpu.memory_space<semaphore_mem>>)
    %mul3A_1304 = arith.constant 625 : i32
    %mul3A_1305 = arith.muli %arg1, %mul3A_1304 : i32
    %add3A_1306 = arith.constant 375 : i32
    %add3A_1307 = arith.addi %mul3A_1305, %add3A_1306 : i32
    %dma_wait3A_1308 = arith.constant 0 : i32
    %dma_wait3A_1309 = arith.constant 0 : i32
    %dma_wait3A_1310 = tpu.memref_slice %arg9[%dma_wait3A_1308, %dma_wait3A_1309] : memref<40x128xf32, #tpu.memory_space<vmem>> -> memref<25x128xf32, #tpu.memory_space<vmem>>
    %dma_wait3A_1311 = arith.constant 0 : i32
    %dma_wait3A_1312 = tpu.memref_slice %arg26[%add3A_1307, %dma_wait3A_1311] : memref<10000x128xf32, #tpu.memory_space<vmem_shared>> -> memref<25x128xf32, #tpu.memory_space<vmem_shared>>
    %dma_wait3A_1313 = arith.constant 0 : i32
    %dma_wait3A_1314 = arith.constant 0 : i32
    %dma_wait3A_1315 = tpu.memref_slice %arg9[%dma_wait3A_1313, %dma_wait3A_1314] : memref<40x128xf32, #tpu.memory_space<vmem>> -> memref<25x128xf32, #tpu.memory_space<vmem>>
    %dma_wait3A_1316 = arith.constant 0 : i32
    %dma_wait3A_1317 = tpu.memref_slice %arg26[%add3A_1307, %dma_wait3A_1316] : memref<10000x128xf32, #tpu.memory_space<vmem_shared>> -> memref<25x128xf32, #tpu.memory_space<vmem_shared>>
    tpu.wait_dma2 semaphore(%arg15 : memref<!tpu.dma_semaphore, #tpu.memory_space<semaphore_mem>>) src(%dma_wait3A_1317 : memref<25x128xf32, #tpu.memory_space<vmem_shared>>) dst(%dma_wait3A_1315 : memref<25x128xf32, #tpu.memory_space<vmem>>)
    %mul3A_1318 = arith.constant 625 : i32
    %mul3A_1319 = arith.muli %arg1, %mul3A_1318 : i32
    %add3A_1320 = arith.constant 350 : i32
    %add3A_1321 = arith.addi %mul3A_1319, %add3A_1320 : i32
    %dma_wait3A_1322 = arith.constant 0 : i32
    %dma_wait3A_1323 = arith.constant 0 : i32
    %dma_wait3A_1324 = tpu.memref_slice %arg8[%dma_wait3A_1322, %dma_wait3A_1323] : memref<40x128xf32, #tpu.memory_space<vmem>> -> memref<25x128xf32, #tpu.memory_space<vmem>>
    %dma_wait3A_1325 = arith.constant 0 : i32
    %dma_wait3A_1326 = tpu.memref_slice %arg5[%arg0, %add3A_1321, %dma_wait3A_1325] : memref<2x10000x128xf32, #tpu.memory_space<hbm>> -> memref<1x25x128xf32, #tpu.memory_space<hbm>>
    %dma_wait3A_1327 = tpu.memref_squeeze %dma_wait3A_1326 : memref<1x25x128xf32, #tpu.memory_space<hbm>> -> memref<25x128xf32, #tpu.memory_space<hbm>>
    %dma_wait3A_1328 = arith.constant 0 : i32
    %dma_wait3A_1329 = tpu.memref_slice %arg5[%arg0, %add3A_1321, %dma_wait3A_1328] : memref<2x10000x128xf32, #tpu.memory_space<hbm>> -> memref<1x25x128xf32, #tpu.memory_space<hbm>>
    %dma_wait3A_1330 = tpu.memref_squeeze %dma_wait3A_1329 : memref<1x25x128xf32, #tpu.memory_space<hbm>> -> memref<25x128xf32, #tpu.memory_space<hbm>>
    %dma_wait3A_1331 = arith.constant 0 : i32
    %dma_wait3A_1332 = arith.constant 0 : i32
    %dma_wait3A_1333 = tpu.memref_slice %arg8[%dma_wait3A_1331, %dma_wait3A_1332] : memref<40x128xf32, #tpu.memory_space<vmem>> -> memref<25x128xf32, #tpu.memory_space<vmem>>
    tpu.wait_dma2 semaphore(%arg20 : memref<!tpu.dma_semaphore, #tpu.memory_space<semaphore_mem>>) src(%dma_wait3A_1333 : memref<25x128xf32, #tpu.memory_space<vmem>>) dst(%dma_wait3A_1330 : memref<25x128xf32, #tpu.memory_space<hbm>>)
    %mul3A_1334 = arith.constant 625 : i32
    %mul3A_1335 = arith.muli %arg1, %mul3A_1334 : i32
    %add3A_1336 = arith.constant 400 : i32
    %add3A_1337 = arith.addi %mul3A_1335, %add3A_1336 : i32
    %dma_start3A_1338 = arith.constant 0 : i32
    %dma_start3A_1339 = arith.constant 0 : i32
    %dma_start3A_1340 = tpu.memref_slice %arg8[%dma_start3A_1338, %dma_start3A_1339] : memref<40x128xf32, #tpu.memory_space<vmem>> -> memref<25x128xf32, #tpu.memory_space<vmem>>
    %dma_start3A_1341 = arith.constant 0 : i32
    %dma_start3A_1342 = tpu.memref_slice %arg26[%add3A_1337, %dma_start3A_1341] : memref<10000x128xf32, #tpu.memory_space<vmem_shared>> -> memref<25x128xf32, #tpu.memory_space<vmem_shared>>
    %dma_start3A_1343 = arith.constant 0 : i32
    %dma_start3A_1344 = arith.constant 0 : i32
    %dma_start3A_1345 = tpu.memref_slice %arg8[%dma_start3A_1343, %dma_start3A_1344] : memref<40x128xf32, #tpu.memory_space<vmem>> -> memref<25x128xf32, #tpu.memory_space<vmem>>
    %dma_start3A_1346 = arith.constant 0 : i32
    %dma_start3A_1347 = tpu.memref_slice %arg26[%add3A_1337, %dma_start3A_1346] : memref<10000x128xf32, #tpu.memory_space<vmem_shared>> -> memref<25x128xf32, #tpu.memory_space<vmem_shared>>
    tpu.enqueue_dma source(%dma_start3A_1347 : memref<25x128xf32, #tpu.memory_space<vmem_shared>>) target(%dma_start3A_1345 : memref<25x128xf32, #tpu.memory_space<vmem>>) target_semaphore(%arg14 : memref<!tpu.dma_semaphore, #tpu.memory_space<semaphore_mem>>)
    %mul3A_1348 = arith.constant 625 : i32
    %mul3A_1349 = arith.muli %arg1, %mul3A_1348 : i32
    %add3A_1350 = arith.constant 375 : i32
    %add3A_1351 = arith.addi %mul3A_1349, %add3A_1350 : i32
    %dma_start3A_1352 = arith.constant 0 : i32
    %dma_start3A_1353 = arith.constant 0 : i32
    %dma_start3A_1354 = tpu.memref_slice %arg9[%dma_start3A_1352, %dma_start3A_1353] : memref<40x128xf32, #tpu.memory_space<vmem>> -> memref<25x128xf32, #tpu.memory_space<vmem>>
    %dma_start3A_1355 = arith.constant 0 : i32
    %dma_start3A_1356 = tpu.memref_slice %arg5[%arg0, %add3A_1351, %dma_start3A_1355] : memref<2x10000x128xf32, #tpu.memory_space<hbm>> -> memref<1x25x128xf32, #tpu.memory_space<hbm>>
    %dma_start3A_1357 = tpu.memref_squeeze %dma_start3A_1356 : memref<1x25x128xf32, #tpu.memory_space<hbm>> -> memref<25x128xf32, #tpu.memory_space<hbm>>
    %dma_start3A_1358 = arith.constant 0 : i32
    %dma_start3A_1359 = tpu.memref_slice %arg5[%arg0, %add3A_1351, %dma_start3A_1358] : memref<2x10000x128xf32, #tpu.memory_space<hbm>> -> memref<1x25x128xf32, #tpu.memory_space<hbm>>
    %dma_start3A_1360 = tpu.memref_squeeze %dma_start3A_1359 : memref<1x25x128xf32, #tpu.memory_space<hbm>> -> memref<25x128xf32, #tpu.memory_space<hbm>>
    %dma_start3A_1361 = arith.constant 0 : i32
    %dma_start3A_1362 = arith.constant 0 : i32
    %dma_start3A_1363 = tpu.memref_slice %arg9[%dma_start3A_1361, %dma_start3A_1362] : memref<40x128xf32, #tpu.memory_space<vmem>> -> memref<25x128xf32, #tpu.memory_space<vmem>>
    tpu.enqueue_dma source(%dma_start3A_1363 : memref<25x128xf32, #tpu.memory_space<vmem>>) target(%dma_start3A_1360 : memref<25x128xf32, #tpu.memory_space<hbm>>) target_semaphore(%arg21 : memref<!tpu.dma_semaphore, #tpu.memory_space<semaphore_mem>>)
    %mul3A_1364 = arith.constant 625 : i32
    %mul3A_1365 = arith.muli %arg1, %mul3A_1364 : i32
    %add3A_1366 = arith.constant 400 : i32
    %add3A_1367 = arith.addi %mul3A_1365, %add3A_1366 : i32
    %dma_wait3A_1368 = arith.constant 0 : i32
    %dma_wait3A_1369 = arith.constant 0 : i32
    %dma_wait3A_1370 = tpu.memref_slice %arg8[%dma_wait3A_1368, %dma_wait3A_1369] : memref<40x128xf32, #tpu.memory_space<vmem>> -> memref<25x128xf32, #tpu.memory_space<vmem>>
    %dma_wait3A_1371 = arith.constant 0 : i32
    %dma_wait3A_1372 = tpu.memref_slice %arg26[%add3A_1367, %dma_wait3A_1371] : memref<10000x128xf32, #tpu.memory_space<vmem_shared>> -> memref<25x128xf32, #tpu.memory_space<vmem_shared>>
    %dma_wait3A_1373 = arith.constant 0 : i32
    %dma_wait3A_1374 = arith.constant 0 : i32
    %dma_wait3A_1375 = tpu.memref_slice %arg8[%dma_wait3A_1373, %dma_wait3A_1374] : memref<40x128xf32, #tpu.memory_space<vmem>> -> memref<25x128xf32, #tpu.memory_space<vmem>>
    %dma_wait3A_1376 = arith.constant 0 : i32
    %dma_wait3A_1377 = tpu.memref_slice %arg26[%add3A_1367, %dma_wait3A_1376] : memref<10000x128xf32, #tpu.memory_space<vmem_shared>> -> memref<25x128xf32, #tpu.memory_space<vmem_shared>>
    tpu.wait_dma2 semaphore(%arg14 : memref<!tpu.dma_semaphore, #tpu.memory_space<semaphore_mem>>) src(%dma_wait3A_1377 : memref<25x128xf32, #tpu.memory_space<vmem_shared>>) dst(%dma_wait3A_1375 : memref<25x128xf32, #tpu.memory_space<vmem>>)
    %mul3A_1378 = arith.constant 625 : i32
    %mul3A_1379 = arith.muli %arg1, %mul3A_1378 : i32
    %add3A_1380 = arith.constant 375 : i32
    %add3A_1381 = arith.addi %mul3A_1379, %add3A_1380 : i32
    %dma_wait3A_1382 = arith.constant 0 : i32
    %dma_wait3A_1383 = arith.constant 0 : i32
    %dma_wait3A_1384 = tpu.memref_slice %arg9[%dma_wait3A_1382, %dma_wait3A_1383] : memref<40x128xf32, #tpu.memory_space<vmem>> -> memref<25x128xf32, #tpu.memory_space<vmem>>
    %dma_wait3A_1385 = arith.constant 0 : i32
    %dma_wait3A_1386 = tpu.memref_slice %arg5[%arg0, %add3A_1381, %dma_wait3A_1385] : memref<2x10000x128xf32, #tpu.memory_space<hbm>> -> memref<1x25x128xf32, #tpu.memory_space<hbm>>
    %dma_wait3A_1387 = tpu.memref_squeeze %dma_wait3A_1386 : memref<1x25x128xf32, #tpu.memory_space<hbm>> -> memref<25x128xf32, #tpu.memory_space<hbm>>
    %dma_wait3A_1388 = arith.constant 0 : i32
    %dma_wait3A_1389 = tpu.memref_slice %arg5[%arg0, %add3A_1381, %dma_wait3A_1388] : memref<2x10000x128xf32, #tpu.memory_space<hbm>> -> memref<1x25x128xf32, #tpu.memory_space<hbm>>
    %dma_wait3A_1390 = tpu.memref_squeeze %dma_wait3A_1389 : memref<1x25x128xf32, #tpu.memory_space<hbm>> -> memref<25x128xf32, #tpu.memory_space<hbm>>
    %dma_wait3A_1391 = arith.constant 0 : i32
    %dma_wait3A_1392 = arith.constant 0 : i32
    %dma_wait3A_1393 = tpu.memref_slice %arg9[%dma_wait3A_1391, %dma_wait3A_1392] : memref<40x128xf32, #tpu.memory_space<vmem>> -> memref<25x128xf32, #tpu.memory_space<vmem>>
    tpu.wait_dma2 semaphore(%arg21 : memref<!tpu.dma_semaphore, #tpu.memory_space<semaphore_mem>>) src(%dma_wait3A_1393 : memref<25x128xf32, #tpu.memory_space<vmem>>) dst(%dma_wait3A_1390 : memref<25x128xf32, #tpu.memory_space<hbm>>)
    %mul3A_1394 = arith.constant 625 : i32
    %mul3A_1395 = arith.muli %arg1, %mul3A_1394 : i32
    %add3A_1396 = arith.constant 425 : i32
    %add3A_1397 = arith.addi %mul3A_1395, %add3A_1396 : i32
    %dma_start3A_1398 = arith.constant 0 : i32
    %dma_start3A_1399 = arith.constant 0 : i32
    %dma_start3A_1400 = tpu.memref_slice %arg9[%dma_start3A_1398, %dma_start3A_1399] : memref<40x128xf32, #tpu.memory_space<vmem>> -> memref<25x128xf32, #tpu.memory_space<vmem>>
    %dma_start3A_1401 = arith.constant 0 : i32
    %dma_start3A_1402 = tpu.memref_slice %arg26[%add3A_1397, %dma_start3A_1401] : memref<10000x128xf32, #tpu.memory_space<vmem_shared>> -> memref<25x128xf32, #tpu.memory_space<vmem_shared>>
    %dma_start3A_1403 = arith.constant 0 : i32
    %dma_start3A_1404 = arith.constant 0 : i32
    %dma_start3A_1405 = tpu.memref_slice %arg9[%dma_start3A_1403, %dma_start3A_1404] : memref<40x128xf32, #tpu.memory_space<vmem>> -> memref<25x128xf32, #tpu.memory_space<vmem>>
    %dma_start3A_1406 = arith.constant 0 : i32
    %dma_start3A_1407 = tpu.memref_slice %arg26[%add3A_1397, %dma_start3A_1406] : memref<10000x128xf32, #tpu.memory_space<vmem_shared>> -> memref<25x128xf32, #tpu.memory_space<vmem_shared>>
    tpu.enqueue_dma source(%dma_start3A_1407 : memref<25x128xf32, #tpu.memory_space<vmem_shared>>) target(%dma_start3A_1405 : memref<25x128xf32, #tpu.memory_space<vmem>>) target_semaphore(%arg15 : memref<!tpu.dma_semaphore, #tpu.memory_space<semaphore_mem>>)
    %mul3A_1408 = arith.constant 625 : i32
    %mul3A_1409 = arith.muli %arg1, %mul3A_1408 : i32
    %add3A_1410 = arith.constant 400 : i32
    %add3A_1411 = arith.addi %mul3A_1409, %add3A_1410 : i32
    %dma_start3A_1412 = arith.constant 0 : i32
    %dma_start3A_1413 = arith.constant 0 : i32
    %dma_start3A_1414 = tpu.memref_slice %arg8[%dma_start3A_1412, %dma_start3A_1413] : memref<40x128xf32, #tpu.memory_space<vmem>> -> memref<25x128xf32, #tpu.memory_space<vmem>>
    %dma_start3A_1415 = arith.constant 0 : i32
    %dma_start3A_1416 = tpu.memref_slice %arg5[%arg0, %add3A_1411, %dma_start3A_1415] : memref<2x10000x128xf32, #tpu.memory_space<hbm>> -> memref<1x25x128xf32, #tpu.memory_space<hbm>>
    %dma_start3A_1417 = tpu.memref_squeeze %dma_start3A_1416 : memref<1x25x128xf32, #tpu.memory_space<hbm>> -> memref<25x128xf32, #tpu.memory_space<hbm>>
    %dma_start3A_1418 = arith.constant 0 : i32
    %dma_start3A_1419 = tpu.memref_slice %arg5[%arg0, %add3A_1411, %dma_start3A_1418] : memref<2x10000x128xf32, #tpu.memory_space<hbm>> -> memref<1x25x128xf32, #tpu.memory_space<hbm>>
    %dma_start3A_1420 = tpu.memref_squeeze %dma_start3A_1419 : memref<1x25x128xf32, #tpu.memory_space<hbm>> -> memref<25x128xf32, #tpu.memory_space<hbm>>
    %dma_start3A_1421 = arith.constant 0 : i32
    %dma_start3A_1422 = arith.constant 0 : i32
    %dma_start3A_1423 = tpu.memref_slice %arg8[%dma_start3A_1421, %dma_start3A_1422] : memref<40x128xf32, #tpu.memory_space<vmem>> -> memref<25x128xf32, #tpu.memory_space<vmem>>
    tpu.enqueue_dma source(%dma_start3A_1423 : memref<25x128xf32, #tpu.memory_space<vmem>>) target(%dma_start3A_1420 : memref<25x128xf32, #tpu.memory_space<hbm>>) target_semaphore(%arg20 : memref<!tpu.dma_semaphore, #tpu.memory_space<semaphore_mem>>)
    %mul3A_1424 = arith.constant 625 : i32
    %mul3A_1425 = arith.muli %arg1, %mul3A_1424 : i32
    %add3A_1426 = arith.constant 425 : i32
    %add3A_1427 = arith.addi %mul3A_1425, %add3A_1426 : i32
    %dma_wait3A_1428 = arith.constant 0 : i32
    %dma_wait3A_1429 = arith.constant 0 : i32
    %dma_wait3A_1430 = tpu.memref_slice %arg9[%dma_wait3A_1428, %dma_wait3A_1429] : memref<40x128xf32, #tpu.memory_space<vmem>> -> memref<25x128xf32, #tpu.memory_space<vmem>>
    %dma_wait3A_1431 = arith.constant 0 : i32
    %dma_wait3A_1432 = tpu.memref_slice %arg26[%add3A_1427, %dma_wait3A_1431] : memref<10000x128xf32, #tpu.memory_space<vmem_shared>> -> memref<25x128xf32, #tpu.memory_space<vmem_shared>>
    %dma_wait3A_1433 = arith.constant 0 : i32
    %dma_wait3A_1434 = arith.constant 0 : i32
    %dma_wait3A_1435 = tpu.memref_slice %arg9[%dma_wait3A_1433, %dma_wait3A_1434] : memref<40x128xf32, #tpu.memory_space<vmem>> -> memref<25x128xf32, #tpu.memory_space<vmem>>
    %dma_wait3A_1436 = arith.constant 0 : i32
    %dma_wait3A_1437 = tpu.memref_slice %arg26[%add3A_1427, %dma_wait3A_1436] : memref<10000x128xf32, #tpu.memory_space<vmem_shared>> -> memref<25x128xf32, #tpu.memory_space<vmem_shared>>
    tpu.wait_dma2 semaphore(%arg15 : memref<!tpu.dma_semaphore, #tpu.memory_space<semaphore_mem>>) src(%dma_wait3A_1437 : memref<25x128xf32, #tpu.memory_space<vmem_shared>>) dst(%dma_wait3A_1435 : memref<25x128xf32, #tpu.memory_space<vmem>>)
    %mul3A_1438 = arith.constant 625 : i32
    %mul3A_1439 = arith.muli %arg1, %mul3A_1438 : i32
    %add3A_1440 = arith.constant 400 : i32
    %add3A_1441 = arith.addi %mul3A_1439, %add3A_1440 : i32
    %dma_wait3A_1442 = arith.constant 0 : i32
    %dma_wait3A_1443 = arith.constant 0 : i32
    %dma_wait3A_1444 = tpu.memref_slice %arg8[%dma_wait3A_1442, %dma_wait3A_1443] : memref<40x128xf32, #tpu.memory_space<vmem>> -> memref<25x128xf32, #tpu.memory_space<vmem>>
    %dma_wait3A_1445 = arith.constant 0 : i32
    %dma_wait3A_1446 = tpu.memref_slice %arg5[%arg0, %add3A_1441, %dma_wait3A_1445] : memref<2x10000x128xf32, #tpu.memory_space<hbm>> -> memref<1x25x128xf32, #tpu.memory_space<hbm>>
    %dma_wait3A_1447 = tpu.memref_squeeze %dma_wait3A_1446 : memref<1x25x128xf32, #tpu.memory_space<hbm>> -> memref<25x128xf32, #tpu.memory_space<hbm>>
    %dma_wait3A_1448 = arith.constant 0 : i32
    %dma_wait3A_1449 = tpu.memref_slice %arg5[%arg0, %add3A_1441, %dma_wait3A_1448] : memref<2x10000x128xf32, #tpu.memory_space<hbm>> -> memref<1x25x128xf32, #tpu.memory_space<hbm>>
    %dma_wait3A_1450 = tpu.memref_squeeze %dma_wait3A_1449 : memref<1x25x128xf32, #tpu.memory_space<hbm>> -> memref<25x128xf32, #tpu.memory_space<hbm>>
    %dma_wait3A_1451 = arith.constant 0 : i32
    %dma_wait3A_1452 = arith.constant 0 : i32
    %dma_wait3A_1453 = tpu.memref_slice %arg8[%dma_wait3A_1451, %dma_wait3A_1452] : memref<40x128xf32, #tpu.memory_space<vmem>> -> memref<25x128xf32, #tpu.memory_space<vmem>>
    tpu.wait_dma2 semaphore(%arg20 : memref<!tpu.dma_semaphore, #tpu.memory_space<semaphore_mem>>) src(%dma_wait3A_1453 : memref<25x128xf32, #tpu.memory_space<vmem>>) dst(%dma_wait3A_1450 : memref<25x128xf32, #tpu.memory_space<hbm>>)
    %mul3A_1454 = arith.constant 625 : i32
    %mul3A_1455 = arith.muli %arg1, %mul3A_1454 : i32
    %add3A_1456 = arith.constant 450 : i32
    %add3A_1457 = arith.addi %mul3A_1455, %add3A_1456 : i32
    %dma_start3A_1458 = arith.constant 0 : i32
    %dma_start3A_1459 = arith.constant 0 : i32
    %dma_start3A_1460 = tpu.memref_slice %arg8[%dma_start3A_1458, %dma_start3A_1459] : memref<40x128xf32, #tpu.memory_space<vmem>> -> memref<25x128xf32, #tpu.memory_space<vmem>>
    %dma_start3A_1461 = arith.constant 0 : i32
    %dma_start3A_1462 = tpu.memref_slice %arg26[%add3A_1457, %dma_start3A_1461] : memref<10000x128xf32, #tpu.memory_space<vmem_shared>> -> memref<25x128xf32, #tpu.memory_space<vmem_shared>>
    %dma_start3A_1463 = arith.constant 0 : i32
    %dma_start3A_1464 = arith.constant 0 : i32
    %dma_start3A_1465 = tpu.memref_slice %arg8[%dma_start3A_1463, %dma_start3A_1464] : memref<40x128xf32, #tpu.memory_space<vmem>> -> memref<25x128xf32, #tpu.memory_space<vmem>>
    %dma_start3A_1466 = arith.constant 0 : i32
    %dma_start3A_1467 = tpu.memref_slice %arg26[%add3A_1457, %dma_start3A_1466] : memref<10000x128xf32, #tpu.memory_space<vmem_shared>> -> memref<25x128xf32, #tpu.memory_space<vmem_shared>>
    tpu.enqueue_dma source(%dma_start3A_1467 : memref<25x128xf32, #tpu.memory_space<vmem_shared>>) target(%dma_start3A_1465 : memref<25x128xf32, #tpu.memory_space<vmem>>) target_semaphore(%arg14 : memref<!tpu.dma_semaphore, #tpu.memory_space<semaphore_mem>>)
    %mul3A_1468 = arith.constant 625 : i32
    %mul3A_1469 = arith.muli %arg1, %mul3A_1468 : i32
    %add3A_1470 = arith.constant 425 : i32
    %add3A_1471 = arith.addi %mul3A_1469, %add3A_1470 : i32
    %dma_start3A_1472 = arith.constant 0 : i32
    %dma_start3A_1473 = arith.constant 0 : i32
    %dma_start3A_1474 = tpu.memref_slice %arg9[%dma_start3A_1472, %dma_start3A_1473] : memref<40x128xf32, #tpu.memory_space<vmem>> -> memref<25x128xf32, #tpu.memory_space<vmem>>
    %dma_start3A_1475 = arith.constant 0 : i32
    %dma_start3A_1476 = tpu.memref_slice %arg5[%arg0, %add3A_1471, %dma_start3A_1475] : memref<2x10000x128xf32, #tpu.memory_space<hbm>> -> memref<1x25x128xf32, #tpu.memory_space<hbm>>
    %dma_start3A_1477 = tpu.memref_squeeze %dma_start3A_1476 : memref<1x25x128xf32, #tpu.memory_space<hbm>> -> memref<25x128xf32, #tpu.memory_space<hbm>>
    %dma_start3A_1478 = arith.constant 0 : i32
    %dma_start3A_1479 = tpu.memref_slice %arg5[%arg0, %add3A_1471, %dma_start3A_1478] : memref<2x10000x128xf32, #tpu.memory_space<hbm>> -> memref<1x25x128xf32, #tpu.memory_space<hbm>>
    %dma_start3A_1480 = tpu.memref_squeeze %dma_start3A_1479 : memref<1x25x128xf32, #tpu.memory_space<hbm>> -> memref<25x128xf32, #tpu.memory_space<hbm>>
    %dma_start3A_1481 = arith.constant 0 : i32
    %dma_start3A_1482 = arith.constant 0 : i32
    %dma_start3A_1483 = tpu.memref_slice %arg9[%dma_start3A_1481, %dma_start3A_1482] : memref<40x128xf32, #tpu.memory_space<vmem>> -> memref<25x128xf32, #tpu.memory_space<vmem>>
    tpu.enqueue_dma source(%dma_start3A_1483 : memref<25x128xf32, #tpu.memory_space<vmem>>) target(%dma_start3A_1480 : memref<25x128xf32, #tpu.memory_space<hbm>>) target_semaphore(%arg21 : memref<!tpu.dma_semaphore, #tpu.memory_space<semaphore_mem>>)
    %mul3A_1484 = arith.constant 625 : i32
    %mul3A_1485 = arith.muli %arg1, %mul3A_1484 : i32
    %add3A_1486 = arith.constant 450 : i32
    %add3A_1487 = arith.addi %mul3A_1485, %add3A_1486 : i32
    %dma_wait3A_1488 = arith.constant 0 : i32
    %dma_wait3A_1489 = arith.constant 0 : i32
    %dma_wait3A_1490 = tpu.memref_slice %arg8[%dma_wait3A_1488, %dma_wait3A_1489] : memref<40x128xf32, #tpu.memory_space<vmem>> -> memref<25x128xf32, #tpu.memory_space<vmem>>
    %dma_wait3A_1491 = arith.constant 0 : i32
    %dma_wait3A_1492 = tpu.memref_slice %arg26[%add3A_1487, %dma_wait3A_1491] : memref<10000x128xf32, #tpu.memory_space<vmem_shared>> -> memref<25x128xf32, #tpu.memory_space<vmem_shared>>
    %dma_wait3A_1493 = arith.constant 0 : i32
    %dma_wait3A_1494 = arith.constant 0 : i32
    %dma_wait3A_1495 = tpu.memref_slice %arg8[%dma_wait3A_1493, %dma_wait3A_1494] : memref<40x128xf32, #tpu.memory_space<vmem>> -> memref<25x128xf32, #tpu.memory_space<vmem>>
    %dma_wait3A_1496 = arith.constant 0 : i32
    %dma_wait3A_1497 = tpu.memref_slice %arg26[%add3A_1487, %dma_wait3A_1496] : memref<10000x128xf32, #tpu.memory_space<vmem_shared>> -> memref<25x128xf32, #tpu.memory_space<vmem_shared>>
    tpu.wait_dma2 semaphore(%arg14 : memref<!tpu.dma_semaphore, #tpu.memory_space<semaphore_mem>>) src(%dma_wait3A_1497 : memref<25x128xf32, #tpu.memory_space<vmem_shared>>) dst(%dma_wait3A_1495 : memref<25x128xf32, #tpu.memory_space<vmem>>)
    %mul3A_1498 = arith.constant 625 : i32
    %mul3A_1499 = arith.muli %arg1, %mul3A_1498 : i32
    %add3A_1500 = arith.constant 425 : i32
    %add3A_1501 = arith.addi %mul3A_1499, %add3A_1500 : i32
    %dma_wait3A_1502 = arith.constant 0 : i32
    %dma_wait3A_1503 = arith.constant 0 : i32
    %dma_wait3A_1504 = tpu.memref_slice %arg9[%dma_wait3A_1502, %dma_wait3A_1503] : memref<40x128xf32, #tpu.memory_space<vmem>> -> memref<25x128xf32, #tpu.memory_space<vmem>>
    %dma_wait3A_1505 = arith.constant 0 : i32
    %dma_wait3A_1506 = tpu.memref_slice %arg5[%arg0, %add3A_1501, %dma_wait3A_1505] : memref<2x10000x128xf32, #tpu.memory_space<hbm>> -> memref<1x25x128xf32, #tpu.memory_space<hbm>>
    %dma_wait3A_1507 = tpu.memref_squeeze %dma_wait3A_1506 : memref<1x25x128xf32, #tpu.memory_space<hbm>> -> memref<25x128xf32, #tpu.memory_space<hbm>>
    %dma_wait3A_1508 = arith.constant 0 : i32
    %dma_wait3A_1509 = tpu.memref_slice %arg5[%arg0, %add3A_1501, %dma_wait3A_1508] : memref<2x10000x128xf32, #tpu.memory_space<hbm>> -> memref<1x25x128xf32, #tpu.memory_space<hbm>>
    %dma_wait3A_1510 = tpu.memref_squeeze %dma_wait3A_1509 : memref<1x25x128xf32, #tpu.memory_space<hbm>> -> memref<25x128xf32, #tpu.memory_space<hbm>>
    %dma_wait3A_1511 = arith.constant 0 : i32
    %dma_wait3A_1512 = arith.constant 0 : i32
    %dma_wait3A_1513 = tpu.memref_slice %arg9[%dma_wait3A_1511, %dma_wait3A_1512] : memref<40x128xf32, #tpu.memory_space<vmem>> -> memref<25x128xf32, #tpu.memory_space<vmem>>
    tpu.wait_dma2 semaphore(%arg21 : memref<!tpu.dma_semaphore, #tpu.memory_space<semaphore_mem>>) src(%dma_wait3A_1513 : memref<25x128xf32, #tpu.memory_space<vmem>>) dst(%dma_wait3A_1510 : memref<25x128xf32, #tpu.memory_space<hbm>>)
    %mul3A_1514 = arith.constant 625 : i32
    %mul3A_1515 = arith.muli %arg1, %mul3A_1514 : i32
    %add3A_1516 = arith.constant 475 : i32
    %add3A_1517 = arith.addi %mul3A_1515, %add3A_1516 : i32
    %dma_start3A_1518 = arith.constant 0 : i32
    %dma_start3A_1519 = arith.constant 0 : i32
    %dma_start3A_1520 = tpu.memref_slice %arg9[%dma_start3A_1518, %dma_start3A_1519] : memref<40x128xf32, #tpu.memory_space<vmem>> -> memref<25x128xf32, #tpu.memory_space<vmem>>
    %dma_start3A_1521 = arith.constant 0 : i32
    %dma_start3A_1522 = tpu.memref_slice %arg26[%add3A_1517, %dma_start3A_1521] : memref<10000x128xf32, #tpu.memory_space<vmem_shared>> -> memref<25x128xf32, #tpu.memory_space<vmem_shared>>
    %dma_start3A_1523 = arith.constant 0 : i32
    %dma_start3A_1524 = arith.constant 0 : i32
    %dma_start3A_1525 = tpu.memref_slice %arg9[%dma_start3A_1523, %dma_start3A_1524] : memref<40x128xf32, #tpu.memory_space<vmem>> -> memref<25x128xf32, #tpu.memory_space<vmem>>
    %dma_start3A_1526 = arith.constant 0 : i32
    %dma_start3A_1527 = tpu.memref_slice %arg26[%add3A_1517, %dma_start3A_1526] : memref<10000x128xf32, #tpu.memory_space<vmem_shared>> -> memref<25x128xf32, #tpu.memory_space<vmem_shared>>
    tpu.enqueue_dma source(%dma_start3A_1527 : memref<25x128xf32, #tpu.memory_space<vmem_shared>>) target(%dma_start3A_1525 : memref<25x128xf32, #tpu.memory_space<vmem>>) target_semaphore(%arg15 : memref<!tpu.dma_semaphore, #tpu.memory_space<semaphore_mem>>)
    %mul3A_1528 = arith.constant 625 : i32
    %mul3A_1529 = arith.muli %arg1, %mul3A_1528 : i32
    %add3A_1530 = arith.constant 450 : i32
    %add3A_1531 = arith.addi %mul3A_1529, %add3A_1530 : i32
    %dma_start3A_1532 = arith.constant 0 : i32
    %dma_start3A_1533 = arith.constant 0 : i32
    %dma_start3A_1534 = tpu.memref_slice %arg8[%dma_start3A_1532, %dma_start3A_1533] : memref<40x128xf32, #tpu.memory_space<vmem>> -> memref<25x128xf32, #tpu.memory_space<vmem>>
    %dma_start3A_1535 = arith.constant 0 : i32
    %dma_start3A_1536 = tpu.memref_slice %arg5[%arg0, %add3A_1531, %dma_start3A_1535] : memref<2x10000x128xf32, #tpu.memory_space<hbm>> -> memref<1x25x128xf32, #tpu.memory_space<hbm>>
    %dma_start3A_1537 = tpu.memref_squeeze %dma_start3A_1536 : memref<1x25x128xf32, #tpu.memory_space<hbm>> -> memref<25x128xf32, #tpu.memory_space<hbm>>
    %dma_start3A_1538 = arith.constant 0 : i32
    %dma_start3A_1539 = tpu.memref_slice %arg5[%arg0, %add3A_1531, %dma_start3A_1538] : memref<2x10000x128xf32, #tpu.memory_space<hbm>> -> memref<1x25x128xf32, #tpu.memory_space<hbm>>
    %dma_start3A_1540 = tpu.memref_squeeze %dma_start3A_1539 : memref<1x25x128xf32, #tpu.memory_space<hbm>> -> memref<25x128xf32, #tpu.memory_space<hbm>>
    %dma_start3A_1541 = arith.constant 0 : i32
    %dma_start3A_1542 = arith.constant 0 : i32
    %dma_start3A_1543 = tpu.memref_slice %arg8[%dma_start3A_1541, %dma_start3A_1542] : memref<40x128xf32, #tpu.memory_space<vmem>> -> memref<25x128xf32, #tpu.memory_space<vmem>>
    tpu.enqueue_dma source(%dma_start3A_1543 : memref<25x128xf32, #tpu.memory_space<vmem>>) target(%dma_start3A_1540 : memref<25x128xf32, #tpu.memory_space<hbm>>) target_semaphore(%arg20 : memref<!tpu.dma_semaphore, #tpu.memory_space<semaphore_mem>>)
    %mul3A_1544 = arith.constant 625 : i32
    %mul3A_1545 = arith.muli %arg1, %mul3A_1544 : i32
    %add3A_1546 = arith.constant 475 : i32
    %add3A_1547 = arith.addi %mul3A_1545, %add3A_1546 : i32
    %dma_wait3A_1548 = arith.constant 0 : i32
    %dma_wait3A_1549 = arith.constant 0 : i32
    %dma_wait3A_1550 = tpu.memref_slice %arg9[%dma_wait3A_1548, %dma_wait3A_1549] : memref<40x128xf32, #tpu.memory_space<vmem>> -> memref<25x128xf32, #tpu.memory_space<vmem>>
    %dma_wait3A_1551 = arith.constant 0 : i32
    %dma_wait3A_1552 = tpu.memref_slice %arg26[%add3A_1547, %dma_wait3A_1551] : memref<10000x128xf32, #tpu.memory_space<vmem_shared>> -> memref<25x128xf32, #tpu.memory_space<vmem_shared>>
    %dma_wait3A_1553 = arith.constant 0 : i32
    %dma_wait3A_1554 = arith.constant 0 : i32
    %dma_wait3A_1555 = tpu.memref_slice %arg9[%dma_wait3A_1553, %dma_wait3A_1554] : memref<40x128xf32, #tpu.memory_space<vmem>> -> memref<25x128xf32, #tpu.memory_space<vmem>>
    %dma_wait3A_1556 = arith.constant 0 : i32
    %dma_wait3A_1557 = tpu.memref_slice %arg26[%add3A_1547, %dma_wait3A_1556] : memref<10000x128xf32, #tpu.memory_space<vmem_shared>> -> memref<25x128xf32, #tpu.memory_space<vmem_shared>>
    tpu.wait_dma2 semaphore(%arg15 : memref<!tpu.dma_semaphore, #tpu.memory_space<semaphore_mem>>) src(%dma_wait3A_1557 : memref<25x128xf32, #tpu.memory_space<vmem_shared>>) dst(%dma_wait3A_1555 : memref<25x128xf32, #tpu.memory_space<vmem>>)
    %mul3A_1558 = arith.constant 625 : i32
    %mul3A_1559 = arith.muli %arg1, %mul3A_1558 : i32
    %add3A_1560 = arith.constant 450 : i32
    %add3A_1561 = arith.addi %mul3A_1559, %add3A_1560 : i32
    %dma_wait3A_1562 = arith.constant 0 : i32
    %dma_wait3A_1563 = arith.constant 0 : i32
    %dma_wait3A_1564 = tpu.memref_slice %arg8[%dma_wait3A_1562, %dma_wait3A_1563] : memref<40x128xf32, #tpu.memory_space<vmem>> -> memref<25x128xf32, #tpu.memory_space<vmem>>
    %dma_wait3A_1565 = arith.constant 0 : i32
    %dma_wait3A_1566 = tpu.memref_slice %arg5[%arg0, %add3A_1561, %dma_wait3A_1565] : memref<2x10000x128xf32, #tpu.memory_space<hbm>> -> memref<1x25x128xf32, #tpu.memory_space<hbm>>
    %dma_wait3A_1567 = tpu.memref_squeeze %dma_wait3A_1566 : memref<1x25x128xf32, #tpu.memory_space<hbm>> -> memref<25x128xf32, #tpu.memory_space<hbm>>
    %dma_wait3A_1568 = arith.constant 0 : i32
    %dma_wait3A_1569 = tpu.memref_slice %arg5[%arg0, %add3A_1561, %dma_wait3A_1568] : memref<2x10000x128xf32, #tpu.memory_space<hbm>> -> memref<1x25x128xf32, #tpu.memory_space<hbm>>
    %dma_wait3A_1570 = tpu.memref_squeeze %dma_wait3A_1569 : memref<1x25x128xf32, #tpu.memory_space<hbm>> -> memref<25x128xf32, #tpu.memory_space<hbm>>
    %dma_wait3A_1571 = arith.constant 0 : i32
    %dma_wait3A_1572 = arith.constant 0 : i32
    %dma_wait3A_1573 = tpu.memref_slice %arg8[%dma_wait3A_1571, %dma_wait3A_1572] : memref<40x128xf32, #tpu.memory_space<vmem>> -> memref<25x128xf32, #tpu.memory_space<vmem>>
    tpu.wait_dma2 semaphore(%arg20 : memref<!tpu.dma_semaphore, #tpu.memory_space<semaphore_mem>>) src(%dma_wait3A_1573 : memref<25x128xf32, #tpu.memory_space<vmem>>) dst(%dma_wait3A_1570 : memref<25x128xf32, #tpu.memory_space<hbm>>)
    %mul3A_1574 = arith.constant 625 : i32
    %mul3A_1575 = arith.muli %arg1, %mul3A_1574 : i32
    %add3A_1576 = arith.constant 500 : i32
    %add3A_1577 = arith.addi %mul3A_1575, %add3A_1576 : i32
    %dma_start3A_1578 = arith.constant 0 : i32
    %dma_start3A_1579 = arith.constant 0 : i32
    %dma_start3A_1580 = tpu.memref_slice %arg8[%dma_start3A_1578, %dma_start3A_1579] : memref<40x128xf32, #tpu.memory_space<vmem>> -> memref<25x128xf32, #tpu.memory_space<vmem>>
    %dma_start3A_1581 = arith.constant 0 : i32
    %dma_start3A_1582 = tpu.memref_slice %arg26[%add3A_1577, %dma_start3A_1581] : memref<10000x128xf32, #tpu.memory_space<vmem_shared>> -> memref<25x128xf32, #tpu.memory_space<vmem_shared>>
    %dma_start3A_1583 = arith.constant 0 : i32
    %dma_start3A_1584 = arith.constant 0 : i32
    %dma_start3A_1585 = tpu.memref_slice %arg8[%dma_start3A_1583, %dma_start3A_1584] : memref<40x128xf32, #tpu.memory_space<vmem>> -> memref<25x128xf32, #tpu.memory_space<vmem>>
    %dma_start3A_1586 = arith.constant 0 : i32
    %dma_start3A_1587 = tpu.memref_slice %arg26[%add3A_1577, %dma_start3A_1586] : memref<10000x128xf32, #tpu.memory_space<vmem_shared>> -> memref<25x128xf32, #tpu.memory_space<vmem_shared>>
    tpu.enqueue_dma source(%dma_start3A_1587 : memref<25x128xf32, #tpu.memory_space<vmem_shared>>) target(%dma_start3A_1585 : memref<25x128xf32, #tpu.memory_space<vmem>>) target_semaphore(%arg14 : memref<!tpu.dma_semaphore, #tpu.memory_space<semaphore_mem>>)
    %mul3A_1588 = arith.constant 625 : i32
    %mul3A_1589 = arith.muli %arg1, %mul3A_1588 : i32
    %add3A_1590 = arith.constant 475 : i32
    %add3A_1591 = arith.addi %mul3A_1589, %add3A_1590 : i32
    %dma_start3A_1592 = arith.constant 0 : i32
    %dma_start3A_1593 = arith.constant 0 : i32
    %dma_start3A_1594 = tpu.memref_slice %arg9[%dma_start3A_1592, %dma_start3A_1593] : memref<40x128xf32, #tpu.memory_space<vmem>> -> memref<25x128xf32, #tpu.memory_space<vmem>>
    %dma_start3A_1595 = arith.constant 0 : i32
    %dma_start3A_1596 = tpu.memref_slice %arg5[%arg0, %add3A_1591, %dma_start3A_1595] : memref<2x10000x128xf32, #tpu.memory_space<hbm>> -> memref<1x25x128xf32, #tpu.memory_space<hbm>>
    %dma_start3A_1597 = tpu.memref_squeeze %dma_start3A_1596 : memref<1x25x128xf32, #tpu.memory_space<hbm>> -> memref<25x128xf32, #tpu.memory_space<hbm>>
    %dma_start3A_1598 = arith.constant 0 : i32
    %dma_start3A_1599 = tpu.memref_slice %arg5[%arg0, %add3A_1591, %dma_start3A_1598] : memref<2x10000x128xf32, #tpu.memory_space<hbm>> -> memref<1x25x128xf32, #tpu.memory_space<hbm>>
    %dma_start3A_1600 = tpu.memref_squeeze %dma_start3A_1599 : memref<1x25x128xf32, #tpu.memory_space<hbm>> -> memref<25x128xf32, #tpu.memory_space<hbm>>
    %dma_start3A_1601 = arith.constant 0 : i32
    %dma_start3A_1602 = arith.constant 0 : i32
    %dma_start3A_1603 = tpu.memref_slice %arg9[%dma_start3A_1601, %dma_start3A_1602] : memref<40x128xf32, #tpu.memory_space<vmem>> -> memref<25x128xf32, #tpu.memory_space<vmem>>
    tpu.enqueue_dma source(%dma_start3A_1603 : memref<25x128xf32, #tpu.memory_space<vmem>>) target(%dma_start3A_1600 : memref<25x128xf32, #tpu.memory_space<hbm>>) target_semaphore(%arg21 : memref<!tpu.dma_semaphore, #tpu.memory_space<semaphore_mem>>)
    %mul3A_1604 = arith.constant 625 : i32
    %mul3A_1605 = arith.muli %arg1, %mul3A_1604 : i32
    %add3A_1606 = arith.constant 500 : i32
    %add3A_1607 = arith.addi %mul3A_1605, %add3A_1606 : i32
    %dma_wait3A_1608 = arith.constant 0 : i32
    %dma_wait3A_1609 = arith.constant 0 : i32
    %dma_wait3A_1610 = tpu.memref_slice %arg8[%dma_wait3A_1608, %dma_wait3A_1609] : memref<40x128xf32, #tpu.memory_space<vmem>> -> memref<25x128xf32, #tpu.memory_space<vmem>>
    %dma_wait3A_1611 = arith.constant 0 : i32
    %dma_wait3A_1612 = tpu.memref_slice %arg26[%add3A_1607, %dma_wait3A_1611] : memref<10000x128xf32, #tpu.memory_space<vmem_shared>> -> memref<25x128xf32, #tpu.memory_space<vmem_shared>>
    %dma_wait3A_1613 = arith.constant 0 : i32
    %dma_wait3A_1614 = arith.constant 0 : i32
    %dma_wait3A_1615 = tpu.memref_slice %arg8[%dma_wait3A_1613, %dma_wait3A_1614] : memref<40x128xf32, #tpu.memory_space<vmem>> -> memref<25x128xf32, #tpu.memory_space<vmem>>
    %dma_wait3A_1616 = arith.constant 0 : i32
    %dma_wait3A_1617 = tpu.memref_slice %arg26[%add3A_1607, %dma_wait3A_1616] : memref<10000x128xf32, #tpu.memory_space<vmem_shared>> -> memref<25x128xf32, #tpu.memory_space<vmem_shared>>
    tpu.wait_dma2 semaphore(%arg14 : memref<!tpu.dma_semaphore, #tpu.memory_space<semaphore_mem>>) src(%dma_wait3A_1617 : memref<25x128xf32, #tpu.memory_space<vmem_shared>>) dst(%dma_wait3A_1615 : memref<25x128xf32, #tpu.memory_space<vmem>>)
    %mul3A_1618 = arith.constant 625 : i32
    %mul3A_1619 = arith.muli %arg1, %mul3A_1618 : i32
    %add3A_1620 = arith.constant 475 : i32
    %add3A_1621 = arith.addi %mul3A_1619, %add3A_1620 : i32
    %dma_wait3A_1622 = arith.constant 0 : i32
    %dma_wait3A_1623 = arith.constant 0 : i32
    %dma_wait3A_1624 = tpu.memref_slice %arg9[%dma_wait3A_1622, %dma_wait3A_1623] : memref<40x128xf32, #tpu.memory_space<vmem>> -> memref<25x128xf32, #tpu.memory_space<vmem>>
    %dma_wait3A_1625 = arith.constant 0 : i32
    %dma_wait3A_1626 = tpu.memref_slice %arg5[%arg0, %add3A_1621, %dma_wait3A_1625] : memref<2x10000x128xf32, #tpu.memory_space<hbm>> -> memref<1x25x128xf32, #tpu.memory_space<hbm>>
    %dma_wait3A_1627 = tpu.memref_squeeze %dma_wait3A_1626 : memref<1x25x128xf32, #tpu.memory_space<hbm>> -> memref<25x128xf32, #tpu.memory_space<hbm>>
    %dma_wait3A_1628 = arith.constant 0 : i32
    %dma_wait3A_1629 = tpu.memref_slice %arg5[%arg0, %add3A_1621, %dma_wait3A_1628] : memref<2x10000x128xf32, #tpu.memory_space<hbm>> -> memref<1x25x128xf32, #tpu.memory_space<hbm>>
    %dma_wait3A_1630 = tpu.memref_squeeze %dma_wait3A_1629 : memref<1x25x128xf32, #tpu.memory_space<hbm>> -> memref<25x128xf32, #tpu.memory_space<hbm>>
    %dma_wait3A_1631 = arith.constant 0 : i32
    %dma_wait3A_1632 = arith.constant 0 : i32
    %dma_wait3A_1633 = tpu.memref_slice %arg9[%dma_wait3A_1631, %dma_wait3A_1632] : memref<40x128xf32, #tpu.memory_space<vmem>> -> memref<25x128xf32, #tpu.memory_space<vmem>>
    tpu.wait_dma2 semaphore(%arg21 : memref<!tpu.dma_semaphore, #tpu.memory_space<semaphore_mem>>) src(%dma_wait3A_1633 : memref<25x128xf32, #tpu.memory_space<vmem>>) dst(%dma_wait3A_1630 : memref<25x128xf32, #tpu.memory_space<hbm>>)
    %mul3A_1634 = arith.constant 625 : i32
    %mul3A_1635 = arith.muli %arg1, %mul3A_1634 : i32
    %add3A_1636 = arith.constant 525 : i32
    %add3A_1637 = arith.addi %mul3A_1635, %add3A_1636 : i32
    %dma_start3A_1638 = arith.constant 0 : i32
    %dma_start3A_1639 = arith.constant 0 : i32
    %dma_start3A_1640 = tpu.memref_slice %arg9[%dma_start3A_1638, %dma_start3A_1639] : memref<40x128xf32, #tpu.memory_space<vmem>> -> memref<25x128xf32, #tpu.memory_space<vmem>>
    %dma_start3A_1641 = arith.constant 0 : i32
    %dma_start3A_1642 = tpu.memref_slice %arg26[%add3A_1637, %dma_start3A_1641] : memref<10000x128xf32, #tpu.memory_space<vmem_shared>> -> memref<25x128xf32, #tpu.memory_space<vmem_shared>>
    %dma_start3A_1643 = arith.constant 0 : i32
    %dma_start3A_1644 = arith.constant 0 : i32
    %dma_start3A_1645 = tpu.memref_slice %arg9[%dma_start3A_1643, %dma_start3A_1644] : memref<40x128xf32, #tpu.memory_space<vmem>> -> memref<25x128xf32, #tpu.memory_space<vmem>>
    %dma_start3A_1646 = arith.constant 0 : i32
    %dma_start3A_1647 = tpu.memref_slice %arg26[%add3A_1637, %dma_start3A_1646] : memref<10000x128xf32, #tpu.memory_space<vmem_shared>> -> memref<25x128xf32, #tpu.memory_space<vmem_shared>>
    tpu.enqueue_dma source(%dma_start3A_1647 : memref<25x128xf32, #tpu.memory_space<vmem_shared>>) target(%dma_start3A_1645 : memref<25x128xf32, #tpu.memory_space<vmem>>) target_semaphore(%arg15 : memref<!tpu.dma_semaphore, #tpu.memory_space<semaphore_mem>>)
    %mul3A_1648 = arith.constant 625 : i32
    %mul3A_1649 = arith.muli %arg1, %mul3A_1648 : i32
    %add3A_1650 = arith.constant 500 : i32
    %add3A_1651 = arith.addi %mul3A_1649, %add3A_1650 : i32
    %dma_start3A_1652 = arith.constant 0 : i32
    %dma_start3A_1653 = arith.constant 0 : i32
    %dma_start3A_1654 = tpu.memref_slice %arg8[%dma_start3A_1652, %dma_start3A_1653] : memref<40x128xf32, #tpu.memory_space<vmem>> -> memref<25x128xf32, #tpu.memory_space<vmem>>
    %dma_start3A_1655 = arith.constant 0 : i32
    %dma_start3A_1656 = tpu.memref_slice %arg5[%arg0, %add3A_1651, %dma_start3A_1655] : memref<2x10000x128xf32, #tpu.memory_space<hbm>> -> memref<1x25x128xf32, #tpu.memory_space<hbm>>
    %dma_start3A_1657 = tpu.memref_squeeze %dma_start3A_1656 : memref<1x25x128xf32, #tpu.memory_space<hbm>> -> memref<25x128xf32, #tpu.memory_space<hbm>>
    %dma_start3A_1658 = arith.constant 0 : i32
    %dma_start3A_1659 = tpu.memref_slice %arg5[%arg0, %add3A_1651, %dma_start3A_1658] : memref<2x10000x128xf32, #tpu.memory_space<hbm>> -> memref<1x25x128xf32, #tpu.memory_space<hbm>>
    %dma_start3A_1660 = tpu.memref_squeeze %dma_start3A_1659 : memref<1x25x128xf32, #tpu.memory_space<hbm>> -> memref<25x128xf32, #tpu.memory_space<hbm>>
    %dma_start3A_1661 = arith.constant 0 : i32
    %dma_start3A_1662 = arith.constant 0 : i32
    %dma_start3A_1663 = tpu.memref_slice %arg8[%dma_start3A_1661, %dma_start3A_1662] : memref<40x128xf32, #tpu.memory_space<vmem>> -> memref<25x128xf32, #tpu.memory_space<vmem>>
    tpu.enqueue_dma source(%dma_start3A_1663 : memref<25x128xf32, #tpu.memory_space<vmem>>) target(%dma_start3A_1660 : memref<25x128xf32, #tpu.memory_space<hbm>>) target_semaphore(%arg20 : memref<!tpu.dma_semaphore, #tpu.memory_space<semaphore_mem>>)
    %mul3A_1664 = arith.constant 625 : i32
    %mul3A_1665 = arith.muli %arg1, %mul3A_1664 : i32
    %add3A_1666 = arith.constant 525 : i32
    %add3A_1667 = arith.addi %mul3A_1665, %add3A_1666 : i32
    %dma_wait3A_1668 = arith.constant 0 : i32
    %dma_wait3A_1669 = arith.constant 0 : i32
    %dma_wait3A_1670 = tpu.memref_slice %arg9[%dma_wait3A_1668, %dma_wait3A_1669] : memref<40x128xf32, #tpu.memory_space<vmem>> -> memref<25x128xf32, #tpu.memory_space<vmem>>
    %dma_wait3A_1671 = arith.constant 0 : i32
    %dma_wait3A_1672 = tpu.memref_slice %arg26[%add3A_1667, %dma_wait3A_1671] : memref<10000x128xf32, #tpu.memory_space<vmem_shared>> -> memref<25x128xf32, #tpu.memory_space<vmem_shared>>
    %dma_wait3A_1673 = arith.constant 0 : i32
    %dma_wait3A_1674 = arith.constant 0 : i32
    %dma_wait3A_1675 = tpu.memref_slice %arg9[%dma_wait3A_1673, %dma_wait3A_1674] : memref<40x128xf32, #tpu.memory_space<vmem>> -> memref<25x128xf32, #tpu.memory_space<vmem>>
    %dma_wait3A_1676 = arith.constant 0 : i32
    %dma_wait3A_1677 = tpu.memref_slice %arg26[%add3A_1667, %dma_wait3A_1676] : memref<10000x128xf32, #tpu.memory_space<vmem_shared>> -> memref<25x128xf32, #tpu.memory_space<vmem_shared>>
    tpu.wait_dma2 semaphore(%arg15 : memref<!tpu.dma_semaphore, #tpu.memory_space<semaphore_mem>>) src(%dma_wait3A_1677 : memref<25x128xf32, #tpu.memory_space<vmem_shared>>) dst(%dma_wait3A_1675 : memref<25x128xf32, #tpu.memory_space<vmem>>)
    %mul3A_1678 = arith.constant 625 : i32
    %mul3A_1679 = arith.muli %arg1, %mul3A_1678 : i32
    %add3A_1680 = arith.constant 500 : i32
    %add3A_1681 = arith.addi %mul3A_1679, %add3A_1680 : i32
    %dma_wait3A_1682 = arith.constant 0 : i32
    %dma_wait3A_1683 = arith.constant 0 : i32
    %dma_wait3A_1684 = tpu.memref_slice %arg8[%dma_wait3A_1682, %dma_wait3A_1683] : memref<40x128xf32, #tpu.memory_space<vmem>> -> memref<25x128xf32, #tpu.memory_space<vmem>>
    %dma_wait3A_1685 = arith.constant 0 : i32
    %dma_wait3A_1686 = tpu.memref_slice %arg5[%arg0, %add3A_1681, %dma_wait3A_1685] : memref<2x10000x128xf32, #tpu.memory_space<hbm>> -> memref<1x25x128xf32, #tpu.memory_space<hbm>>
    %dma_wait3A_1687 = tpu.memref_squeeze %dma_wait3A_1686 : memref<1x25x128xf32, #tpu.memory_space<hbm>> -> memref<25x128xf32, #tpu.memory_space<hbm>>
    %dma_wait3A_1688 = arith.constant 0 : i32
    %dma_wait3A_1689 = tpu.memref_slice %arg5[%arg0, %add3A_1681, %dma_wait3A_1688] : memref<2x10000x128xf32, #tpu.memory_space<hbm>> -> memref<1x25x128xf32, #tpu.memory_space<hbm>>
    %dma_wait3A_1690 = tpu.memref_squeeze %dma_wait3A_1689 : memref<1x25x128xf32, #tpu.memory_space<hbm>> -> memref<25x128xf32, #tpu.memory_space<hbm>>
    %dma_wait3A_1691 = arith.constant 0 : i32
    %dma_wait3A_1692 = arith.constant 0 : i32
    %dma_wait3A_1693 = tpu.memref_slice %arg8[%dma_wait3A_1691, %dma_wait3A_1692] : memref<40x128xf32, #tpu.memory_space<vmem>> -> memref<25x128xf32, #tpu.memory_space<vmem>>
    tpu.wait_dma2 semaphore(%arg20 : memref<!tpu.dma_semaphore, #tpu.memory_space<semaphore_mem>>) src(%dma_wait3A_1693 : memref<25x128xf32, #tpu.memory_space<vmem>>) dst(%dma_wait3A_1690 : memref<25x128xf32, #tpu.memory_space<hbm>>)
    %mul3A_1694 = arith.constant 625 : i32
    %mul3A_1695 = arith.muli %arg1, %mul3A_1694 : i32
    %add3A_1696 = arith.constant 550 : i32
    %add3A_1697 = arith.addi %mul3A_1695, %add3A_1696 : i32
    %dma_start3A_1698 = arith.constant 0 : i32
    %dma_start3A_1699 = arith.constant 0 : i32
    %dma_start3A_1700 = tpu.memref_slice %arg8[%dma_start3A_1698, %dma_start3A_1699] : memref<40x128xf32, #tpu.memory_space<vmem>> -> memref<25x128xf32, #tpu.memory_space<vmem>>
    %dma_start3A_1701 = arith.constant 0 : i32
    %dma_start3A_1702 = tpu.memref_slice %arg26[%add3A_1697, %dma_start3A_1701] : memref<10000x128xf32, #tpu.memory_space<vmem_shared>> -> memref<25x128xf32, #tpu.memory_space<vmem_shared>>
    %dma_start3A_1703 = arith.constant 0 : i32
    %dma_start3A_1704 = arith.constant 0 : i32
    %dma_start3A_1705 = tpu.memref_slice %arg8[%dma_start3A_1703, %dma_start3A_1704] : memref<40x128xf32, #tpu.memory_space<vmem>> -> memref<25x128xf32, #tpu.memory_space<vmem>>
    %dma_start3A_1706 = arith.constant 0 : i32
    %dma_start3A_1707 = tpu.memref_slice %arg26[%add3A_1697, %dma_start3A_1706] : memref<10000x128xf32, #tpu.memory_space<vmem_shared>> -> memref<25x128xf32, #tpu.memory_space<vmem_shared>>
    tpu.enqueue_dma source(%dma_start3A_1707 : memref<25x128xf32, #tpu.memory_space<vmem_shared>>) target(%dma_start3A_1705 : memref<25x128xf32, #tpu.memory_space<vmem>>) target_semaphore(%arg14 : memref<!tpu.dma_semaphore, #tpu.memory_space<semaphore_mem>>)
    %mul3A_1708 = arith.constant 625 : i32
    %mul3A_1709 = arith.muli %arg1, %mul3A_1708 : i32
    %add3A_1710 = arith.constant 525 : i32
    %add3A_1711 = arith.addi %mul3A_1709, %add3A_1710 : i32
    %dma_start3A_1712 = arith.constant 0 : i32
    %dma_start3A_1713 = arith.constant 0 : i32
    %dma_start3A_1714 = tpu.memref_slice %arg9[%dma_start3A_1712, %dma_start3A_1713] : memref<40x128xf32, #tpu.memory_space<vmem>> -> memref<25x128xf32, #tpu.memory_space<vmem>>
    %dma_start3A_1715 = arith.constant 0 : i32
    %dma_start3A_1716 = tpu.memref_slice %arg5[%arg0, %add3A_1711, %dma_start3A_1715] : memref<2x10000x128xf32, #tpu.memory_space<hbm>> -> memref<1x25x128xf32, #tpu.memory_space<hbm>>
    %dma_start3A_1717 = tpu.memref_squeeze %dma_start3A_1716 : memref<1x25x128xf32, #tpu.memory_space<hbm>> -> memref<25x128xf32, #tpu.memory_space<hbm>>
    %dma_start3A_1718 = arith.constant 0 : i32
    %dma_start3A_1719 = tpu.memref_slice %arg5[%arg0, %add3A_1711, %dma_start3A_1718] : memref<2x10000x128xf32, #tpu.memory_space<hbm>> -> memref<1x25x128xf32, #tpu.memory_space<hbm>>
    %dma_start3A_1720 = tpu.memref_squeeze %dma_start3A_1719 : memref<1x25x128xf32, #tpu.memory_space<hbm>> -> memref<25x128xf32, #tpu.memory_space<hbm>>
    %dma_start3A_1721 = arith.constant 0 : i32
    %dma_start3A_1722 = arith.constant 0 : i32
    %dma_start3A_1723 = tpu.memref_slice %arg9[%dma_start3A_1721, %dma_start3A_1722] : memref<40x128xf32, #tpu.memory_space<vmem>> -> memref<25x128xf32, #tpu.memory_space<vmem>>
    tpu.enqueue_dma source(%dma_start3A_1723 : memref<25x128xf32, #tpu.memory_space<vmem>>) target(%dma_start3A_1720 : memref<25x128xf32, #tpu.memory_space<hbm>>) target_semaphore(%arg21 : memref<!tpu.dma_semaphore, #tpu.memory_space<semaphore_mem>>)
    %mul3A_1724 = arith.constant 625 : i32
    %mul3A_1725 = arith.muli %arg1, %mul3A_1724 : i32
    %add3A_1726 = arith.constant 550 : i32
    %add3A_1727 = arith.addi %mul3A_1725, %add3A_1726 : i32
    %dma_wait3A_1728 = arith.constant 0 : i32
    %dma_wait3A_1729 = arith.constant 0 : i32
    %dma_wait3A_1730 = tpu.memref_slice %arg8[%dma_wait3A_1728, %dma_wait3A_1729] : memref<40x128xf32, #tpu.memory_space<vmem>> -> memref<25x128xf32, #tpu.memory_space<vmem>>
    %dma_wait3A_1731 = arith.constant 0 : i32
    %dma_wait3A_1732 = tpu.memref_slice %arg26[%add3A_1727, %dma_wait3A_1731] : memref<10000x128xf32, #tpu.memory_space<vmem_shared>> -> memref<25x128xf32, #tpu.memory_space<vmem_shared>>
    %dma_wait3A_1733 = arith.constant 0 : i32
    %dma_wait3A_1734 = arith.constant 0 : i32
    %dma_wait3A_1735 = tpu.memref_slice %arg8[%dma_wait3A_1733, %dma_wait3A_1734] : memref<40x128xf32, #tpu.memory_space<vmem>> -> memref<25x128xf32, #tpu.memory_space<vmem>>
    %dma_wait3A_1736 = arith.constant 0 : i32
    %dma_wait3A_1737 = tpu.memref_slice %arg26[%add3A_1727, %dma_wait3A_1736] : memref<10000x128xf32, #tpu.memory_space<vmem_shared>> -> memref<25x128xf32, #tpu.memory_space<vmem_shared>>
    tpu.wait_dma2 semaphore(%arg14 : memref<!tpu.dma_semaphore, #tpu.memory_space<semaphore_mem>>) src(%dma_wait3A_1737 : memref<25x128xf32, #tpu.memory_space<vmem_shared>>) dst(%dma_wait3A_1735 : memref<25x128xf32, #tpu.memory_space<vmem>>)
    %mul3A_1738 = arith.constant 625 : i32
    %mul3A_1739 = arith.muli %arg1, %mul3A_1738 : i32
    %add3A_1740 = arith.constant 525 : i32
    %add3A_1741 = arith.addi %mul3A_1739, %add3A_1740 : i32
    %dma_wait3A_1742 = arith.constant 0 : i32
    %dma_wait3A_1743 = arith.constant 0 : i32
    %dma_wait3A_1744 = tpu.memref_slice %arg9[%dma_wait3A_1742, %dma_wait3A_1743] : memref<40x128xf32, #tpu.memory_space<vmem>> -> memref<25x128xf32, #tpu.memory_space<vmem>>
    %dma_wait3A_1745 = arith.constant 0 : i32
    %dma_wait3A_1746 = tpu.memref_slice %arg5[%arg0, %add3A_1741, %dma_wait3A_1745] : memref<2x10000x128xf32, #tpu.memory_space<hbm>> -> memref<1x25x128xf32, #tpu.memory_space<hbm>>
    %dma_wait3A_1747 = tpu.memref_squeeze %dma_wait3A_1746 : memref<1x25x128xf32, #tpu.memory_space<hbm>> -> memref<25x128xf32, #tpu.memory_space<hbm>>
    %dma_wait3A_1748 = arith.constant 0 : i32
    %dma_wait3A_1749 = tpu.memref_slice %arg5[%arg0, %add3A_1741, %dma_wait3A_1748] : memref<2x10000x128xf32, #tpu.memory_space<hbm>> -> memref<1x25x128xf32, #tpu.memory_space<hbm>>
    %dma_wait3A_1750 = tpu.memref_squeeze %dma_wait3A_1749 : memref<1x25x128xf32, #tpu.memory_space<hbm>> -> memref<25x128xf32, #tpu.memory_space<hbm>>
    %dma_wait3A_1751 = arith.constant 0 : i32
    %dma_wait3A_1752 = arith.constant 0 : i32
    %dma_wait3A_1753 = tpu.memref_slice %arg9[%dma_wait3A_1751, %dma_wait3A_1752] : memref<40x128xf32, #tpu.memory_space<vmem>> -> memref<25x128xf32, #tpu.memory_space<vmem>>
    tpu.wait_dma2 semaphore(%arg21 : memref<!tpu.dma_semaphore, #tpu.memory_space<semaphore_mem>>) src(%dma_wait3A_1753 : memref<25x128xf32, #tpu.memory_space<vmem>>) dst(%dma_wait3A_1750 : memref<25x128xf32, #tpu.memory_space<hbm>>)
    %mul3A_1754 = arith.constant 625 : i32
    %mul3A_1755 = arith.muli %arg1, %mul3A_1754 : i32
    %add3A_1756 = arith.constant 575 : i32
    %add3A_1757 = arith.addi %mul3A_1755, %add3A_1756 : i32
    %dma_start3A_1758 = arith.constant 0 : i32
    %dma_start3A_1759 = arith.constant 0 : i32
    %dma_start3A_1760 = tpu.memref_slice %arg9[%dma_start3A_1758, %dma_start3A_1759] : memref<40x128xf32, #tpu.memory_space<vmem>> -> memref<25x128xf32, #tpu.memory_space<vmem>>
    %dma_start3A_1761 = arith.constant 0 : i32
    %dma_start3A_1762 = tpu.memref_slice %arg26[%add3A_1757, %dma_start3A_1761] : memref<10000x128xf32, #tpu.memory_space<vmem_shared>> -> memref<25x128xf32, #tpu.memory_space<vmem_shared>>
    %dma_start3A_1763 = arith.constant 0 : i32
    %dma_start3A_1764 = arith.constant 0 : i32
    %dma_start3A_1765 = tpu.memref_slice %arg9[%dma_start3A_1763, %dma_start3A_1764] : memref<40x128xf32, #tpu.memory_space<vmem>> -> memref<25x128xf32, #tpu.memory_space<vmem>>
    %dma_start3A_1766 = arith.constant 0 : i32
    %dma_start3A_1767 = tpu.memref_slice %arg26[%add3A_1757, %dma_start3A_1766] : memref<10000x128xf32, #tpu.memory_space<vmem_shared>> -> memref<25x128xf32, #tpu.memory_space<vmem_shared>>
    tpu.enqueue_dma source(%dma_start3A_1767 : memref<25x128xf32, #tpu.memory_space<vmem_shared>>) target(%dma_start3A_1765 : memref<25x128xf32, #tpu.memory_space<vmem>>) target_semaphore(%arg15 : memref<!tpu.dma_semaphore, #tpu.memory_space<semaphore_mem>>)
    %mul3A_1768 = arith.constant 625 : i32
    %mul3A_1769 = arith.muli %arg1, %mul3A_1768 : i32
    %add3A_1770 = arith.constant 550 : i32
    %add3A_1771 = arith.addi %mul3A_1769, %add3A_1770 : i32
    %dma_start3A_1772 = arith.constant 0 : i32
    %dma_start3A_1773 = arith.constant 0 : i32
    %dma_start3A_1774 = tpu.memref_slice %arg8[%dma_start3A_1772, %dma_start3A_1773] : memref<40x128xf32, #tpu.memory_space<vmem>> -> memref<25x128xf32, #tpu.memory_space<vmem>>
    %dma_start3A_1775 = arith.constant 0 : i32
    %dma_start3A_1776 = tpu.memref_slice %arg5[%arg0, %add3A_1771, %dma_start3A_1775] : memref<2x10000x128xf32, #tpu.memory_space<hbm>> -> memref<1x25x128xf32, #tpu.memory_space<hbm>>
    %dma_start3A_1777 = tpu.memref_squeeze %dma_start3A_1776 : memref<1x25x128xf32, #tpu.memory_space<hbm>> -> memref<25x128xf32, #tpu.memory_space<hbm>>
    %dma_start3A_1778 = arith.constant 0 : i32
    %dma_start3A_1779 = tpu.memref_slice %arg5[%arg0, %add3A_1771, %dma_start3A_1778] : memref<2x10000x128xf32, #tpu.memory_space<hbm>> -> memref<1x25x128xf32, #tpu.memory_space<hbm>>
    %dma_start3A_1780 = tpu.memref_squeeze %dma_start3A_1779 : memref<1x25x128xf32, #tpu.memory_space<hbm>> -> memref<25x128xf32, #tpu.memory_space<hbm>>
    %dma_start3A_1781 = arith.constant 0 : i32
    %dma_start3A_1782 = arith.constant 0 : i32
    %dma_start3A_1783 = tpu.memref_slice %arg8[%dma_start3A_1781, %dma_start3A_1782] : memref<40x128xf32, #tpu.memory_space<vmem>> -> memref<25x128xf32, #tpu.memory_space<vmem>>
    tpu.enqueue_dma source(%dma_start3A_1783 : memref<25x128xf32, #tpu.memory_space<vmem>>) target(%dma_start3A_1780 : memref<25x128xf32, #tpu.memory_space<hbm>>) target_semaphore(%arg20 : memref<!tpu.dma_semaphore, #tpu.memory_space<semaphore_mem>>)
    %mul3A_1784 = arith.constant 625 : i32
    %mul3A_1785 = arith.muli %arg1, %mul3A_1784 : i32
    %add3A_1786 = arith.constant 575 : i32
    %add3A_1787 = arith.addi %mul3A_1785, %add3A_1786 : i32
    %dma_wait3A_1788 = arith.constant 0 : i32
    %dma_wait3A_1789 = arith.constant 0 : i32
    %dma_wait3A_1790 = tpu.memref_slice %arg9[%dma_wait3A_1788, %dma_wait3A_1789] : memref<40x128xf32, #tpu.memory_space<vmem>> -> memref<25x128xf32, #tpu.memory_space<vmem>>
    %dma_wait3A_1791 = arith.constant 0 : i32
    %dma_wait3A_1792 = tpu.memref_slice %arg26[%add3A_1787, %dma_wait3A_1791] : memref<10000x128xf32, #tpu.memory_space<vmem_shared>> -> memref<25x128xf32, #tpu.memory_space<vmem_shared>>
    %dma_wait3A_1793 = arith.constant 0 : i32
    %dma_wait3A_1794 = arith.constant 0 : i32
    %dma_wait3A_1795 = tpu.memref_slice %arg9[%dma_wait3A_1793, %dma_wait3A_1794] : memref<40x128xf32, #tpu.memory_space<vmem>> -> memref<25x128xf32, #tpu.memory_space<vmem>>
    %dma_wait3A_1796 = arith.constant 0 : i32
    %dma_wait3A_1797 = tpu.memref_slice %arg26[%add3A_1787, %dma_wait3A_1796] : memref<10000x128xf32, #tpu.memory_space<vmem_shared>> -> memref<25x128xf32, #tpu.memory_space<vmem_shared>>
    tpu.wait_dma2 semaphore(%arg15 : memref<!tpu.dma_semaphore, #tpu.memory_space<semaphore_mem>>) src(%dma_wait3A_1797 : memref<25x128xf32, #tpu.memory_space<vmem_shared>>) dst(%dma_wait3A_1795 : memref<25x128xf32, #tpu.memory_space<vmem>>)
    %mul3A_1798 = arith.constant 625 : i32
    %mul3A_1799 = arith.muli %arg1, %mul3A_1798 : i32
    %add3A_1800 = arith.constant 550 : i32
    %add3A_1801 = arith.addi %mul3A_1799, %add3A_1800 : i32
    %dma_wait3A_1802 = arith.constant 0 : i32
    %dma_wait3A_1803 = arith.constant 0 : i32
    %dma_wait3A_1804 = tpu.memref_slice %arg8[%dma_wait3A_1802, %dma_wait3A_1803] : memref<40x128xf32, #tpu.memory_space<vmem>> -> memref<25x128xf32, #tpu.memory_space<vmem>>
    %dma_wait3A_1805 = arith.constant 0 : i32
    %dma_wait3A_1806 = tpu.memref_slice %arg5[%arg0, %add3A_1801, %dma_wait3A_1805] : memref<2x10000x128xf32, #tpu.memory_space<hbm>> -> memref<1x25x128xf32, #tpu.memory_space<hbm>>
    %dma_wait3A_1807 = tpu.memref_squeeze %dma_wait3A_1806 : memref<1x25x128xf32, #tpu.memory_space<hbm>> -> memref<25x128xf32, #tpu.memory_space<hbm>>
    %dma_wait3A_1808 = arith.constant 0 : i32
    %dma_wait3A_1809 = tpu.memref_slice %arg5[%arg0, %add3A_1801, %dma_wait3A_1808] : memref<2x10000x128xf32, #tpu.memory_space<hbm>> -> memref<1x25x128xf32, #tpu.memory_space<hbm>>
    %dma_wait3A_1810 = tpu.memref_squeeze %dma_wait3A_1809 : memref<1x25x128xf32, #tpu.memory_space<hbm>> -> memref<25x128xf32, #tpu.memory_space<hbm>>
    %dma_wait3A_1811 = arith.constant 0 : i32
    %dma_wait3A_1812 = arith.constant 0 : i32
    %dma_wait3A_1813 = tpu.memref_slice %arg8[%dma_wait3A_1811, %dma_wait3A_1812] : memref<40x128xf32, #tpu.memory_space<vmem>> -> memref<25x128xf32, #tpu.memory_space<vmem>>
    tpu.wait_dma2 semaphore(%arg20 : memref<!tpu.dma_semaphore, #tpu.memory_space<semaphore_mem>>) src(%dma_wait3A_1813 : memref<25x128xf32, #tpu.memory_space<vmem>>) dst(%dma_wait3A_1810 : memref<25x128xf32, #tpu.memory_space<hbm>>)
    %mul3A_1814 = arith.constant 625 : i32
    %mul3A_1815 = arith.muli %arg1, %mul3A_1814 : i32
    %add3A_1816 = arith.constant 600 : i32
    %add3A_1817 = arith.addi %mul3A_1815, %add3A_1816 : i32
    %dma_start3A_1818 = arith.constant 0 : i32
    %dma_start3A_1819 = arith.constant 0 : i32
    %dma_start3A_1820 = tpu.memref_slice %arg8[%dma_start3A_1818, %dma_start3A_1819] : memref<40x128xf32, #tpu.memory_space<vmem>> -> memref<25x128xf32, #tpu.memory_space<vmem>>
    %dma_start3A_1821 = arith.constant 0 : i32
    %dma_start3A_1822 = tpu.memref_slice %arg26[%add3A_1817, %dma_start3A_1821] : memref<10000x128xf32, #tpu.memory_space<vmem_shared>> -> memref<25x128xf32, #tpu.memory_space<vmem_shared>>
    %dma_start3A_1823 = arith.constant 0 : i32
    %dma_start3A_1824 = arith.constant 0 : i32
    %dma_start3A_1825 = tpu.memref_slice %arg8[%dma_start3A_1823, %dma_start3A_1824] : memref<40x128xf32, #tpu.memory_space<vmem>> -> memref<25x128xf32, #tpu.memory_space<vmem>>
    %dma_start3A_1826 = arith.constant 0 : i32
    %dma_start3A_1827 = tpu.memref_slice %arg26[%add3A_1817, %dma_start3A_1826] : memref<10000x128xf32, #tpu.memory_space<vmem_shared>> -> memref<25x128xf32, #tpu.memory_space<vmem_shared>>
    tpu.enqueue_dma source(%dma_start3A_1827 : memref<25x128xf32, #tpu.memory_space<vmem_shared>>) target(%dma_start3A_1825 : memref<25x128xf32, #tpu.memory_space<vmem>>) target_semaphore(%arg14 : memref<!tpu.dma_semaphore, #tpu.memory_space<semaphore_mem>>)
    %mul3A_1828 = arith.constant 625 : i32
    %mul3A_1829 = arith.muli %arg1, %mul3A_1828 : i32
    %add3A_1830 = arith.constant 575 : i32
    %add3A_1831 = arith.addi %mul3A_1829, %add3A_1830 : i32
    %dma_start3A_1832 = arith.constant 0 : i32
    %dma_start3A_1833 = arith.constant 0 : i32
    %dma_start3A_1834 = tpu.memref_slice %arg9[%dma_start3A_1832, %dma_start3A_1833] : memref<40x128xf32, #tpu.memory_space<vmem>> -> memref<25x128xf32, #tpu.memory_space<vmem>>
    %dma_start3A_1835 = arith.constant 0 : i32
    %dma_start3A_1836 = tpu.memref_slice %arg5[%arg0, %add3A_1831, %dma_start3A_1835] : memref<2x10000x128xf32, #tpu.memory_space<hbm>> -> memref<1x25x128xf32, #tpu.memory_space<hbm>>
    %dma_start3A_1837 = tpu.memref_squeeze %dma_start3A_1836 : memref<1x25x128xf32, #tpu.memory_space<hbm>> -> memref<25x128xf32, #tpu.memory_space<hbm>>
    %dma_start3A_1838 = arith.constant 0 : i32
    %dma_start3A_1839 = tpu.memref_slice %arg5[%arg0, %add3A_1831, %dma_start3A_1838] : memref<2x10000x128xf32, #tpu.memory_space<hbm>> -> memref<1x25x128xf32, #tpu.memory_space<hbm>>
    %dma_start3A_1840 = tpu.memref_squeeze %dma_start3A_1839 : memref<1x25x128xf32, #tpu.memory_space<hbm>> -> memref<25x128xf32, #tpu.memory_space<hbm>>
    %dma_start3A_1841 = arith.constant 0 : i32
    %dma_start3A_1842 = arith.constant 0 : i32
    %dma_start3A_1843 = tpu.memref_slice %arg9[%dma_start3A_1841, %dma_start3A_1842] : memref<40x128xf32, #tpu.memory_space<vmem>> -> memref<25x128xf32, #tpu.memory_space<vmem>>
    tpu.enqueue_dma source(%dma_start3A_1843 : memref<25x128xf32, #tpu.memory_space<vmem>>) target(%dma_start3A_1840 : memref<25x128xf32, #tpu.memory_space<hbm>>) target_semaphore(%arg21 : memref<!tpu.dma_semaphore, #tpu.memory_space<semaphore_mem>>)
    %mul3A_1844 = arith.constant 625 : i32
    %mul3A_1845 = arith.muli %arg1, %mul3A_1844 : i32
    %add3A_1846 = arith.constant 600 : i32
    %add3A_1847 = arith.addi %mul3A_1845, %add3A_1846 : i32
    %dma_wait3A_1848 = arith.constant 0 : i32
    %dma_wait3A_1849 = arith.constant 0 : i32
    %dma_wait3A_1850 = tpu.memref_slice %arg8[%dma_wait3A_1848, %dma_wait3A_1849] : memref<40x128xf32, #tpu.memory_space<vmem>> -> memref<25x128xf32, #tpu.memory_space<vmem>>
    %dma_wait3A_1851 = arith.constant 0 : i32
    %dma_wait3A_1852 = tpu.memref_slice %arg26[%add3A_1847, %dma_wait3A_1851] : memref<10000x128xf32, #tpu.memory_space<vmem_shared>> -> memref<25x128xf32, #tpu.memory_space<vmem_shared>>
    %dma_wait3A_1853 = arith.constant 0 : i32
    %dma_wait3A_1854 = arith.constant 0 : i32
    %dma_wait3A_1855 = tpu.memref_slice %arg8[%dma_wait3A_1853, %dma_wait3A_1854] : memref<40x128xf32, #tpu.memory_space<vmem>> -> memref<25x128xf32, #tpu.memory_space<vmem>>
    %dma_wait3A_1856 = arith.constant 0 : i32
    %dma_wait3A_1857 = tpu.memref_slice %arg26[%add3A_1847, %dma_wait3A_1856] : memref<10000x128xf32, #tpu.memory_space<vmem_shared>> -> memref<25x128xf32, #tpu.memory_space<vmem_shared>>
    tpu.wait_dma2 semaphore(%arg14 : memref<!tpu.dma_semaphore, #tpu.memory_space<semaphore_mem>>) src(%dma_wait3A_1857 : memref<25x128xf32, #tpu.memory_space<vmem_shared>>) dst(%dma_wait3A_1855 : memref<25x128xf32, #tpu.memory_space<vmem>>)
    %mul3A_1858 = arith.constant 625 : i32
    %mul3A_1859 = arith.muli %arg1, %mul3A_1858 : i32
    %add3A_1860 = arith.constant 600 : i32
    %add3A_1861 = arith.addi %mul3A_1859, %add3A_1860 : i32
    %dma_start3A_1862 = arith.constant 0 : i32
    %dma_start3A_1863 = arith.constant 0 : i32
    %dma_start3A_1864 = tpu.memref_slice %arg8[%dma_start3A_1862, %dma_start3A_1863] : memref<40x128xf32, #tpu.memory_space<vmem>> -> memref<25x128xf32, #tpu.memory_space<vmem>>
    %dma_start3A_1865 = arith.constant 0 : i32
    %dma_start3A_1866 = tpu.memref_slice %arg5[%arg0, %add3A_1861, %dma_start3A_1865] : memref<2x10000x128xf32, #tpu.memory_space<hbm>> -> memref<1x25x128xf32, #tpu.memory_space<hbm>>
    %dma_start3A_1867 = tpu.memref_squeeze %dma_start3A_1866 : memref<1x25x128xf32, #tpu.memory_space<hbm>> -> memref<25x128xf32, #tpu.memory_space<hbm>>
    %dma_start3A_1868 = arith.constant 0 : i32
    %dma_start3A_1869 = tpu.memref_slice %arg5[%arg0, %add3A_1861, %dma_start3A_1868] : memref<2x10000x128xf32, #tpu.memory_space<hbm>> -> memref<1x25x128xf32, #tpu.memory_space<hbm>>
    %dma_start3A_1870 = tpu.memref_squeeze %dma_start3A_1869 : memref<1x25x128xf32, #tpu.memory_space<hbm>> -> memref<25x128xf32, #tpu.memory_space<hbm>>
    %dma_start3A_1871 = arith.constant 0 : i32
    %dma_start3A_1872 = arith.constant 0 : i32
    %dma_start3A_1873 = tpu.memref_slice %arg8[%dma_start3A_1871, %dma_start3A_1872] : memref<40x128xf32, #tpu.memory_space<vmem>> -> memref<25x128xf32, #tpu.memory_space<vmem>>
    tpu.enqueue_dma source(%dma_start3A_1873 : memref<25x128xf32, #tpu.memory_space<vmem>>) target(%dma_start3A_1870 : memref<25x128xf32, #tpu.memory_space<hbm>>) target_semaphore(%arg20 : memref<!tpu.dma_semaphore, #tpu.memory_space<semaphore_mem>>)
    %mul3A_1874 = arith.constant 625 : i32
    %mul3A_1875 = arith.muli %arg1, %mul3A_1874 : i32
    %add3A_1876 = arith.constant 575 : i32
    %add3A_1877 = arith.addi %mul3A_1875, %add3A_1876 : i32
    %dma_wait3A_1878 = arith.constant 0 : i32
    %dma_wait3A_1879 = arith.constant 0 : i32
    %dma_wait3A_1880 = tpu.memref_slice %arg9[%dma_wait3A_1878, %dma_wait3A_1879] : memref<40x128xf32, #tpu.memory_space<vmem>> -> memref<25x128xf32, #tpu.memory_space<vmem>>
    %dma_wait3A_1881 = arith.constant 0 : i32
    %dma_wait3A_1882 = tpu.memref_slice %arg5[%arg0, %add3A_1877, %dma_wait3A_1881] : memref<2x10000x128xf32, #tpu.memory_space<hbm>> -> memref<1x25x128xf32, #tpu.memory_space<hbm>>
    %dma_wait3A_1883 = tpu.memref_squeeze %dma_wait3A_1882 : memref<1x25x128xf32, #tpu.memory_space<hbm>> -> memref<25x128xf32, #tpu.memory_space<hbm>>
    %dma_wait3A_1884 = arith.constant 0 : i32
    %dma_wait3A_1885 = tpu.memref_slice %arg5[%arg0, %add3A_1877, %dma_wait3A_1884] : memref<2x10000x128xf32, #tpu.memory_space<hbm>> -> memref<1x25x128xf32, #tpu.memory_space<hbm>>
    %dma_wait3A_1886 = tpu.memref_squeeze %dma_wait3A_1885 : memref<1x25x128xf32, #tpu.memory_space<hbm>> -> memref<25x128xf32, #tpu.memory_space<hbm>>
    %dma_wait3A_1887 = arith.constant 0 : i32
    %dma_wait3A_1888 = arith.constant 0 : i32
    %dma_wait3A_1889 = tpu.memref_slice %arg9[%dma_wait3A_1887, %dma_wait3A_1888] : memref<40x128xf32, #tpu.memory_space<vmem>> -> memref<25x128xf32, #tpu.memory_space<vmem>>
    tpu.wait_dma2 semaphore(%arg21 : memref<!tpu.dma_semaphore, #tpu.memory_space<semaphore_mem>>) src(%dma_wait3A_1889 : memref<25x128xf32, #tpu.memory_space<vmem>>) dst(%dma_wait3A_1886 : memref<25x128xf32, #tpu.memory_space<hbm>>)
    %mul3A_1890 = arith.constant 625 : i32
    %mul3A_1891 = arith.muli %arg1, %mul3A_1890 : i32
    %add3A_1892 = arith.constant 600 : i32
    %add3A_1893 = arith.addi %mul3A_1891, %add3A_1892 : i32
    %dma_wait3A_1894 = arith.constant 0 : i32
    %dma_wait3A_1895 = arith.constant 0 : i32
    %dma_wait3A_1896 = tpu.memref_slice %arg8[%dma_wait3A_1894, %dma_wait3A_1895] : memref<40x128xf32, #tpu.memory_space<vmem>> -> memref<25x128xf32, #tpu.memory_space<vmem>>
    %dma_wait3A_1897 = arith.constant 0 : i32
    %dma_wait3A_1898 = tpu.memref_slice %arg5[%arg0, %add3A_1893, %dma_wait3A_1897] : memref<2x10000x128xf32, #tpu.memory_space<hbm>> -> memref<1x25x128xf32, #tpu.memory_space<hbm>>
    %dma_wait3A_1899 = tpu.memref_squeeze %dma_wait3A_1898 : memref<1x25x128xf32, #tpu.memory_space<hbm>> -> memref<25x128xf32, #tpu.memory_space<hbm>>
    %dma_wait3A_1900 = arith.constant 0 : i32
    %dma_wait3A_1901 = tpu.memref_slice %arg5[%arg0, %add3A_1893, %dma_wait3A_1900] : memref<2x10000x128xf32, #tpu.memory_space<hbm>> -> memref<1x25x128xf32, #tpu.memory_space<hbm>>
    %dma_wait3A_1902 = tpu.memref_squeeze %dma_wait3A_1901 : memref<1x25x128xf32, #tpu.memory_space<hbm>> -> memref<25x128xf32, #tpu.memory_space<hbm>>
    %dma_wait3A_1903 = arith.constant 0 : i32
    %dma_wait3A_1904 = arith.constant 0 : i32
    %dma_wait3A_1905 = tpu.memref_slice %arg8[%dma_wait3A_1903, %dma_wait3A_1904] : memref<40x128xf32, #tpu.memory_space<vmem>> -> memref<25x128xf32, #tpu.memory_space<vmem>>
    tpu.wait_dma2 semaphore(%arg20 : memref<!tpu.dma_semaphore, #tpu.memory_space<semaphore_mem>>) src(%dma_wait3A_1905 : memref<25x128xf32, #tpu.memory_space<vmem>>) dst(%dma_wait3A_1902 : memref<25x128xf32, #tpu.memory_space<hbm>>)
    return
  }
}

module attributes {stable_mosaic.version = 14 : i64} {
  func.func @_scale_body(%arg0: i32, %arg1: memref<1000x128xf32, #tpu.memory_space<vmem>>, %arg2: memref<2x1000x1xf32, #tpu.memory_space<vmem>>, %arg3: memref<1000x128xf32, #tpu.memory_space<vmem>>) attributes {dimension_semantics = [#tpu.dimension_semantics<arbitrary>], iteration_bounds = array<i64: 10>, scalar_prefetch = 0 : i64, scratch_operands = 0 : i64, tpu.core_type = #tpu.core_type<tc>, window_params = [{transform_indices = @transform_0, window_bounds = array<i64: 1000, 128>}, {transform_indices = @transform_1, window_bounds = array<i64: 2, 1000, 1>}, {transform_indices = @transform_2, window_bounds = array<i64: 1000, 128>}]} {
    %get3A = arith.constant 0 : index
    %get3A_0 = arith.constant 0 : index
    %get3A_1 = arith.constant 0 : index
    %get3A_2 = vector.load %arg2[%get3A, %get3A_0, %get3A_1] : memref<2x1000x1xf32, #tpu.memory_space<vmem>>, vector<1x1000x1xf32>
    %get3A_3 = vector.shape_cast %get3A_2 : vector<1x1000x1xf32> to vector<1000x1xf32>
    %get3A_4 = arith.constant 1 : index
    %get3A_5 = arith.constant 0 : index
    %get3A_6 = arith.constant 0 : index
    %get3A_7 = vector.load %arg2[%get3A_4, %get3A_5, %get3A_6] : memref<2x1000x1xf32, #tpu.memory_space<vmem>>, vector<1x1000x1xf32>
    %get3A_8 = vector.shape_cast %get3A_7 : vector<1x1000x1xf32> to vector<1000x1xf32>
    %add3A = arith.addf %get3A_3, %get3A_8 : vector<1000x1xf32>
    %add3A_9 = arith.constant 1.000000e+00 : f32
    %add3A_10 = vector.broadcast %add3A_9 : f32 to vector<1000x1xf32>
    %add3A_11 = arith.addf %add3A, %add3A_10 : vector<1000x1xf32>
    %rsqrt3A = math.rsqrt %add3A_11 : vector<1000x1xf32>
    %get3A_12 = arith.constant 0 : index
    %get3A_13 = arith.constant 0 : index
    %get3A_14 = vector.load %arg1[%get3A_12, %get3A_13] : memref<1000x128xf32, #tpu.memory_space<vmem>>, vector<1000x128xf32>
    %mul3A = vector.broadcast %rsqrt3A : vector<1000x1xf32> to vector<1000x128xf32>
    %mul3A_15 = arith.mulf %get3A_14, %mul3A : vector<1000x128xf32>
    %swap3A = arith.constant 0 : index
    %swap3A_16 = arith.constant 0 : index
    %swap3A_17 = vector.load %arg3[%swap3A, %swap3A_16] : memref<1000x128xf32, #tpu.memory_space<vmem>>, vector<1000x128xf32>
    tpu.vector_store %arg3[%swap3A, %swap3A_16], %mul3A_15 {strides = array<i32>} : memref<1000x128xf32, #tpu.memory_space<vmem>>, vector<1000x128xf32>,
    return
  }
  func.func @transform_0(%arg0: i32) -> (i32, i32) {
    %c0_i32 = arith.constant 0 : i32
    %c0_i32_0 = arith.constant 0 : i32
    return %arg0, %c0_i32 : i32, i32
  }
  func.func @transform_1(%arg0: i32) -> (i32, i32, i32) {
    %c0_i32 = arith.constant 0 : i32
    %c0_i32_0 = arith.constant 0 : i32
    %c0_i32_1 = arith.constant 0 : i32
    return %c0_i32, %arg0, %c0_i32_0 : i32, i32, i32
  }
  func.func @transform_2(%arg0: i32) -> (i32, i32) {
    %c0_i32 = arith.constant 0 : i32
    %c0_i32_0 = arith.constant 0 : i32
    return %arg0, %c0_i32 : i32, i32
  }
}

module attributes {stable_mosaic.version = 14 : i64} {
  func.func @_mm_body(%arg0: i32, %arg1: memref<1000x128xf32, #tpu.memory_space<vmem>>, %arg2: memref<128x128xf32, #tpu.memory_space<vmem>>, %arg3: memref<1000x128xf32, #tpu.memory_space<vmem>>) attributes {dimension_semantics = [#tpu.dimension_semantics<arbitrary>], iteration_bounds = array<i64: 10>, scalar_prefetch = 0 : i64, scratch_operands = 0 : i64, tpu.core_type = #tpu.core_type<tc>, window_params = [{transform_indices = @transform_0, window_bounds = array<i64: 1000, 128>}, {pipeline_mode = #tpu.pipeline_mode<synchronous>, transform_indices = @transform_1, window_bounds = array<i64: 128, 128>}, {transform_indices = @transform_2, window_bounds = array<i64: 1000, 128>}]} {
    %get3A = arith.constant 0 : index
    %get3A_0 = arith.constant 0 : index
    %get3A_1 = vector.load %arg1[%get3A, %get3A_0] : memref<1000x128xf32, #tpu.memory_space<vmem>>, vector<1000x128xf32>
    %get3A_2 = arith.constant 0 : index
    %get3A_3 = arith.constant 0 : index
    %get3A_4 = vector.load %arg2[%get3A_2, %get3A_3] : memref<128x128xf32, #tpu.memory_space<vmem>>, vector<128x128xf32>
    %dot_general3A = arith.constant dense<0.000000e+00> : vector<1000x128xf32>
    %dot_general3A_5 = tpu.matmul %get3A_1, %get3A_4, %dot_general3A {dimension_numbers = #tpu.dot_dimension_numbers<[1], [0], [0], [1], [0, 0, 1, 1], [], []>, transpose_lhs_hint = false} : vector<1000x128xf32>, vector<128x128xf32>, vector<1000x128xf32> -> vector<1000x128xf32>
    %swap3A = arith.constant 0 : index
    %swap3A_6 = arith.constant 0 : index
    %swap3A_7 = vector.load %arg3[%swap3A, %swap3A_6] : memref<1000x128xf32, #tpu.memory_space<vmem>>, vector<1000x128xf32>
    tpu.vector_store %arg3[%swap3A, %swap3A_6], %dot_general3A_5 {strides = array<i32>} : memref<1000x128xf32, #tpu.memory_space<vmem>>, vector<1000x128xf32>,
    return
  }
  func.func @transform_0(%arg0: i32) -> (i32, i32) {
    %c0_i32 = arith.constant 0 : i32
    %c0_i32_0 = arith.constant 0 : i32
    return %arg0, %c0_i32 : i32, i32
  }
  func.func @transform_1(%arg0: i32) -> (i32, i32) {
    %c0_i32 = arith.constant 0 : i32
    %c0_i32_0 = arith.constant 0 : i32
    %c0_i32_1 = arith.constant 0 : i32
    return %c0_i32, %c0_i32_0 : i32, i32
  }
  func.func @transform_2(%arg0: i32) -> (i32, i32) {
    %c0_i32 = arith.constant 0 : i32
    %c0_i32_0 = arith.constant 0 : i32
    return %arg0, %c0_i32 : i32, i32
  }
}

module attributes {stable_mosaic.version = 14 : i64} {
  func.func @_fin_body(%arg0: i32, %arg1: memref<2x1000x128xf32, #tpu.memory_space<vmem>>, %arg2: memref<1000x128xf32, #tpu.memory_space<vmem>>, %arg3: memref<2x1000x1xf32, #tpu.memory_space<vmem>>, %arg4: memref<1x128xf32, #tpu.memory_space<vmem>>, %arg5: memref<1000x128xf32, #tpu.memory_space<vmem>>) attributes {dimension_semantics = [#tpu.dimension_semantics<arbitrary>], iteration_bounds = array<i64: 10>, scalar_prefetch = 0 : i64, scratch_operands = 0 : i64, tpu.core_type = #tpu.core_type<tc>, window_params = [{transform_indices = @transform_0, window_bounds = array<i64: 2, 1000, 128>}, {transform_indices = @transform_1, window_bounds = array<i64: 1000, 128>}, {transform_indices = @transform_2, window_bounds = array<i64: 2, 1000, 1>}, {pipeline_mode = #tpu.pipeline_mode<synchronous>, transform_indices = @transform_3, window_bounds = array<i64: 1, 128>}, {transform_indices = @transform_4, window_bounds = array<i64: 1000, 128>}]} {
    %get3A = arith.constant 0 : index
    %get3A_0 = arith.constant 0 : index
    %get3A_1 = arith.constant 0 : index
    %get3A_2 = vector.load %arg3[%get3A, %get3A_0, %get3A_1] : memref<2x1000x1xf32, #tpu.memory_space<vmem>>, vector<1x1000x1xf32>
    %get3A_3 = vector.shape_cast %get3A_2 : vector<1x1000x1xf32> to vector<1000x1xf32>
    %get3A_4 = arith.constant 1 : index
    %get3A_5 = arith.constant 0 : index
    %get3A_6 = arith.constant 0 : index
    %get3A_7 = vector.load %arg3[%get3A_4, %get3A_5, %get3A_6] : memref<2x1000x1xf32, #tpu.memory_space<vmem>>, vector<1x1000x1xf32>
    %get3A_8 = vector.shape_cast %get3A_7 : vector<1x1000x1xf32> to vector<1000x1xf32>
    %add3A = arith.addf %get3A_3, %get3A_8 : vector<1000x1xf32>
    %add3A_9 = arith.constant 1.000000e+00 : f32
    %add3A_10 = vector.broadcast %add3A_9 : f32 to vector<1000x1xf32>
    %add3A_11 = arith.addf %add3A, %add3A_10 : vector<1000x1xf32>
    %rsqrt3A = math.rsqrt %add3A_11 : vector<1000x1xf32>
    %get3A_12 = arith.constant 0 : index
    %get3A_13 = arith.constant 0 : index
    %get3A_14 = arith.constant 0 : index
    %get3A_15 = vector.load %arg1[%get3A_12, %get3A_13, %get3A_14] : memref<2x1000x128xf32, #tpu.memory_space<vmem>>, vector<1x1000x128xf32>
    %get3A_16 = vector.shape_cast %get3A_15 : vector<1x1000x128xf32> to vector<1000x128xf32>
    %get3A_17 = arith.constant 1 : index
    %get3A_18 = arith.constant 0 : index
    %get3A_19 = arith.constant 0 : index
    %get3A_20 = vector.load %arg1[%get3A_17, %get3A_18, %get3A_19] : memref<2x1000x128xf32, #tpu.memory_space<vmem>>, vector<1x1000x128xf32>
    %get3A_21 = vector.shape_cast %get3A_20 : vector<1x1000x128xf32> to vector<1000x128xf32>
    %add3A_22 = arith.addf %get3A_16, %get3A_21 : vector<1000x128xf32>
    %get3A_23 = arith.constant 0 : index
    %get3A_24 = arith.constant 0 : index
    %get3A_25 = vector.load %arg2[%get3A_23, %get3A_24] : memref<1000x128xf32, #tpu.memory_space<vmem>>, vector<1000x128xf32>
    %add3A_26 = arith.addf %add3A_22, %get3A_25 : vector<1000x128xf32>
    %mul3A = vector.broadcast %rsqrt3A : vector<1000x1xf32> to vector<1000x128xf32>
    %mul3A_27 = arith.mulf %mul3A, %add3A_26 : vector<1000x128xf32>
    %get3A_28 = arith.constant 0 : index
    %get3A_29 = arith.constant 0 : index
    %get3A_30 = vector.load %arg4[%get3A_28, %get3A_29] : memref<1x128xf32, #tpu.memory_space<vmem>>, vector<1x128xf32>
    %add3A_31 = vector.broadcast %get3A_30 : vector<1x128xf32> to vector<1000x128xf32>
    %add3A_32 = arith.addf %mul3A_27, %add3A_31 : vector<1000x128xf32>
    %swap3A = arith.constant 0 : index
    %swap3A_33 = arith.constant 0 : index
    %swap3A_34 = vector.load %arg5[%swap3A, %swap3A_33] : memref<1000x128xf32, #tpu.memory_space<vmem>>, vector<1000x128xf32>
    tpu.vector_store %arg5[%swap3A, %swap3A_33], %add3A_32 {strides = array<i32>} : memref<1000x128xf32, #tpu.memory_space<vmem>>, vector<1000x128xf32>,
    return
  }
  func.func @transform_0(%arg0: i32) -> (i32, i32, i32) {
    %c0_i32 = arith.constant 0 : i32
    %c0_i32_0 = arith.constant 0 : i32
    %c0_i32_1 = arith.constant 0 : i32
    return %c0_i32, %arg0, %c0_i32_0 : i32, i32, i32
  }
  func.func @transform_1(%arg0: i32) -> (i32, i32) {
    %c0_i32 = arith.constant 0 : i32
    %c0_i32_0 = arith.constant 0 : i32
    return %arg0, %c0_i32 : i32, i32
  }
  func.func @transform_2(%arg0: i32) -> (i32, i32, i32) {
    %c0_i32 = arith.constant 0 : i32
    %c0_i32_0 = arith.constant 0 : i32
    %c0_i32_1 = arith.constant 0 : i32
    return %c0_i32, %arg0, %c0_i32_0 : i32, i32, i32
  }
  func.func @transform_3(%arg0: i32) -> (i32, i32) {
    %c0_i32 = arith.constant 0 : i32
    %c0_i32_0 = arith.constant 0 : i32
    %c0_i32_1 = arith.constant 0 : i32
    return %c0_i32, %c0_i32_0 : i32, i32
  }
  func.func @transform_4(%arg0: i32) -> (i32, i32) {
    %c0_i32 = arith.constant 0 : i32
    %c0_i32_0 = arith.constant 0 : i32
    return %arg0, %c0_i32 : i32, i32
  }
}

</mosaic_0001>

<sc_bundles>
// kernel: kernel.10.cloned.1.call-start
scs
__scs_entry_jumppad:
0x0: {  	(pc) =	sbr.rel $0x88, $3  }
0x1: {  	(tag) =	ssettag $0x0;
	lr =	simm.s32 $0x1  }
0x2: {  	[smem:$0x3F9D] =	sst lr;
	_ =	strace $0xD0000000  }
0x3: {  	_ = 	snop  }
0x4: {  	_ = 	snop  }
0x5: {  	_ = 	snop  }
0x6: {  	_ = 	snop  }
0x7: {  	_ = 	snop  }
__scs_overlays_trampoline_lowered:
0x8: {  	[smem:$0x3FAC] =	sst s0  }
0x9: {  	[smem:$0x3FAD] =	sst s1  }
0xa: {  	[smem:$0x3FAE] =	sst s2  }
0xb: {  	[smem:$0x3FAF] =	sst s3  }
0xc: {  	[smem:$0x3FB0] =	sst s4  }
0xd: {  	[smem:$0x3FB1] =	sst s5  }
0xe: {  	[smem:$0x3FB2] =	sst s6  }
0xf: {  	[smem:$0x3FB3] =	sst s7  }
0x10: {  	[smem:$0x3FB4] =	sst s8  }
0x11: {  	[smem:$0x3FB5] =	sst s9;
	s0 =	simm.s32 @!p0 $0x0  }
0x12: {  	s1 =	sld [smem:$0x3F9B];
	s0 =	simm.s32 @p0 $0x1  }
0x13: {  	[smem:$0x3FB6] =	sst s0;
	s0 =	simm.s32 @!p1 $0x0  }
0x14: {  	s2 =	sld [smem:$0x3F9A];
	s0 =	simm.s32 @p1 $0x1  }
0x15: {  	[smem:$0x3FB7] =	sst s0;
	s0 =	simm.s32 @!p2 $0x0  }
0x16: {  	s3 =	sld [smem:$0x3FDB];
	s0 =	simm.s32 @p2 $0x1  }
0x17: {  	s4 =	simm.s32 $0x1BF5;
	[smem:$0x3FB9] =	sst s0  }
0x18: {  	s0 =	sld [smem:$0x3F9C];
	_ =	swait.ge [sflag:s4], $0x0  }
0x19: {  	s7 =	sld [smem:$0x3F9D]  }
0x1a: {  	s8 =	sadd.s32 $0xFFFFE003, lr  }
0x1b: {  	s9 =	sadd.s32 $0xFFFFFEF7, lr;
	s5 =	simm.s32 $0xFFFFFFFF;
	p2 =	slt.u32 s8, $0xFFFFF086  }
0x1c: {  	p1 =	slt.u32 s9, $0xF7A;
	s5 =	simm.s32 @!p2 $0x0  }
0x1d: {  	s5 =	simm.s32 @p1 $0x1;
	p0 =	seq.s32 s7, s2  }
0x1e: {  	s7 =	smul.u32 @!p0 $0xF7A, s2;
	p2 =	seq.s32 @!p0 s5, $0x0  }
0x1f: {  	s9 =	smul.u32 $0xF7A, s1;
	s8 =	simm.s32 @!p0 $0x1BF5;
	p2 =	por !p2, p0  }
0x20: {  	[sflag:s8] =	ssyncset.s32 @!p0 $0xFFFFF086;
	s6 =	sadd.s32 @!p0 s3, s7;
	s7 =	simm.s32 @!p0 $0x108  }
0x21: {  	s3 =	sadd.s32 s3, s9;
	s6 =	sadd.s32 @!p0 $0x88, s6;
	s7 =	simm.s32 @p2 $0x1082  }
0x22: {  	[simem:s7], [sflag:s8] =	dma.local @!p0 [hbm:s6], $0xF7A  }
0x23: {  	s9 =	sor.u32 $0xD0000000, s2;
	s6 =	simm.s32 $0x108;
	_ =	swait.ge @!p0 [sflag:s8], $0x0  }
0x24: {  	s3 =	sadd.s32 $0x88, s3;
	s6 =	simm.s32 @!p1 $0x1082;
	[sflag:s4] =	ssyncset.s32 $0xFFFFF086  }
0x25: {  	[simem:s6], [sflag:s4] =	dma.local [hbm:s3], $0xF7A  }
0x26: {  	[smem:$0x3F9D] =	sst s1;
	(tag) =	ssettag s2;
	_ =	strace s9  }
0x27: {  	s1 =	sld [smem:$0x3FAD]  }
0x28: {  	s2 =	sld [smem:$0x3FAE]  }
0x29: {  	s4 =	sld [smem:$0x3FB0]  }
0x2a: {  	p0 =	seq.s32 s5, $0x0;
	s5 =	sld [smem:$0x3FB1]  }
0x2b: {  	s6 =	sld [smem:$0x3FB2]  }
0x2c: {  	s7 =	sld [smem:$0x3FB3]  }
0x2d: {  	s3 =	simm.s32 $0x108;
	s8 =	sld [smem:$0x3FB4]  }
0x2e: {  	s3 =	simm.s32 @!p0 $0x1082;
	s9 =	sld [smem:$0x3FB5]  }
0x2f: {  	lr =	sadd.s32 s0, s3;
	s0 =	sld [smem:$0x3FAC]  }
0x30: {  	s3 =	sld [smem:$0x3FAF]  }
0x31: {  	[smem:$0x3FB8] =	sst s10  }
0x32: {  	s10 =	sld [smem:$0x3FB6];
	_ =	sdelay $0x3  }
0x33: {  	p0 =	seq.s32 s10, $0x1;
	s10 =	sld [smem:$0x3FB8];
	_ =	sdelay $0x3  }
0x34: {  	[smem:$0x3FB8] =	sst s10  }
0x35: {  	s10 =	sld [smem:$0x3FB7];
	_ =	sdelay $0x3  }
0x36: {  	p1 =	seq.s32 s10, $0x1;
	s10 =	sld [smem:$0x3FB8];
	_ =	sdelay $0x3  }
0x37: {  	[smem:$0x3FB8] =	sst s10  }
0x38: {  	s10 =	sld [smem:$0x3FB9]  }
0x39: {  	_ = 	snop;
	(pc) =	sbr.ind lr, $3  }
0x3a: {  	_ = 	snop  }
0x3b: {  	_ = 	snop  }
0x3c: {  	p2 =	seq.s32 s10, $0x1;
	s10 =	sld [smem:$0x3FB8]  }
0x3d: {  	_ =	shalt  }
0x3e: {  	_ =	shalt  }
0x3f: {  	_ =	shalt  }
0x40: {  	_ =	shalt  }
0x41: {  	_ =	shalt  }
0x42: {  	_ =	shalt  }
0x43: {  	_ =	shalt  }
0x44: {  	_ =	shalt  }
0x45: {  	_ =	shalt  }
0x46: {  	_ =	shalt  }
0x47: {  	_ =	shalt  }
0x48: {  	_ =	shalt  }
0x49: {  	_ =	shalt  }
0x4a: {  	_ =	shalt  }
0x4b: {  	_ =	shalt  }
0x4c: {  	_ =	shalt  }
0x4d: {  	_ =	shalt  }
0x4e: {  	_ =	shalt  }
0x4f: {  	_ =	shalt  }
0x50: {  	_ =	shalt  }
0x51: {  	_ =	shalt  }
0x52: {  	_ =	shalt  }
0x53: {  	_ =	shalt  }
0x54: {  	_ =	shalt  }
0x55: {  	_ =	shalt  }
0x56: {  	_ =	shalt  }
0x57: {  	_ =	shalt  }
0x58: {  	_ =	shalt  }
0x59: {  	_ =	shalt  }
0x5a: {  	_ =	shalt  }
0x5b: {  	_ =	shalt  }
0x5c: {  	_ =	shalt  }
0x5d: {  	_ =	shalt  }
0x5e: {  	_ =	shalt  }
0x5f: {  	_ =	shalt  }
0x60: {  	_ =	shalt  }
0x61: {  	_ =	shalt  }
0x62: {  	_ =	shalt  }
0x63: {  	_ =	shalt  }
0x64: {  	_ =	shalt  }
0x65: {  	_ =	shalt  }
0x66: {  	_ =	shalt  }
0x67: {  	_ =	shalt  }
0x68: {  	_ =	shalt  }
0x69: {  	_ =	shalt  }
0x6a: {  	_ =	shalt  }
0x6b: {  	_ =	shalt  }
0x6c: {  	_ =	shalt  }
0x6d: {  	_ =	shalt  }
0x6e: {  	_ =	shalt  }
0x6f: {  	_ =	shalt  }
0x70: {  	_ =	shalt  }
0x71: {  	_ =	shalt  }
0x72: {  	_ =	shalt  }
0x73: {  	_ =	shalt  }
0x74: {  	_ =	shalt  }
0x75: {  	_ =	shalt  }
0x76: {  	_ =	shalt  }
0x77: {  	_ =	shalt  }
0x78: {  	_ =	shalt  }
0x79: {  	_ =	shalt  }
0x7a: {  	_ =	shalt  }
0x7b: {  	_ =	shalt  }
0x7c: {  	_ =	shalt  }
0x7d: {  	_ =	shalt  }
0x7e: {  	_ =	shalt  }
0x7f: {  	_ =	shalt  }
0x80: {  	_ =	shalt  }
0x81: {  	_ =	shalt  }
0x82: {  	_ =	shalt  }
0x83: {  	_ =	shalt  }
0x84: {  	_ =	shalt  }
0x85: {  	_ =	shalt  }
0x86: {  	_ =	shalt  }
0x87: {  	_ =	shalt  }
.Lfunc_end0:
.L_simem_size_0:
called_computation.1_lowered:
.L_overlay_start_0:
0x88: {  	s2 =	sld [smem:$0x3FD9]  }
0x89: {  	s3 =	sld [smem:$0x3FFE];
	_ =	sdelay $0x1  }
0x8a: {  	s1 =	srdreg.scid  }
0x8b: {  	s0 =	sand.u32 $0x1, s1  }
0x8c: {  	s17 =	sshll.u32 s0, $0xA;
	s2 =	sadd.s32 s3, s2  }
0x8d: {  	s2 =	sadd.s32 s2, s17  }
0x8e: {  	[smem:$0x3FC4] =	sst s2  }
0x8f: {  	_ = 	snop  }
0x90: {  	s2 =	sld [smem:$0x3FD0];
	(tm) =	ssettm $0x1  }
0x91: {  	s18 =	sld [smem:$0x3FFB];
	_ =	sdelay $0x3  }
0x92: {  	_ =	strace s18  }
0x93: {  	s3 =	sld [smem:$0x3FFC];
	_ =	sdelay $0x3  }
0x94: {  	_ =	strace s3  }
0x95: {  	s3 =	sld [smem:$0x3FFD];
	_ =	sdelay $0x3  }
0x96: {  	_ =	strace s3  }
0x97: {  	_ =	strace $0x8FFFFFFF  }
0x98: {  	s19 =	sld [smem:$0x3FDB];
	_ =	sdelay $0x1  }
0x99: {  	s4 =	simm.s32 $_scs_section_size  }
0x9a: {  	s5 =	simm.s32 $_size__tile_overlayer_lowered;
	s6 =	simm.s32 $_tile_overlayer_lowered  }
0x9b: {  	s22 =	simm.s32 $0x1BFF;
	s21 =	sshll.u32 s6, $0x1;
	s3 =	sadd.s32 s4, s19  }
0x9c: {  	s7 =	simm.s32 $0x0;
	s20 =	sshll.u32 s5, $0x1;
	s5 =	sadd.s32 s21, s3  }
0x9d: {  	[timem:s7], [sflag:s22] =	dma.local [hbm:s5], s20  }
0x9e: {  	_ =	swait.ge [sflag:s22], s20  }
0x9f: {  	s4 =	ssub.s32 $0x0, s20;
	[sflag:s22] =	ssyncset.done $0x0  }
0xa0: {  	[sflag:s22] =	ssyncadd.s32 s4;
	_ =	sdelay $0x1  }
0xa1: {  	s23 =	simm.s32 $0x1B8B  }
0xa2: {  	_ =	swait.ge [sflag:s23], $0x1  }
0xa3: {  	[sflag:s23] =	ssyncset.done $0x0  }
0xa4: {  	s25 =	simm.s32 $0x1B8E;
	s24 =	sld [smem:$0x3FFE];
	[sflag:s23] =	ssyncadd.s32 $0xFFFFFFFF  }
0xa5: {  	s26 =	simm.s32 $execute0_lowered;
	[smem:$0x3FD2] =	sst s25  }
0xa6: {  	s5 =	sshll.u32 s26, $0x1;
	_ =	strace $0x80000049;
	[dreg:$0x1] =	wrdreg $0xFFFFFFFF  }
0xa7: {  	s28 =	simm.s32 $_size_execute0_lowered;
	s3 =	sadd.s32 s3, s5;
	[dreg:$0x0] =	wrdreg $0x0  }
0xa8: {  	s5 =	sshll.u32 s28, $0x1;
	[dreg:$0x2] =	wrdreg s3  }
0xa9: {  	[dreg:$0x3] =	wrdreg s5  }
0xaa: {  	[dreg:$0x4] =	wrdreg $0xC0  }
0xab: {  	_ =	task [dreg:s7], $0x5FFFF  }
0xac: {  	[dreg:$0x1] =	wrdreg $0xFFFFFFFF  }
0xad: {  	[dreg:$0x0] =	wrdreg $0x60  }
0xae: {  	[dreg:$0x2] =	wrdreg s2  }
0xaf: {  	[dreg:$0x3] =	wrdreg s24  }
0xb0: {  	[dreg:$0x4] =	wrdreg $0xC6200  }
0xb1: {  	[dreg:$0x5] =	wrdreg $0x9  }
0xb2: {  	_ =	task.clear_ibuf [dreg:s7], $0x6FFFF;
	_ =	strace $0x90000049  }
0xb3: {  	s29 =	simm.s32 $0x9;
	_ =	strace $0x8000004B  }
0xb4: {  	_ =	swait.ge [sflag:s29], $0x1  }
0xb5: {  	[sflag:s29] =	ssyncadd.s32 $0xFFFFFFFF  }
0xb6: {  	_ =	strace $0x9000004B  }
0xb7: {  	_ =	sfence  }
0xb8: {  	s30 =	sld [smem:$0x0];
	_ =	sdelay $0x2  }
0xb9: {  	s31 =	sshll.u32 s1, $0xD;
	s1 =	sshrl.u32 s1, $0x2  }
0xba: {  	s3 =	sand.u32 $0x4000, s31;
	s1 =	sadd.s32 s1, s30  }
0xbb: {  	s0 =	sor.u32 s3, s0;
	s1 =	sshll.u32 s1, $0x11  }
0xbc: {  	s0 =	sor.u32 s1, s0  }
0xbd: {  	s0 =	sadd.s32 $0x8F2B, s0  }
0xbe: {  	[sflag:s0] =	ssyncadd.remote.s32 $0x1  }
0xbf: {  	_ =	sfence.sel $0xFFFF  }
0xc0: {  	[dreg:$0x0] =	wrdreg $0xFFFFFFFF;
	(pc) =	sbr.abs _section_cstart, $3  }
0xc1: {  	[dreg:$0x1] =	wrdreg $0xFFFFFFFF  }
0xc2: {  	_ =	task.clear_ibuf [dreg:s7], $0x2FFFF;
	_ =	strace $0x9FFFFFFF  }
0xc3: {  	(tm) =	ssettm $0x7FFFFFFF  }
tec
execute0_lowered:
.L_overlay_start_1:
0x0: {  	(tag) =	ssettag $0x1  }
0x1: {  	s0 =	srdreg.scid;
	s31 =	stileid.u32  }
0x2: {  	s4 =	rddreg [dreg:$0x1];
	s2 =	sand.u32 $0x1, s0;
	s15 =	sshll.u32 s31, $0x1  }
0x3: {  	s1 =	simm.s32 $0x0;
	s0 =	sor.u32 s2, s15;
	s13 =	smul.u32 $0x138800, s2  }
0x4: {  	s28 =	rddreg [dreg:$0x2];
	s5 =	ssub.s32 $0x2, s2;
	s3 =	smul.u32 $0x4E2, s0  }
0x5: {  	[smem:$0x7FF] =	sst s1;
	s0 =	smul.u32 $0x13880, s31;
	s16 =	sshrl.u32 s5, $0x1  }
0x6: {  	s11 =	sadd.s32 $0x63800, s4;
	s2 =	ssub.s32 s5, s16;
	s3 =	sadd.s32 s3, s4  }
0x7: {  	s17 =	sadd.s32 $0xC80, s0;
	[smem:$0x7FC] =	sst s2;
	s18 =	sadd.s32 s0, s13  }
0x8: {  	s26 =	sadd.s32 $0x6400, s0;
	s7 =	sadd.s32 $0x3200, s0;
	[smem:$0x7E3] =	sst s3  }
0x9: {  	s30 =	sadd.s32 $0xC800, s0;
	[smem:$0x7E6] =	sst s17;
	s6 =	sadd.s32 s13, s17  }
0xa: {  	s5 =	sshrl.u32 s18, $0x3;
	s10 =	sadd.s32 s13, s7;
	s6 =	sshrl.u32 s6, $0x3  }
0xb: {  	s19 =	sadd.s32 s11, s5;
	s5 =	sadd.s32 $0x1900, s0;
	s23 =	sshrl.u32 s10, $0x3  }
0xc: {  	s10 =	sadd.s32 $0x5780, s0;
	[dreg:$0x4] =	wrdreg s19;
	s20 =	sadd.s32 s11, s6  }
0xd: {  	s6 =	sadd.s32 $0x2580, s0;
	s8 =	sadd.s32 s13, s5;
	s25 =	sadd.s32 s11, s23  }
0xe: {  	s16 =	sadd.s32 s13, s10;
	[dreg:$0x5] =	wrdreg s20;
	s8 =	sshrl.u32 s8, $0x3  }
0xf: {  	s9 =	sadd.s32 s13, s6;
	[dreg:$0x8] =	wrdreg s25;
	s12 =	sshrl.u32 s16, $0x3  }
0x10: {  	s21 =	sadd.s32 s11, s8;
	s22 =	sshrl.u32 s9, $0x3;
	s8 =	sadd.s32 $0x3E80, s0  }
0x11: {  	s9 =	sadd.s32 $0x4B00, s0;
	[dreg:$0x6] =	wrdreg s21;
	s24 =	sadd.s32 s11, s22  }
0x12: {  	s14 =	sadd.s32 s13, s8;
	s15 =	sadd.s32 s13, s9;
	[dreg:$0x7] =	wrdreg s24  }
0x13: {  	s14 =	sshrl.u32 s14, $0x3;
	s4 =	sshrl.u32 s15, $0x3;
	s15 =	sadd.s32 s11, s12  }
0x14: {  	s29 =	sadd.s32 $0xFA00, s0;
	s3 =	sadd.s32 s11, s14;
	[dreg:$0xb] =	wrdreg s15  }
0x15: {  	s16 =	sadd.s32 s13, s26;
	s14 =	sadd.s32 s11, s4;
	[dreg:$0x9] =	wrdreg s3  }
0x16: {  	s15 =	sadd.s32 $0x7080, s0;
	[dreg:$0xa] =	wrdreg s14;
	s14 =	sshrl.u32 s16, $0x3  }
0x17: {  	s16 =	sadd.s32 $0x7D00, s0;
	s18 =	sadd.s32 s13, s15;
	s17 =	sadd.s32 s11, s14  }
0x18: {  	s14 =	sshrl.u32 s18, $0x3;
	[dreg:$0xc] =	wrdreg s17;
	s17 =	sadd.s32 s13, s16  }
0x19: {  	s19 =	sadd.s32 s11, s14;
	s18 =	sshrl.u32 s17, $0x3;
	s17 =	sadd.s32 $0x8980, s0  }
0x1a: {  	[dreg:$0xd] =	wrdreg s19;
	s19 =	sadd.s32 $0xA280, s0;
	s20 =	sadd.s32 s11, s18  }
0x1b: {  	s21 =	sadd.s32 s13, s17;
	s18 =	sadd.s32 $0x9600, s0;
	[dreg:$0xe] =	wrdreg s20  }
0x1c: {  	s14 =	sshrl.u32 s21, $0x3;
	s23 =	sadd.s32 s13, s18;
	s20 =	sadd.s32 s13, s19  }
0x1d: {  	s22 =	sadd.s32 s11, s14;
	s14 =	sshrl.u32 s23, $0x3;
	s21 =	sshrl.u32 s20, $0x3  }
0x1e: {  	s20 =	sadd.s32 $0xAF00, s0;
	[dreg:$0xf] =	wrdreg s22;
	s24 =	sadd.s32 s11, s14  }
0x1f: {  	s25 =	sadd.s32 s11, s21;
	s3 =	sadd.s32 s13, s20;
	[dreg:$0x10] =	wrdreg s24  }
0x20: {  	s21 =	sadd.s32 $0xBB80, s0;
	s22 =	sadd.s32 s13, s30;
	[dreg:$0x11] =	wrdreg s25  }
0x21: {  	s14 =	sshrl.u32 s3, $0x3;
	s12 =	sadd.s32 s13, s21;
	s23 =	sshrl.u32 s22, $0x3  }
0x22: {  	s22 =	sadd.s32 $0xD480, s0;
	s4 =	sadd.s32 s11, s14;
	s14 =	sshrl.u32 s12, $0x3  }
0x23: {  	s23 =	sadd.s32 s11, s23;
	s24 =	sadd.s32 s13, s22;
	[dreg:$0x12] =	wrdreg s4  }
0x24: {  	s12 =	sadd.s32 s13, s29;
	s14 =	sadd.s32 s11, s14;
	[dreg:$0x14] =	wrdreg s23  }
0x25: {  	s23 =	sadd.s32 $0xE100, s0;
	[dreg:$0x13] =	wrdreg s14;
	s14 =	sshrl.u32 s24, $0x3  }
0x26: {  	s24 =	sadd.s32 $0xED80, s0;
	s2 =	sadd.s32 s13, s23;
	s25 =	sadd.s32 s11, s14  }
0x27: {  	s14 =	sshrl.u32 s2, $0x3;
	[dreg:$0x15] =	wrdreg s25;
	s25 =	sadd.s32 s13, s24  }
0x28: {  	s3 =	sadd.s32 s11, s14;
	s14 =	sshrl.u32 s12, $0x3;
	s25 =	sshrl.u32 s25, $0x3  }
0x29: {  	[dreg:$0x16] =	wrdreg s3;
	s3 =	sadd.s32 $0x11300, s0;
	s4 =	sadd.s32 s11, s25  }
0x2a: {  	s25 =	sadd.s32 s11, s14;
	[dreg:$0x17] =	wrdreg s4;
	s4 =	sadd.s32 $0x10680, s0  }
0x2b: {  	s12 =	sadd.s32 s13, s3;
	[dreg:$0x18] =	wrdreg s25;
	s2 =	sadd.s32 s13, s4  }
0x2c: {  	s25 =	sshrl.u32 s12, $0x3;
	s12 =	sadd.s32 $0x11F80, s0;
	s14 =	sshrl.u32 s2, $0x3  }
0x2d: {  	s25 =	sadd.s32 s11, s25;
	s2 =	sadd.s32 s13, s12;
	s14 =	sadd.s32 s11, s14  }
0x2e: {  	[dreg:$0x19] =	wrdreg s14;
	s14 =	sshrl.u32 s2, $0x3;
	s2 =	sadd.s32 $0x12C00, s0  }
0x2f: {  	s31 =	smul.u32 $0x4E200, s31;
	[dreg:$0x1a] =	wrdreg s25;
	s13 =	sadd.s32 s13, s2  }
0x30: {  	s25 =	rddreg [dreg:$0x0];
	s14 =	sadd.s32 s11, s14;
	s13 =	sshrl.u32 s13, $0x3  }
0x31: {  	[dreg:$0x1b] =	wrdreg s14;
	s11 =	sadd.s32 s11, s13;
	s13 =	sshrl.u32 s31, $0x2  }
0x32: {  	s5 =	sadd.s32 s5, s28;
	[dreg:$0x1c] =	wrdreg s11;
	s11 =	sadd.s32 s13, s28  }
0x33: {  	_ =	strace $0x8000004A;
	s14 =	sadd.s32 $0x1400, s11;
	[smem:$0x7E8] =	sst s5  }
0x34: {  	s5 =	sadd.s32 s8, s28;
	[dreg:$0x1d] =	wrdreg s14  }
0x35: {  	s8 =	sadd.s32 s15, s28;
	[smem:$0x7EB] =	sst s5  }
0x36: {  	s14 =	sadd.s32 $0x2800, s11;
	[smem:$0x7EE] =	sst s8  }
0x37: {  	[dreg:$0x1e] =	wrdreg s14;
	s14 =	sadd.s32 $0x3C00, s11  }
0x38: {  	[dreg:$0x1f] =	wrdreg s14;
	s14 =	sadd.s32 $0x5000, s11  }
0x39: {  	[smem:$0x7DA] =	sst s14;
	s14 =	sadd.s32 $0x7800, s11  }
0x3a: {  	[smem:$0x7DB] =	sst s14;
	s14 =	sadd.s32 $0x8C00, s11  }
0x3b: {  	[smem:$0x7DC] =	sst s14;
	s14 =	sadd.s32 $0xA000, s11  }
0x3c: {  	[smem:$0x7DD] =	sst s14;
	s14 =	sadd.s32 $0xB400, s11  }
0x3d: {  	[smem:$0x7DE] =	sst s14;
	s14 =	sadd.s32 $0xDC00, s11  }
0x3e: {  	[smem:$0x7DF] =	sst s14;
	s14 =	sadd.s32 $0xF000, s11  }
0x3f: {  	[smem:$0x7E0] =	sst s14;
	s14 =	sadd.s32 $0x10400, s11;
	s11 =	sadd.s32 $0x11800, s11  }
0x40: {  	[smem:$0x7E2] =	sst s11  }
0x41: {  	s15 =	sadd.s32 s20, s28;
	s11 =	sld [smem:$0x7E3]  }
0x42: {  	s20 =	sadd.s32 s29, s28;
	[smem:$0x7F3] =	sst s15  }
0x43: {  	[smem:$0x7F8] =	sst s20  }
0x44: {  	s26 =	sadd.s32 s26, s28;
	[smem:$0x7E1] =	sst s14;
	s13 =	sadd.s32 $0x1A00, s11  }
0x45: {  	s31 =	sadd.s32 s0, s28;
	s11 =	sadd.s32 $0xB800, s11;
	[smem:$0x7E4] =	sst s13  }
0x46: {  	s0 =	sadd.s32 s30, s28;
	s30 =	simm.s32 $0x2;
	[smem:$0x7E5] =	sst s11  }
0x47: {  	s29 =	simm.s32 $0xB220;
	s13 =	sld [smem:$0x7E6];
	s11 =	sadd.s32 s6, s28  }
0x48: {  	s15 =	simm.s32 $0x4E20;
	s6 =	sadd.s32 s9, s28;
	[smem:$0x7E9] =	sst s11  }
0x49: {  	s20 =	simm.s32 $0x6220;
	s9 =	sadd.s32 s16, s28;
	[smem:$0x7EC] =	sst s6  }
0x4a: {  	s5 =	simm.s32 $0x9;
	s16 =	sadd.s32 s21, s28;
	[smem:$0x7EF] =	sst s9  }
0x4b: {  	s8 =	simm.s32 $0x6;
	s21 =	sadd.s32 s4, s28;
	[smem:$0x7F4] =	sst s16  }
0x4c: {  	s14 =	sadd.s32 s2, s28;
	s11 =	sadd.s32 s18, s28;
	[smem:$0x7F9] =	sst s21  }
0x4d: {  	s4 =	simm.s32 $0x4;
	s18 =	sadd.s32 s23, s28;
	[smem:$0x7F1] =	sst s11  }
0x4e: {  	s23 =	sadd.s32 s12, s28;
	s16 =	simm.s32 $0x7;
	[smem:$0x7F6] =	sst s18  }
0x4f: {  	s21 =	simm.s32 $0x7620;
	[smem:$0x7FB] =	sst s23;
	s2 =	sadd.s32 s13, s28  }
0x50: {  	s6 =	simm.s32 $0x5;
	s13 =	sadd.s32 s7, s28;
	[smem:$0x7E7] =	sst s2  }
0x51: {  	s9 =	simm.s32 $0xB;
	s7 =	sadd.s32 s10, s28;
	[smem:$0x7EA] =	sst s13  }
0x52: {  	s23 =	simm.s32 $0x9E20;
	s10 =	sadd.s32 s17, s28;
	[smem:$0x7ED] =	sst s7  }
0x53: {  	s18 =	simm.s32 $0xC;
	s17 =	sadd.s32 s22, s28;
	[smem:$0x7F0] =	sst s10  }
0x54: {  	s22 =	sadd.s32 s3, s28;
	s13 =	sadd.s32 s19, s28;
	[smem:$0x7F5] =	sst s17  }
.Ltmp0:
0x55: {  	s19 =	sadd.s32 s24, s28;
	s24 =	sld [smem:$0x7FC];
	(pc) =	sbr.rel .LBB2_1-.Ltmp0, $4  }
0x56: {  	s3 =	simm.s32 $0x8;
	[smem:$0x7FA] =	sst s22;
	s22 =	simm.s32 $0x8A20  }
0x57: {  	s7 =	simm.s32 $0xA;
	s10 =	simm.s32 $0x0;
	[smem:$0x7F2] =	sst s13  }
0x58: {  	[smem:$0x7F7] =	sst s19;
	s19 =	simm.s32 $0x28;
	s2 =	smax.u32 s24, $0x1  }
0x59: {  	v0 =	vimm.f32 $0.0e+00;
	s24 =	simm.s32 $0x1;
	[smem:$0x7FD] =	sst s2;
	s2 =	simm.s32 $0x3  }
.LBB2_6:
0x5a: {  	[spmem:s28] =	stream.indirect.scatter.add.f32 [tilespmem:s29], [sflag:$0xC], $0x80, s13, s19, $0xb8;
	[tilespmem:$0x1FEA0] =	vst v63  }
0x5b: {  	_ =	swait.ge [sflag:s24], $0x1400  }
0x5c: {  	[sflag:s24] =	ssyncset.done $0x0  }
0x5d: {  	[sflag:s24] =	ssyncadd.s32 $0xFFFFEC00  }
0x5e: {  	_ =	swait.ge [sflag:s18], $0x1400  }
0x5f: {  	[sflag:s18] =	ssyncset.done $0x0  }
0x60: {  	s11 =	simm.s32 $0x4D80;
	[sflag:s18] =	ssyncadd.s32 $0xFFFFEC00  }
0x61: {  	[spmem:s28] =	stream.indirect.scatter.add.f32 [tilespmem:s15], [sflag:$0x7], $0x80, s11, s19, $0xb8;
	[tilespmem:$0x1FEA0] =	vst v63  }
0x62: {  	_ =	swait.ge [sflag:s30], $0x1400  }
0x63: {  	[sflag:s30] =	ssyncset.done $0x0  }
0x64: {  	[sflag:s30] =	ssyncadd.s32 $0xFFFFEC00  }
0x65: {  	_ =	swait.ge [sflag:s16], $0x1400  }
0x66: {  	[sflag:s16] =	ssyncset.done $0x0  }
0x67: {  	s13 =	simm.s32 $0x4DA8;
	[sflag:s16] =	ssyncadd.s32 $0xFFFFEC00  }
0x68: {  	[spmem:s28] =	stream.indirect.scatter.add.f32 [tilespmem:s20], [sflag:$0x8], $0x80, s13, s19, $0xb8;
	[tilespmem:$0x1FEA0] =	vst v63  }
0x69: {  	_ =	swait.ge [sflag:s2], $0x1400  }
0x6a: {  	[sflag:s2] =	ssyncset.done $0x0  }
0x6b: {  	[sflag:s2] =	ssyncadd.s32 $0xFFFFEC00  }
0x6c: {  	_ =	swait.ge [sflag:s3], $0x1400  }
0x6d: {  	[sflag:s3] =	ssyncset.done $0x0  }
0x6e: {  	s17 =	simm.s32 $0x4DD0;
	[sflag:s3] =	ssyncadd.s32 $0xFFFFEC00  }
0x6f: {  	[spmem:s28] =	stream.indirect.scatter.add.f32 [tilespmem:s21], [sflag:$0x9], $0x80, s17, s19, $0xb8;
	[tilespmem:$0x1FEA0] =	vst v63  }
0x70: {  	_ =	swait.ge [sflag:s4], $0x1400  }
0x71: {  	[sflag:s4] =	ssyncset.done $0x0  }
0x72: {  	[sflag:s4] =	ssyncadd.s32 $0xFFFFEC00  }
0x73: {  	_ =	swait.ge [sflag:s5], $0x1400  }
0x74: {  	[sflag:s5] =	ssyncset.done $0x0  }
0x75: {  	s12 =	simm.s32 $0x4DF8;
	[sflag:s5] =	ssyncadd.s32 $0xFFFFEC00  }
0x76: {  	[spmem:s28] =	stream.indirect.scatter.add.f32 [tilespmem:s22], [sflag:$0xA], $0x80, s12, s19, $0xb8;
	[tilespmem:$0x1FEA0] =	vst v63  }
0x77: {  	_ =	swait.ge [sflag:s7], $0x1400  }
0x78: {  	[sflag:s7] =	ssyncset.done $0x0  }
0x79: {  	[sflag:s7] =	ssyncadd.s32 $0xFFFFEC00  }
0x7a: {  	[bflag:$0x0] =	sbarrier.arrive $0xFFFF  }
0x7b: {  	[tilespmem:s15], [sflag:$0x1] =	stream.linear.gather [spmem:s31], $0xC80, $0x38;
	[tilespmem:$0x1FEA0] =	vst v63  }
0x7c: {  	_ =	swait.ge [sflag:s24], $0xC80  }
0x7d: {  	s13 =	sld [smem:$0x7E7]  }
0x7e: {  	[sflag:s24] =	ssyncset.done $0x0  }
0x7f: {  	[sflag:s24] =	ssyncadd.s32 $0xFFFFF380  }
0x80: {  	[tilespmem:s20], [sflag:$0x2] =	stream.linear.gather [spmem:s13], $0xC80, $0x38;
	[tilespmem:$0x1FEA0] =	vst v63  }
0x81: {  	s17 =	rddreg [dreg:$0x4]  }
0x82: {  	[hbm4b:s17+s1] =	stream.linear.scatter [tilespmem:s15], [sflag:$0x7], $0xC80, $0x38;
	[tilespmem:$0x1FEA0] =	vst v63  }
0x83: {  	_ =	swait.ge [sflag:s30], $0xC80  }
0x84: {  	[sflag:s30] =	ssyncset.done $0x0  }
0x85: {  	[sflag:s30] =	ssyncadd.s32 $0xFFFFF380  }
0x86: {  	_ =	swait.ge [sflag:s16], $0xC80  }
0x87: {  	s12 =	sld [smem:$0x7E8]  }
0x88: {  	[sflag:s16] =	ssyncset.done $0x0  }
0x89: {  	[sflag:s16] =	ssyncadd.s32 $0xFFFFF380  }
0x8a: {  	[tilespmem:s15], [sflag:$0x1] =	stream.linear.gather [spmem:s12], $0xC80, $0x38;
	[tilespmem:$0x1FEA0] =	vst v63  }
0x8b: {  	s13 =	rddreg [dreg:$0x5]  }
0x8c: {  	[hbm4b:s13+s1] =	stream.linear.scatter [tilespmem:s20], [sflag:$0x8], $0xC80, $0x38;
	[tilespmem:$0x1FEA0] =	vst v63  }
0x8d: {  	_ =	swait.ge [sflag:s24], $0xC80  }
0x8e: {  	[sflag:s24] =	ssyncset.done $0x0  }
0x8f: {  	[sflag:s24] =	ssyncadd.s32 $0xFFFFF380  }
0x90: {  	_ =	swait.ge [sflag:s3], $0xC80  }
0x91: {  	s17 =	sld [smem:$0x7E9]  }
0x92: {  	[sflag:s3] =	ssyncset.done $0x0  }
0x93: {  	[sflag:s3] =	ssyncadd.s32 $0xFFFFF380  }
0x94: {  	[tilespmem:s20], [sflag:$0x2] =	stream.linear.gather [spmem:s17], $0xC80, $0x38;
	[tilespmem:$0x1FEA0] =	vst v63  }
0x95: {  	s12 =	rddreg [dreg:$0x6]  }
0x96: {  	[hbm4b:s12+s1] =	stream.linear.scatter [tilespmem:s15], [sflag:$0x7], $0xC80, $0x38;
	[tilespmem:$0x1FEA0] =	vst v63  }
0x97: {  	_ =	swait.ge [sflag:s30], $0xC80  }
0x98: {  	[sflag:s30] =	ssyncset.done $0x0  }
0x99: {  	[sflag:s30] =	ssyncadd.s32 $0xFFFFF380  }
0x9a: {  	_ =	swait.ge [sflag:s16], $0xC80  }
0x9b: {  	s13 =	sld [smem:$0x7EA]  }
0x9c: {  	[sflag:s16] =	ssyncset.done $0x0  }
0x9d: {  	[sflag:s16] =	ssyncadd.s32 $0xFFFFF380  }
0x9e: {  	[tilespmem:s15], [sflag:$0x1] =	stream.linear.gather [spmem:s13], $0xC80, $0x38;
	[tilespmem:$0x1FEA0] =	vst v63  }
0x9f: {  	s17 =	rddreg [dreg:$0x7]  }
0xa0: {  	[hbm4b:s17+s1] =	stream.linear.scatter [tilespmem:s20], [sflag:$0x8], $0xC80, $0x38;
	[tilespmem:$0x1FEA0] =	vst v63  }
0xa1: {  	_ =	swait.ge [sflag:s24], $0xC80  }
0xa2: {  	[sflag:s24] =	ssyncset.done $0x0  }
0xa3: {  	[sflag:s24] =	ssyncadd.s32 $0xFFFFF380  }
0xa4: {  	_ =	swait.ge [sflag:s3], $0xC80  }
0xa5: {  	s12 =	sld [smem:$0x7EB]  }
0xa6: {  	[sflag:s3] =	ssyncset.done $0x0  }
0xa7: {  	[sflag:s3] =	ssyncadd.s32 $0xFFFFF380  }
0xa8: {  	[tilespmem:s20], [sflag:$0x2] =	stream.linear.gather [spmem:s12], $0xC80, $0x38;
	[tilespmem:$0x1FEA0] =	vst v63  }
0xa9: {  	s13 =	rddreg [dreg:$0x8]  }
0xaa: {  	[hbm4b:s13+s1] =	stream.linear.scatter [tilespmem:s15], [sflag:$0x7], $0xC80, $0x38;
	[tilespmem:$0x1FEA0] =	vst v63  }
0xab: {  	_ =	swait.ge [sflag:s30], $0xC80  }
0xac: {  	[sflag:s30] =	ssyncset.done $0x0  }
0xad: {  	[sflag:s30] =	ssyncadd.s32 $0xFFFFF380  }
0xae: {  	_ =	swait.ge [sflag:s16], $0xC80  }
0xaf: {  	s17 =	sld [smem:$0x7EC]  }
0xb0: {  	[sflag:s16] =	ssyncset.done $0x0  }
0xb1: {  	[sflag:s16] =	ssyncadd.s32 $0xFFFFF380  }
0xb2: {  	[tilespmem:s15], [sflag:$0x1] =	stream.linear.gather [spmem:s17], $0xC80, $0x38;
	[tilespmem:$0x1FEA0] =	vst v63  }
0xb3: {  	s12 =	rddreg [dreg:$0x9]  }
0xb4: {  	[hbm4b:s12+s1] =	stream.linear.scatter [tilespmem:s20], [sflag:$0x8], $0xC80, $0x38;
	[tilespmem:$0x1FEA0] =	vst v63  }
0xb5: {  	_ =	swait.ge [sflag:s24], $0xC80  }
0xb6: {  	[sflag:s24] =	ssyncset.done $0x0  }
0xb7: {  	[sflag:s24] =	ssyncadd.s32 $0xFFFFF380  }
0xb8: {  	_ =	swait.ge [sflag:s3], $0xC80  }
0xb9: {  	s13 =	sld [smem:$0x7ED]  }
0xba: {  	[sflag:s3] =	ssyncset.done $0x0  }
0xbb: {  	[sflag:s3] =	ssyncadd.s32 $0xFFFFF380  }
0xbc: {  	[tilespmem:s20], [sflag:$0x2] =	stream.linear.gather [spmem:s13], $0xC80, $0x38;
	[tilespmem:$0x1FEA0] =	vst v63  }
0xbd: {  	s17 =	rddreg [dreg:$0xa]  }
0xbe: {  	[hbm4b:s17+s1] =	stream.linear.scatter [tilespmem:s15], [sflag:$0x7], $0xC80, $0x38;
	[tilespmem:$0x1FEA0] =	vst v63  }
0xbf: {  	_ =	swait.ge [sflag:s30], $0xC80  }
0xc0: {  	[sflag:s30] =	ssyncset.done $0x0  }
0xc1: {  	[sflag:s30] =	ssyncadd.s32 $0xFFFFF380  }
0xc2: {  	_ =	swait.ge [sflag:s16], $0xC80  }
0xc3: {  	[sflag:s16] =	ssyncset.done $0x0  }
0xc4: {  	[sflag:s16] =	ssyncadd.s32 $0xFFFFF380  }
0xc5: {  	[tilespmem:s15], [sflag:$0x1] =	stream.linear.gather [spmem:s26], $0xC80, $0x38;
	[tilespmem:$0x1FEA0] =	vst v63  }
0xc6: {  	s12 =	rddreg [dreg:$0xb]  }
0xc7: {  	[hbm4b:s12+s1] =	stream.linear.scatter [tilespmem:s20], [sflag:$0x8], $0xC80, $0x38;
	[tilespmem:$0x1FEA0] =	vst v63  }
0xc8: {  	_ =	swait.ge [sflag:s24], $0xC80  }
0xc9: {  	[sflag:s24] =	ssyncset.done $0x0  }
0xca: {  	[sflag:s24] =	ssyncadd.s32 $0xFFFFF380  }
0xcb: {  	_ =	swait.ge [sflag:s3], $0xC80  }
0xcc: {  	s13 =	sld [smem:$0x7EE]  }
0xcd: {  	[sflag:s3] =	ssyncset.done $0x0  }
0xce: {  	[sflag:s3] =	ssyncadd.s32 $0xFFFFF380  }
0xcf: {  	[tilespmem:s20], [sflag:$0x2] =	stream.linear.gather [spmem:s13], $0xC80, $0x38;
	[tilespmem:$0x1FEA0] =	vst v63  }
0xd0: {  	s17 =	rddreg [dreg:$0xc]  }
0xd1: {  	[hbm4b:s17+s1] =	stream.linear.scatter [tilespmem:s15], [sflag:$0x7], $0xC80, $0x38;
	[tilespmem:$0x1FEA0] =	vst v63  }
0xd2: {  	_ =	swait.ge [sflag:s30], $0xC80  }
0xd3: {  	[sflag:s30] =	ssyncset.done $0x0  }
0xd4: {  	[sflag:s30] =	ssyncadd.s32 $0xFFFFF380  }
0xd5: {  	_ =	swait.ge [sflag:s16], $0xC80  }
0xd6: {  	s12 =	sld [smem:$0x7EF]  }
0xd7: {  	[sflag:s16] =	ssyncset.done $0x0  }
0xd8: {  	[sflag:s16] =	ssyncadd.s32 $0xFFFFF380  }
0xd9: {  	[tilespmem:s15], [sflag:$0x1] =	stream.linear.gather [spmem:s12], $0xC80, $0x38;
	[tilespmem:$0x1FEA0] =	vst v63  }
0xda: {  	s13 =	rddreg [dreg:$0xd]  }
0xdb: {  	[hbm4b:s13+s1] =	stream.linear.scatter [tilespmem:s20], [sflag:$0x8], $0xC80, $0x38;
	[tilespmem:$0x1FEA0] =	vst v63  }
0xdc: {  	_ =	swait.ge [sflag:s24], $0xC80  }
0xdd: {  	[sflag:s24] =	ssyncset.done $0x0  }
0xde: {  	[sflag:s24] =	ssyncadd.s32 $0xFFFFF380  }
0xdf: {  	_ =	swait.ge [sflag:s3], $0xC80  }
0xe0: {  	s17 =	sld [smem:$0x7F0]  }
0xe1: {  	[sflag:s3] =	ssyncset.done $0x0  }
0xe2: {  	[sflag:s3] =	ssyncadd.s32 $0xFFFFF380  }
0xe3: {  	[tilespmem:s20], [sflag:$0x2] =	stream.linear.gather [spmem:s17], $0xC80, $0x38;
	[tilespmem:$0x1FEA0] =	vst v63  }
0xe4: {  	s12 =	rddreg [dreg:$0xe]  }
0xe5: {  	[hbm4b:s12+s1] =	stream.linear.scatter [tilespmem:s15], [sflag:$0x7], $0xC80, $0x38;
	[tilespmem:$0x1FEA0] =	vst v63  }
0xe6: {  	_ =	swait.ge [sflag:s30], $0xC80  }
0xe7: {  	[sflag:s30] =	ssyncset.done $0x0  }
0xe8: {  	[sflag:s30] =	ssyncadd.s32 $0xFFFFF380  }
0xe9: {  	_ =	swait.ge [sflag:s16], $0xC80  }
0xea: {  	s13 =	sld [smem:$0x7F1]  }
0xeb: {  	[sflag:s16] =	ssyncset.done $0x0  }
0xec: {  	[sflag:s16] =	ssyncadd.s32 $0xFFFFF380  }
0xed: {  	[tilespmem:s15], [sflag:$0x1] =	stream.linear.gather [spmem:s13], $0xC80, $0x38;
	[tilespmem:$0x1FEA0] =	vst v63  }
0xee: {  	s17 =	rddreg [dreg:$0xf]  }
0xef: {  	[hbm4b:s17+s1] =	stream.linear.scatter [tilespmem:s20], [sflag:$0x8], $0xC80, $0x38;
	[tilespmem:$0x1FEA0] =	vst v63  }
0xf0: {  	_ =	swait.ge [sflag:s24], $0xC80  }
0xf1: {  	[sflag:s24] =	ssyncset.done $0x0  }
0xf2: {  	[sflag:s24] =	ssyncadd.s32 $0xFFFFF380  }
0xf3: {  	_ =	swait.ge [sflag:s3], $0xC80  }
0xf4: {  	s12 =	sld [smem:$0x7F2]  }
0xf5: {  	[sflag:s3] =	ssyncset.done $0x0  }
0xf6: {  	[sflag:s3] =	ssyncadd.s32 $0xFFFFF380  }
0xf7: {  	[tilespmem:s20], [sflag:$0x2] =	stream.linear.gather [spmem:s12], $0xC80, $0x38;
	[tilespmem:$0x1FEA0] =	vst v63  }
0xf8: {  	s13 =	rddreg [dreg:$0x10]  }
0xf9: {  	[hbm4b:s13+s1] =	stream.linear.scatter [tilespmem:s15], [sflag:$0x7], $0xC80, $0x38;
	[tilespmem:$0x1FEA0] =	vst v63  }
0xfa: {  	_ =	swait.ge [sflag:s30], $0xC80  }
0xfb: {  	[sflag:s30] =	ssyncset.done $0x0  }
0xfc: {  	[sflag:s30] =	ssyncadd.s32 $0xFFFFF380  }
0xfd: {  	_ =	swait.ge [sflag:s16], $0xC80  }
0xfe: {  	s17 =	sld [smem:$0x7F3]  }
0xff: {  	[sflag:s16] =	ssyncset.done $0x0  }
0x100: {  	[sflag:s16] =	ssyncadd.s32 $0xFFFFF380  }
0x101: {  	[tilespmem:s15], [sflag:$0x1] =	stream.linear.gather [spmem:s17], $0xC80, $0x38;
	[tilespmem:$0x1FEA0] =	vst v63  }
0x102: {  	s12 =	rddreg [dreg:$0x11]  }
0x103: {  	[hbm4b:s12+s1] =	stream.linear.scatter [tilespmem:s20], [sflag:$0x8], $0xC80, $0x38;
	[tilespmem:$0x1FEA0] =	vst v63  }
0x104: {  	_ =	swait.ge [sflag:s24], $0xC80  }
0x105: {  	[sflag:s24] =	ssyncset.done $0x0  }
0x106: {  	[sflag:s24] =	ssyncadd.s32 $0xFFFFF380  }
0x107: {  	_ =	swait.ge [sflag:s3], $0xC80  }
0x108: {  	s13 =	sld [smem:$0x7F4]  }
0x109: {  	[sflag:s3] =	ssyncset.done $0x0  }
0x10a: {  	[sflag:s3] =	ssyncadd.s32 $0xFFFFF380  }
0x10b: {  	[tilespmem:s20], [sflag:$0x2] =	stream.linear.gather [spmem:s13], $0xC80, $0x38;
	[tilespmem:$0x1FEA0] =	vst v63  }
0x10c: {  	s17 =	rddreg [dreg:$0x12]  }
0x10d: {  	[hbm4b:s17+s1] =	stream.linear.scatter [tilespmem:s15], [sflag:$0x7], $0xC80, $0x38;
	[tilespmem:$0x1FEA0] =	vst v63  }
0x10e: {  	_ =	swait.ge [sflag:s30], $0xC80  }
0x10f: {  	[sflag:s30] =	ssyncset.done $0x0  }
0x110: {  	[sflag:s30] =	ssyncadd.s32 $0xFFFFF380  }
0x111: {  	_ =	swait.ge [sflag:s16], $0xC80  }
0x112: {  	[sflag:s16] =	ssyncset.done $0x0  }
0x113: {  	[sflag:s16] =	ssyncadd.s32 $0xFFFFF380  }
0x114: {  	[tilespmem:s15], [sflag:$0x1] =	stream.linear.gather [spmem:s0], $0xC80, $0x38;
	[tilespmem:$0x1FEA0] =	vst v63  }
0x115: {  	s12 =	rddreg [dreg:$0x13]  }
0x116: {  	[hbm4b:s12+s1] =	stream.linear.scatter [tilespmem:s20], [sflag:$0x8], $0xC80, $0x38;
	[tilespmem:$0x1FEA0] =	vst v63  }
0x117: {  	_ =	swait.ge [sflag:s24], $0xC80  }
0x118: {  	[sflag:s24] =	ssyncset.done $0x0  }
0x119: {  	[sflag:s24] =	ssyncadd.s32 $0xFFFFF380  }
0x11a: {  	_ =	swait.ge [sflag:s3], $0xC80  }
0x11b: {  	s13 =	sld [smem:$0x7F5]  }
0x11c: {  	[sflag:s3] =	ssyncset.done $0x0  }
0x11d: {  	[sflag:s3] =	ssyncadd.s32 $0xFFFFF380  }
0x11e: {  	[tilespmem:s20], [sflag:$0x2] =	stream.linear.gather [spmem:s13], $0xC80, $0x38;
	[tilespmem:$0x1FEA0] =	vst v63  }
0x11f: {  	s17 =	rddreg [dreg:$0x14]  }
0x120: {  	[hbm4b:s17+s1] =	stream.linear.scatter [tilespmem:s15], [sflag:$0x7], $0xC80, $0x38;
	[tilespmem:$0x1FEA0] =	vst v63  }
0x121: {  	_ =	swait.ge [sflag:s30], $0xC80  }
0x122: {  	[sflag:s30] =	ssyncset.done $0x0  }
0x123: {  	[sflag:s30] =	ssyncadd.s32 $0xFFFFF380  }
0x124: {  	_ =	swait.ge [sflag:s16], $0xC80  }
0x125: {  	s12 =	sld [smem:$0x7F6]  }
0x126: {  	[sflag:s16] =	ssyncset.done $0x0  }
0x127: {  	[sflag:s16] =	ssyncadd.s32 $0xFFFFF380  }
0x128: {  	[tilespmem:s15], [sflag:$0x1] =	stream.linear.gather [spmem:s12], $0xC80, $0x38;
	[tilespmem:$0x1FEA0] =	vst v63  }
0x129: {  	s13 =	rddreg [dreg:$0x15]  }
0x12a: {  	[hbm4b:s13+s1] =	stream.linear.scatter [tilespmem:s20], [sflag:$0x8], $0xC80, $0x38;
	[tilespmem:$0x1FEA0] =	vst v63  }
0x12b: {  	_ =	swait.ge [sflag:s24], $0xC80  }
0x12c: {  	[sflag:s24] =	ssyncset.done $0x0  }
0x12d: {  	[sflag:s24] =	ssyncadd.s32 $0xFFFFF380  }
0x12e: {  	_ =	swait.ge [sflag:s3], $0xC80  }
0x12f: {  	s17 =	sld [smem:$0x7F7]  }
0x130: {  	[sflag:s3] =	ssyncset.done $0x0  }
0x131: {  	[sflag:s3] =	ssyncadd.s32 $0xFFFFF380  }
0x132: {  	[tilespmem:s20], [sflag:$0x2] =	stream.linear.gather [spmem:s17], $0xC80, $0x38;
	[tilespmem:$0x1FEA0] =	vst v63  }
0x133: {  	s12 =	rddreg [dreg:$0x16]  }
0x134: {  	[hbm4b:s12+s1] =	stream.linear.scatter [tilespmem:s15], [sflag:$0x7], $0xC80, $0x38;
	[tilespmem:$0x1FEA0] =	vst v63  }
0x135: {  	_ =	swait.ge [sflag:s30], $0xC80  }
0x136: {  	[sflag:s30] =	ssyncset.done $0x0  }
0x137: {  	[sflag:s30] =	ssyncadd.s32 $0xFFFFF380  }
0x138: {  	_ =	swait.ge [sflag:s16], $0xC80  }
0x139: {  	s13 =	sld [smem:$0x7F8]  }
0x13a: {  	[sflag:s16] =	ssyncset.done $0x0  }
0x13b: {  	[sflag:s16] =	ssyncadd.s32 $0xFFFFF380  }
0x13c: {  	[tilespmem:s15], [sflag:$0x1] =	stream.linear.gather [spmem:s13], $0xC80, $0x38;
	[tilespmem:$0x1FEA0] =	vst v63  }
0x13d: {  	s17 =	rddreg [dreg:$0x17]  }
0x13e: {  	[hbm4b:s17+s1] =	stream.linear.scatter [tilespmem:s20], [sflag:$0x8], $0xC80, $0x38;
	[tilespmem:$0x1FEA0] =	vst v63  }
0x13f: {  	_ =	swait.ge [sflag:s24], $0xC80  }
0x140: {  	[sflag:s24] =	ssyncset.done $0x0  }
0x141: {  	[sflag:s24] =	ssyncadd.s32 $0xFFFFF380  }
0x142: {  	_ =	swait.ge [sflag:s3], $0xC80  }
0x143: {  	s12 =	sld [smem:$0x7F9]  }
0x144: {  	[sflag:s3] =	ssyncset.done $0x0  }
0x145: {  	[sflag:s3] =	ssyncadd.s32 $0xFFFFF380  }
0x146: {  	[tilespmem:s20], [sflag:$0x2] =	stream.linear.gather [spmem:s12], $0xC80, $0x38;
	[tilespmem:$0x1FEA0] =	vst v63  }
0x147: {  	s13 =	rddreg [dreg:$0x18]  }
0x148: {  	[hbm4b:s13+s1] =	stream.linear.scatter [tilespmem:s15], [sflag:$0x7], $0xC80, $0x38;
	[tilespmem:$0x1FEA0] =	vst v63  }
0x149: {  	_ =	swait.ge [sflag:s30], $0xC80  }
0x14a: {  	[sflag:s30] =	ssyncset.done $0x0  }
0x14b: {  	[sflag:s30] =	ssyncadd.s32 $0xFFFFF380  }
0x14c: {  	_ =	swait.ge [sflag:s16], $0xC80  }
0x14d: {  	s17 =	sld [smem:$0x7FA]  }
0x14e: {  	[sflag:s16] =	ssyncset.done $0x0  }
0x14f: {  	[sflag:s16] =	ssyncadd.s32 $0xFFFFF380  }
0x150: {  	[tilespmem:s15], [sflag:$0x1] =	stream.linear.gather [spmem:s17], $0xC80, $0x38;
	[tilespmem:$0x1FEA0] =	vst v63  }
0x151: {  	s12 =	rddreg [dreg:$0x19]  }
0x152: {  	[hbm4b:s12+s1] =	stream.linear.scatter [tilespmem:s20], [sflag:$0x8], $0xC80, $0x38;
	[tilespmem:$0x1FEA0] =	vst v63  }
0x153: {  	_ =	swait.ge [sflag:s24], $0xC80  }
0x154: {  	[sflag:s24] =	ssyncset.done $0x0  }
0x155: {  	[sflag:s24] =	ssyncadd.s32 $0xFFFFF380  }
0x156: {  	_ =	swait.ge [sflag:s3], $0xC80  }
0x157: {  	s13 =	sld [smem:$0x7FB]  }
0x158: {  	[sflag:s3] =	ssyncset.done $0x0  }
0x159: {  	[sflag:s3] =	ssyncadd.s32 $0xFFFFF380  }
0x15a: {  	[tilespmem:s20], [sflag:$0x2] =	stream.linear.gather [spmem:s13], $0xC80, $0x38;
	[tilespmem:$0x1FEA0] =	vst v63  }
0x15b: {  	s17 =	rddreg [dreg:$0x1a]  }
0x15c: {  	[hbm4b:s17+s1] =	stream.linear.scatter [tilespmem:s15], [sflag:$0x7], $0xC80, $0x38;
	[tilespmem:$0x1FEA0] =	vst v63  }
0x15d: {  	_ =	swait.ge [sflag:s30], $0xC80  }
0x15e: {  	[sflag:s30] =	ssyncset.done $0x0  }
0x15f: {  	[sflag:s30] =	ssyncadd.s32 $0xFFFFF380  }
0x160: {  	_ =	swait.ge [sflag:s16], $0xC80  }
0x161: {  	[sflag:s16] =	ssyncset.done $0x0  }
0x162: {  	[sflag:s16] =	ssyncadd.s32 $0xFFFFF380  }
0x163: {  	[tilespmem:s15], [sflag:$0x1] =	stream.linear.gather [spmem:s14], $0xC80, $0x38;
	[tilespmem:$0x1FEA0] =	vst v63  }
0x164: {  	s12 =	rddreg [dreg:$0x1b]  }
0x165: {  	[hbm4b:s12+s1] =	stream.linear.scatter [tilespmem:s20], [sflag:$0x8], $0xC80, $0x38;
	[tilespmem:$0x1FEA0] =	vst v63  }
0x166: {  	_ =	swait.ge [sflag:s24], $0xC80  }
0x167: {  	[sflag:s24] =	ssyncset.done $0x0  }
0x168: {  	s13 =	rddreg [dreg:$0x1c];
	[sflag:s24] =	ssyncadd.s32 $0xFFFFF380  }
0x169: {  	[hbm4b:s13+s1] =	stream.linear.scatter [tilespmem:s15], [sflag:$0x7], $0xC80, $0x38;
	[tilespmem:$0x1FEA0] =	vst v63  }
0x16a: {  	_ =	swait.ge [sflag:s3], $0xC80  }
0x16b: {  	[sflag:s3] =	ssyncset.done $0x0  }
0x16c: {  	[sflag:s3] =	ssyncadd.s32 $0xFFFFF380  }
0x16d: {  	_ =	swait.ge [sflag:s16], $0xC80  }
0x16e: {  	s17 =	sld [smem:$0x7FD];
	_ =	sdelay $0x1  }
0x16f: {  	s10 =	sadd.s32 $0x1, s10  }
0x170: {  	p0 =	sne.s32 s10, s17  }
.Ltmp1:
0x171: {  	_ = 	snop;
	(pc) =	sbr.rel @!p0 .LBB2_7-.Ltmp1, $3  }
0x172: {  	_ =	sdelay $0x1  }
0x173: {  	[sflag:s16] =	ssyncset.done $0x0  }
0x174: {  	[sflag:s16] =	ssyncadd.s32 $0xFFFFF380  }
.LBB2_1:
0x175: {  	s17 =	smov.u32 s14  }
0x176: {  	s14 =	smov.u32 s0;
	s0 =	smov.u32 s26;
	s11 =	sand.u32 $0x7E00, s1  }
0x177: {  	s26 =	smov.u32 s31;
	s12 =	sand.u32 $0x70, s1;
	s13 =	sshrl.u32 s11, $0x2  }
0x178: {  	s11 =	simm.s32 $0x40;
	s13 =	sor.u32 s12, s13;
	s12 =	simm.s32 $0x0  }
.LBB2_2:
0x179: {  	p0 =	sne.s32 s11, $0x4FC0  }
0x17a: {  	[tilespmem:s13+$0x4E20] =	vst v0;
	s12 =	sadd.s32 $0x10, s12;
	s13 =	smov.u32 s11;
	s11 =	sadd.s32 $0x40, s11  }
.Ltmp2:
0x17b: {  	(pc) =	sbr.rel @p0 .LBB2_2-.Ltmp2, $4  }
0x17c: {  	_ = 	snop  }
0x17d: {  	s13 =	sand.u32 $0x7E00, s13  }
0x17e: {  	s31 =	sand.u32 $0x70, s12;
	s13 =	sshrl.u32 s13, $0x2  }
0x17f: {  	s13 =	sor.u32 s31, s13  }
0x180: {  	[tilespmem:s13+$0x4E20] =	vst v0;
	s11 =	rddreg [dreg:$0x1d]  }
0x181: {  	[spmem:s26] =	stream.linear.scatter [tilespmem:s15], [sflag:$0x7], $0x1400, $0x38;
	[tilespmem:$0x1FEA0] =	vst v63  }
0x182: {  	s12 =	rddreg [dreg:$0x1e]  }
0x183: {  	[spmem:s11] =	stream.linear.scatter [tilespmem:s15], [sflag:$0x7], $0x1400, $0x38;
	[tilespmem:$0x1FEA0] =	vst v63  }
0x184: {  	s13 =	rddreg [dreg:$0x1f]  }
0x185: {  	[spmem:s12] =	stream.linear.scatter [tilespmem:s15], [sflag:$0x7], $0x1400, $0x38;
	[tilespmem:$0x1FEA0] =	vst v63  }
0x186: {  	s31 =	smov.u32 s26;
	s26 =	sld [smem:$0x7DA]  }
0x187: {  	[spmem:s13] =	stream.linear.scatter [tilespmem:s15], [sflag:$0x7], $0x1400, $0x38;
	[tilespmem:$0x1FEA0] =	vst v63  }
0x188: {  	_ = 	snop  }
0x189: {  	[spmem:s26] =	stream.linear.scatter [tilespmem:s15], [sflag:$0x7], $0x1400, $0x38;
	[tilespmem:$0x1FEA0] =	vst v63  }
0x18a: {  	s11 =	sld [smem:$0x7DB]  }
0x18b: {  	[spmem:s0] =	stream.linear.scatter [tilespmem:s15], [sflag:$0x7], $0x1400, $0x38;
	[tilespmem:$0x1FEA0] =	vst v63  }
0x18c: {  	s12 =	sld [smem:$0x7DC]  }
0x18d: {  	[spmem:s11] =	stream.linear.scatter [tilespmem:s15], [sflag:$0x7], $0x1400, $0x38;
	[tilespmem:$0x1FEA0] =	vst v63  }
0x18e: {  	s13 =	sld [smem:$0x7DD]  }
0x18f: {  	[spmem:s12] =	stream.linear.scatter [tilespmem:s15], [sflag:$0x7], $0x1400, $0x38;
	[tilespmem:$0x1FEA0] =	vst v63  }
0x190: {  	s11 =	sld [smem:$0x7DE]  }
0x191: {  	[spmem:s13] =	stream.linear.scatter [tilespmem:s15], [sflag:$0x7], $0x1400, $0x38;
	[tilespmem:$0x1FEA0] =	vst v63  }
0x192: {  	_ = 	snop  }
0x193: {  	[spmem:s11] =	stream.linear.scatter [tilespmem:s15], [sflag:$0x7], $0x1400, $0x38;
	[tilespmem:$0x1FEA0] =	vst v63  }
0x194: {  	s12 =	sld [smem:$0x7DF]  }
0x195: {  	[spmem:s14] =	stream.linear.scatter [tilespmem:s15], [sflag:$0x7], $0x1400, $0x38;
	[tilespmem:$0x1FEA0] =	vst v63  }
0x196: {  	s13 =	sld [smem:$0x7E0]  }
0x197: {  	[spmem:s12] =	stream.linear.scatter [tilespmem:s15], [sflag:$0x7], $0x1400, $0x38;
	[tilespmem:$0x1FEA0] =	vst v63  }
0x198: {  	s26 =	smov.u32 s0;
	s0 =	smov.u32 s14;
	s14 =	sld [smem:$0x7E1]  }
0x199: {  	[spmem:s13] =	stream.linear.scatter [tilespmem:s15], [sflag:$0x7], $0x1400, $0x38;
	[tilespmem:$0x1FEA0] =	vst v63  }
0x19a: {  	s12 =	sld [smem:$0x7E2]  }
0x19b: {  	[spmem:s14] =	stream.linear.scatter [tilespmem:s15], [sflag:$0x7], $0x1400, $0x38;
	[tilespmem:$0x1FEA0] =	vst v63  }
0x19c: {  	_ = 	snop  }
0x19d: {  	[spmem:s12] =	stream.linear.scatter [tilespmem:s15], [sflag:$0x7], $0x1400, $0x38;
	[tilespmem:$0x1FEA0] =	vst v63  }
0x19e: {  	_ = 	snop  }
0x19f: {  	[spmem:s17] =	stream.linear.scatter [tilespmem:s15], [sflag:$0x7], $0xC80, $0x38;
	[tilespmem:$0x1FEA0] =	vst v63  }
0x1a0: {  	_ =	swait.ge [sflag:s16], $0x1400  }
0x1a1: {  	[sflag:s16] =	ssyncset.done $0x0  }
0x1a2: {  	[sflag:s16] =	ssyncadd.s32 $0xFFFFEC00  }
0x1a3: {  	_ =	swait.ge [sflag:s16], $0x1400  }
0x1a4: {  	[sflag:s16] =	ssyncset.done $0x0  }
0x1a5: {  	[sflag:s16] =	ssyncadd.s32 $0xFFFFEC00  }
0x1a6: {  	_ =	swait.ge [sflag:s16], $0x1400  }
0x1a7: {  	[sflag:s16] =	ssyncset.done $0x0  }
0x1a8: {  	[sflag:s16] =	ssyncadd.s32 $0xFFFFEC00  }
0x1a9: {  	_ =	swait.ge [sflag:s16], $0x1400  }
0x1aa: {  	[sflag:s16] =	ssyncset.done $0x0  }
0x1ab: {  	[sflag:s16] =	ssyncadd.s32 $0xFFFFEC00  }
0x1ac: {  	_ =	swait.ge [sflag:s16], $0x1400  }
0x1ad: {  	[sflag:s16] =	ssyncset.done $0x0  }
0x1ae: {  	[sflag:s16] =	ssyncadd.s32 $0xFFFFEC00  }
0x1af: {  	_ =	swait.ge [sflag:s16], $0x1400  }
0x1b0: {  	[sflag:s16] =	ssyncset.done $0x0  }
0x1b1: {  	[sflag:s16] =	ssyncadd.s32 $0xFFFFEC00  }
0x1b2: {  	_ =	swait.ge [sflag:s16], $0x1400  }
0x1b3: {  	[sflag:s16] =	ssyncset.done $0x0  }
0x1b4: {  	[sflag:s16] =	ssyncadd.s32 $0xFFFFEC00  }
0x1b5: {  	_ =	swait.ge [sflag:s16], $0x1400  }
0x1b6: {  	[sflag:s16] =	ssyncset.done $0x0  }
0x1b7: {  	[sflag:s16] =	ssyncadd.s32 $0xFFFFEC00  }
0x1b8: {  	_ =	swait.ge [sflag:s16], $0x1400  }
0x1b9: {  	[sflag:s16] =	ssyncset.done $0x0  }
0x1ba: {  	[sflag:s16] =	ssyncadd.s32 $0xFFFFEC00  }
0x1bb: {  	_ =	swait.ge [sflag:s16], $0x1400  }
0x1bc: {  	[sflag:s16] =	ssyncset.done $0x0  }
0x1bd: {  	[sflag:s16] =	ssyncadd.s32 $0xFFFFEC00  }
0x1be: {  	_ =	swait.ge [sflag:s16], $0x1400  }
0x1bf: {  	[sflag:s16] =	ssyncset.done $0x0  }
0x1c0: {  	[sflag:s16] =	ssyncadd.s32 $0xFFFFEC00  }
0x1c1: {  	_ =	swait.ge [sflag:s16], $0x1400  }
0x1c2: {  	[sflag:s16] =	ssyncset.done $0x0  }
0x1c3: {  	[sflag:s16] =	ssyncadd.s32 $0xFFFFEC00  }
0x1c4: {  	_ =	swait.ge [sflag:s16], $0x1400  }
0x1c5: {  	[sflag:s16] =	ssyncset.done $0x0  }
0x1c6: {  	[sflag:s16] =	ssyncadd.s32 $0xFFFFEC00  }
0x1c7: {  	_ =	swait.ge [sflag:s16], $0x1400  }
0x1c8: {  	[sflag:s16] =	ssyncset.done $0x0  }
0x1c9: {  	[sflag:s16] =	ssyncadd.s32 $0xFFFFEC00  }
0x1ca: {  	_ =	swait.ge [sflag:s16], $0x1400  }
0x1cb: {  	[sflag:s16] =	ssyncset.done $0x0  }
0x1cc: {  	[sflag:s16] =	ssyncadd.s32 $0xFFFFEC00  }
0x1cd: {  	_ =	swait.ge [sflag:s16], $0xC80  }
0x1ce: {  	[sflag:s16] =	ssyncset.done $0x0  }
0x1cf: {  	[sflag:s16] =	ssyncadd.s32 $0xFFFFF380  }
0x1d0: {  	[bflag:$0x0] =	sbarrier.arrive $0xFFFF  }
0x1d1: {  	s12 =	sld [smem:$0x7E4];
	_ =	sdelay $0x1  }
0x1d2: {  	s11 =	simm.s32 $0x0;
	s13 =	simm.s32 $0xD  }
0x1d3: {  	[tilespmem:s11], [sflag:$0xD] =	stream.linear.gather [hbm4b:s12+s11], $0x2710, $0x38;
	[tilespmem:$0x1FEA0] =	vst v63  }
0x1d4: {  	_ =	swait.ge [sflag:s13], $0x2710  }
0x1d5: {  	s12 =	sld [smem:$0x7E5]  }
0x1d6: {  	[sflag:s13] =	ssyncset.done $0x0  }
0x1d7: {  	s14 =	smov.u32 s17;
	s17 =	simm.s32 $0x2710;
	[sflag:s13] =	ssyncadd.s32 $0xFFFFD8F0  }
0x1d8: {  	[tilespmem:s17], [sflag:$0xD] =	stream.linear.gather [hbm4b:s12+s11], $0x2710, $0x38;
	[tilespmem:$0x1FEA0] =	vst v63  }
0x1d9: {  	_ =	swait.ge [sflag:s13], $0x2710  }
0x1da: {  	[sflag:s13] =	ssyncset.done $0x0  }
0x1db: {  	[sflag:s13] =	ssyncadd.s32 $0xFFFFD8F0  }
0x1dc: {  	[tilespmem:s15], [sflag:$0x1] =	stream.indirect.gather [hbm4b:s25+s19], $0x80, s11, s19, $0xb8;
	[tilespmem:$0x1FEA0] =	vst v63  }
0x1dd: {  	_ = 	snop  }
0x1de: {  	[tilespmem:s20], [sflag:$0x2] =	stream.indirect.gather [hbm4b:s25+s19], $0x80, s19, s19, $0xb8;
	[tilespmem:$0x1FEA0] =	vst v63  }
0x1df: {  	s13 =	simm.s32 $0x50  }
0x1e0: {  	[tilespmem:s21], [sflag:$0x3] =	stream.indirect.gather [hbm4b:s25+s19], $0x80, s13, s19, $0xb8;
	[tilespmem:$0x1FEA0] =	vst v63  }
0x1e1: {  	s13 =	simm.s32 $0x78  }
0x1e2: {  	[tilespmem:s22], [sflag:$0x4] =	stream.indirect.gather [hbm4b:s25+s19], $0x80, s13, s19, $0xb8;
	[tilespmem:$0x1FEA0] =	vst v63  }
0x1e3: {  	s13 =	simm.s32 $0xA0  }
0x1e4: {  	[tilespmem:s23], [sflag:$0x5] =	stream.indirect.gather [hbm4b:s25+s19], $0x80, s13, s19, $0xb8;
	[tilespmem:$0x1FEA0] =	vst v63  }
0x1e5: {  	_ =	swait.ge [sflag:s24], $0x1400  }
0x1e6: {  	[sflag:s24] =	ssyncset.done $0x0  }
0x1e7: {  	s13 =	simm.s32 $0xC8;
	[sflag:s24] =	ssyncadd.s32 $0xFFFFEC00  }
0x1e8: {  	[tilespmem:s29], [sflag:$0x6] =	stream.indirect.gather [hbm4b:s25+s19], $0x80, s13, s19, $0xb8;
	[tilespmem:$0x1FEA0] =	vst v63  }
0x1e9: {  	_ = 	snop  }
0x1ea: {  	[spmem:s28] =	stream.indirect.scatter.add.f32 [tilespmem:s15], [sflag:$0x7], $0x80, s17, s19, $0xb8;
	[tilespmem:$0x1FEA0] =	vst v63  }
0x1eb: {  	_ =	swait.ge [sflag:s30], $0x1400  }
0x1ec: {  	[sflag:s30] =	ssyncset.done $0x0  }
0x1ed: {  	[sflag:s30] =	ssyncadd.s32 $0xFFFFEC00  }
0x1ee: {  	_ =	swait.ge [sflag:s16], $0x1400  }
0x1ef: {  	[sflag:s16] =	ssyncset.done $0x0  }
0x1f0: {  	s13 =	simm.s32 $0xF0;
	[sflag:s16] =	ssyncadd.s32 $0xFFFFEC00  }
0x1f1: {  	[tilespmem:s15], [sflag:$0x1] =	stream.indirect.gather [hbm4b:s25+s19], $0x80, s13, s19, $0xb8;
	[tilespmem:$0x1FEA0] =	vst v63  }
0x1f2: {  	s17 =	simm.s32 $0x2738  }
0x1f3: {  	[spmem:s28] =	stream.indirect.scatter.add.f32 [tilespmem:s20], [sflag:$0x8], $0x80, s17, s19, $0xb8;
	[tilespmem:$0x1FEA0] =	vst v63  }
0x1f4: {  	_ =	swait.ge [sflag:s2], $0x1400  }
0x1f5: {  	[sflag:s2] =	ssyncset.done $0x0  }
0x1f6: {  	[sflag:s2] =	ssyncadd.s32 $0xFFFFEC00  }
0x1f7: {  	_ =	swait.ge [sflag:s3], $0x1400  }
0x1f8: {  	[sflag:s3] =	ssyncset.done $0x0  }
0x1f9: {  	s13 =	simm.s32 $0x118;
	[sflag:s3] =	ssyncadd.s32 $0xFFFFEC00  }
0x1fa: {  	[tilespmem:s20], [sflag:$0x2] =	stream.indirect.gather [hbm4b:s25+s19], $0x80, s13, s19, $0xb8;
	[tilespmem:$0x1FEA0] =	vst v63  }
0x1fb: {  	s17 =	simm.s32 $0x2760  }
0x1fc: {  	[spmem:s28] =	stream.indirect.scatter.add.f32 [tilespmem:s21], [sflag:$0x9], $0x80, s17, s19, $0xb8;
	[tilespmem:$0x1FEA0] =	vst v63  }
0x1fd: {  	_ =	swait.ge [sflag:s4], $0x1400  }
0x1fe: {  	[sflag:s4] =	ssyncset.done $0x0  }
0x1ff: {  	[sflag:s4] =	ssyncadd.s32 $0xFFFFEC00  }
0x200: {  	_ =	swait.ge [sflag:s5], $0x1400  }
0x201: {  	[sflag:s5] =	ssyncset.done $0x0  }
0x202: {  	s13 =	simm.s32 $0x140;
	[sflag:s5] =	ssyncadd.s32 $0xFFFFEC00  }
0x203: {  	[tilespmem:s21], [sflag:$0x3] =	stream.indirect.gather [hbm4b:s25+s19], $0x80, s13, s19, $0xb8;
	[tilespmem:$0x1FEA0] =	vst v63  }
0x204: {  	s17 =	simm.s32 $0x2788  }
0x205: {  	[spmem:s28] =	stream.indirect.scatter.add.f32 [tilespmem:s22], [sflag:$0xA], $0x80, s17, s19, $0xb8;
	[tilespmem:$0x1FEA0] =	vst v63  }
0x206: {  	_ =	swait.ge [sflag:s6], $0x1400  }
0x207: {  	[sflag:s6] =	ssyncset.done $0x0  }
0x208: {  	[sflag:s6] =	ssyncadd.s32 $0xFFFFEC00  }
0x209: {  	_ =	swait.ge [sflag:s7], $0x1400  }
0x20a: {  	[sflag:s7] =	ssyncset.done $0x0  }
0x20b: {  	s13 =	simm.s32 $0x168;
	[sflag:s7] =	ssyncadd.s32 $0xFFFFEC00  }
0x20c: {  	[tilespmem:s22], [sflag:$0x4] =	stream.indirect.gather [hbm4b:s25+s19], $0x80, s13, s19, $0xb8;
	[tilespmem:$0x1FEA0] =	vst v63  }
0x20d: {  	s17 =	simm.s32 $0x27B0  }
0x20e: {  	[spmem:s28] =	stream.indirect.scatter.add.f32 [tilespmem:s23], [sflag:$0xB], $0x80, s17, s19, $0xb8;
	[tilespmem:$0x1FEA0] =	vst v63  }
0x20f: {  	_ =	swait.ge [sflag:s8], $0x1400  }
0x210: {  	[sflag:s8] =	ssyncset.done $0x0  }
0x211: {  	[sflag:s8] =	ssyncadd.s32 $0xFFFFEC00  }
0x212: {  	_ =	swait.ge [sflag:s9], $0x1400  }
0x213: {  	[sflag:s9] =	ssyncset.done $0x0  }
0x214: {  	s13 =	simm.s32 $0x190;
	[sflag:s9] =	ssyncadd.s32 $0xFFFFEC00  }
0x215: {  	[tilespmem:s23], [sflag:$0x5] =	stream.indirect.gather [hbm4b:s25+s19], $0x80, s13, s19, $0xb8;
	[tilespmem:$0x1FEA0] =	vst v63  }
0x216: {  	s17 =	simm.s32 $0x27D8  }
0x217: {  	[spmem:s28] =	stream.indirect.scatter.add.f32 [tilespmem:s29], [sflag:$0xC], $0x80, s17, s19, $0xb8;
	[tilespmem:$0x1FEA0] =	vst v63  }
.LBB2_4:
0x218: {  	_ =	swait.ge [sflag:s24], $0x1400  }
0x219: {  	[sflag:s24] =	ssyncset.done $0x0  }
0x21a: {  	[sflag:s24] =	ssyncadd.s32 $0xFFFFEC00  }
0x21b: {  	_ =	swait.ge [sflag:s18], $0x1400  }
0x21c: {  	s12 =	sshra.s32 s11, $0x2;
	[sflag:s18] =	ssyncset.done $0x0  }
0x21d: {  	s13 =	sadd.s32 $0x1B8, s12;
	[sflag:s18] =	ssyncadd.s32 $0xFFFFEC00  }
0x21e: {  	[tilespmem:s29], [sflag:$0x6] =	stream.indirect.gather [hbm4b:s25+s19], $0x80, s13, s19, $0xb8;
	[tilespmem:$0x1FEA0] =	vst v63  }
0x21f: {  	s17 =	sadd.s32 $0x2800, s12  }
0x220: {  	[spmem:s28] =	stream.indirect.scatter.add.f32 [tilespmem:s15], [sflag:$0x7], $0x80, s17, s19, $0xb8;
	[tilespmem:$0x1FEA0] =	vst v63  }
0x221: {  	_ =	swait.ge [sflag:s30], $0x1400  }
0x222: {  	[sflag:s30] =	ssyncset.done $0x0  }
0x223: {  	[sflag:s30] =	ssyncadd.s32 $0xFFFFEC00  }
0x224: {  	_ =	swait.ge [sflag:s16], $0x1400  }
0x225: {  	[sflag:s16] =	ssyncset.done $0x0  }
0x226: {  	s17 =	sadd.s32 $0x1E0, s12;
	[sflag:s16] =	ssyncadd.s32 $0xFFFFEC00  }
0x227: {  	[tilespmem:s15], [sflag:$0x1] =	stream.indirect.gather [hbm4b:s25+s19], $0x80, s17, s19, $0xb8;
	[tilespmem:$0x1FEA0] =	vst v63  }
0x228: {  	s17 =	sadd.s32 $0x2828, s12  }
0x229: {  	[spmem:s28] =	stream.indirect.scatter.add.f32 [tilespmem:s20], [sflag:$0x8], $0x80, s17, s19, $0xb8;
	[tilespmem:$0x1FEA0] =	vst v63  }
0x22a: {  	_ =	swait.ge [sflag:s2], $0x1400  }
0x22b: {  	[sflag:s2] =	ssyncset.done $0x0  }
0x22c: {  	[sflag:s2] =	ssyncadd.s32 $0xFFFFEC00  }
0x22d: {  	_ =	swait.ge [sflag:s3], $0x1400  }
0x22e: {  	[sflag:s3] =	ssyncset.done $0x0  }
0x22f: {  	s17 =	sadd.s32 $0x208, s12;
	[sflag:s3] =	ssyncadd.s32 $0xFFFFEC00  }
0x230: {  	[tilespmem:s20], [sflag:$0x2] =	stream.indirect.gather [hbm4b:s25+s19], $0x80, s17, s19, $0xb8;
	[tilespmem:$0x1FEA0] =	vst v63  }
0x231: {  	s17 =	sadd.s32 $0x2850, s12  }
0x232: {  	[spmem:s28] =	stream.indirect.scatter.add.f32 [tilespmem:s21], [sflag:$0x9], $0x80, s17, s19, $0xb8;
	[tilespmem:$0x1FEA0] =	vst v63  }
0x233: {  	_ =	swait.ge [sflag:s4], $0x1400  }
0x234: {  	[sflag:s4] =	ssyncset.done $0x0  }
0x235: {  	[sflag:s4] =	ssyncadd.s32 $0xFFFFEC00  }
0x236: {  	_ =	swait.ge [sflag:s5], $0x1400  }
0x237: {  	[sflag:s5] =	ssyncset.done $0x0  }
0x238: {  	s17 =	sadd.s32 $0x230, s12;
	[sflag:s5] =	ssyncadd.s32 $0xFFFFEC00  }
0x239: {  	[tilespmem:s21], [sflag:$0x3] =	stream.indirect.gather [hbm4b:s25+s19], $0x80, s17, s19, $0xb8;
	[tilespmem:$0x1FEA0] =	vst v63  }
0x23a: {  	s17 =	sadd.s32 $0x2878, s12  }
0x23b: {  	[spmem:s28] =	stream.indirect.scatter.add.f32 [tilespmem:s22], [sflag:$0xA], $0x80, s17, s19, $0xb8;
	[tilespmem:$0x1FEA0] =	vst v63  }
0x23c: {  	_ =	swait.ge [sflag:s6], $0x1400  }
0x23d: {  	[sflag:s6] =	ssyncset.done $0x0  }
0x23e: {  	[sflag:s6] =	ssyncadd.s32 $0xFFFFEC00  }
0x23f: {  	_ =	swait.ge [sflag:s7], $0x1400  }
0x240: {  	[sflag:s7] =	ssyncset.done $0x0  }
0x241: {  	s17 =	sadd.s32 $0x258, s12;
	[sflag:s7] =	ssyncadd.s32 $0xFFFFEC00  }
0x242: {  	[tilespmem:s22], [sflag:$0x4] =	stream.indirect.gather [hbm4b:s25+s19], $0x80, s17, s19, $0xb8;
	[tilespmem:$0x1FEA0] =	vst v63  }
0x243: {  	s17 =	sadd.s32 $0x28A0, s12  }
0x244: {  	[spmem:s28] =	stream.indirect.scatter.add.f32 [tilespmem:s23], [sflag:$0xB], $0x80, s17, s19, $0xb8;
	[tilespmem:$0x1FEA0] =	vst v63  }
0x245: {  	p0 =	seq.s32 s11, $0x9240;
	_ =	swait.ge [sflag:s8], $0x1400  }
.Ltmp3:
0x246: {  	[sflag:s8] =	ssyncset.done $0x0;
	(pc) =	sbr.rel @p0 .LBB2_6-.Ltmp3, $4  }
0x247: {  	[sflag:s8] =	ssyncadd.s32 $0xFFFFEC00  }
0x248: {  	_ =	swait.ge [sflag:s9], $0x1400  }
0x249: {  	[sflag:s9] =	ssyncset.done $0x0  }
0x24a: {  	s13 =	sadd.s32 $0x28C8, s12;
	[sflag:s9] =	ssyncadd.s32 $0xFFFFEC00  }
.Ltmp4:
0x24b: {  	(pc) =	sbr.rel .LBB2_4-.Ltmp4, $4  }
0x24c: {  	s12 =	sadd.s32 $0x280, s12  }
0x24d: {  	[tilespmem:s23], [sflag:$0x5] =	stream.indirect.gather [hbm4b:s25+s19], $0x80, s12, s19, $0xb8;
	[tilespmem:$0x1FEA0] =	vst v63  }
0x24e: {  	s11 =	sadd.s32 $0x3C0, s11  }
0x24f: {  	[spmem:s28] =	stream.indirect.scatter.add.f32 [tilespmem:s29], [sflag:$0xC], $0x80, s13, s19, $0xb8;
	[tilespmem:$0x1FEA0] =	vst v63  }
.LBB2_7:
0x250: {  	_ =	sfence.sel $0x180000  }
0x251: {  	[bflag:$0x0] =	sbarrier.arrive $0xFFFF  }
0x252: {  	_ =	strace $0x9000004A  }
0x253: {  	s0 =	stileid.u32;
	[bflag:$0x2] =	sbarrier.arrive $0xFFFF  }
0x254: {  	p0 =	sne.s32 s0, $0x0;
	s0 =	rddreg [dreg:$0x3]  }
0x255: {  	s0 =	sadd.s32 @!p0 $0x100000, s0  }
0x256: {  	[sflag:s0] =	ssyncadd.tile.s32 @!p0 $0x1;
	_ =	shalt  }
.Lfunc_end2:
_tile_overlayer_lowered:
.L_overlay_start_2:
0x257: {  	(tag) =	ssettag $0x2  }
0x258: {  	s0 =	rddreg [dreg:$0x0];
	s2 =	stileid.u32  }
0x259: {  	s1 =	rddreg [dreg:$0x1];
	p0 =	sne.s32 s2, $0x0  }
0x25a: {  	s3 =	rddreg [dreg:$0x2];
	[bflag:$0x3] =	sbarrier.arrive $0xFFFF;
	s2 =	simm.s32 @!p0 $0x1C0D  }
0x25b: {  	[timem:s3], [sflag:s2] =	dma.local @!p0 [hbm:s0], s1  }
0x25c: {  	s0 =	simm.s32 @!p0 $0xD  }
0x25d: {  	_ =	swait.ge @!p0 [sflag:s0], s1  }
0x25e: {  	s1 =	ssub.s32 @!p0 $0x0, s1;
	[sflag:s0] =	ssyncset.done @!p0 $0x0  }
0x25f: {  	[sflag:s0] =	ssyncadd.s32 @!p0 s1  }
0x260: {  	[bflag:$0x3] =	sbarrier.arrive $0xFFFF  }
0x261: {  	_ =	shalt  }

// kernel: kernel.7.cloned.1.call-start
scs
__scs_entry_jumppad:
0x0: {  	(pc) =	sbr.rel $0x88, $3  }
0x1: {  	(tag) =	ssettag $0x0;
	lr =	simm.s32 $0x1  }
0x2: {  	[smem:$0x3F9D] =	sst lr;
	_ =	strace $0xD0000000  }
0x3: {  	_ = 	snop  }
0x4: {  	_ = 	snop  }
0x5: {  	_ = 	snop  }
0x6: {  	_ = 	snop  }
0x7: {  	_ = 	snop  }
__scs_overlays_trampoline_lowered:
0x8: {  	[smem:$0x3FAC] =	sst s0  }
0x9: {  	[smem:$0x3FAD] =	sst s1  }
0xa: {  	[smem:$0x3FAE] =	sst s2  }
0xb: {  	[smem:$0x3FAF] =	sst s3  }
0xc: {  	[smem:$0x3FB0] =	sst s4  }
0xd: {  	[smem:$0x3FB1] =	sst s5  }
0xe: {  	[smem:$0x3FB2] =	sst s6  }
0xf: {  	[smem:$0x3FB3] =	sst s7  }
0x10: {  	[smem:$0x3FB4] =	sst s8  }
0x11: {  	[smem:$0x3FB5] =	sst s9;
	s0 =	simm.s32 @!p0 $0x0  }
0x12: {  	s1 =	sld [smem:$0x3F9B];
	s0 =	simm.s32 @p0 $0x1  }
0x13: {  	[smem:$0x3FB6] =	sst s0;
	s0 =	simm.s32 @!p1 $0x0  }
0x14: {  	s2 =	sld [smem:$0x3F9A];
	s0 =	simm.s32 @p1 $0x1  }
0x15: {  	[smem:$0x3FB7] =	sst s0;
	s0 =	simm.s32 @!p2 $0x0  }
0x16: {  	s3 =	sld [smem:$0x3FDB];
	s0 =	simm.s32 @p2 $0x1  }
0x17: {  	s4 =	simm.s32 $0x1BF5;
	[smem:$0x3FB9] =	sst s0  }
0x18: {  	s0 =	sld [smem:$0x3F9C];
	_ =	swait.ge [sflag:s4], $0x0  }
0x19: {  	s7 =	sld [smem:$0x3F9D]  }
0x1a: {  	s8 =	sadd.s32 $0xFFFFE003, lr  }
0x1b: {  	s9 =	sadd.s32 $0xFFFFFEF7, lr;
	s5 =	simm.s32 $0xFFFFFFFF;
	p2 =	slt.u32 s8, $0xFFFFF086  }
0x1c: {  	p1 =	slt.u32 s9, $0xF7A;
	s5 =	simm.s32 @!p2 $0x0  }
0x1d: {  	s5 =	simm.s32 @p1 $0x1;
	p0 =	seq.s32 s7, s2  }
0x1e: {  	s7 =	smul.u32 @!p0 $0xF7A, s2;
	p2 =	seq.s32 @!p0 s5, $0x0  }
0x1f: {  	s9 =	smul.u32 $0xF7A, s1;
	s8 =	simm.s32 @!p0 $0x1BF5;
	p2 =	por !p2, p0  }
0x20: {  	[sflag:s8] =	ssyncset.s32 @!p0 $0xFFFFF086;
	s6 =	sadd.s32 @!p0 s3, s7;
	s7 =	simm.s32 @!p0 $0x108  }
0x21: {  	s3 =	sadd.s32 s3, s9;
	s6 =	sadd.s32 @!p0 $0x88, s6;
	s7 =	simm.s32 @p2 $0x1082  }
0x22: {  	[simem:s7], [sflag:s8] =	dma.local @!p0 [hbm:s6], $0xF7A  }
0x23: {  	s9 =	sor.u32 $0xD0000000, s2;
	s6 =	simm.s32 $0x108;
	_ =	swait.ge @!p0 [sflag:s8], $0x0  }
0x24: {  	s3 =	sadd.s32 $0x88, s3;
	s6 =	simm.s32 @!p1 $0x1082;
	[sflag:s4] =	ssyncset.s32 $0xFFFFF086  }
0x25: {  	[simem:s6], [sflag:s4] =	dma.local [hbm:s3], $0xF7A  }
0x26: {  	[smem:$0x3F9D] =	sst s1;
	(tag) =	ssettag s2;
	_ =	strace s9  }
0x27: {  	s1 =	sld [smem:$0x3FAD]  }
0x28: {  	s2 =	sld [smem:$0x3FAE]  }
0x29: {  	s4 =	sld [smem:$0x3FB0]  }
0x2a: {  	p0 =	seq.s32 s5, $0x0;
	s5 =	sld [smem:$0x3FB1]  }
0x2b: {  	s6 =	sld [smem:$0x3FB2]  }
0x2c: {  	s7 =	sld [smem:$0x3FB3]  }
0x2d: {  	s3 =	simm.s32 $0x108;
	s8 =	sld [smem:$0x3FB4]  }
0x2e: {  	s3 =	simm.s32 @!p0 $0x1082;
	s9 =	sld [smem:$0x3FB5]  }
0x2f: {  	lr =	sadd.s32 s0, s3;
	s0 =	sld [smem:$0x3FAC]  }
0x30: {  	s3 =	sld [smem:$0x3FAF]  }
0x31: {  	[smem:$0x3FB8] =	sst s10  }
0x32: {  	s10 =	sld [smem:$0x3FB6];
	_ =	sdelay $0x3  }
0x33: {  	p0 =	seq.s32 s10, $0x1;
	s10 =	sld [smem:$0x3FB8];
	_ =	sdelay $0x3  }
0x34: {  	[smem:$0x3FB8] =	sst s10  }
0x35: {  	s10 =	sld [smem:$0x3FB7];
	_ =	sdelay $0x3  }
0x36: {  	p1 =	seq.s32 s10, $0x1;
	s10 =	sld [smem:$0x3FB8];
	_ =	sdelay $0x3  }
0x37: {  	[smem:$0x3FB8] =	sst s10  }
0x38: {  	s10 =	sld [smem:$0x3FB9]  }
0x39: {  	_ = 	snop;
	(pc) =	sbr.ind lr, $3  }
0x3a: {  	_ = 	snop  }
0x3b: {  	_ = 	snop  }
0x3c: {  	p2 =	seq.s32 s10, $0x1;
	s10 =	sld [smem:$0x3FB8]  }
0x3d: {  	_ =	shalt  }
0x3e: {  	_ =	shalt  }
0x3f: {  	_ =	shalt  }
0x40: {  	_ =	shalt  }
0x41: {  	_ =	shalt  }
0x42: {  	_ =	shalt  }
0x43: {  	_ =	shalt  }
0x44: {  	_ =	shalt  }
0x45: {  	_ =	shalt  }
0x46: {  	_ =	shalt  }
0x47: {  	_ =	shalt  }
0x48: {  	_ =	shalt  }
0x49: {  	_ =	shalt  }
0x4a: {  	_ =	shalt  }
0x4b: {  	_ =	shalt  }
0x4c: {  	_ =	shalt  }
0x4d: {  	_ =	shalt  }
0x4e: {  	_ =	shalt  }
0x4f: {  	_ =	shalt  }
0x50: {  	_ =	shalt  }
0x51: {  	_ =	shalt  }
0x52: {  	_ =	shalt  }
0x53: {  	_ =	shalt  }
0x54: {  	_ =	shalt  }
0x55: {  	_ =	shalt  }
0x56: {  	_ =	shalt  }
0x57: {  	_ =	shalt  }
0x58: {  	_ =	shalt  }
0x59: {  	_ =	shalt  }
0x5a: {  	_ =	shalt  }
0x5b: {  	_ =	shalt  }
0x5c: {  	_ =	shalt  }
0x5d: {  	_ =	shalt  }
0x5e: {  	_ =	shalt  }
0x5f: {  	_ =	shalt  }
0x60: {  	_ =	shalt  }
0x61: {  	_ =	shalt  }
0x62: {  	_ =	shalt  }
0x63: {  	_ =	shalt  }
0x64: {  	_ =	shalt  }
0x65: {  	_ =	shalt  }
0x66: {  	_ =	shalt  }
0x67: {  	_ =	shalt  }
0x68: {  	_ =	shalt  }
0x69: {  	_ =	shalt  }
0x6a: {  	_ =	shalt  }
0x6b: {  	_ =	shalt  }
0x6c: {  	_ =	shalt  }
0x6d: {  	_ =	shalt  }
0x6e: {  	_ =	shalt  }
0x6f: {  	_ =	shalt  }
0x70: {  	_ =	shalt  }
0x71: {  	_ =	shalt  }
0x72: {  	_ =	shalt  }
0x73: {  	_ =	shalt  }
0x74: {  	_ =	shalt  }
0x75: {  	_ =	shalt  }
0x76: {  	_ =	shalt  }
0x77: {  	_ =	shalt  }
0x78: {  	_ =	shalt  }
0x79: {  	_ =	shalt  }
0x7a: {  	_ =	shalt  }
0x7b: {  	_ =	shalt  }
0x7c: {  	_ =	shalt  }
0x7d: {  	_ =	shalt  }
0x7e: {  	_ =	shalt  }
0x7f: {  	_ =	shalt  }
0x80: {  	_ =	shalt  }
0x81: {  	_ =	shalt  }
0x82: {  	_ =	shalt  }
0x83: {  	_ =	shalt  }
0x84: {  	_ =	shalt  }
0x85: {  	_ =	shalt  }
0x86: {  	_ =	shalt  }
0x87: {  	_ =	shalt  }
.Lfunc_end0:
.L_simem_size_0:
called_computation_lowered:
.L_overlay_start_0:
0x88: {  	s2 =	sld [smem:$0x3FD9]  }
0x89: {  	s3 =	sld [smem:$0x3FFE];
	_ =	sdelay $0x1  }
0x8a: {  	s1 =	srdreg.scid  }
0x8b: {  	s0 =	sand.u32 $0x1, s1  }
0x8c: {  	s17 =	sshll.u32 s0, $0xA;
	s2 =	sadd.s32 s3, s2  }
0x8d: {  	s2 =	sadd.s32 s2, s17  }
0x8e: {  	[smem:$0x3FC4] =	sst s2  }
0x8f: {  	_ = 	snop  }
0x90: {  	s2 =	sld [smem:$0x3FD0];
	(tm) =	ssettm $0x1  }
0x91: {  	s18 =	sld [smem:$0x3FFB];
	_ =	sdelay $0x3  }
0x92: {  	_ =	strace s18  }
0x93: {  	s3 =	sld [smem:$0x3FFC];
	_ =	sdelay $0x3  }
0x94: {  	_ =	strace s3  }
0x95: {  	s3 =	sld [smem:$0x3FFD];
	_ =	sdelay $0x3  }
0x96: {  	_ =	strace s3  }
0x97: {  	_ =	strace $0x8FFFFFFF  }
0x98: {  	s19 =	sld [smem:$0x3FDB];
	_ =	sdelay $0x1  }
0x99: {  	s4 =	simm.s32 $_scs_section_size  }
0x9a: {  	s5 =	simm.s32 $_size__tile_overlayer_lowered;
	s6 =	simm.s32 $_tile_overlayer_lowered  }
0x9b: {  	s22 =	simm.s32 $0x1BFF;
	s21 =	sshll.u32 s6, $0x1;
	s3 =	sadd.s32 s4, s19  }
0x9c: {  	s7 =	simm.s32 $0x0;
	s20 =	sshll.u32 s5, $0x1;
	s5 =	sadd.s32 s21, s3  }
0x9d: {  	[timem:s7], [sflag:s22] =	dma.local [hbm:s5], s20  }
0x9e: {  	_ =	swait.ge [sflag:s22], s20  }
0x9f: {  	s4 =	ssub.s32 $0x0, s20;
	[sflag:s22] =	ssyncset.done $0x0  }
0xa0: {  	[sflag:s22] =	ssyncadd.s32 s4;
	_ =	sdelay $0x1  }
0xa1: {  	s23 =	simm.s32 $0x1B8B  }
0xa2: {  	_ =	swait.ge [sflag:s23], $0x1  }
0xa3: {  	[sflag:s23] =	ssyncset.done $0x0  }
0xa4: {  	s25 =	simm.s32 $0x1B8E;
	s24 =	sld [smem:$0x3FFE];
	[sflag:s23] =	ssyncadd.s32 $0xFFFFFFFF  }
0xa5: {  	s26 =	simm.s32 $execute0_lowered;
	[smem:$0x3FD2] =	sst s25  }
0xa6: {  	s5 =	sshll.u32 s26, $0x1;
	_ =	strace $0x80000046;
	[dreg:$0x1] =	wrdreg $0xFFFFFFFF  }
0xa7: {  	s28 =	simm.s32 $_size_execute0_lowered;
	s3 =	sadd.s32 s3, s5;
	[dreg:$0x0] =	wrdreg $0x0  }
0xa8: {  	s5 =	sshll.u32 s28, $0x1;
	[dreg:$0x2] =	wrdreg s3  }
0xa9: {  	[dreg:$0x3] =	wrdreg s5  }
0xaa: {  	[dreg:$0x4] =	wrdreg $0xC0  }
0xab: {  	_ =	task [dreg:s7], $0x5FFFF  }
0xac: {  	[dreg:$0x1] =	wrdreg $0xFFFFFFFF  }
0xad: {  	[dreg:$0x0] =	wrdreg $0x60  }
0xae: {  	[dreg:$0x2] =	wrdreg s24  }
0xaf: {  	[dreg:$0x3] =	wrdreg s2  }
0xb0: {  	[dreg:$0x4] =	wrdreg $0x50A00  }
0xb1: {  	[dreg:$0x5] =	wrdreg $0x9  }
0xb2: {  	_ =	task.clear_ibuf [dreg:s7], $0x6FFFF;
	_ =	strace $0x90000046  }
0xb3: {  	s29 =	simm.s32 $0x9;
	_ =	strace $0x80000048  }
0xb4: {  	_ =	swait.ge [sflag:s29], $0x1  }
0xb5: {  	[sflag:s29] =	ssyncadd.s32 $0xFFFFFFFF  }
0xb6: {  	_ =	strace $0x90000048  }
0xb7: {  	_ =	sfence  }
0xb8: {  	s30 =	sld [smem:$0x0];
	_ =	sdelay $0x2  }
0xb9: {  	s31 =	sshll.u32 s1, $0xD;
	s1 =	sshrl.u32 s1, $0x2  }
0xba: {  	s3 =	sand.u32 $0x4000, s31;
	s1 =	sadd.s32 s1, s30  }
0xbb: {  	s0 =	sor.u32 s3, s0;
	s1 =	sshll.u32 s1, $0x11  }
0xbc: {  	s0 =	sor.u32 s1, s0  }
0xbd: {  	s0 =	sadd.s32 $0x8F2B, s0  }
0xbe: {  	[sflag:s0] =	ssyncadd.remote.s32 $0x1  }
0xbf: {  	_ =	sfence.sel $0xFFFF  }
0xc0: {  	[dreg:$0x0] =	wrdreg $0xFFFFFFFF;
	(pc) =	sbr.abs _section_cstart, $3  }
0xc1: {  	[dreg:$0x1] =	wrdreg $0xFFFFFFFF  }
0xc2: {  	_ =	task.clear_ibuf [dreg:s7], $0x2FFFF;
	_ =	strace $0x9FFFFFFF  }
0xc3: {  	(tm) =	ssettm $0x7FFFFFFF  }
tec
execute0_lowered:
.L_overlay_start_1:
0x0: {  	(tag) =	ssettag $0x1  }
0x1: {  	s3 =	rddreg [dreg:$0x0]  }
0x2: {  	s5 =	rddreg [dreg:$0x1]  }
0x3: {  	s0 =	srdreg.scid;
	s7 =	stileid.u32  }
0x4: {  	s1 =	rddreg [dreg:$0x2];
	s2 =	simm.s32 $0x0;
	s11 =	simm.s32 $0x4EA0  }
0x5: {  	s12 =	simm.s32 $0x2EE0;
	s13 =	simm.s32 $0x4F20;
	s14 =	simm.s32 $0x36B0  }
0x6: {  	s15 =	simm.s32 $0x4FA0;
	s16 =	simm.s32 $0x3E80;
	s17 =	simm.s32 $0x5020  }
0x7: {  	s18 =	simm.s32 $0x4650;
	s19 =	simm.s32 $0x1;
	s20 =	simm.s32 $0x0  }
0x8: {  	s4 =	sand.u32 $0x1, s0;
	s6 =	sshll.u32 s7, $0x1;
	s0 =	rddreg [dreg:$0x3]  }
0x9: {  	[smem:$0x7FF] =	sst s2;
	p0 =	sne.s32 s7, $0x0;
	s7 =	simm.s32 $0x2  }
0xa: {  	s6 =	sor.u32 s4, s6;
	s8 =	ssub.s32 $0x2, s4;
	s10 =	smul.u32 $0x4E2, s4  }
0xb: {  	_ =	strace $0x80000047;
	s6 =	smul.u32 $0x4E2, s6;
	s9 =	sshrl.u32 s8, $0x1  }
0xc: {  	s31 =	ssub.s32 s8, s9;
	s5 =	sadd.s32 s5, s10;
	s8 =	simm.s32 $0x4E20  }
0xd: {  	s9 =	simm.s32 $0x2710;
	s10 =	simm.s32 $0x7D;
	s30 =	sadd.s32 s6, s3  }
0xe: {  	v0 =	vimm.f32 $0.0e+00;
	v1 =	vimm.f32 $1.000000000e+00;
	s3 =	sadd.s32 $0x15600, s3;
	s6 =	smax.u32 s31, $0x1;
	s4 =	sadd.s32 $0xB800, s30  }
.LBB2_1:
0xf: {  	s21 =	simm.s32 $0x2730  }
0x10: {  	[tilespmem:s21+$0xFFFFFFE0] =	vst v0  }
0x11: {  	[tilespmem:s21+$0x10] =	vst v0  }
0x12: {  	s22 =	simm.s32 $0x0;
	[tilespmem:s21+$0x0] =	vst v0  }
.LBB2_2:
0x13: {  	s22 =	sadd.s32 $0x4, s22  }
0x14: {  	[tilespmem:s21+$0xFFFFFFF0] =	vst v0;
	s21 =	sadd.s32 $0x40, s21;
	p1 =	slt.u32 s22, $0x26C  }
.Ltmp0:
0x15: {  	[tilespmem:s21+$0xFFFFFFE0] =	vst v0;
	(pc) =	sbr.rel @p1 .LBB2_2-.Ltmp0, $3  }
0x16: {  	_ =	sdelay $0x1  }
0x17: {  	[tilespmem:s21+$0x10] =	vst v0  }
0x18: {  	[tilespmem:s21+$0x0] =	vst v0  }
0x19: {  	[tilespmem:s21+$0xFFFFFFF0] =	vst v0  }
0x1a: {  	s21 =	simm.s32 @!p0 $0x2710;
	[tilespmem:$0x4E10] =	vst v0  }
0x1b: {  	[spmem:s1] =	stream.linear.scatter @!p0 [tilespmem:s21], [sflag:$0x2], $0x2710, $0x38;
	[tilespmem:$0x5318] =	vst v63  }
0x1c: {  	s21 =	simm.s32 @!p0 $0x2  }
0x1d: {  	_ =	swait.ge @!p0 [sflag:s21], $0x2710  }
0x1e: {  	[sflag:s21] =	ssyncset.done @!p0 $0x0  }
0x1f: {  	[sflag:s21] =	ssyncadd.s32 @!p0 $0xFFFFD8F0  }
0x20: {  	[bflag:$0x0] =	sbarrier.arrive $0xFFFF  }
0x21: {  	[tilespmem:s2], [sflag:$0x2] =	stream.linear.gather [hbm4b:s4+s2], $0x2710, $0x38;
	[tilespmem:$0x5318] =	vst v63  }
0x22: {  	_ =	swait.ge [sflag:s7], $0x2710  }
0x23: {  	[sflag:s7] =	ssyncset.done $0x0  }
0x24: {  	[sflag:s7] =	ssyncadd.s32 $0xFFFFD8F0  }
0x25: {  	[tilespmem:s8], [sflag:$0x2] =	stream.linear.gather [hbm4b:s3+s2], $0x280, $0x38;
	[tilespmem:$0x5318] =	vst v63  }
0x26: {  	_ =	swait.ge [sflag:s7], $0x280  }
0x27: {  	[sflag:s7] =	ssyncset.done $0x0  }
0x28: {  	s22 =	simm.s32 $0x20;
	s21 =	simm.s32 $0xFFFFFFFC;
	[sflag:s7] =	ssyncadd.s32 $0xFFFFFD80  }
.LBB2_4:
0x29: {  	v2 =	vld [tilespmem:s22+$0xFFFFFFE0];
	_ =	sdelay $0x7  }
0x2a: {  	[tilespmem:v2+s9+$0x0] =	vst.idx.add.f32.msk $0xffff, v1  }
0x2b: {  	v2 =	vld [tilespmem:s22+$0xFFFFFFF0];
	_ =	sdelay $0x7  }
0x2c: {  	[tilespmem:v2+s9+$0x0] =	vst.idx.add.f32.msk $0xffff, v1  }
0x2d: {  	v2 =	vld [tilespmem:s22+$0x0];
	_ =	sdelay $0x7  }
0x2e: {  	[tilespmem:v2+s9+$0x0] =	vst.idx.add.f32.msk $0xffff, v1  }
0x2f: {  	v2 =	vld [tilespmem:s22+$0x10];
	_ =	sdelay $0x1  }
0x30: {  	s21 =	sadd.s32 $0x4, s21  }
0x31: {  	p1 =	slt.u32 s21, $0x26C  }
.Ltmp1:
0x32: {  	_ = 	snop;
	(pc) =	sbr.rel @p1 .LBB2_4-.Ltmp1, $2  }
0x33: {  	_ =	sdelay $0x2  }
0x34: {  	s22 =	sadd.s32 $0x40, s22;
	[tilespmem:v2+s9+$0x0] =	vst.idx.add.f32.msk $0xffff, v1  }
0x35: {  	v2 =	vld [tilespmem:$0x2700];
	_ =	sdelay $0x7  }
0x36: {  	[tilespmem:v2+s9+$0x0] =	vst.idx.add.f32.msk $0xffff, v1  }
0x37: {  	[spmem:s1] =	stream.indirect.scatter.add.f32 [tilespmem:s9], [sflag:$0x1], $0x10, s8, s10, $0xb8;
	[tilespmem:$0x5318] =	vst v63  }
0x38: {  	_ = 	snop  }
0x39: {  	[spmem:s1] =	stream.indirect.scatter.add.f32 [tilespmem:s12], [sflag:$0x1], $0x10, s11, s10, $0xb8;
	[tilespmem:$0x5318] =	vst v63  }
0x3a: {  	_ = 	snop  }
0x3b: {  	[spmem:s1] =	stream.indirect.scatter.add.f32 [tilespmem:s14], [sflag:$0x1], $0x10, s13, s10, $0xb8;
	[tilespmem:$0x5318] =	vst v63  }
0x3c: {  	_ = 	snop  }
0x3d: {  	[spmem:s1] =	stream.indirect.scatter.add.f32 [tilespmem:s16], [sflag:$0x1], $0x10, s15, s10, $0xb8;
	[tilespmem:$0x5318] =	vst v63  }
0x3e: {  	_ = 	snop  }
0x3f: {  	[spmem:s1] =	stream.indirect.scatter.add.f32 [tilespmem:s18], [sflag:$0x1], $0x10, s17, s10, $0xb8;
	[tilespmem:$0x5318] =	vst v63  }
0x40: {  	_ =	swait.ge [sflag:s19], $0x7D0  }
0x41: {  	[sflag:s19] =	ssyncset.done $0x0  }
0x42: {  	[sflag:s19] =	ssyncadd.s32 $0xFFFFF830  }
0x43: {  	_ =	swait.ge [sflag:s19], $0x7D0  }
0x44: {  	[sflag:s19] =	ssyncset.done $0x0  }
0x45: {  	[sflag:s19] =	ssyncadd.s32 $0xFFFFF830  }
0x46: {  	_ =	swait.ge [sflag:s19], $0x7D0  }
0x47: {  	[sflag:s19] =	ssyncset.done $0x0  }
0x48: {  	[sflag:s19] =	ssyncadd.s32 $0xFFFFF830  }
0x49: {  	_ =	swait.ge [sflag:s19], $0x7D0  }
0x4a: {  	[sflag:s19] =	ssyncset.done $0x0  }
0x4b: {  	[sflag:s19] =	ssyncadd.s32 $0xFFFFF830  }
0x4c: {  	_ =	swait.ge [sflag:s19], $0x7D0  }
0x4d: {  	[sflag:s19] =	ssyncset.done $0x0  }
0x4e: {  	s21 =	sshrl.u32 @!p0 s1, $0x3;
	s20 =	sadd.s32 $0x1, s20;
	[sflag:s19] =	ssyncadd.s32 $0xFFFFF830  }
0x4f: {  	s22 =	simm.s32 @!p0 $0x1C02;
	p1 =	sne.s32 s20, s6;
	[bflag:$0x0] =	sbarrier.arrive $0xFFFF  }
0x50: {  	[hbm:s5], [sflag:s22] =	dma.local @!p0 [spmem:s21], $0x4E2  }
.Ltmp2:
0x51: {  	_ = 	snop;
	(pc) =	sbr.rel @p1 .LBB2_1-.Ltmp2, $4  }
0x52: {  	s21 =	simm.s32 @!p0 $0x2  }
0x53: {  	_ =	swait.ge @!p0 [sflag:s21], $0x4E2  }
0x54: {  	[sflag:s21] =	ssyncset.done @!p0 $0x0  }
0x55: {  	[sflag:s21] =	ssyncadd.s32 @!p0 $0xFFFFFB1E  }
0x56: {  	_ =	sfence.sel $0x180000  }
0x57: {  	[bflag:$0x0] =	sbarrier.arrive $0xFFFF  }
0x58: {  	_ =	strace $0x90000047  }
0x59: {  	s0 =	sadd.s32 @!p0 $0x100000, s0;
	[bflag:$0x2] =	sbarrier.arrive $0xFFFF  }
0x5a: {  	[sflag:s0] =	ssyncadd.tile.s32 @!p0 $0x1;
	_ =	shalt  }
.Lfunc_end2:
_tile_overlayer_lowered:
.L_overlay_start_2:
0x5b: {  	(tag) =	ssettag $0x2  }
0x5c: {  	s0 =	rddreg [dreg:$0x0];
	s2 =	stileid.u32  }
0x5d: {  	s1 =	rddreg [dreg:$0x1];
	p0 =	sne.s32 s2, $0x0  }
0x5e: {  	s3 =	rddreg [dreg:$0x2];
	[bflag:$0x3] =	sbarrier.arrive $0xFFFF;
	s2 =	simm.s32 @!p0 $0x1C02  }
0x5f: {  	[timem:s3], [sflag:s2] =	dma.local @!p0 [hbm:s0], s1  }
0x60: {  	s0 =	simm.s32 @!p0 $0x2  }
0x61: {  	_ =	swait.ge @!p0 [sflag:s0], s1  }
0x62: {  	s1 =	ssub.s32 @!p0 $0x0, s1;
	[sflag:s0] =	ssyncset.done @!p0 $0x0  }
0x63: {  	[sflag:s0] =	ssyncadd.s32 @!p0 s1  }
0x64: {  	[bflag:$0x3] =	sbarrier.arrive $0xFFFF  }
0x65: {  	_ =	shalt  }

</sc_bundles>
